<compile_context>
chip_gen: v7x
topology: tpu7x:2x2x1
jax: 0.10.2.dev20260603
libtpu: 0.0.44.dev20260713+nightly
codegen_flags: <defaults>
</compile_context>

<pallas_src>
import functools

import jax
import jax.numpy as jnp
from jax import lax
from jax.experimental import pallas as pl
from jax.experimental.pallas import tpu as pltpu
from jax.experimental.pallas import tpu_sc as plsc

CHUNK = 64
NBUF = 5
LANES = 16
PADW = 128


def _tta_kernel(n_rows, dim, vocab, num_cores, num_subcores):
    n_workers = num_cores * num_subcores
    per_w = n_rows // n_workers
    n_chunks = per_w // CHUNK
    n_groups = n_chunks // NBUF
    mesh = plsc.VectorSubcoreMesh(core_axis_name="c", subcore_axis_name="s")

    @functools.partial(
        pl.kernel,
        mesh=mesh,
        out_type=jax.ShapeDtypeStruct((n_rows, dim), jnp.float32),
        scratch_types=(
            [pltpu.VMEM((1, CHUNK), jnp.int32)] * NBUF
            + [pltpu.VMEM((CHUNK, 64), jnp.float32)] * NBUF
            + [pltpu.VMEM((CHUNK, PADW), jnp.float32)] * NBUF
            + [pltpu.SemaphoreType.DMA] * (3 * NBUF)
        ),
    )
    def k(x_hbm, idx_hbm, tab_hbm, out_hbm, *scr):
        idx_v = scr[0:NBUF]
        xb_v = scr[NBUF : 2 * NBUF]
        gb_v = scr[2 * NBUF : 3 * NBUF]
        in_sem = scr[3 * NBUF : 4 * NBUF]
        g_sem = scr[4 * NBUF : 5 * NBUF]
        out_sem = scr[5 * NBUF : 6 * NBUF]

        wid = lax.axis_index("s") * num_cores + lax.axis_index("c")
        base = wid * per_w

        def fire_in(b, c):
            row0 = base + c * CHUNK
            pltpu.async_copy(
                idx_hbm.at[pl.ds(row0 // CHUNK, 1)], idx_v[b], in_sem[b]
            )
            pltpu.async_copy(x_hbm.at[pl.ds(row0, CHUNK)], xb_v[b], in_sem[b])

        def wait_in(b):
            pltpu.make_async_copy(
                idx_hbm.at[pl.ds(0, 1)], idx_v[b], in_sem[b]
            ).wait()
            pltpu.make_async_copy(
                x_hbm.at[pl.ds(0, CHUNK)], xb_v[b], in_sem[b]
            ).wait()

        def wait_out(b):
            pltpu.make_async_copy(
                xb_v[b], out_hbm.at[pl.ds(0, CHUNK)], out_sem[b]
            ).wait()

        for b in range(NBUF):
            fire_in(b, b)

        def group_body(g, carry):
            c0 = g * NBUF
            for b in range(NBUF):
                wait_in(b)
                for v in range(CHUNK // LANES):
                    t = idx_v[b][0, pl.ds(v * LANES, LANES)] - 1
                    t = jnp.where(t < 0, t + vocab, t)
                    idx_v[b][0, pl.ds(v * LANES, LANES)] = t
                pltpu.async_copy(
                    tab_hbm.at[idx_v[b].at[0]], gb_v[b], g_sem[b]
                )
            for b in range(NBUF):
                pltpu.make_async_copy(
                    tab_hbm.at[idx_v[b].at[0]], gb_v[b], g_sem[b]
                ).wait()

                @plsc.parallel_loop(0, CHUNK // 4, step=1, unroll=4)
                def add_rows(i, b=b):
                    r = i * 4
                    for rr in range(4):
                        for j in range(64 // LANES):
                            plsc.addupdate(
                                xb_v[b].at[r + rr, pl.ds(j * LANES, LANES)],
                                gb_v[b][r + rr, pl.ds(j * LANES, LANES)],
                            )

                row0 = base + (c0 + b) * CHUNK
                pltpu.async_copy(
                    xb_v[b], out_hbm.at[pl.ds(row0, CHUNK)], out_sem[b]
                )
            for b in range(NBUF):
                wait_out(b)

                @pl.when(g < n_groups - 1)
                def _():
                    fire_in(b, c0 + NBUF + b)

            return carry

        lax.fori_loop(0, n_groups, group_body, 0, unroll=False)

    return k


def kernel(x, tta, embedding):
    b, h, d = x.shape
    vocab = embedding.shape[0]
    n_rows = b * h
    x2 = x.reshape(n_rows, d)
    idx = tta.reshape(n_rows // CHUNK, CHUNK).astype(jnp.int32)
    tabp = jnp.pad(embedding, ((0, 0), (0, PADW - d)))
    info = plsc.get_sparse_core_info()
    k = _tta_kernel(n_rows, d, vocab, info.num_cores, info.num_subcores)
    out = k(x2, idx, tabp)
    return out.reshape(b, h, d)

# --- scband reference (transcript-rebuilt; emitter-appended) ---
"""Pipeline reference for scband-time-to-arrival-24936580120957 (READ-ONLY COPY).

The authoritative reference and input builder live on the scoring server;
editing this copy changes nothing except your own understanding.
"""

import jax, jax.numpy as jnp
import numpy as np

DIM = 64
MAX_LEN = 100000
BATCH = 4096
HIST = 200


def build_embedding(dim, max_len):
    pos = np.arange(0, max_len, 1, dtype=np.float32)[:, None]
    div_term = 1.0 / np.power(10000.0, np.arange(0, dim, 2, dtype=np.float32) / dim)
    emb = np.empty((max_len, dim), dtype=np.float32)
    emb[:, 0::2] = np.sin(pos * div_term)
    emb[:, 1::2] = np.cos(pos * div_term)
    emb[-5:] = emb[-5]
    return jnp.asarray(emb)


def setup_inputs(seed: int = 0) -> dict:
    key = jax.random.key(seed)
    kx, kt = jax.random.split(key)
    x = jax.random.normal(kx, (BATCH, HIST, DIM), dtype=jnp.float32)
    tta = jax.random.randint(kt, (BATCH, HIST), 0, MAX_LEN, dtype=jnp.int64)
    embedding = build_embedding(DIM, MAX_LEN)
    return {"x": x, "tta": tta, "embedding": embedding}


def reference(x, tta, embedding):
    # x + self.embedding[tta - 1]; mode='wrap' reproduces Python/torch negative indexing
    gathered = jnp.take(embedding, tta - 1, axis=0, mode='wrap')
    return x + gathered

if __name__ == "__main__":
    import jax
    _d = setup_inputs()
    print(jax.jit(kernel)(*tuple(_d.values())))

</pallas_src>

<mosaic_0001>
#map = affine_map<(d0, d1) -> (0, 0)>
module attributes {stable_mosaic.version = 14 : i64} {
  func.func @k(%arg0: i32, %arg1: i32, %arg2: memref<819200x64xf32, #tpu.memory_space<hbm>>, %arg3: memref<12800x64xi32, #tpu.memory_space<hbm>>, %arg4: memref<100000x128xf32, #tpu.memory_space<hbm>>, %arg5: memref<819200x64xf32, #tpu.memory_space<hbm>>, %arg6: memref<1x64xi32, #tpu.memory_space<vmem>>, %arg7: memref<1x64xi32, #tpu.memory_space<vmem>>, %arg8: memref<1x64xi32, #tpu.memory_space<vmem>>, %arg9: memref<1x64xi32, #tpu.memory_space<vmem>>, %arg10: memref<1x64xi32, #tpu.memory_space<vmem>>, %arg11: memref<64x64xf32, #tpu.memory_space<vmem>>, %arg12: memref<64x64xf32, #tpu.memory_space<vmem>>, %arg13: memref<64x64xf32, #tpu.memory_space<vmem>>, %arg14: memref<64x64xf32, #tpu.memory_space<vmem>>, %arg15: memref<64x64xf32, #tpu.memory_space<vmem>>, %arg16: memref<64x128xf32, #tpu.memory_space<vmem>>, %arg17: memref<64x128xf32, #tpu.memory_space<vmem>>, %arg18: memref<64x128xf32, #tpu.memory_space<vmem>>, %arg19: memref<64x128xf32, #tpu.memory_space<vmem>>, %arg20: memref<64x128xf32, #tpu.memory_space<vmem>>, %arg21: memref<!tpu.dma_semaphore, #tpu.memory_space<semaphore_mem>>, %arg22: memref<!tpu.dma_semaphore, #tpu.memory_space<semaphore_mem>>, %arg23: memref<!tpu.dma_semaphore, #tpu.memory_space<semaphore_mem>>, %arg24: memref<!tpu.dma_semaphore, #tpu.memory_space<semaphore_mem>>, %arg25: memref<!tpu.dma_semaphore, #tpu.memory_space<semaphore_mem>>, %arg26: memref<!tpu.dma_semaphore, #tpu.memory_space<semaphore_mem>>, %arg27: memref<!tpu.dma_semaphore, #tpu.memory_space<semaphore_mem>>, %arg28: memref<!tpu.dma_semaphore, #tpu.memory_space<semaphore_mem>>, %arg29: memref<!tpu.dma_semaphore, #tpu.memory_space<semaphore_mem>>, %arg30: memref<!tpu.dma_semaphore, #tpu.memory_space<semaphore_mem>>, %arg31: memref<!tpu.dma_semaphore, #tpu.memory_space<semaphore_mem>>, %arg32: memref<!tpu.dma_semaphore, #tpu.memory_space<semaphore_mem>>, %arg33: memref<!tpu.dma_semaphore, #tpu.memory_space<semaphore_mem>>, %arg34: memref<!tpu.dma_semaphore, #tpu.memory_space<semaphore_mem>>, %arg35: memref<!tpu.dma_semaphore, #tpu.memory_space<semaphore_mem>>) attributes {dimension_semantics = [#tpu.dimension_semantics<core_parallel>, #tpu.dimension_semantics<subcore_parallel>], iteration_bounds = array<i64: 2, 16>, scalar_prefetch = 0 : i64, scratch_operands = 30 : i64, tpu.core_type = #tpu.core_type<sc_vector_subcore>, window_params = [{transform_indices = #map}, {transform_indices = #map}, {transform_indices = #map}, {transform_indices = #map}]} {
    %mul3A = arith.constant 2 : i32
    %mul3A_0 = arith.muli %arg1, %mul3A : i32
    %add3A = arith.addi %mul3A_0, %arg0 : i32
    %mul3A_1 = arith.constant 25600 : i32
    %mul3A_2 = arith.muli %add3A, %mul3A_1 : i32
    %add3A_3 = arith.constant 0 : i32
    %add3A_4 = arith.addi %mul3A_2, %add3A_3 : i32
    %jit3A = arith.constant 64 : i32
    %div3A = arith.divsi %add3A_4, %jit3A : i32
    %sign3A = arith.constant 0 : i32
    %sign3A_5 = arith.cmpi sgt, %add3A_4, %sign3A : i32
    %sign3A_6 = arith.extui %sign3A_5 : i1 to i32
    %sign3A_7 = arith.constant 0 : i32
    %sign3A_8 = arith.cmpi slt, %add3A_4, %sign3A_7 : i32
    %sign3A_9 = arith.extui %sign3A_8 : i1 to i32
    %sign3A_10 = arith.subi %sign3A_6, %sign3A_9 : i32
    %sign3A_11 = arith.constant 0 : i32
    %sign3A_12 = arith.cmpi sgt, %jit3A, %sign3A_11 : i32
    %sign3A_13 = arith.extui %sign3A_12 : i1 to i32
    %sign3A_14 = arith.constant 0 : i32
    %sign3A_15 = arith.cmpi slt, %jit3A, %sign3A_14 : i32
    %sign3A_16 = arith.extui %sign3A_15 : i1 to i32
    %sign3A_17 = arith.subi %sign3A_13, %sign3A_16 : i32
    %ne3A = arith.cmpi ne, %sign3A_10, %sign3A_17 : i32
    %rem3A = arith.remsi %add3A_4, %jit3A : i32
    %ne3A_18 = arith.constant 0 : i32
    %ne3A_19 = arith.cmpi ne, %rem3A, %ne3A_18 : i32
    %and3A = arith.andi %ne3A, %ne3A_19 : i1
    %sub3A = arith.constant 1 : i32
    %sub3A_20 = arith.subi %div3A, %sub3A : i32
    %select_n3A = arith.select %and3A, %sub3A_20, %div3A : i32
    %dma_start3A = arith.constant 0 : i32
    %dma_start3A_21 = tpu.memref_slice %arg3[%select_n3A, %dma_start3A] : memref<12800x64xi32, #tpu.memory_space<hbm>> -> memref<1x64xi32, #tpu.memory_space<hbm>>
    %dma_start3A_22 = arith.constant 0 : i32
    %dma_start3A_23 = tpu.memref_slice %arg3[%select_n3A, %dma_start3A_22] : memref<12800x64xi32, #tpu.memory_space<hbm>> -> memref<1x64xi32, #tpu.memory_space<hbm>>
    tpu.enqueue_dma source(%dma_start3A_23 : memref<1x64xi32, #tpu.memory_space<hbm>>) target(%arg6 : memref<1x64xi32, #tpu.memory_space<vmem>>) target_semaphore(%arg21 : memref<!tpu.dma_semaphore, #tpu.memory_space<semaphore_mem>>)
    %dma_start3A_24 = arith.constant 0 : i32
    %dma_start3A_25 = tpu.memref_slice %arg2[%add3A_4, %dma_start3A_24] : memref<819200x64xf32, #tpu.memory_space<hbm>> -> memref<64x64xf32, #tpu.memory_space<hbm>>
    %dma_start3A_26 = arith.constant 0 : i32
    %dma_start3A_27 = tpu.memref_slice %arg2[%add3A_4, %dma_start3A_26] : memref<819200x64xf32, #tpu.memory_space<hbm>> -> memref<64x64xf32, #tpu.memory_space<hbm>>
    tpu.enqueue_dma source(%dma_start3A_27 : memref<64x64xf32, #tpu.memory_space<hbm>>) target(%arg11 : memref<64x64xf32, #tpu.memory_space<vmem>>) target_semaphore(%arg21 : memref<!tpu.dma_semaphore, #tpu.memory_space<semaphore_mem>>)
    %add3A_28 = arith.constant 64 : i32
    %add3A_29 = arith.addi %mul3A_2, %add3A_28 : i32
    %jit3A_30 = arith.constant 64 : i32
    %div3A_31 = arith.divsi %add3A_29, %jit3A_30 : i32
    %sign3A_32 = arith.constant 0 : i32
    %sign3A_33 = arith.cmpi sgt, %add3A_29, %sign3A_32 : i32
    %sign3A_34 = arith.extui %sign3A_33 : i1 to i32
    %sign3A_35 = arith.constant 0 : i32
    %sign3A_36 = arith.cmpi slt, %add3A_29, %sign3A_35 : i32
    %sign3A_37 = arith.extui %sign3A_36 : i1 to i32
    %sign3A_38 = arith.subi %sign3A_34, %sign3A_37 : i32
    %sign3A_39 = arith.constant 0 : i32
    %sign3A_40 = arith.cmpi sgt, %jit3A_30, %sign3A_39 : i32
    %sign3A_41 = arith.extui %sign3A_40 : i1 to i32
    %sign3A_42 = arith.constant 0 : i32
    %sign3A_43 = arith.cmpi slt, %jit3A_30, %sign3A_42 : i32
    %sign3A_44 = arith.extui %sign3A_43 : i1 to i32
    %sign3A_45 = arith.subi %sign3A_41, %sign3A_44 : i32
    %ne3A_46 = arith.cmpi ne, %sign3A_38, %sign3A_45 : i32
    %rem3A_47 = arith.remsi %add3A_29, %jit3A_30 : i32
    %ne3A_48 = arith.constant 0 : i32
    %ne3A_49 = arith.cmpi ne, %rem3A_47, %ne3A_48 : i32
    %and3A_50 = arith.andi %ne3A_46, %ne3A_49 : i1
    %sub3A_51 = arith.constant 1 : i32
    %sub3A_52 = arith.subi %div3A_31, %sub3A_51 : i32
    %select_n3A_53 = arith.select %and3A_50, %sub3A_52, %div3A_31 : i32
    %dma_start3A_54 = arith.constant 0 : i32
    %dma_start3A_55 = tpu.memref_slice %arg3[%select_n3A_53, %dma_start3A_54] : memref<12800x64xi32, #tpu.memory_space<hbm>> -> memref<1x64xi32, #tpu.memory_space<hbm>>
    %dma_start3A_56 = arith.constant 0 : i32
    %dma_start3A_57 = tpu.memref_slice %arg3[%select_n3A_53, %dma_start3A_56] : memref<12800x64xi32, #tpu.memory_space<hbm>> -> memref<1x64xi32, #tpu.memory_space<hbm>>
    tpu.enqueue_dma source(%dma_start3A_57 : memref<1x64xi32, #tpu.memory_space<hbm>>) target(%arg7 : memref<1x64xi32, #tpu.memory_space<vmem>>) target_semaphore(%arg22 : memref<!tpu.dma_semaphore, #tpu.memory_space<semaphore_mem>>)
    %dma_start3A_58 = arith.constant 0 : i32
    %dma_start3A_59 = tpu.memref_slice %arg2[%add3A_29, %dma_start3A_58] : memref<819200x64xf32, #tpu.memory_space<hbm>> -> memref<64x64xf32, #tpu.memory_space<hbm>>
    %dma_start3A_60 = arith.constant 0 : i32
    %dma_start3A_61 = tpu.memref_slice %arg2[%add3A_29, %dma_start3A_60] : memref<819200x64xf32, #tpu.memory_space<hbm>> -> memref<64x64xf32, #tpu.memory_space<hbm>>
    tpu.enqueue_dma source(%dma_start3A_61 : memref<64x64xf32, #tpu.memory_space<hbm>>) target(%arg12 : memref<64x64xf32, #tpu.memory_space<vmem>>) target_semaphore(%arg22 : memref<!tpu.dma_semaphore, #tpu.memory_space<semaphore_mem>>)
    %add3A_62 = arith.constant 128 : i32
    %add3A_63 = arith.addi %mul3A_2, %add3A_62 : i32
    %jit3A_64 = arith.constant 64 : i32
    %div3A_65 = arith.divsi %add3A_63, %jit3A_64 : i32
    %sign3A_66 = arith.constant 0 : i32
    %sign3A_67 = arith.cmpi sgt, %add3A_63, %sign3A_66 : i32
    %sign3A_68 = arith.extui %sign3A_67 : i1 to i32
    %sign3A_69 = arith.constant 0 : i32
    %sign3A_70 = arith.cmpi slt, %add3A_63, %sign3A_69 : i32
    %sign3A_71 = arith.extui %sign3A_70 : i1 to i32
    %sign3A_72 = arith.subi %sign3A_68, %sign3A_71 : i32
    %sign3A_73 = arith.constant 0 : i32
    %sign3A_74 = arith.cmpi sgt, %jit3A_64, %sign3A_73 : i32
    %sign3A_75 = arith.extui %sign3A_74 : i1 to i32
    %sign3A_76 = arith.constant 0 : i32
    %sign3A_77 = arith.cmpi slt, %jit3A_64, %sign3A_76 : i32
    %sign3A_78 = arith.extui %sign3A_77 : i1 to i32
    %sign3A_79 = arith.subi %sign3A_75, %sign3A_78 : i32
    %ne3A_80 = arith.cmpi ne, %sign3A_72, %sign3A_79 : i32
    %rem3A_81 = arith.remsi %add3A_63, %jit3A_64 : i32
    %ne3A_82 = arith.constant 0 : i32
    %ne3A_83 = arith.cmpi ne, %rem3A_81, %ne3A_82 : i32
    %and3A_84 = arith.andi %ne3A_80, %ne3A_83 : i1
    %sub3A_85 = arith.constant 1 : i32
    %sub3A_86 = arith.subi %div3A_65, %sub3A_85 : i32
    %select_n3A_87 = arith.select %and3A_84, %sub3A_86, %div3A_65 : i32
    %dma_start3A_88 = arith.constant 0 : i32
    %dma_start3A_89 = tpu.memref_slice %arg3[%select_n3A_87, %dma_start3A_88] : memref<12800x64xi32, #tpu.memory_space<hbm>> -> memref<1x64xi32, #tpu.memory_space<hbm>>
    %dma_start3A_90 = arith.constant 0 : i32
    %dma_start3A_91 = tpu.memref_slice %arg3[%select_n3A_87, %dma_start3A_90] : memref<12800x64xi32, #tpu.memory_space<hbm>> -> memref<1x64xi32, #tpu.memory_space<hbm>>
    tpu.enqueue_dma source(%dma_start3A_91 : memref<1x64xi32, #tpu.memory_space<hbm>>) target(%arg8 : memref<1x64xi32, #tpu.memory_space<vmem>>) target_semaphore(%arg23 : memref<!tpu.dma_semaphore, #tpu.memory_space<semaphore_mem>>)
    %dma_start3A_92 = arith.constant 0 : i32
    %dma_start3A_93 = tpu.memref_slice %arg2[%add3A_63, %dma_start3A_92] : memref<819200x64xf32, #tpu.memory_space<hbm>> -> memref<64x64xf32, #tpu.memory_space<hbm>>
    %dma_start3A_94 = arith.constant 0 : i32
    %dma_start3A_95 = tpu.memref_slice %arg2[%add3A_63, %dma_start3A_94] : memref<819200x64xf32, #tpu.memory_space<hbm>> -> memref<64x64xf32, #tpu.memory_space<hbm>>
    tpu.enqueue_dma source(%dma_start3A_95 : memref<64x64xf32, #tpu.memory_space<hbm>>) target(%arg13 : memref<64x64xf32, #tpu.memory_space<vmem>>) target_semaphore(%arg23 : memref<!tpu.dma_semaphore, #tpu.memory_space<semaphore_mem>>)
    %add3A_96 = arith.constant 192 : i32
    %add3A_97 = arith.addi %mul3A_2, %add3A_96 : i32
    %jit3A_98 = arith.constant 64 : i32
    %div3A_99 = arith.divsi %add3A_97, %jit3A_98 : i32
    %sign3A_100 = arith.constant 0 : i32
    %sign3A_101 = arith.cmpi sgt, %add3A_97, %sign3A_100 : i32
    %sign3A_102 = arith.extui %sign3A_101 : i1 to i32
    %sign3A_103 = arith.constant 0 : i32
    %sign3A_104 = arith.cmpi slt, %add3A_97, %sign3A_103 : i32
    %sign3A_105 = arith.extui %sign3A_104 : i1 to i32
    %sign3A_106 = arith.subi %sign3A_102, %sign3A_105 : i32
    %sign3A_107 = arith.constant 0 : i32
    %sign3A_108 = arith.cmpi sgt, %jit3A_98, %sign3A_107 : i32
    %sign3A_109 = arith.extui %sign3A_108 : i1 to i32
    %sign3A_110 = arith.constant 0 : i32
    %sign3A_111 = arith.cmpi slt, %jit3A_98, %sign3A_110 : i32
    %sign3A_112 = arith.extui %sign3A_111 : i1 to i32
    %sign3A_113 = arith.subi %sign3A_109, %sign3A_112 : i32
    %ne3A_114 = arith.cmpi ne, %sign3A_106, %sign3A_113 : i32
    %rem3A_115 = arith.remsi %add3A_97, %jit3A_98 : i32
    %ne3A_116 = arith.constant 0 : i32
    %ne3A_117 = arith.cmpi ne, %rem3A_115, %ne3A_116 : i32
    %and3A_118 = arith.andi %ne3A_114, %ne3A_117 : i1
    %sub3A_119 = arith.constant 1 : i32
    %sub3A_120 = arith.subi %div3A_99, %sub3A_119 : i32
    %select_n3A_121 = arith.select %and3A_118, %sub3A_120, %div3A_99 : i32
    %dma_start3A_122 = arith.constant 0 : i32
    %dma_start3A_123 = tpu.memref_slice %arg3[%select_n3A_121, %dma_start3A_122] : memref<12800x64xi32, #tpu.memory_space<hbm>> -> memref<1x64xi32, #tpu.memory_space<hbm>>
    %dma_start3A_124 = arith.constant 0 : i32
    %dma_start3A_125 = tpu.memref_slice %arg3[%select_n3A_121, %dma_start3A_124] : memref<12800x64xi32, #tpu.memory_space<hbm>> -> memref<1x64xi32, #tpu.memory_space<hbm>>
    tpu.enqueue_dma source(%dma_start3A_125 : memref<1x64xi32, #tpu.memory_space<hbm>>) target(%arg9 : memref<1x64xi32, #tpu.memory_space<vmem>>) target_semaphore(%arg24 : memref<!tpu.dma_semaphore, #tpu.memory_space<semaphore_mem>>)
    %dma_start3A_126 = arith.constant 0 : i32
    %dma_start3A_127 = tpu.memref_slice %arg2[%add3A_97, %dma_start3A_126] : memref<819200x64xf32, #tpu.memory_space<hbm>> -> memref<64x64xf32, #tpu.memory_space<hbm>>
    %dma_start3A_128 = arith.constant 0 : i32
    %dma_start3A_129 = tpu.memref_slice %arg2[%add3A_97, %dma_start3A_128] : memref<819200x64xf32, #tpu.memory_space<hbm>> -> memref<64x64xf32, #tpu.memory_space<hbm>>
    tpu.enqueue_dma source(%dma_start3A_129 : memref<64x64xf32, #tpu.memory_space<hbm>>) target(%arg14 : memref<64x64xf32, #tpu.memory_space<vmem>>) target_semaphore(%arg24 : memref<!tpu.dma_semaphore, #tpu.memory_space<semaphore_mem>>)
    %add3A_130 = arith.constant 256 : i32
    %add3A_131 = arith.addi %mul3A_2, %add3A_130 : i32
    %jit3A_132 = arith.constant 64 : i32
    %div3A_133 = arith.divsi %add3A_131, %jit3A_132 : i32
    %sign3A_134 = arith.constant 0 : i32
    %sign3A_135 = arith.cmpi sgt, %add3A_131, %sign3A_134 : i32
    %sign3A_136 = arith.extui %sign3A_135 : i1 to i32
    %sign3A_137 = arith.constant 0 : i32
    %sign3A_138 = arith.cmpi slt, %add3A_131, %sign3A_137 : i32
    %sign3A_139 = arith.extui %sign3A_138 : i1 to i32
    %sign3A_140 = arith.subi %sign3A_136, %sign3A_139 : i32
    %sign3A_141 = arith.constant 0 : i32
    %sign3A_142 = arith.cmpi sgt, %jit3A_132, %sign3A_141 : i32
    %sign3A_143 = arith.extui %sign3A_142 : i1 to i32
    %sign3A_144 = arith.constant 0 : i32
    %sign3A_145 = arith.cmpi slt, %jit3A_132, %sign3A_144 : i32
    %sign3A_146 = arith.extui %sign3A_145 : i1 to i32
    %sign3A_147 = arith.subi %sign3A_143, %sign3A_146 : i32
    %ne3A_148 = arith.cmpi ne, %sign3A_140, %sign3A_147 : i32
    %rem3A_149 = arith.remsi %add3A_131, %jit3A_132 : i32
    %ne3A_150 = arith.constant 0 : i32
    %ne3A_151 = arith.cmpi ne, %rem3A_149, %ne3A_150 : i32
    %and3A_152 = arith.andi %ne3A_148, %ne3A_151 : i1
    %sub3A_153 = arith.constant 1 : i32
    %sub3A_154 = arith.subi %div3A_133, %sub3A_153 : i32
    %select_n3A_155 = arith.select %and3A_152, %sub3A_154, %div3A_133 : i32
    %dma_start3A_156 = arith.constant 0 : i32
    %dma_start3A_157 = tpu.memref_slice %arg3[%select_n3A_155, %dma_start3A_156] : memref<12800x64xi32, #tpu.memory_space<hbm>> -> memref<1x64xi32, #tpu.memory_space<hbm>>
    %dma_start3A_158 = arith.constant 0 : i32
    %dma_start3A_159 = tpu.memref_slice %arg3[%select_n3A_155, %dma_start3A_158] : memref<12800x64xi32, #tpu.memory_space<hbm>> -> memref<1x64xi32, #tpu.memory_space<hbm>>
    tpu.enqueue_dma source(%dma_start3A_159 : memref<1x64xi32, #tpu.memory_space<hbm>>) target(%arg10 : memref<1x64xi32, #tpu.memory_space<vmem>>) target_semaphore(%arg25 : memref<!tpu.dma_semaphore, #tpu.memory_space<semaphore_mem>>)
    %dma_start3A_160 = arith.constant 0 : i32
    %dma_start3A_161 = tpu.memref_slice %arg2[%add3A_131, %dma_start3A_160] : memref<819200x64xf32, #tpu.memory_space<hbm>> -> memref<64x64xf32, #tpu.memory_space<hbm>>
    %dma_start3A_162 = arith.constant 0 : i32
    %dma_start3A_163 = tpu.memref_slice %arg2[%add3A_131, %dma_start3A_162] : memref<819200x64xf32, #tpu.memory_space<hbm>> -> memref<64x64xf32, #tpu.memory_space<hbm>>
    tpu.enqueue_dma source(%dma_start3A_163 : memref<64x64xf32, #tpu.memory_space<hbm>>) target(%arg15 : memref<64x64xf32, #tpu.memory_space<vmem>>) target_semaphore(%arg25 : memref<!tpu.dma_semaphore, #tpu.memory_space<semaphore_mem>>)
    %scan3A = arith.constant 0 : i32
    %scan3A_164 = arith.constant 0 : i32
    %scan3A_165 = arith.constant 80 : i32
    %scan3A_166 = arith.addi %scan3A_164, %scan3A_165 : i32
    %scan3A_167 = arith.constant 1 : i32
    scf.for %scan3A_169 = %scan3A_164 to %scan3A_166 step %scan3A_167  : i32 {
      %mul3A_170 = arith.constant 5 : i32
      %mul3A_171 = arith.muli %scan3A_169, %mul3A_170 : i32
      %dma_wait3A = arith.constant 0 : i32
      %dma_wait3A_172 = arith.constant 0 : i32
      %dma_wait3A_173 = tpu.memref_slice %arg3[%dma_wait3A, %dma_wait3A_172] : memref<12800x64xi32, #tpu.memory_space<hbm>> -> memref<1x64xi32, #tpu.memory_space<hbm>>
      %dma_wait3A_174 = arith.constant 0 : i32
      %dma_wait3A_175 = arith.constant 0 : i32
      %dma_wait3A_176 = tpu.memref_slice %arg3[%dma_wait3A_174, %dma_wait3A_175] : memref<12800x64xi32, #tpu.memory_space<hbm>> -> memref<1x64xi32, #tpu.memory_space<hbm>>
      tpu.wait_dma2 semaphore(%arg21 : memref<!tpu.dma_semaphore, #tpu.memory_space<semaphore_mem>>) src(%dma_wait3A_176 : memref<1x64xi32, #tpu.memory_space<hbm>>) dst(%arg6 : memref<1x64xi32, #tpu.memory_space<vmem>>)
      %dma_wait3A_177 = arith.constant 0 : i32
      %dma_wait3A_178 = arith.constant 0 : i32
      %dma_wait3A_179 = tpu.memref_slice %arg2[%dma_wait3A_177, %dma_wait3A_178] : memref<819200x64xf32, #tpu.memory_space<hbm>> -> memref<64x64xf32, #tpu.memory_space<hbm>>
      %dma_wait3A_180 = arith.constant 0 : i32
      %dma_wait3A_181 = arith.constant 0 : i32
      %dma_wait3A_182 = tpu.memref_slice %arg2[%dma_wait3A_180, %dma_wait3A_181] : memref<819200x64xf32, #tpu.memory_space<hbm>> -> memref<64x64xf32, #tpu.memory_space<hbm>>
      tpu.wait_dma2 semaphore(%arg21 : memref<!tpu.dma_semaphore, #tpu.memory_space<semaphore_mem>>) src(%dma_wait3A_182 : memref<64x64xf32, #tpu.memory_space<hbm>>) dst(%arg11 : memref<64x64xf32, #tpu.memory_space<vmem>>)
      %get3A = arith.constant 0 : i32
      %get3A_183 = arith.index_cast %get3A : i32 to index
      %get3A_184 = arith.constant 0 : index
      %get3A_185 = tpu.vector_load %arg6[%get3A_183, %get3A_184] {strides = array<i32>} : memref<1x64xi32, #tpu.memory_space<vmem>>, vector<1x16xi32>,
      %get3A_186 = vector.shape_cast %get3A_185 : vector<1x16xi32> to vector<16xi32>
      %sub3A_187 = arith.constant 1 : i32
      %sub3A_188 = vector.broadcast %sub3A_187 : i32 to vector<16xi32>
      %sub3A_189 = arith.subi %get3A_186, %sub3A_188 : vector<16xi32>
      %lt3A = arith.constant 0 : i32
      %lt3A_190 = vector.broadcast %lt3A : i32 to vector<16xi32>
      %lt3A_191 = arith.cmpi slt, %sub3A_189, %lt3A_190 : vector<16xi32>
      %add3A_192 = arith.constant 100000 : i32
      %add3A_193 = vector.broadcast %add3A_192 : i32 to vector<16xi32>
      %add3A_194 = arith.addi %sub3A_189, %add3A_193 : vector<16xi32>
      %select_n3A_195 = arith.select %lt3A_191, %add3A_194, %sub3A_189 : vector<16xi1>, vector<16xi32>
      %swap3A = arith.constant 0 : i32
      %swap3A_196 = arith.index_cast %swap3A : i32 to index
      %swap3A_197 = arith.constant 0 : index
      %swap3A_198 = tpu.vector_load %arg6[%swap3A_196, %swap3A_197] {strides = array<i32>} : memref<1x64xi32, #tpu.memory_space<vmem>>, vector<1x16xi32>,
      %swap3A_199 = vector.shape_cast %swap3A_198 : vector<1x16xi32> to vector<16xi32>
      %swap3A_200 = vector.shape_cast %select_n3A_195 : vector<16xi32> to vector<1x16xi32>
      tpu.vector_store %arg6[%swap3A_196, %swap3A_197], %swap3A_200 {strides = array<i32>} : memref<1x64xi32, #tpu.memory_space<vmem>>, vector<1x16xi32>,
      %get3A_201 = arith.constant 0 : i32
      %get3A_202 = arith.index_cast %get3A_201 : i32 to index
      %get3A_203 = arith.constant 16 : index
      %get3A_204 = tpu.vector_load %arg6[%get3A_202, %get3A_203] {strides = array<i32>} : memref<1x64xi32, #tpu.memory_space<vmem>>, vector<1x16xi32>,
      %get3A_205 = vector.shape_cast %get3A_204 : vector<1x16xi32> to vector<16xi32>
      %sub3A_206 = arith.constant 1 : i32
      %sub3A_207 = vector.broadcast %sub3A_206 : i32 to vector<16xi32>
      %sub3A_208 = arith.subi %get3A_205, %sub3A_207 : vector<16xi32>
      %lt3A_209 = arith.constant 0 : i32
      %lt3A_210 = vector.broadcast %lt3A_209 : i32 to vector<16xi32>
      %lt3A_211 = arith.cmpi slt, %sub3A_208, %lt3A_210 : vector<16xi32>
      %add3A_212 = arith.constant 100000 : i32
      %add3A_213 = vector.broadcast %add3A_212 : i32 to vector<16xi32>
      %add3A_214 = arith.addi %sub3A_208, %add3A_213 : vector<16xi32>
      %select_n3A_215 = arith.select %lt3A_211, %add3A_214, %sub3A_208 : vector<16xi1>, vector<16xi32>
      %swap3A_216 = arith.constant 0 : i32
      %swap3A_217 = arith.index_cast %swap3A_216 : i32 to index
      %swap3A_218 = arith.constant 16 : index
      %swap3A_219 = tpu.vector_load %arg6[%swap3A_217, %swap3A_218] {strides = array<i32>} : memref<1x64xi32, #tpu.memory_space<vmem>>, vector<1x16xi32>,
      %swap3A_220 = vector.shape_cast %swap3A_219 : vector<1x16xi32> to vector<16xi32>
      %swap3A_221 = vector.shape_cast %select_n3A_215 : vector<16xi32> to vector<1x16xi32>
      tpu.vector_store %arg6[%swap3A_217, %swap3A_218], %swap3A_221 {strides = array<i32>} : memref<1x64xi32, #tpu.memory_space<vmem>>, vector<1x16xi32>,
      %get3A_222 = arith.constant 0 : i32
      %get3A_223 = arith.index_cast %get3A_222 : i32 to index
      %get3A_224 = arith.constant 32 : index
      %get3A_225 = tpu.vector_load %arg6[%get3A_223, %get3A_224] {strides = array<i32>} : memref<1x64xi32, #tpu.memory_space<vmem>>, vector<1x16xi32>,
      %get3A_226 = vector.shape_cast %get3A_225 : vector<1x16xi32> to vector<16xi32>
      %sub3A_227 = arith.constant 1 : i32
      %sub3A_228 = vector.broadcast %sub3A_227 : i32 to vector<16xi32>
      %sub3A_229 = arith.subi %get3A_226, %sub3A_228 : vector<16xi32>
      %lt3A_230 = arith.constant 0 : i32
      %lt3A_231 = vector.broadcast %lt3A_230 : i32 to vector<16xi32>
      %lt3A_232 = arith.cmpi slt, %sub3A_229, %lt3A_231 : vector<16xi32>
      %add3A_233 = arith.constant 100000 : i32
      %add3A_234 = vector.broadcast %add3A_233 : i32 to vector<16xi32>
      %add3A_235 = arith.addi %sub3A_229, %add3A_234 : vector<16xi32>
      %select_n3A_236 = arith.select %lt3A_232, %add3A_235, %sub3A_229 : vector<16xi1>, vector<16xi32>
      %swap3A_237 = arith.constant 0 : i32
      %swap3A_238 = arith.index_cast %swap3A_237 : i32 to index
      %swap3A_239 = arith.constant 32 : index
      %swap3A_240 = tpu.vector_load %arg6[%swap3A_238, %swap3A_239] {strides = array<i32>} : memref<1x64xi32, #tpu.memory_space<vmem>>, vector<1x16xi32>,
      %swap3A_241 = vector.shape_cast %swap3A_240 : vector<1x16xi32> to vector<16xi32>
      %swap3A_242 = vector.shape_cast %select_n3A_236 : vector<16xi32> to vector<1x16xi32>
      tpu.vector_store %arg6[%swap3A_238, %swap3A_239], %swap3A_242 {strides = array<i32>} : memref<1x64xi32, #tpu.memory_space<vmem>>, vector<1x16xi32>,
      %get3A_243 = arith.constant 0 : i32
      %get3A_244 = arith.index_cast %get3A_243 : i32 to index
      %get3A_245 = arith.constant 48 : index
      %get3A_246 = tpu.vector_load %arg6[%get3A_244, %get3A_245] {strides = array<i32>} : memref<1x64xi32, #tpu.memory_space<vmem>>, vector<1x16xi32>,
      %get3A_247 = vector.shape_cast %get3A_246 : vector<1x16xi32> to vector<16xi32>
      %sub3A_248 = arith.constant 1 : i32
      %sub3A_249 = vector.broadcast %sub3A_248 : i32 to vector<16xi32>
      %sub3A_250 = arith.subi %get3A_247, %sub3A_249 : vector<16xi32>
      %lt3A_251 = arith.constant 0 : i32
      %lt3A_252 = vector.broadcast %lt3A_251 : i32 to vector<16xi32>
      %lt3A_253 = arith.cmpi slt, %sub3A_250, %lt3A_252 : vector<16xi32>
      %add3A_254 = arith.constant 100000 : i32
      %add3A_255 = vector.broadcast %add3A_254 : i32 to vector<16xi32>
      %add3A_256 = arith.addi %sub3A_250, %add3A_255 : vector<16xi32>
      %select_n3A_257 = arith.select %lt3A_253, %add3A_256, %sub3A_250 : vector<16xi1>, vector<16xi32>
      %swap3A_258 = arith.constant 0 : i32
      %swap3A_259 = arith.index_cast %swap3A_258 : i32 to index
      %swap3A_260 = arith.constant 48 : index
      %swap3A_261 = tpu.vector_load %arg6[%swap3A_259, %swap3A_260] {strides = array<i32>} : memref<1x64xi32, #tpu.memory_space<vmem>>, vector<1x16xi32>,
      %swap3A_262 = vector.shape_cast %swap3A_261 : vector<1x16xi32> to vector<16xi32>
      %swap3A_263 = vector.shape_cast %select_n3A_257 : vector<16xi32> to vector<1x16xi32>
      tpu.vector_store %arg6[%swap3A_259, %swap3A_260], %swap3A_263 {strides = array<i32>} : memref<1x64xi32, #tpu.memory_space<vmem>>, vector<1x16xi32>,
      %dma_start3A_264 = arith.constant 0 : i32
      %dma_start3A_265 = arith.constant 0 : i32
      %dma_start3A_266 = tpu.memref_slice %arg6[%dma_start3A_264, %dma_start3A_265] : memref<1x64xi32, #tpu.memory_space<vmem>> -> memref<1x64xi32, #tpu.memory_space<vmem>>
      %dma_start3A_267 = tpu.memref_squeeze %dma_start3A_266 : memref<1x64xi32, #tpu.memory_space<vmem>> -> memref<64xi32, #tpu.memory_space<vmem>>
      %dma_start3A_268 = arith.constant 0 : i32
      %dma_start3A_269 = arith.constant 0 : i32
      %dma_start3A_270 = tpu.memref_slice %arg4[%dma_start3A_268, %dma_start3A_269] : memref<100000x128xf32, #tpu.memory_space<hbm>> -> memref<100000x128xf32, #tpu.memory_space<hbm>>
      tpu.enqueue_indirect_dma source(%dma_start3A_270 : memref<100000x128xf32, #tpu.memory_space<hbm>>) target(%arg16 : memref<64x128xf32, #tpu.memory_space<vmem>>) offsets(%dma_start3A_267 : memref<64xi32, #tpu.memory_space<vmem>>) semaphore(%arg26 : memref<!tpu.dma_semaphore, #tpu.memory_space<semaphore_mem>>)
      %dma_wait3A_271 = arith.constant 0 : i32
      %dma_wait3A_272 = arith.constant 0 : i32
      %dma_wait3A_273 = tpu.memref_slice %arg3[%dma_wait3A_271, %dma_wait3A_272] : memref<12800x64xi32, #tpu.memory_space<hbm>> -> memref<1x64xi32, #tpu.memory_space<hbm>>
      %dma_wait3A_274 = arith.constant 0 : i32
      %dma_wait3A_275 = arith.constant 0 : i32
      %dma_wait3A_276 = tpu.memref_slice %arg3[%dma_wait3A_274, %dma_wait3A_275] : memref<12800x64xi32, #tpu.memory_space<hbm>> -> memref<1x64xi32, #tpu.memory_space<hbm>>
      tpu.wait_dma2 semaphore(%arg22 : memref<!tpu.dma_semaphore, #tpu.memory_space<semaphore_mem>>) src(%dma_wait3A_276 : memref<1x64xi32, #tpu.memory_space<hbm>>) dst(%arg7 : memref<1x64xi32, #tpu.memory_space<vmem>>)
      %dma_wait3A_277 = arith.constant 0 : i32
      %dma_wait3A_278 = arith.constant 0 : i32
      %dma_wait3A_279 = tpu.memref_slice %arg2[%dma_wait3A_277, %dma_wait3A_278] : memref<819200x64xf32, #tpu.memory_space<hbm>> -> memref<64x64xf32, #tpu.memory_space<hbm>>
      %dma_wait3A_280 = arith.constant 0 : i32
      %dma_wait3A_281 = arith.constant 0 : i32
      %dma_wait3A_282 = tpu.memref_slice %arg2[%dma_wait3A_280, %dma_wait3A_281] : memref<819200x64xf32, #tpu.memory_space<hbm>> -> memref<64x64xf32, #tpu.memory_space<hbm>>
      tpu.wait_dma2 semaphore(%arg22 : memref<!tpu.dma_semaphore, #tpu.memory_space<semaphore_mem>>) src(%dma_wait3A_282 : memref<64x64xf32, #tpu.memory_space<hbm>>) dst(%arg12 : memref<64x64xf32, #tpu.memory_space<vmem>>)
      %get3A_283 = arith.constant 0 : i32
      %get3A_284 = arith.index_cast %get3A_283 : i32 to index
      %get3A_285 = arith.constant 0 : index
      %get3A_286 = tpu.vector_load %arg7[%get3A_284, %get3A_285] {strides = array<i32>} : memref<1x64xi32, #tpu.memory_space<vmem>>, vector<1x16xi32>,
      %get3A_287 = vector.shape_cast %get3A_286 : vector<1x16xi32> to vector<16xi32>
      %sub3A_288 = arith.constant 1 : i32
      %sub3A_289 = vector.broadcast %sub3A_288 : i32 to vector<16xi32>
      %sub3A_290 = arith.subi %get3A_287, %sub3A_289 : vector<16xi32>
      %lt3A_291 = arith.constant 0 : i32
      %lt3A_292 = vector.broadcast %lt3A_291 : i32 to vector<16xi32>
      %lt3A_293 = arith.cmpi slt, %sub3A_290, %lt3A_292 : vector<16xi32>
      %add3A_294 = arith.constant 100000 : i32
      %add3A_295 = vector.broadcast %add3A_294 : i32 to vector<16xi32>
      %add3A_296 = arith.addi %sub3A_290, %add3A_295 : vector<16xi32>
      %select_n3A_297 = arith.select %lt3A_293, %add3A_296, %sub3A_290 : vector<16xi1>, vector<16xi32>
      %swap3A_298 = arith.constant 0 : i32
      %swap3A_299 = arith.index_cast %swap3A_298 : i32 to index
      %swap3A_300 = arith.constant 0 : index
      %swap3A_301 = tpu.vector_load %arg7[%swap3A_299, %swap3A_300] {strides = array<i32>} : memref<1x64xi32, #tpu.memory_space<vmem>>, vector<1x16xi32>,
      %swap3A_302 = vector.shape_cast %swap3A_301 : vector<1x16xi32> to vector<16xi32>
      %swap3A_303 = vector.shape_cast %select_n3A_297 : vector<16xi32> to vector<1x16xi32>
      tpu.vector_store %arg7[%swap3A_299, %swap3A_300], %swap3A_303 {strides = array<i32>} : memref<1x64xi32, #tpu.memory_space<vmem>>, vector<1x16xi32>,
      %get3A_304 = arith.constant 0 : i32
      %get3A_305 = arith.index_cast %get3A_304 : i32 to index
      %get3A_306 = arith.constant 16 : index
      %get3A_307 = tpu.vector_load %arg7[%get3A_305, %get3A_306] {strides = array<i32>} : memref<1x64xi32, #tpu.memory_space<vmem>>, vector<1x16xi32>,
      %get3A_308 = vector.shape_cast %get3A_307 : vector<1x16xi32> to vector<16xi32>
      %sub3A_309 = arith.constant 1 : i32
      %sub3A_310 = vector.broadcast %sub3A_309 : i32 to vector<16xi32>
      %sub3A_311 = arith.subi %get3A_308, %sub3A_310 : vector<16xi32>
      %lt3A_312 = arith.constant 0 : i32
      %lt3A_313 = vector.broadcast %lt3A_312 : i32 to vector<16xi32>
      %lt3A_314 = arith.cmpi slt, %sub3A_311, %lt3A_313 : vector<16xi32>
      %add3A_315 = arith.constant 100000 : i32
      %add3A_316 = vector.broadcast %add3A_315 : i32 to vector<16xi32>
      %add3A_317 = arith.addi %sub3A_311, %add3A_316 : vector<16xi32>
      %select_n3A_318 = arith.select %lt3A_314, %add3A_317, %sub3A_311 : vector<16xi1>, vector<16xi32>
      %swap3A_319 = arith.constant 0 : i32
      %swap3A_320 = arith.index_cast %swap3A_319 : i32 to index
      %swap3A_321 = arith.constant 16 : index
      %swap3A_322 = tpu.vector_load %arg7[%swap3A_320, %swap3A_321] {strides = array<i32>} : memref<1x64xi32, #tpu.memory_space<vmem>>, vector<1x16xi32>,
      %swap3A_323 = vector.shape_cast %swap3A_322 : vector<1x16xi32> to vector<16xi32>
      %swap3A_324 = vector.shape_cast %select_n3A_318 : vector<16xi32> to vector<1x16xi32>
      tpu.vector_store %arg7[%swap3A_320, %swap3A_321], %swap3A_324 {strides = array<i32>} : memref<1x64xi32, #tpu.memory_space<vmem>>, vector<1x16xi32>,
      %get3A_325 = arith.constant 0 : i32
      %get3A_326 = arith.index_cast %get3A_325 : i32 to index
      %get3A_327 = arith.constant 32 : index
      %get3A_328 = tpu.vector_load %arg7[%get3A_326, %get3A_327] {strides = array<i32>} : memref<1x64xi32, #tpu.memory_space<vmem>>, vector<1x16xi32>,
      %get3A_329 = vector.shape_cast %get3A_328 : vector<1x16xi32> to vector<16xi32>
      %sub3A_330 = arith.constant 1 : i32
      %sub3A_331 = vector.broadcast %sub3A_330 : i32 to vector<16xi32>
      %sub3A_332 = arith.subi %get3A_329, %sub3A_331 : vector<16xi32>
      %lt3A_333 = arith.constant 0 : i32
      %lt3A_334 = vector.broadcast %lt3A_333 : i32 to vector<16xi32>
      %lt3A_335 = arith.cmpi slt, %sub3A_332, %lt3A_334 : vector<16xi32>
      %add3A_336 = arith.constant 100000 : i32
      %add3A_337 = vector.broadcast %add3A_336 : i32 to vector<16xi32>
      %add3A_338 = arith.addi %sub3A_332, %add3A_337 : vector<16xi32>
      %select_n3A_339 = arith.select %lt3A_335, %add3A_338, %sub3A_332 : vector<16xi1>, vector<16xi32>
      %swap3A_340 = arith.constant 0 : i32
      %swap3A_341 = arith.index_cast %swap3A_340 : i32 to index
      %swap3A_342 = arith.constant 32 : index
      %swap3A_343 = tpu.vector_load %arg7[%swap3A_341, %swap3A_342] {strides = array<i32>} : memref<1x64xi32, #tpu.memory_space<vmem>>, vector<1x16xi32>,
      %swap3A_344 = vector.shape_cast %swap3A_343 : vector<1x16xi32> to vector<16xi32>
      %swap3A_345 = vector.shape_cast %select_n3A_339 : vector<16xi32> to vector<1x16xi32>
      tpu.vector_store %arg7[%swap3A_341, %swap3A_342], %swap3A_345 {strides = array<i32>} : memref<1x64xi32, #tpu.memory_space<vmem>>, vector<1x16xi32>,
      %get3A_346 = arith.constant 0 : i32
      %get3A_347 = arith.index_cast %get3A_346 : i32 to index
      %get3A_348 = arith.constant 48 : index
      %get3A_349 = tpu.vector_load %arg7[%get3A_347, %get3A_348] {strides = array<i32>} : memref<1x64xi32, #tpu.memory_space<vmem>>, vector<1x16xi32>,
      %get3A_350 = vector.shape_cast %get3A_349 : vector<1x16xi32> to vector<16xi32>
      %sub3A_351 = arith.constant 1 : i32
      %sub3A_352 = vector.broadcast %sub3A_351 : i32 to vector<16xi32>
      %sub3A_353 = arith.subi %get3A_350, %sub3A_352 : vector<16xi32>
      %lt3A_354 = arith.constant 0 : i32
      %lt3A_355 = vector.broadcast %lt3A_354 : i32 to vector<16xi32>
      %lt3A_356 = arith.cmpi slt, %sub3A_353, %lt3A_355 : vector<16xi32>
      %add3A_357 = arith.constant 100000 : i32
      %add3A_358 = vector.broadcast %add3A_357 : i32 to vector<16xi32>
      %add3A_359 = arith.addi %sub3A_353, %add3A_358 : vector<16xi32>
      %select_n3A_360 = arith.select %lt3A_356, %add3A_359, %sub3A_353 : vector<16xi1>, vector<16xi32>
      %swap3A_361 = arith.constant 0 : i32
      %swap3A_362 = arith.index_cast %swap3A_361 : i32 to index
      %swap3A_363 = arith.constant 48 : index
      %swap3A_364 = tpu.vector_load %arg7[%swap3A_362, %swap3A_363] {strides = array<i32>} : memref<1x64xi32, #tpu.memory_space<vmem>>, vector<1x16xi32>,
      %swap3A_365 = vector.shape_cast %swap3A_364 : vector<1x16xi32> to vector<16xi32>
      %swap3A_366 = vector.shape_cast %select_n3A_360 : vector<16xi32> to vector<1x16xi32>
      tpu.vector_store %arg7[%swap3A_362, %swap3A_363], %swap3A_366 {strides = array<i32>} : memref<1x64xi32, #tpu.memory_space<vmem>>, vector<1x16xi32>,
      %dma_start3A_367 = arith.constant 0 : i32
      %dma_start3A_368 = arith.constant 0 : i32
      %dma_start3A_369 = tpu.memref_slice %arg7[%dma_start3A_367, %dma_start3A_368] : memref<1x64xi32, #tpu.memory_space<vmem>> -> memref<1x64xi32, #tpu.memory_space<vmem>>
      %dma_start3A_370 = tpu.memref_squeeze %dma_start3A_369 : memref<1x64xi32, #tpu.memory_space<vmem>> -> memref<64xi32, #tpu.memory_space<vmem>>
      %dma_start3A_371 = arith.constant 0 : i32
      %dma_start3A_372 = arith.constant 0 : i32
      %dma_start3A_373 = tpu.memref_slice %arg4[%dma_start3A_371, %dma_start3A_372] : memref<100000x128xf32, #tpu.memory_space<hbm>> -> memref<100000x128xf32, #tpu.memory_space<hbm>>
      tpu.enqueue_indirect_dma source(%dma_start3A_373 : memref<100000x128xf32, #tpu.memory_space<hbm>>) target(%arg17 : memref<64x128xf32, #tpu.memory_space<vmem>>) offsets(%dma_start3A_370 : memref<64xi32, #tpu.memory_space<vmem>>) semaphore(%arg27 : memref<!tpu.dma_semaphore, #tpu.memory_space<semaphore_mem>>)
      %dma_wait3A_374 = arith.constant 0 : i32
      %dma_wait3A_375 = arith.constant 0 : i32
      %dma_wait3A_376 = tpu.memref_slice %arg3[%dma_wait3A_374, %dma_wait3A_375] : memref<12800x64xi32, #tpu.memory_space<hbm>> -> memref<1x64xi32, #tpu.memory_space<hbm>>
      %dma_wait3A_377 = arith.constant 0 : i32
      %dma_wait3A_378 = arith.constant 0 : i32
      %dma_wait3A_379 = tpu.memref_slice %arg3[%dma_wait3A_377, %dma_wait3A_378] : memref<12800x64xi32, #tpu.memory_space<hbm>> -> memref<1x64xi32, #tpu.memory_space<hbm>>
      tpu.wait_dma2 semaphore(%arg23 : memref<!tpu.dma_semaphore, #tpu.memory_space<semaphore_mem>>) src(%dma_wait3A_379 : memref<1x64xi32, #tpu.memory_space<hbm>>) dst(%arg8 : memref<1x64xi32, #tpu.memory_space<vmem>>)
      %dma_wait3A_380 = arith.constant 0 : i32
      %dma_wait3A_381 = arith.constant 0 : i32
      %dma_wait3A_382 = tpu.memref_slice %arg2[%dma_wait3A_380, %dma_wait3A_381] : memref<819200x64xf32, #tpu.memory_space<hbm>> -> memref<64x64xf32, #tpu.memory_space<hbm>>
      %dma_wait3A_383 = arith.constant 0 : i32
      %dma_wait3A_384 = arith.constant 0 : i32
      %dma_wait3A_385 = tpu.memref_slice %arg2[%dma_wait3A_383, %dma_wait3A_384] : memref<819200x64xf32, #tpu.memory_space<hbm>> -> memref<64x64xf32, #tpu.memory_space<hbm>>
      tpu.wait_dma2 semaphore(%arg23 : memref<!tpu.dma_semaphore, #tpu.memory_space<semaphore_mem>>) src(%dma_wait3A_385 : memref<64x64xf32, #tpu.memory_space<hbm>>) dst(%arg13 : memref<64x64xf32, #tpu.memory_space<vmem>>)
      %get3A_386 = arith.constant 0 : i32
      %get3A_387 = arith.index_cast %get3A_386 : i32 to index
      %get3A_388 = arith.constant 0 : index
      %get3A_389 = tpu.vector_load %arg8[%get3A_387, %get3A_388] {strides = array<i32>} : memref<1x64xi32, #tpu.memory_space<vmem>>, vector<1x16xi32>,
      %get3A_390 = vector.shape_cast %get3A_389 : vector<1x16xi32> to vector<16xi32>
      %sub3A_391 = arith.constant 1 : i32
      %sub3A_392 = vector.broadcast %sub3A_391 : i32 to vector<16xi32>
      %sub3A_393 = arith.subi %get3A_390, %sub3A_392 : vector<16xi32>
      %lt3A_394 = arith.constant 0 : i32
      %lt3A_395 = vector.broadcast %lt3A_394 : i32 to vector<16xi32>
      %lt3A_396 = arith.cmpi slt, %sub3A_393, %lt3A_395 : vector<16xi32>
      %add3A_397 = arith.constant 100000 : i32
      %add3A_398 = vector.broadcast %add3A_397 : i32 to vector<16xi32>
      %add3A_399 = arith.addi %sub3A_393, %add3A_398 : vector<16xi32>
      %select_n3A_400 = arith.select %lt3A_396, %add3A_399, %sub3A_393 : vector<16xi1>, vector<16xi32>
      %swap3A_401 = arith.constant 0 : i32
      %swap3A_402 = arith.index_cast %swap3A_401 : i32 to index
      %swap3A_403 = arith.constant 0 : index
      %swap3A_404 = tpu.vector_load %arg8[%swap3A_402, %swap3A_403] {strides = array<i32>} : memref<1x64xi32, #tpu.memory_space<vmem>>, vector<1x16xi32>,
      %swap3A_405 = vector.shape_cast %swap3A_404 : vector<1x16xi32> to vector<16xi32>
      %swap3A_406 = vector.shape_cast %select_n3A_400 : vector<16xi32> to vector<1x16xi32>
      tpu.vector_store %arg8[%swap3A_402, %swap3A_403], %swap3A_406 {strides = array<i32>} : memref<1x64xi32, #tpu.memory_space<vmem>>, vector<1x16xi32>,
      %get3A_407 = arith.constant 0 : i32
      %get3A_408 = arith.index_cast %get3A_407 : i32 to index
      %get3A_409 = arith.constant 16 : index
      %get3A_410 = tpu.vector_load %arg8[%get3A_408, %get3A_409] {strides = array<i32>} : memref<1x64xi32, #tpu.memory_space<vmem>>, vector<1x16xi32>,
      %get3A_411 = vector.shape_cast %get3A_410 : vector<1x16xi32> to vector<16xi32>
      %sub3A_412 = arith.constant 1 : i32
      %sub3A_413 = vector.broadcast %sub3A_412 : i32 to vector<16xi32>
      %sub3A_414 = arith.subi %get3A_411, %sub3A_413 : vector<16xi32>
      %lt3A_415 = arith.constant 0 : i32
      %lt3A_416 = vector.broadcast %lt3A_415 : i32 to vector<16xi32>
      %lt3A_417 = arith.cmpi slt, %sub3A_414, %lt3A_416 : vector<16xi32>
      %add3A_418 = arith.constant 100000 : i32
      %add3A_419 = vector.broadcast %add3A_418 : i32 to vector<16xi32>
      %add3A_420 = arith.addi %sub3A_414, %add3A_419 : vector<16xi32>
      %select_n3A_421 = arith.select %lt3A_417, %add3A_420, %sub3A_414 : vector<16xi1>, vector<16xi32>
      %swap3A_422 = arith.constant 0 : i32
      %swap3A_423 = arith.index_cast %swap3A_422 : i32 to index
      %swap3A_424 = arith.constant 16 : index
      %swap3A_425 = tpu.vector_load %arg8[%swap3A_423, %swap3A_424] {strides = array<i32>} : memref<1x64xi32, #tpu.memory_space<vmem>>, vector<1x16xi32>,
      %swap3A_426 = vector.shape_cast %swap3A_425 : vector<1x16xi32> to vector<16xi32>
      %swap3A_427 = vector.shape_cast %select_n3A_421 : vector<16xi32> to vector<1x16xi32>
      tpu.vector_store %arg8[%swap3A_423, %swap3A_424], %swap3A_427 {strides = array<i32>} : memref<1x64xi32, #tpu.memory_space<vmem>>, vector<1x16xi32>,
      %get3A_428 = arith.constant 0 : i32
      %get3A_429 = arith.index_cast %get3A_428 : i32 to index
      %get3A_430 = arith.constant 32 : index
      %get3A_431 = tpu.vector_load %arg8[%get3A_429, %get3A_430] {strides = array<i32>} : memref<1x64xi32, #tpu.memory_space<vmem>>, vector<1x16xi32>,
      %get3A_432 = vector.shape_cast %get3A_431 : vector<1x16xi32> to vector<16xi32>
      %sub3A_433 = arith.constant 1 : i32
      %sub3A_434 = vector.broadcast %sub3A_433 : i32 to vector<16xi32>
      %sub3A_435 = arith.subi %get3A_432, %sub3A_434 : vector<16xi32>
      %lt3A_436 = arith.constant 0 : i32
      %lt3A_437 = vector.broadcast %lt3A_436 : i32 to vector<16xi32>
      %lt3A_438 = arith.cmpi slt, %sub3A_435, %lt3A_437 : vector<16xi32>
      %add3A_439 = arith.constant 100000 : i32
      %add3A_440 = vector.broadcast %add3A_439 : i32 to vector<16xi32>
      %add3A_441 = arith.addi %sub3A_435, %add3A_440 : vector<16xi32>
      %select_n3A_442 = arith.select %lt3A_438, %add3A_441, %sub3A_435 : vector<16xi1>, vector<16xi32>
      %swap3A_443 = arith.constant 0 : i32
      %swap3A_444 = arith.index_cast %swap3A_443 : i32 to index
      %swap3A_445 = arith.constant 32 : index
      %swap3A_446 = tpu.vector_load %arg8[%swap3A_444, %swap3A_445] {strides = array<i32>} : memref<1x64xi32, #tpu.memory_space<vmem>>, vector<1x16xi32>,
      %swap3A_447 = vector.shape_cast %swap3A_446 : vector<1x16xi32> to vector<16xi32>
      %swap3A_448 = vector.shape_cast %select_n3A_442 : vector<16xi32> to vector<1x16xi32>
      tpu.vector_store %arg8[%swap3A_444, %swap3A_445], %swap3A_448 {strides = array<i32>} : memref<1x64xi32, #tpu.memory_space<vmem>>, vector<1x16xi32>,
      %get3A_449 = arith.constant 0 : i32
      %get3A_450 = arith.index_cast %get3A_449 : i32 to index
      %get3A_451 = arith.constant 48 : index
      %get3A_452 = tpu.vector_load %arg8[%get3A_450, %get3A_451] {strides = array<i32>} : memref<1x64xi32, #tpu.memory_space<vmem>>, vector<1x16xi32>,
      %get3A_453 = vector.shape_cast %get3A_452 : vector<1x16xi32> to vector<16xi32>
      %sub3A_454 = arith.constant 1 : i32
      %sub3A_455 = vector.broadcast %sub3A_454 : i32 to vector<16xi32>
      %sub3A_456 = arith.subi %get3A_453, %sub3A_455 : vector<16xi32>
      %lt3A_457 = arith.constant 0 : i32
      %lt3A_458 = vector.broadcast %lt3A_457 : i32 to vector<16xi32>
      %lt3A_459 = arith.cmpi slt, %sub3A_456, %lt3A_458 : vector<16xi32>
      %add3A_460 = arith.constant 100000 : i32
      %add3A_461 = vector.broadcast %add3A_460 : i32 to vector<16xi32>
      %add3A_462 = arith.addi %sub3A_456, %add3A_461 : vector<16xi32>
      %select_n3A_463 = arith.select %lt3A_459, %add3A_462, %sub3A_456 : vector<16xi1>, vector<16xi32>
      %swap3A_464 = arith.constant 0 : i32
      %swap3A_465 = arith.index_cast %swap3A_464 : i32 to index
      %swap3A_466 = arith.constant 48 : index
      %swap3A_467 = tpu.vector_load %arg8[%swap3A_465, %swap3A_466] {strides = array<i32>} : memref<1x64xi32, #tpu.memory_space<vmem>>, vector<1x16xi32>,
      %swap3A_468 = vector.shape_cast %swap3A_467 : vector<1x16xi32> to vector<16xi32>
      %swap3A_469 = vector.shape_cast %select_n3A_463 : vector<16xi32> to vector<1x16xi32>
      tpu.vector_store %arg8[%swap3A_465, %swap3A_466], %swap3A_469 {strides = array<i32>} : memref<1x64xi32, #tpu.memory_space<vmem>>, vector<1x16xi32>,
      %dma_start3A_470 = arith.constant 0 : i32
      %dma_start3A_471 = arith.constant 0 : i32
      %dma_start3A_472 = tpu.memref_slice %arg8[%dma_start3A_470, %dma_start3A_471] : memref<1x64xi32, #tpu.memory_space<vmem>> -> memref<1x64xi32, #tpu.memory_space<vmem>>
      %dma_start3A_473 = tpu.memref_squeeze %dma_start3A_472 : memref<1x64xi32, #tpu.memory_space<vmem>> -> memref<64xi32, #tpu.memory_space<vmem>>
      %dma_start3A_474 = arith.constant 0 : i32
      %dma_start3A_475 = arith.constant 0 : i32
      %dma_start3A_476 = tpu.memref_slice %arg4[%dma_start3A_474, %dma_start3A_475] : memref<100000x128xf32, #tpu.memory_space<hbm>> -> memref<100000x128xf32, #tpu.memory_space<hbm>>
      tpu.enqueue_indirect_dma source(%dma_start3A_476 : memref<100000x128xf32, #tpu.memory_space<hbm>>) target(%arg18 : memref<64x128xf32, #tpu.memory_space<vmem>>) offsets(%dma_start3A_473 : memref<64xi32, #tpu.memory_space<vmem>>) semaphore(%arg28 : memref<!tpu.dma_semaphore, #tpu.memory_space<semaphore_mem>>)
      %dma_wait3A_477 = arith.constant 0 : i32
      %dma_wait3A_478 = arith.constant 0 : i32
      %dma_wait3A_479 = tpu.memref_slice %arg3[%dma_wait3A_477, %dma_wait3A_478] : memref<12800x64xi32, #tpu.memory_space<hbm>> -> memref<1x64xi32, #tpu.memory_space<hbm>>
      %dma_wait3A_480 = arith.constant 0 : i32
      %dma_wait3A_481 = arith.constant 0 : i32
      %dma_wait3A_482 = tpu.memref_slice %arg3[%dma_wait3A_480, %dma_wait3A_481] : memref<12800x64xi32, #tpu.memory_space<hbm>> -> memref<1x64xi32, #tpu.memory_space<hbm>>
      tpu.wait_dma2 semaphore(%arg24 : memref<!tpu.dma_semaphore, #tpu.memory_space<semaphore_mem>>) src(%dma_wait3A_482 : memref<1x64xi32, #tpu.memory_space<hbm>>) dst(%arg9 : memref<1x64xi32, #tpu.memory_space<vmem>>)
      %dma_wait3A_483 = arith.constant 0 : i32
      %dma_wait3A_484 = arith.constant 0 : i32
      %dma_wait3A_485 = tpu.memref_slice %arg2[%dma_wait3A_483, %dma_wait3A_484] : memref<819200x64xf32, #tpu.memory_space<hbm>> -> memref<64x64xf32, #tpu.memory_space<hbm>>
      %dma_wait3A_486 = arith.constant 0 : i32
      %dma_wait3A_487 = arith.constant 0 : i32
      %dma_wait3A_488 = tpu.memref_slice %arg2[%dma_wait3A_486, %dma_wait3A_487] : memref<819200x64xf32, #tpu.memory_space<hbm>> -> memref<64x64xf32, #tpu.memory_space<hbm>>
      tpu.wait_dma2 semaphore(%arg24 : memref<!tpu.dma_semaphore, #tpu.memory_space<semaphore_mem>>) src(%dma_wait3A_488 : memref<64x64xf32, #tpu.memory_space<hbm>>) dst(%arg14 : memref<64x64xf32, #tpu.memory_space<vmem>>)
      %get3A_489 = arith.constant 0 : i32
      %get3A_490 = arith.index_cast %get3A_489 : i32 to index
      %get3A_491 = arith.constant 0 : index
      %get3A_492 = tpu.vector_load %arg9[%get3A_490, %get3A_491] {strides = array<i32>} : memref<1x64xi32, #tpu.memory_space<vmem>>, vector<1x16xi32>,
      %get3A_493 = vector.shape_cast %get3A_492 : vector<1x16xi32> to vector<16xi32>
      %sub3A_494 = arith.constant 1 : i32
      %sub3A_495 = vector.broadcast %sub3A_494 : i32 to vector<16xi32>
      %sub3A_496 = arith.subi %get3A_493, %sub3A_495 : vector<16xi32>
      %lt3A_497 = arith.constant 0 : i32
      %lt3A_498 = vector.broadcast %lt3A_497 : i32 to vector<16xi32>
      %lt3A_499 = arith.cmpi slt, %sub3A_496, %lt3A_498 : vector<16xi32>
      %add3A_500 = arith.constant 100000 : i32
      %add3A_501 = vector.broadcast %add3A_500 : i32 to vector<16xi32>
      %add3A_502 = arith.addi %sub3A_496, %add3A_501 : vector<16xi32>
      %select_n3A_503 = arith.select %lt3A_499, %add3A_502, %sub3A_496 : vector<16xi1>, vector<16xi32>
      %swap3A_504 = arith.constant 0 : i32
      %swap3A_505 = arith.index_cast %swap3A_504 : i32 to index
      %swap3A_506 = arith.constant 0 : index
      %swap3A_507 = tpu.vector_load %arg9[%swap3A_505, %swap3A_506] {strides = array<i32>} : memref<1x64xi32, #tpu.memory_space<vmem>>, vector<1x16xi32>,
      %swap3A_508 = vector.shape_cast %swap3A_507 : vector<1x16xi32> to vector<16xi32>
      %swap3A_509 = vector.shape_cast %select_n3A_503 : vector<16xi32> to vector<1x16xi32>
      tpu.vector_store %arg9[%swap3A_505, %swap3A_506], %swap3A_509 {strides = array<i32>} : memref<1x64xi32, #tpu.memory_space<vmem>>, vector<1x16xi32>,
      %get3A_510 = arith.constant 0 : i32
      %get3A_511 = arith.index_cast %get3A_510 : i32 to index
      %get3A_512 = arith.constant 16 : index
      %get3A_513 = tpu.vector_load %arg9[%get3A_511, %get3A_512] {strides = array<i32>} : memref<1x64xi32, #tpu.memory_space<vmem>>, vector<1x16xi32>,
      %get3A_514 = vector.shape_cast %get3A_513 : vector<1x16xi32> to vector<16xi32>
      %sub3A_515 = arith.constant 1 : i32
      %sub3A_516 = vector.broadcast %sub3A_515 : i32 to vector<16xi32>
      %sub3A_517 = arith.subi %get3A_514, %sub3A_516 : vector<16xi32>
      %lt3A_518 = arith.constant 0 : i32
      %lt3A_519 = vector.broadcast %lt3A_518 : i32 to vector<16xi32>
      %lt3A_520 = arith.cmpi slt, %sub3A_517, %lt3A_519 : vector<16xi32>
      %add3A_521 = arith.constant 100000 : i32
      %add3A_522 = vector.broadcast %add3A_521 : i32 to vector<16xi32>
      %add3A_523 = arith.addi %sub3A_517, %add3A_522 : vector<16xi32>
      %select_n3A_524 = arith.select %lt3A_520, %add3A_523, %sub3A_517 : vector<16xi1>, vector<16xi32>
      %swap3A_525 = arith.constant 0 : i32
      %swap3A_526 = arith.index_cast %swap3A_525 : i32 to index
      %swap3A_527 = arith.constant 16 : index
      %swap3A_528 = tpu.vector_load %arg9[%swap3A_526, %swap3A_527] {strides = array<i32>} : memref<1x64xi32, #tpu.memory_space<vmem>>, vector<1x16xi32>,
      %swap3A_529 = vector.shape_cast %swap3A_528 : vector<1x16xi32> to vector<16xi32>
      %swap3A_530 = vector.shape_cast %select_n3A_524 : vector<16xi32> to vector<1x16xi32>
      tpu.vector_store %arg9[%swap3A_526, %swap3A_527], %swap3A_530 {strides = array<i32>} : memref<1x64xi32, #tpu.memory_space<vmem>>, vector<1x16xi32>,
      %get3A_531 = arith.constant 0 : i32
      %get3A_532 = arith.index_cast %get3A_531 : i32 to index
      %get3A_533 = arith.constant 32 : index
      %get3A_534 = tpu.vector_load %arg9[%get3A_532, %get3A_533] {strides = array<i32>} : memref<1x64xi32, #tpu.memory_space<vmem>>, vector<1x16xi32>,
      %get3A_535 = vector.shape_cast %get3A_534 : vector<1x16xi32> to vector<16xi32>
      %sub3A_536 = arith.constant 1 : i32
      %sub3A_537 = vector.broadcast %sub3A_536 : i32 to vector<16xi32>
      %sub3A_538 = arith.subi %get3A_535, %sub3A_537 : vector<16xi32>
      %lt3A_539 = arith.constant 0 : i32
      %lt3A_540 = vector.broadcast %lt3A_539 : i32 to vector<16xi32>
      %lt3A_541 = arith.cmpi slt, %sub3A_538, %lt3A_540 : vector<16xi32>
      %add3A_542 = arith.constant 100000 : i32
      %add3A_543 = vector.broadcast %add3A_542 : i32 to vector<16xi32>
      %add3A_544 = arith.addi %sub3A_538, %add3A_543 : vector<16xi32>
      %select_n3A_545 = arith.select %lt3A_541, %add3A_544, %sub3A_538 : vector<16xi1>, vector<16xi32>
      %swap3A_546 = arith.constant 0 : i32
      %swap3A_547 = arith.index_cast %swap3A_546 : i32 to index
      %swap3A_548 = arith.constant 32 : index
      %swap3A_549 = tpu.vector_load %arg9[%swap3A_547, %swap3A_548] {strides = array<i32>} : memref<1x64xi32, #tpu.memory_space<vmem>>, vector<1x16xi32>,
      %swap3A_550 = vector.shape_cast %swap3A_549 : vector<1x16xi32> to vector<16xi32>
      %swap3A_551 = vector.shape_cast %select_n3A_545 : vector<16xi32> to vector<1x16xi32>
      tpu.vector_store %arg9[%swap3A_547, %swap3A_548], %swap3A_551 {strides = array<i32>} : memref<1x64xi32, #tpu.memory_space<vmem>>, vector<1x16xi32>,
      %get3A_552 = arith.constant 0 : i32
      %get3A_553 = arith.index_cast %get3A_552 : i32 to index
      %get3A_554 = arith.constant 48 : index
      %get3A_555 = tpu.vector_load %arg9[%get3A_553, %get3A_554] {strides = array<i32>} : memref<1x64xi32, #tpu.memory_space<vmem>>, vector<1x16xi32>,
      %get3A_556 = vector.shape_cast %get3A_555 : vector<1x16xi32> to vector<16xi32>
      %sub3A_557 = arith.constant 1 : i32
      %sub3A_558 = vector.broadcast %sub3A_557 : i32 to vector<16xi32>
      %sub3A_559 = arith.subi %get3A_556, %sub3A_558 : vector<16xi32>
      %lt3A_560 = arith.constant 0 : i32
      %lt3A_561 = vector.broadcast %lt3A_560 : i32 to vector<16xi32>
      %lt3A_562 = arith.cmpi slt, %sub3A_559, %lt3A_561 : vector<16xi32>
      %add3A_563 = arith.constant 100000 : i32
      %add3A_564 = vector.broadcast %add3A_563 : i32 to vector<16xi32>
      %add3A_565 = arith.addi %sub3A_559, %add3A_564 : vector<16xi32>
      %select_n3A_566 = arith.select %lt3A_562, %add3A_565, %sub3A_559 : vector<16xi1>, vector<16xi32>
      %swap3A_567 = arith.constant 0 : i32
      %swap3A_568 = arith.index_cast %swap3A_567 : i32 to index
      %swap3A_569 = arith.constant 48 : index
      %swap3A_570 = tpu.vector_load %arg9[%swap3A_568, %swap3A_569] {strides = array<i32>} : memref<1x64xi32, #tpu.memory_space<vmem>>, vector<1x16xi32>,
      %swap3A_571 = vector.shape_cast %swap3A_570 : vector<1x16xi32> to vector<16xi32>
      %swap3A_572 = vector.shape_cast %select_n3A_566 : vector<16xi32> to vector<1x16xi32>
      tpu.vector_store %arg9[%swap3A_568, %swap3A_569], %swap3A_572 {strides = array<i32>} : memref<1x64xi32, #tpu.memory_space<vmem>>, vector<1x16xi32>,
      %dma_start3A_573 = arith.constant 0 : i32
      %dma_start3A_574 = arith.constant 0 : i32
      %dma_start3A_575 = tpu.memref_slice %arg9[%dma_start3A_573, %dma_start3A_574] : memref<1x64xi32, #tpu.memory_space<vmem>> -> memref<1x64xi32, #tpu.memory_space<vmem>>
      %dma_start3A_576 = tpu.memref_squeeze %dma_start3A_575 : memref<1x64xi32, #tpu.memory_space<vmem>> -> memref<64xi32, #tpu.memory_space<vmem>>
      %dma_start3A_577 = arith.constant 0 : i32
      %dma_start3A_578 = arith.constant 0 : i32
      %dma_start3A_579 = tpu.memref_slice %arg4[%dma_start3A_577, %dma_start3A_578] : memref<100000x128xf32, #tpu.memory_space<hbm>> -> memref<100000x128xf32, #tpu.memory_space<hbm>>
      tpu.enqueue_indirect_dma source(%dma_start3A_579 : memref<100000x128xf32, #tpu.memory_space<hbm>>) target(%arg19 : memref<64x128xf32, #tpu.memory_space<vmem>>) offsets(%dma_start3A_576 : memref<64xi32, #tpu.memory_space<vmem>>) semaphore(%arg29 : memref<!tpu.dma_semaphore, #tpu.memory_space<semaphore_mem>>)
      %dma_wait3A_580 = arith.constant 0 : i32
      %dma_wait3A_581 = arith.constant 0 : i32
      %dma_wait3A_582 = tpu.memref_slice %arg3[%dma_wait3A_580, %dma_wait3A_581] : memref<12800x64xi32, #tpu.memory_space<hbm>> -> memref<1x64xi32, #tpu.memory_space<hbm>>
      %dma_wait3A_583 = arith.constant 0 : i32
      %dma_wait3A_584 = arith.constant 0 : i32
      %dma_wait3A_585 = tpu.memref_slice %arg3[%dma_wait3A_583, %dma_wait3A_584] : memref<12800x64xi32, #tpu.memory_space<hbm>> -> memref<1x64xi32, #tpu.memory_space<hbm>>
      tpu.wait_dma2 semaphore(%arg25 : memref<!tpu.dma_semaphore, #tpu.memory_space<semaphore_mem>>) src(%dma_wait3A_585 : memref<1x64xi32, #tpu.memory_space<hbm>>) dst(%arg10 : memref<1x64xi32, #tpu.memory_space<vmem>>)
      %dma_wait3A_586 = arith.constant 0 : i32
      %dma_wait3A_587 = arith.constant 0 : i32
      %dma_wait3A_588 = tpu.memref_slice %arg2[%dma_wait3A_586, %dma_wait3A_587] : memref<819200x64xf32, #tpu.memory_space<hbm>> -> memref<64x64xf32, #tpu.memory_space<hbm>>
      %dma_wait3A_589 = arith.constant 0 : i32
      %dma_wait3A_590 = arith.constant 0 : i32
      %dma_wait3A_591 = tpu.memref_slice %arg2[%dma_wait3A_589, %dma_wait3A_590] : memref<819200x64xf32, #tpu.memory_space<hbm>> -> memref<64x64xf32, #tpu.memory_space<hbm>>
      tpu.wait_dma2 semaphore(%arg25 : memref<!tpu.dma_semaphore, #tpu.memory_space<semaphore_mem>>) src(%dma_wait3A_591 : memref<64x64xf32, #tpu.memory_space<hbm>>) dst(%arg15 : memref<64x64xf32, #tpu.memory_space<vmem>>)
      %get3A_592 = arith.constant 0 : i32
      %get3A_593 = arith.index_cast %get3A_592 : i32 to index
      %get3A_594 = arith.constant 0 : index
      %get3A_595 = tpu.vector_load %arg10[%get3A_593, %get3A_594] {strides = array<i32>} : memref<1x64xi32, #tpu.memory_space<vmem>>, vector<1x16xi32>,
      %get3A_596 = vector.shape_cast %get3A_595 : vector<1x16xi32> to vector<16xi32>
      %sub3A_597 = arith.constant 1 : i32
      %sub3A_598 = vector.broadcast %sub3A_597 : i32 to vector<16xi32>
      %sub3A_599 = arith.subi %get3A_596, %sub3A_598 : vector<16xi32>
      %lt3A_600 = arith.constant 0 : i32
      %lt3A_601 = vector.broadcast %lt3A_600 : i32 to vector<16xi32>
      %lt3A_602 = arith.cmpi slt, %sub3A_599, %lt3A_601 : vector<16xi32>
      %add3A_603 = arith.constant 100000 : i32
      %add3A_604 = vector.broadcast %add3A_603 : i32 to vector<16xi32>
      %add3A_605 = arith.addi %sub3A_599, %add3A_604 : vector<16xi32>
      %select_n3A_606 = arith.select %lt3A_602, %add3A_605, %sub3A_599 : vector<16xi1>, vector<16xi32>
      %swap3A_607 = arith.constant 0 : i32
      %swap3A_608 = arith.index_cast %swap3A_607 : i32 to index
      %swap3A_609 = arith.constant 0 : index
      %swap3A_610 = tpu.vector_load %arg10[%swap3A_608, %swap3A_609] {strides = array<i32>} : memref<1x64xi32, #tpu.memory_space<vmem>>, vector<1x16xi32>,
      %swap3A_611 = vector.shape_cast %swap3A_610 : vector<1x16xi32> to vector<16xi32>
      %swap3A_612 = vector.shape_cast %select_n3A_606 : vector<16xi32> to vector<1x16xi32>
      tpu.vector_store %arg10[%swap3A_608, %swap3A_609], %swap3A_612 {strides = array<i32>} : memref<1x64xi32, #tpu.memory_space<vmem>>, vector<1x16xi32>,
      %get3A_613 = arith.constant 0 : i32
      %get3A_614 = arith.index_cast %get3A_613 : i32 to index
      %get3A_615 = arith.constant 16 : index
      %get3A_616 = tpu.vector_load %arg10[%get3A_614, %get3A_615] {strides = array<i32>} : memref<1x64xi32, #tpu.memory_space<vmem>>, vector<1x16xi32>,
      %get3A_617 = vector.shape_cast %get3A_616 : vector<1x16xi32> to vector<16xi32>
      %sub3A_618 = arith.constant 1 : i32
      %sub3A_619 = vector.broadcast %sub3A_618 : i32 to vector<16xi32>
      %sub3A_620 = arith.subi %get3A_617, %sub3A_619 : vector<16xi32>
      %lt3A_621 = arith.constant 0 : i32
      %lt3A_622 = vector.broadcast %lt3A_621 : i32 to vector<16xi32>
      %lt3A_623 = arith.cmpi slt, %sub3A_620, %lt3A_622 : vector<16xi32>
      %add3A_624 = arith.constant 100000 : i32
      %add3A_625 = vector.broadcast %add3A_624 : i32 to vector<16xi32>
      %add3A_626 = arith.addi %sub3A_620, %add3A_625 : vector<16xi32>
      %select_n3A_627 = arith.select %lt3A_623, %add3A_626, %sub3A_620 : vector<16xi1>, vector<16xi32>
      %swap3A_628 = arith.constant 0 : i32
      %swap3A_629 = arith.index_cast %swap3A_628 : i32 to index
      %swap3A_630 = arith.constant 16 : index
      %swap3A_631 = tpu.vector_load %arg10[%swap3A_629, %swap3A_630] {strides = array<i32>} : memref<1x64xi32, #tpu.memory_space<vmem>>, vector<1x16xi32>,
      %swap3A_632 = vector.shape_cast %swap3A_631 : vector<1x16xi32> to vector<16xi32>
      %swap3A_633 = vector.shape_cast %select_n3A_627 : vector<16xi32> to vector<1x16xi32>
      tpu.vector_store %arg10[%swap3A_629, %swap3A_630], %swap3A_633 {strides = array<i32>} : memref<1x64xi32, #tpu.memory_space<vmem>>, vector<1x16xi32>,
      %get3A_634 = arith.constant 0 : i32
      %get3A_635 = arith.index_cast %get3A_634 : i32 to index
      %get3A_636 = arith.constant 32 : index
      %get3A_637 = tpu.vector_load %arg10[%get3A_635, %get3A_636] {strides = array<i32>} : memref<1x64xi32, #tpu.memory_space<vmem>>, vector<1x16xi32>,
      %get3A_638 = vector.shape_cast %get3A_637 : vector<1x16xi32> to vector<16xi32>
      %sub3A_639 = arith.constant 1 : i32
      %sub3A_640 = vector.broadcast %sub3A_639 : i32 to vector<16xi32>
      %sub3A_641 = arith.subi %get3A_638, %sub3A_640 : vector<16xi32>
      %lt3A_642 = arith.constant 0 : i32
      %lt3A_643 = vector.broadcast %lt3A_642 : i32 to vector<16xi32>
      %lt3A_644 = arith.cmpi slt, %sub3A_641, %lt3A_643 : vector<16xi32>
      %add3A_645 = arith.constant 100000 : i32
      %add3A_646 = vector.broadcast %add3A_645 : i32 to vector<16xi32>
      %add3A_647 = arith.addi %sub3A_641, %add3A_646 : vector<16xi32>
      %select_n3A_648 = arith.select %lt3A_644, %add3A_647, %sub3A_641 : vector<16xi1>, vector<16xi32>
      %swap3A_649 = arith.constant 0 : i32
      %swap3A_650 = arith.index_cast %swap3A_649 : i32 to index
      %swap3A_651 = arith.constant 32 : index
      %swap3A_652 = tpu.vector_load %arg10[%swap3A_650, %swap3A_651] {strides = array<i32>} : memref<1x64xi32, #tpu.memory_space<vmem>>, vector<1x16xi32>,
      %swap3A_653 = vector.shape_cast %swap3A_652 : vector<1x16xi32> to vector<16xi32>
      %swap3A_654 = vector.shape_cast %select_n3A_648 : vector<16xi32> to vector<1x16xi32>
      tpu.vector_store %arg10[%swap3A_650, %swap3A_651], %swap3A_654 {strides = array<i32>} : memref<1x64xi32, #tpu.memory_space<vmem>>, vector<1x16xi32>,
      %get3A_655 = arith.constant 0 : i32
      %get3A_656 = arith.index_cast %get3A_655 : i32 to index
      %get3A_657 = arith.constant 48 : index
      %get3A_658 = tpu.vector_load %arg10[%get3A_656, %get3A_657] {strides = array<i32>} : memref<1x64xi32, #tpu.memory_space<vmem>>, vector<1x16xi32>,
      %get3A_659 = vector.shape_cast %get3A_658 : vector<1x16xi32> to vector<16xi32>
      %sub3A_660 = arith.constant 1 : i32
      %sub3A_661 = vector.broadcast %sub3A_660 : i32 to vector<16xi32>
      %sub3A_662 = arith.subi %get3A_659, %sub3A_661 : vector<16xi32>
      %lt3A_663 = arith.constant 0 : i32
      %lt3A_664 = vector.broadcast %lt3A_663 : i32 to vector<16xi32>
      %lt3A_665 = arith.cmpi slt, %sub3A_662, %lt3A_664 : vector<16xi32>
      %add3A_666 = arith.constant 100000 : i32
      %add3A_667 = vector.broadcast %add3A_666 : i32 to vector<16xi32>
      %add3A_668 = arith.addi %sub3A_662, %add3A_667 : vector<16xi32>
      %select_n3A_669 = arith.select %lt3A_665, %add3A_668, %sub3A_662 : vector<16xi1>, vector<16xi32>
      %swap3A_670 = arith.constant 0 : i32
      %swap3A_671 = arith.index_cast %swap3A_670 : i32 to index
      %swap3A_672 = arith.constant 48 : index
      %swap3A_673 = tpu.vector_load %arg10[%swap3A_671, %swap3A_672] {strides = array<i32>} : memref<1x64xi32, #tpu.memory_space<vmem>>, vector<1x16xi32>,
      %swap3A_674 = vector.shape_cast %swap3A_673 : vector<1x16xi32> to vector<16xi32>
      %swap3A_675 = vector.shape_cast %select_n3A_669 : vector<16xi32> to vector<1x16xi32>
      tpu.vector_store %arg10[%swap3A_671, %swap3A_672], %swap3A_675 {strides = array<i32>} : memref<1x64xi32, #tpu.memory_space<vmem>>, vector<1x16xi32>,
      %dma_start3A_676 = arith.constant 0 : i32
      %dma_start3A_677 = arith.constant 0 : i32
      %dma_start3A_678 = tpu.memref_slice %arg10[%dma_start3A_676, %dma_start3A_677] : memref<1x64xi32, #tpu.memory_space<vmem>> -> memref<1x64xi32, #tpu.memory_space<vmem>>
      %dma_start3A_679 = tpu.memref_squeeze %dma_start3A_678 : memref<1x64xi32, #tpu.memory_space<vmem>> -> memref<64xi32, #tpu.memory_space<vmem>>
      %dma_start3A_680 = arith.constant 0 : i32
      %dma_start3A_681 = arith.constant 0 : i32
      %dma_start3A_682 = tpu.memref_slice %arg4[%dma_start3A_680, %dma_start3A_681] : memref<100000x128xf32, #tpu.memory_space<hbm>> -> memref<100000x128xf32, #tpu.memory_space<hbm>>
      tpu.enqueue_indirect_dma source(%dma_start3A_682 : memref<100000x128xf32, #tpu.memory_space<hbm>>) target(%arg20 : memref<64x128xf32, #tpu.memory_space<vmem>>) offsets(%dma_start3A_679 : memref<64xi32, #tpu.memory_space<vmem>>) semaphore(%arg30 : memref<!tpu.dma_semaphore, #tpu.memory_space<semaphore_mem>>)
      %dma_wait3A_683 = arith.constant 0 : i32
      %dma_wait3A_684 = arith.constant 0 : i32
      %dma_wait3A_685 = tpu.memref_slice %arg6[%dma_wait3A_683, %dma_wait3A_684] : memref<1x64xi32, #tpu.memory_space<vmem>> -> memref<1x64xi32, #tpu.memory_space<vmem>>
      %dma_wait3A_686 = tpu.memref_squeeze %dma_wait3A_685 : memref<1x64xi32, #tpu.memory_space<vmem>> -> memref<64xi32, #tpu.memory_space<vmem>>
      %dma_wait3A_687 = arith.constant 0 : i32
      %dma_wait3A_688 = arith.constant 0 : i32
      %dma_wait3A_689 = tpu.memref_slice %arg4[%dma_wait3A_687, %dma_wait3A_688] : memref<100000x128xf32, #tpu.memory_space<hbm>> -> memref<100000x128xf32, #tpu.memory_space<hbm>>
      tpu.wait_indirect_dma semaphore(%arg26 : memref<!tpu.dma_semaphore, #tpu.memory_space<semaphore_mem>>) src(%dma_wait3A_689 : memref<100000x128xf32, #tpu.memory_space<hbm>>) dst(%arg16 : memref<64x128xf32, #tpu.memory_space<vmem>>)
      %parallel_loop3A = arith.constant 0 : i32
      %parallel_loop3A_690 = arith.constant 16 : i32
      %parallel_loop3A_691 = arith.constant 1 : i32
      scf.for %parallel_loop3A_830 = %parallel_loop3A to %parallel_loop3A_690 step %parallel_loop3A_691  : i32 {
        %parallel_loop3A_831 = arith.constant 4 : i32
        %parallel_loop3A_832 = arith.muli %parallel_loop3A_830, %parallel_loop3A_831 : i32
        %parallel_loop3A_833 = arith.constant 0 : i32
        %parallel_loop3A_834 = arith.addi %parallel_loop3A_832, %parallel_loop3A_833 : i32
        %parallel_loop3A_835 = arith.constant 0 : i32
        %parallel_loop3A_836 = arith.addi %parallel_loop3A_832, %parallel_loop3A_835 : i32
        %parallel_loop3A_837 = arith.index_cast %parallel_loop3A_836 : i32 to index
        %parallel_loop3A_838 = arith.constant 0 : index
        %parallel_loop3A_839 = tpu.vector_load %arg16[%parallel_loop3A_837, %parallel_loop3A_838] {strides = array<i32>} : memref<64x128xf32, #tpu.memory_space<vmem>>, vector<1x16xf32>,
        %parallel_loop3A_840 = vector.shape_cast %parallel_loop3A_839 : vector<1x16xf32> to vector<16xf32>
        %parallel_loop3A_841 = arith.index_cast %parallel_loop3A_834 : i32 to index
        %parallel_loop3A_842 = arith.constant 0 : index
        %parallel_loop3A_843 = tpu.vector_load %arg11[%parallel_loop3A_841, %parallel_loop3A_842] {strides = array<i32>} : memref<64x64xf32, #tpu.memory_space<vmem>>, vector<1x16xf32>,
        %parallel_loop3A_844 = vector.shape_cast %parallel_loop3A_843 : vector<1x16xf32> to vector<16xf32>
        %parallel_loop3A_845 = vector.shape_cast %parallel_loop3A_840 : vector<16xf32> to vector<1x16xf32>
        tpu.vector_store %arg11[%parallel_loop3A_841, %parallel_loop3A_842], %parallel_loop3A_845 {add = true, strides = array<i32>} : memref<64x64xf32, #tpu.memory_space<vmem>>, vector<1x16xf32>,
        %parallel_loop3A_846 = arith.constant 0 : i32
        %parallel_loop3A_847 = arith.addi %parallel_loop3A_832, %parallel_loop3A_846 : i32
        %parallel_loop3A_848 = arith.constant 0 : i32
        %parallel_loop3A_849 = arith.addi %parallel_loop3A_832, %parallel_loop3A_848 : i32
        %parallel_loop3A_850 = arith.index_cast %parallel_loop3A_849 : i32 to index
        %parallel_loop3A_851 = arith.constant 16 : index
        %parallel_loop3A_852 = tpu.vector_load %arg16[%parallel_loop3A_850, %parallel_loop3A_851] {strides = array<i32>} : memref<64x128xf32, #tpu.memory_space<vmem>>, vector<1x16xf32>,
        %parallel_loop3A_853 = vector.shape_cast %parallel_loop3A_852 : vector<1x16xf32> to vector<16xf32>
        %parallel_loop3A_854 = arith.index_cast %parallel_loop3A_847 : i32 to index
        %parallel_loop3A_855 = arith.constant 16 : index
        %parallel_loop3A_856 = tpu.vector_load %arg11[%parallel_loop3A_854, %parallel_loop3A_855] {strides = array<i32>} : memref<64x64xf32, #tpu.memory_space<vmem>>, vector<1x16xf32>,
        %parallel_loop3A_857 = vector.shape_cast %parallel_loop3A_856 : vector<1x16xf32> to vector<16xf32>
        %parallel_loop3A_858 = vector.shape_cast %parallel_loop3A_853 : vector<16xf32> to vector<1x16xf32>
        tpu.vector_store %arg11[%parallel_loop3A_854, %parallel_loop3A_855], %parallel_loop3A_858 {add = true, strides = array<i32>} : memref<64x64xf32, #tpu.memory_space<vmem>>, vector<1x16xf32>,
        %parallel_loop3A_859 = arith.constant 0 : i32
        %parallel_loop3A_860 = arith.addi %parallel_loop3A_832, %parallel_loop3A_859 : i32
        %parallel_loop3A_861 = arith.constant 0 : i32
        %parallel_loop3A_862 = arith.addi %parallel_loop3A_832, %parallel_loop3A_861 : i32
        %parallel_loop3A_863 = arith.index_cast %parallel_loop3A_862 : i32 to index
        %parallel_loop3A_864 = arith.constant 32 : index
        %parallel_loop3A_865 = tpu.vector_load %arg16[%parallel_loop3A_863, %parallel_loop3A_864] {strides = array<i32>} : memref<64x128xf32, #tpu.memory_space<vmem>>, vector<1x16xf32>,
        %parallel_loop3A_866 = vector.shape_cast %parallel_loop3A_865 : vector<1x16xf32> to vector<16xf32>
        %parallel_loop3A_867 = arith.index_cast %parallel_loop3A_860 : i32 to index
        %parallel_loop3A_868 = arith.constant 32 : index
        %parallel_loop3A_869 = tpu.vector_load %arg11[%parallel_loop3A_867, %parallel_loop3A_868] {strides = array<i32>} : memref<64x64xf32, #tpu.memory_space<vmem>>, vector<1x16xf32>,
        %parallel_loop3A_870 = vector.shape_cast %parallel_loop3A_869 : vector<1x16xf32> to vector<16xf32>
        %parallel_loop3A_871 = vector.shape_cast %parallel_loop3A_866 : vector<16xf32> to vector<1x16xf32>
        tpu.vector_store %arg11[%parallel_loop3A_867, %parallel_loop3A_868], %parallel_loop3A_871 {add = true, strides = array<i32>} : memref<64x64xf32, #tpu.memory_space<vmem>>, vector<1x16xf32>,
        %parallel_loop3A_872 = arith.constant 0 : i32
        %parallel_loop3A_873 = arith.addi %parallel_loop3A_832, %parallel_loop3A_872 : i32
        %parallel_loop3A_874 = arith.constant 0 : i32
        %parallel_loop3A_875 = arith.addi %parallel_loop3A_832, %parallel_loop3A_874 : i32
        %parallel_loop3A_876 = arith.index_cast %parallel_loop3A_875 : i32 to index
        %parallel_loop3A_877 = arith.constant 48 : index
        %parallel_loop3A_878 = tpu.vector_load %arg16[%parallel_loop3A_876, %parallel_loop3A_877] {strides = array<i32>} : memref<64x128xf32, #tpu.memory_space<vmem>>, vector<1x16xf32>,
        %parallel_loop3A_879 = vector.shape_cast %parallel_loop3A_878 : vector<1x16xf32> to vector<16xf32>
        %parallel_loop3A_880 = arith.index_cast %parallel_loop3A_873 : i32 to index
        %parallel_loop3A_881 = arith.constant 48 : index
        %parallel_loop3A_882 = tpu.vector_load %arg11[%parallel_loop3A_880, %parallel_loop3A_881] {strides = array<i32>} : memref<64x64xf32, #tpu.memory_space<vmem>>, vector<1x16xf32>,
        %parallel_loop3A_883 = vector.shape_cast %parallel_loop3A_882 : vector<1x16xf32> to vector<16xf32>
        %parallel_loop3A_884 = vector.shape_cast %parallel_loop3A_879 : vector<16xf32> to vector<1x16xf32>
        tpu.vector_store %arg11[%parallel_loop3A_880, %parallel_loop3A_881], %parallel_loop3A_884 {add = true, strides = array<i32>} : memref<64x64xf32, #tpu.memory_space<vmem>>, vector<1x16xf32>,
        %parallel_loop3A_885 = arith.constant 1 : i32
        %parallel_loop3A_886 = arith.addi %parallel_loop3A_832, %parallel_loop3A_885 : i32
        %parallel_loop3A_887 = arith.constant 1 : i32
        %parallel_loop3A_888 = arith.addi %parallel_loop3A_832, %parallel_loop3A_887 : i32
        %parallel_loop3A_889 = arith.index_cast %parallel_loop3A_888 : i32 to index
        %parallel_loop3A_890 = arith.constant 0 : index
        %parallel_loop3A_891 = tpu.vector_load %arg16[%parallel_loop3A_889, %parallel_loop3A_890] {strides = array<i32>} : memref<64x128xf32, #tpu.memory_space<vmem>>, vector<1x16xf32>,
        %parallel_loop3A_892 = vector.shape_cast %parallel_loop3A_891 : vector<1x16xf32> to vector<16xf32>
        %parallel_loop3A_893 = arith.index_cast %parallel_loop3A_886 : i32 to index
        %parallel_loop3A_894 = arith.constant 0 : index
        %parallel_loop3A_895 = tpu.vector_load %arg11[%parallel_loop3A_893, %parallel_loop3A_894] {strides = array<i32>} : memref<64x64xf32, #tpu.memory_space<vmem>>, vector<1x16xf32>,
        %parallel_loop3A_896 = vector.shape_cast %parallel_loop3A_895 : vector<1x16xf32> to vector<16xf32>
        %parallel_loop3A_897 = vector.shape_cast %parallel_loop3A_892 : vector<16xf32> to vector<1x16xf32>
        tpu.vector_store %arg11[%parallel_loop3A_893, %parallel_loop3A_894], %parallel_loop3A_897 {add = true, strides = array<i32>} : memref<64x64xf32, #tpu.memory_space<vmem>>, vector<1x16xf32>,
        %parallel_loop3A_898 = arith.constant 1 : i32
        %parallel_loop3A_899 = arith.addi %parallel_loop3A_832, %parallel_loop3A_898 : i32
        %parallel_loop3A_900 = arith.constant 1 : i32
        %parallel_loop3A_901 = arith.addi %parallel_loop3A_832, %parallel_loop3A_900 : i32
        %parallel_loop3A_902 = arith.index_cast %parallel_loop3A_901 : i32 to index
        %parallel_loop3A_903 = arith.constant 16 : index
        %parallel_loop3A_904 = tpu.vector_load %arg16[%parallel_loop3A_902, %parallel_loop3A_903] {strides = array<i32>} : memref<64x128xf32, #tpu.memory_space<vmem>>, vector<1x16xf32>,
        %parallel_loop3A_905 = vector.shape_cast %parallel_loop3A_904 : vector<1x16xf32> to vector<16xf32>
        %parallel_loop3A_906 = arith.index_cast %parallel_loop3A_899 : i32 to index
        %parallel_loop3A_907 = arith.constant 16 : index
        %parallel_loop3A_908 = tpu.vector_load %arg11[%parallel_loop3A_906, %parallel_loop3A_907] {strides = array<i32>} : memref<64x64xf32, #tpu.memory_space<vmem>>, vector<1x16xf32>,
        %parallel_loop3A_909 = vector.shape_cast %parallel_loop3A_908 : vector<1x16xf32> to vector<16xf32>
        %parallel_loop3A_910 = vector.shape_cast %parallel_loop3A_905 : vector<16xf32> to vector<1x16xf32>
        tpu.vector_store %arg11[%parallel_loop3A_906, %parallel_loop3A_907], %parallel_loop3A_910 {add = true, strides = array<i32>} : memref<64x64xf32, #tpu.memory_space<vmem>>, vector<1x16xf32>,
        %parallel_loop3A_911 = arith.constant 1 : i32
        %parallel_loop3A_912 = arith.addi %parallel_loop3A_832, %parallel_loop3A_911 : i32
        %parallel_loop3A_913 = arith.constant 1 : i32
        %parallel_loop3A_914 = arith.addi %parallel_loop3A_832, %parallel_loop3A_913 : i32
        %parallel_loop3A_915 = arith.index_cast %parallel_loop3A_914 : i32 to index
        %parallel_loop3A_916 = arith.constant 32 : index
        %parallel_loop3A_917 = tpu.vector_load %arg16[%parallel_loop3A_915, %parallel_loop3A_916] {strides = array<i32>} : memref<64x128xf32, #tpu.memory_space<vmem>>, vector<1x16xf32>,
        %parallel_loop3A_918 = vector.shape_cast %parallel_loop3A_917 : vector<1x16xf32> to vector<16xf32>
        %parallel_loop3A_919 = arith.index_cast %parallel_loop3A_912 : i32 to index
        %parallel_loop3A_920 = arith.constant 32 : index
        %parallel_loop3A_921 = tpu.vector_load %arg11[%parallel_loop3A_919, %parallel_loop3A_920] {strides = array<i32>} : memref<64x64xf32, #tpu.memory_space<vmem>>, vector<1x16xf32>,
        %parallel_loop3A_922 = vector.shape_cast %parallel_loop3A_921 : vector<1x16xf32> to vector<16xf32>
        %parallel_loop3A_923 = vector.shape_cast %parallel_loop3A_918 : vector<16xf32> to vector<1x16xf32>
        tpu.vector_store %arg11[%parallel_loop3A_919, %parallel_loop3A_920], %parallel_loop3A_923 {add = true, strides = array<i32>} : memref<64x64xf32, #tpu.memory_space<vmem>>, vector<1x16xf32>,
        %parallel_loop3A_924 = arith.constant 1 : i32
        %parallel_loop3A_925 = arith.addi %parallel_loop3A_832, %parallel_loop3A_924 : i32
        %parallel_loop3A_926 = arith.constant 1 : i32
        %parallel_loop3A_927 = arith.addi %parallel_loop3A_832, %parallel_loop3A_926 : i32
        %parallel_loop3A_928 = arith.index_cast %parallel_loop3A_927 : i32 to index
        %parallel_loop3A_929 = arith.constant 48 : index
        %parallel_loop3A_930 = tpu.vector_load %arg16[%parallel_loop3A_928, %parallel_loop3A_929] {strides = array<i32>} : memref<64x128xf32, #tpu.memory_space<vmem>>, vector<1x16xf32>,
        %parallel_loop3A_931 = vector.shape_cast %parallel_loop3A_930 : vector<1x16xf32> to vector<16xf32>
        %parallel_loop3A_932 = arith.index_cast %parallel_loop3A_925 : i32 to index
        %parallel_loop3A_933 = arith.constant 48 : index
        %parallel_loop3A_934 = tpu.vector_load %arg11[%parallel_loop3A_932, %parallel_loop3A_933] {strides = array<i32>} : memref<64x64xf32, #tpu.memory_space<vmem>>, vector<1x16xf32>,
        %parallel_loop3A_935 = vector.shape_cast %parallel_loop3A_934 : vector<1x16xf32> to vector<16xf32>
        %parallel_loop3A_936 = vector.shape_cast %parallel_loop3A_931 : vector<16xf32> to vector<1x16xf32>
        tpu.vector_store %arg11[%parallel_loop3A_932, %parallel_loop3A_933], %parallel_loop3A_936 {add = true, strides = array<i32>} : memref<64x64xf32, #tpu.memory_space<vmem>>, vector<1x16xf32>,
        %parallel_loop3A_937 = arith.constant 2 : i32
        %parallel_loop3A_938 = arith.addi %parallel_loop3A_832, %parallel_loop3A_937 : i32
        %parallel_loop3A_939 = arith.constant 2 : i32
        %parallel_loop3A_940 = arith.addi %parallel_loop3A_832, %parallel_loop3A_939 : i32
        %parallel_loop3A_941 = arith.index_cast %parallel_loop3A_940 : i32 to index
        %parallel_loop3A_942 = arith.constant 0 : index
        %parallel_loop3A_943 = tpu.vector_load %arg16[%parallel_loop3A_941, %parallel_loop3A_942] {strides = array<i32>} : memref<64x128xf32, #tpu.memory_space<vmem>>, vector<1x16xf32>,
        %parallel_loop3A_944 = vector.shape_cast %parallel_loop3A_943 : vector<1x16xf32> to vector<16xf32>
        %parallel_loop3A_945 = arith.index_cast %parallel_loop3A_938 : i32 to index
        %parallel_loop3A_946 = arith.constant 0 : index
        %parallel_loop3A_947 = tpu.vector_load %arg11[%parallel_loop3A_945, %parallel_loop3A_946] {strides = array<i32>} : memref<64x64xf32, #tpu.memory_space<vmem>>, vector<1x16xf32>,
        %parallel_loop3A_948 = vector.shape_cast %parallel_loop3A_947 : vector<1x16xf32> to vector<16xf32>
        %parallel_loop3A_949 = vector.shape_cast %parallel_loop3A_944 : vector<16xf32> to vector<1x16xf32>
        tpu.vector_store %arg11[%parallel_loop3A_945, %parallel_loop3A_946], %parallel_loop3A_949 {add = true, strides = array<i32>} : memref<64x64xf32, #tpu.memory_space<vmem>>, vector<1x16xf32>,
        %parallel_loop3A_950 = arith.constant 2 : i32
        %parallel_loop3A_951 = arith.addi %parallel_loop3A_832, %parallel_loop3A_950 : i32
        %parallel_loop3A_952 = arith.constant 2 : i32
        %parallel_loop3A_953 = arith.addi %parallel_loop3A_832, %parallel_loop3A_952 : i32
        %parallel_loop3A_954 = arith.index_cast %parallel_loop3A_953 : i32 to index
        %parallel_loop3A_955 = arith.constant 16 : index
        %parallel_loop3A_956 = tpu.vector_load %arg16[%parallel_loop3A_954, %parallel_loop3A_955] {strides = array<i32>} : memref<64x128xf32, #tpu.memory_space<vmem>>, vector<1x16xf32>,
        %parallel_loop3A_957 = vector.shape_cast %parallel_loop3A_956 : vector<1x16xf32> to vector<16xf32>
        %parallel_loop3A_958 = arith.index_cast %parallel_loop3A_951 : i32 to index
        %parallel_loop3A_959 = arith.constant 16 : index
        %parallel_loop3A_960 = tpu.vector_load %arg11[%parallel_loop3A_958, %parallel_loop3A_959] {strides = array<i32>} : memref<64x64xf32, #tpu.memory_space<vmem>>, vector<1x16xf32>,
        %parallel_loop3A_961 = vector.shape_cast %parallel_loop3A_960 : vector<1x16xf32> to vector<16xf32>
        %parallel_loop3A_962 = vector.shape_cast %parallel_loop3A_957 : vector<16xf32> to vector<1x16xf32>
        tpu.vector_store %arg11[%parallel_loop3A_958, %parallel_loop3A_959], %parallel_loop3A_962 {add = true, strides = array<i32>} : memref<64x64xf32, #tpu.memory_space<vmem>>, vector<1x16xf32>,
        %parallel_loop3A_963 = arith.constant 2 : i32
        %parallel_loop3A_964 = arith.addi %parallel_loop3A_832, %parallel_loop3A_963 : i32
        %parallel_loop3A_965 = arith.constant 2 : i32
        %parallel_loop3A_966 = arith.addi %parallel_loop3A_832, %parallel_loop3A_965 : i32
        %parallel_loop3A_967 = arith.index_cast %parallel_loop3A_966 : i32 to index
        %parallel_loop3A_968 = arith.constant 32 : index
        %parallel_loop3A_969 = tpu.vector_load %arg16[%parallel_loop3A_967, %parallel_loop3A_968] {strides = array<i32>} : memref<64x128xf32, #tpu.memory_space<vmem>>, vector<1x16xf32>,
        %parallel_loop3A_970 = vector.shape_cast %parallel_loop3A_969 : vector<1x16xf32> to vector<16xf32>
        %parallel_loop3A_971 = arith.index_cast %parallel_loop3A_964 : i32 to index
        %parallel_loop3A_972 = arith.constant 32 : index
        %parallel_loop3A_973 = tpu.vector_load %arg11[%parallel_loop3A_971, %parallel_loop3A_972] {strides = array<i32>} : memref<64x64xf32, #tpu.memory_space<vmem>>, vector<1x16xf32>,
        %parallel_loop3A_974 = vector.shape_cast %parallel_loop3A_973 : vector<1x16xf32> to vector<16xf32>
        %parallel_loop3A_975 = vector.shape_cast %parallel_loop3A_970 : vector<16xf32> to vector<1x16xf32>
        tpu.vector_store %arg11[%parallel_loop3A_971, %parallel_loop3A_972], %parallel_loop3A_975 {add = true, strides = array<i32>} : memref<64x64xf32, #tpu.memory_space<vmem>>, vector<1x16xf32>,
        %parallel_loop3A_976 = arith.constant 2 : i32
        %parallel_loop3A_977 = arith.addi %parallel_loop3A_832, %parallel_loop3A_976 : i32
        %parallel_loop3A_978 = arith.constant 2 : i32
        %parallel_loop3A_979 = arith.addi %parallel_loop3A_832, %parallel_loop3A_978 : i32
        %parallel_loop3A_980 = arith.index_cast %parallel_loop3A_979 : i32 to index
        %parallel_loop3A_981 = arith.constant 48 : index
        %parallel_loop3A_982 = tpu.vector_load %arg16[%parallel_loop3A_980, %parallel_loop3A_981] {strides = array<i32>} : memref<64x128xf32, #tpu.memory_space<vmem>>, vector<1x16xf32>,
        %parallel_loop3A_983 = vector.shape_cast %parallel_loop3A_982 : vector<1x16xf32> to vector<16xf32>
        %parallel_loop3A_984 = arith.index_cast %parallel_loop3A_977 : i32 to index
        %parallel_loop3A_985 = arith.constant 48 : index
        %parallel_loop3A_986 = tpu.vector_load %arg11[%parallel_loop3A_984, %parallel_loop3A_985] {strides = array<i32>} : memref<64x64xf32, #tpu.memory_space<vmem>>, vector<1x16xf32>,
        %parallel_loop3A_987 = vector.shape_cast %parallel_loop3A_986 : vector<1x16xf32> to vector<16xf32>
        %parallel_loop3A_988 = vector.shape_cast %parallel_loop3A_983 : vector<16xf32> to vector<1x16xf32>
        tpu.vector_store %arg11[%parallel_loop3A_984, %parallel_loop3A_985], %parallel_loop3A_988 {add = true, strides = array<i32>} : memref<64x64xf32, #tpu.memory_space<vmem>>, vector<1x16xf32>,
        %parallel_loop3A_989 = arith.constant 3 : i32
        %parallel_loop3A_990 = arith.addi %parallel_loop3A_832, %parallel_loop3A_989 : i32
        %parallel_loop3A_991 = arith.constant 3 : i32
        %parallel_loop3A_992 = arith.addi %parallel_loop3A_832, %parallel_loop3A_991 : i32
        %parallel_loop3A_993 = arith.index_cast %parallel_loop3A_992 : i32 to index
        %parallel_loop3A_994 = arith.constant 0 : index
        %parallel_loop3A_995 = tpu.vector_load %arg16[%parallel_loop3A_993, %parallel_loop3A_994] {strides = array<i32>} : memref<64x128xf32, #tpu.memory_space<vmem>>, vector<1x16xf32>,
        %parallel_loop3A_996 = vector.shape_cast %parallel_loop3A_995 : vector<1x16xf32> to vector<16xf32>
        %parallel_loop3A_997 = arith.index_cast %parallel_loop3A_990 : i32 to index
        %parallel_loop3A_998 = arith.constant 0 : index
        %parallel_loop3A_999 = tpu.vector_load %arg11[%parallel_loop3A_997, %parallel_loop3A_998] {strides = array<i32>} : memref<64x64xf32, #tpu.memory_space<vmem>>, vector<1x16xf32>,
        %parallel_loop3A_1000 = vector.shape_cast %parallel_loop3A_999 : vector<1x16xf32> to vector<16xf32>
        %parallel_loop3A_1001 = vector.shape_cast %parallel_loop3A_996 : vector<16xf32> to vector<1x16xf32>
        tpu.vector_store %arg11[%parallel_loop3A_997, %parallel_loop3A_998], %parallel_loop3A_1001 {add = true, strides = array<i32>} : memref<64x64xf32, #tpu.memory_space<vmem>>, vector<1x16xf32>,
        %parallel_loop3A_1002 = arith.constant 3 : i32
        %parallel_loop3A_1003 = arith.addi %parallel_loop3A_832, %parallel_loop3A_1002 : i32
        %parallel_loop3A_1004 = arith.constant 3 : i32
        %parallel_loop3A_1005 = arith.addi %parallel_loop3A_832, %parallel_loop3A_1004 : i32
        %parallel_loop3A_1006 = arith.index_cast %parallel_loop3A_1005 : i32 to index
        %parallel_loop3A_1007 = arith.constant 16 : index
        %parallel_loop3A_1008 = tpu.vector_load %arg16[%parallel_loop3A_1006, %parallel_loop3A_1007] {strides = array<i32>} : memref<64x128xf32, #tpu.memory_space<vmem>>, vector<1x16xf32>,
        %parallel_loop3A_1009 = vector.shape_cast %parallel_loop3A_1008 : vector<1x16xf32> to vector<16xf32>
        %parallel_loop3A_1010 = arith.index_cast %parallel_loop3A_1003 : i32 to index
        %parallel_loop3A_1011 = arith.constant 16 : index
        %parallel_loop3A_1012 = tpu.vector_load %arg11[%parallel_loop3A_1010, %parallel_loop3A_1011] {strides = array<i32>} : memref<64x64xf32, #tpu.memory_space<vmem>>, vector<1x16xf32>,
        %parallel_loop3A_1013 = vector.shape_cast %parallel_loop3A_1012 : vector<1x16xf32> to vector<16xf32>
        %parallel_loop3A_1014 = vector.shape_cast %parallel_loop3A_1009 : vector<16xf32> to vector<1x16xf32>
        tpu.vector_store %arg11[%parallel_loop3A_1010, %parallel_loop3A_1011], %parallel_loop3A_1014 {add = true, strides = array<i32>} : memref<64x64xf32, #tpu.memory_space<vmem>>, vector<1x16xf32>,
        %parallel_loop3A_1015 = arith.constant 3 : i32
        %parallel_loop3A_1016 = arith.addi %parallel_loop3A_832, %parallel_loop3A_1015 : i32
        %parallel_loop3A_1017 = arith.constant 3 : i32
        %parallel_loop3A_1018 = arith.addi %parallel_loop3A_832, %parallel_loop3A_1017 : i32
        %parallel_loop3A_1019 = arith.index_cast %parallel_loop3A_1018 : i32 to index
        %parallel_loop3A_1020 = arith.constant 32 : index
        %parallel_loop3A_1021 = tpu.vector_load %arg16[%parallel_loop3A_1019, %parallel_loop3A_1020] {strides = array<i32>} : memref<64x128xf32, #tpu.memory_space<vmem>>, vector<1x16xf32>,
        %parallel_loop3A_1022 = vector.shape_cast %parallel_loop3A_1021 : vector<1x16xf32> to vector<16xf32>
        %parallel_loop3A_1023 = arith.index_cast %parallel_loop3A_1016 : i32 to index
        %parallel_loop3A_1024 = arith.constant 32 : index
        %parallel_loop3A_1025 = tpu.vector_load %arg11[%parallel_loop3A_1023, %parallel_loop3A_1024] {strides = array<i32>} : memref<64x64xf32, #tpu.memory_space<vmem>>, vector<1x16xf32>,
        %parallel_loop3A_1026 = vector.shape_cast %parallel_loop3A_1025 : vector<1x16xf32> to vector<16xf32>
        %parallel_loop3A_1027 = vector.shape_cast %parallel_loop3A_1022 : vector<16xf32> to vector<1x16xf32>
        tpu.vector_store %arg11[%parallel_loop3A_1023, %parallel_loop3A_1024], %parallel_loop3A_1027 {add = true, strides = array<i32>} : memref<64x64xf32, #tpu.memory_space<vmem>>, vector<1x16xf32>,
        %parallel_loop3A_1028 = arith.constant 3 : i32
        %parallel_loop3A_1029 = arith.addi %parallel_loop3A_832, %parallel_loop3A_1028 : i32
        %parallel_loop3A_1030 = arith.constant 3 : i32
        %parallel_loop3A_1031 = arith.addi %parallel_loop3A_832, %parallel_loop3A_1030 : i32
        %parallel_loop3A_1032 = arith.index_cast %parallel_loop3A_1031 : i32 to index
        %parallel_loop3A_1033 = arith.constant 48 : index
        %parallel_loop3A_1034 = tpu.vector_load %arg16[%parallel_loop3A_1032, %parallel_loop3A_1033] {strides = array<i32>} : memref<64x128xf32, #tpu.memory_space<vmem>>, vector<1x16xf32>,
        %parallel_loop3A_1035 = vector.shape_cast %parallel_loop3A_1034 : vector<1x16xf32> to vector<16xf32>
        %parallel_loop3A_1036 = arith.index_cast %parallel_loop3A_1029 : i32 to index
        %parallel_loop3A_1037 = arith.constant 48 : index
        %parallel_loop3A_1038 = tpu.vector_load %arg11[%parallel_loop3A_1036, %parallel_loop3A_1037] {strides = array<i32>} : memref<64x64xf32, #tpu.memory_space<vmem>>, vector<1x16xf32>,
        %parallel_loop3A_1039 = vector.shape_cast %parallel_loop3A_1038 : vector<1x16xf32> to vector<16xf32>
        %parallel_loop3A_1040 = vector.shape_cast %parallel_loop3A_1035 : vector<16xf32> to vector<1x16xf32>
        tpu.vector_store %arg11[%parallel_loop3A_1036, %parallel_loop3A_1037], %parallel_loop3A_1040 {add = true, strides = array<i32>} : memref<64x64xf32, #tpu.memory_space<vmem>>, vector<1x16xf32>,
      } {sc.loop_unroll_factor = 4 : i64, sc.parallel_access}
      %add3A_692 = arith.constant 0 : i32
      %add3A_693 = arith.addi %mul3A_171, %add3A_692 : i32
      %mul3A_694 = arith.constant 64 : i32
      %mul3A_695 = arith.muli %add3A_693, %mul3A_694 : i32
      %add3A_696 = arith.addi %mul3A_2, %mul3A_695 : i32
      %dma_start3A_697 = arith.constant 0 : i32
      %dma_start3A_698 = tpu.memref_slice %arg5[%add3A_696, %dma_start3A_697] : memref<819200x64xf32, #tpu.memory_space<hbm>> -> memref<64x64xf32, #tpu.memory_space<hbm>>
      %dma_start3A_699 = arith.constant 0 : i32
      %dma_start3A_700 = tpu.memref_slice %arg5[%add3A_696, %dma_start3A_699] : memref<819200x64xf32, #tpu.memory_space<hbm>> -> memref<64x64xf32, #tpu.memory_space<hbm>>
      tpu.enqueue_dma source(%arg11 : memref<64x64xf32, #tpu.memory_space<vmem>>) target(%dma_start3A_700 : memref<64x64xf32, #tpu.memory_space<hbm>>) target_semaphore(%arg31 : memref<!tpu.dma_semaphore, #tpu.memory_space<semaphore_mem>>)
      %dma_wait3A_701 = arith.constant 0 : i32
      %dma_wait3A_702 = arith.constant 0 : i32
      %dma_wait3A_703 = tpu.memref_slice %arg7[%dma_wait3A_701, %dma_wait3A_702] : memref<1x64xi32, #tpu.memory_space<vmem>> -> memref<1x64xi32, #tpu.memory_space<vmem>>
      %dma_wait3A_704 = tpu.memref_squeeze %dma_wait3A_703 : memref<1x64xi32, #tpu.memory_space<vmem>> -> memref<64xi32, #tpu.memory_space<vmem>>
      %dma_wait3A_705 = arith.constant 0 : i32
      %dma_wait3A_706 = arith.constant 0 : i32
      %dma_wait3A_707 = tpu.memref_slice %arg4[%dma_wait3A_705, %dma_wait3A_706] : memref<100000x128xf32, #tpu.memory_space<hbm>> -> memref<100000x128xf32, #tpu.memory_space<hbm>>
      tpu.wait_indirect_dma semaphore(%arg27 : memref<!tpu.dma_semaphore, #tpu.memory_space<semaphore_mem>>) src(%dma_wait3A_707 : memref<100000x128xf32, #tpu.memory_space<hbm>>) dst(%arg17 : memref<64x128xf32, #tpu.memory_space<vmem>>)
      %parallel_loop3A_708 = arith.constant 0 : i32
      %parallel_loop3A_709 = arith.constant 16 : i32
      %parallel_loop3A_710 = arith.constant 1 : i32
      scf.for %parallel_loop3A_830 = %parallel_loop3A_708 to %parallel_loop3A_709 step %parallel_loop3A_710  : i32 {
        %parallel_loop3A_831 = arith.constant 4 : i32
        %parallel_loop3A_832 = arith.muli %parallel_loop3A_830, %parallel_loop3A_831 : i32
        %parallel_loop3A_833 = arith.constant 0 : i32
        %parallel_loop3A_834 = arith.addi %parallel_loop3A_832, %parallel_loop3A_833 : i32
        %parallel_loop3A_835 = arith.constant 0 : i32
        %parallel_loop3A_836 = arith.addi %parallel_loop3A_832, %parallel_loop3A_835 : i32
        %parallel_loop3A_837 = arith.index_cast %parallel_loop3A_836 : i32 to index
        %parallel_loop3A_838 = arith.constant 0 : index
        %parallel_loop3A_839 = tpu.vector_load %arg17[%parallel_loop3A_837, %parallel_loop3A_838] {strides = array<i32>} : memref<64x128xf32, #tpu.memory_space<vmem>>, vector<1x16xf32>,
        %parallel_loop3A_840 = vector.shape_cast %parallel_loop3A_839 : vector<1x16xf32> to vector<16xf32>
        %parallel_loop3A_841 = arith.index_cast %parallel_loop3A_834 : i32 to index
        %parallel_loop3A_842 = arith.constant 0 : index
        %parallel_loop3A_843 = tpu.vector_load %arg12[%parallel_loop3A_841, %parallel_loop3A_842] {strides = array<i32>} : memref<64x64xf32, #tpu.memory_space<vmem>>, vector<1x16xf32>,
        %parallel_loop3A_844 = vector.shape_cast %parallel_loop3A_843 : vector<1x16xf32> to vector<16xf32>
        %parallel_loop3A_845 = vector.shape_cast %parallel_loop3A_840 : vector<16xf32> to vector<1x16xf32>
        tpu.vector_store %arg12[%parallel_loop3A_841, %parallel_loop3A_842], %parallel_loop3A_845 {add = true, strides = array<i32>} : memref<64x64xf32, #tpu.memory_space<vmem>>, vector<1x16xf32>,
        %parallel_loop3A_846 = arith.constant 0 : i32
        %parallel_loop3A_847 = arith.addi %parallel_loop3A_832, %parallel_loop3A_846 : i32
        %parallel_loop3A_848 = arith.constant 0 : i32
        %parallel_loop3A_849 = arith.addi %parallel_loop3A_832, %parallel_loop3A_848 : i32
        %parallel_loop3A_850 = arith.index_cast %parallel_loop3A_849 : i32 to index
        %parallel_loop3A_851 = arith.constant 16 : index
        %parallel_loop3A_852 = tpu.vector_load %arg17[%parallel_loop3A_850, %parallel_loop3A_851] {strides = array<i32>} : memref<64x128xf32, #tpu.memory_space<vmem>>, vector<1x16xf32>,
        %parallel_loop3A_853 = vector.shape_cast %parallel_loop3A_852 : vector<1x16xf32> to vector<16xf32>
        %parallel_loop3A_854 = arith.index_cast %parallel_loop3A_847 : i32 to index
        %parallel_loop3A_855 = arith.constant 16 : index
        %parallel_loop3A_856 = tpu.vector_load %arg12[%parallel_loop3A_854, %parallel_loop3A_855] {strides = array<i32>} : memref<64x64xf32, #tpu.memory_space<vmem>>, vector<1x16xf32>,
        %parallel_loop3A_857 = vector.shape_cast %parallel_loop3A_856 : vector<1x16xf32> to vector<16xf32>
        %parallel_loop3A_858 = vector.shape_cast %parallel_loop3A_853 : vector<16xf32> to vector<1x16xf32>
        tpu.vector_store %arg12[%parallel_loop3A_854, %parallel_loop3A_855], %parallel_loop3A_858 {add = true, strides = array<i32>} : memref<64x64xf32, #tpu.memory_space<vmem>>, vector<1x16xf32>,
        %parallel_loop3A_859 = arith.constant 0 : i32
        %parallel_loop3A_860 = arith.addi %parallel_loop3A_832, %parallel_loop3A_859 : i32
        %parallel_loop3A_861 = arith.constant 0 : i32
        %parallel_loop3A_862 = arith.addi %parallel_loop3A_832, %parallel_loop3A_861 : i32
        %parallel_loop3A_863 = arith.index_cast %parallel_loop3A_862 : i32 to index
        %parallel_loop3A_864 = arith.constant 32 : index
        %parallel_loop3A_865 = tpu.vector_load %arg17[%parallel_loop3A_863, %parallel_loop3A_864] {strides = array<i32>} : memref<64x128xf32, #tpu.memory_space<vmem>>, vector<1x16xf32>,
        %parallel_loop3A_866 = vector.shape_cast %parallel_loop3A_865 : vector<1x16xf32> to vector<16xf32>
        %parallel_loop3A_867 = arith.index_cast %parallel_loop3A_860 : i32 to index
        %parallel_loop3A_868 = arith.constant 32 : index
        %parallel_loop3A_869 = tpu.vector_load %arg12[%parallel_loop3A_867, %parallel_loop3A_868] {strides = array<i32>} : memref<64x64xf32, #tpu.memory_space<vmem>>, vector<1x16xf32>,
        %parallel_loop3A_870 = vector.shape_cast %parallel_loop3A_869 : vector<1x16xf32> to vector<16xf32>
        %parallel_loop3A_871 = vector.shape_cast %parallel_loop3A_866 : vector<16xf32> to vector<1x16xf32>
        tpu.vector_store %arg12[%parallel_loop3A_867, %parallel_loop3A_868], %parallel_loop3A_871 {add = true, strides = array<i32>} : memref<64x64xf32, #tpu.memory_space<vmem>>, vector<1x16xf32>,
        %parallel_loop3A_872 = arith.constant 0 : i32
        %parallel_loop3A_873 = arith.addi %parallel_loop3A_832, %parallel_loop3A_872 : i32
        %parallel_loop3A_874 = arith.constant 0 : i32
        %parallel_loop3A_875 = arith.addi %parallel_loop3A_832, %parallel_loop3A_874 : i32
        %parallel_loop3A_876 = arith.index_cast %parallel_loop3A_875 : i32 to index
        %parallel_loop3A_877 = arith.constant 48 : index
        %parallel_loop3A_878 = tpu.vector_load %arg17[%parallel_loop3A_876, %parallel_loop3A_877] {strides = array<i32>} : memref<64x128xf32, #tpu.memory_space<vmem>>, vector<1x16xf32>,
        %parallel_loop3A_879 = vector.shape_cast %parallel_loop3A_878 : vector<1x16xf32> to vector<16xf32>
        %parallel_loop3A_880 = arith.index_cast %parallel_loop3A_873 : i32 to index
        %parallel_loop3A_881 = arith.constant 48 : index
        %parallel_loop3A_882 = tpu.vector_load %arg12[%parallel_loop3A_880, %parallel_loop3A_881] {strides = array<i32>} : memref<64x64xf32, #tpu.memory_space<vmem>>, vector<1x16xf32>,
        %parallel_loop3A_883 = vector.shape_cast %parallel_loop3A_882 : vector<1x16xf32> to vector<16xf32>
        %parallel_loop3A_884 = vector.shape_cast %parallel_loop3A_879 : vector<16xf32> to vector<1x16xf32>
        tpu.vector_store %arg12[%parallel_loop3A_880, %parallel_loop3A_881], %parallel_loop3A_884 {add = true, strides = array<i32>} : memref<64x64xf32, #tpu.memory_space<vmem>>, vector<1x16xf32>,
        %parallel_loop3A_885 = arith.constant 1 : i32
        %parallel_loop3A_886 = arith.addi %parallel_loop3A_832, %parallel_loop3A_885 : i32
        %parallel_loop3A_887 = arith.constant 1 : i32
        %parallel_loop3A_888 = arith.addi %parallel_loop3A_832, %parallel_loop3A_887 : i32
        %parallel_loop3A_889 = arith.index_cast %parallel_loop3A_888 : i32 to index
        %parallel_loop3A_890 = arith.constant 0 : index
        %parallel_loop3A_891 = tpu.vector_load %arg17[%parallel_loop3A_889, %parallel_loop3A_890] {strides = array<i32>} : memref<64x128xf32, #tpu.memory_space<vmem>>, vector<1x16xf32>,
        %parallel_loop3A_892 = vector.shape_cast %parallel_loop3A_891 : vector<1x16xf32> to vector<16xf32>
        %parallel_loop3A_893 = arith.index_cast %parallel_loop3A_886 : i32 to index
        %parallel_loop3A_894 = arith.constant 0 : index
        %parallel_loop3A_895 = tpu.vector_load %arg12[%parallel_loop3A_893, %parallel_loop3A_894] {strides = array<i32>} : memref<64x64xf32, #tpu.memory_space<vmem>>, vector<1x16xf32>,
        %parallel_loop3A_896 = vector.shape_cast %parallel_loop3A_895 : vector<1x16xf32> to vector<16xf32>
        %parallel_loop3A_897 = vector.shape_cast %parallel_loop3A_892 : vector<16xf32> to vector<1x16xf32>
        tpu.vector_store %arg12[%parallel_loop3A_893, %parallel_loop3A_894], %parallel_loop3A_897 {add = true, strides = array<i32>} : memref<64x64xf32, #tpu.memory_space<vmem>>, vector<1x16xf32>,
        %parallel_loop3A_898 = arith.constant 1 : i32
        %parallel_loop3A_899 = arith.addi %parallel_loop3A_832, %parallel_loop3A_898 : i32
        %parallel_loop3A_900 = arith.constant 1 : i32
        %parallel_loop3A_901 = arith.addi %parallel_loop3A_832, %parallel_loop3A_900 : i32
        %parallel_loop3A_902 = arith.index_cast %parallel_loop3A_901 : i32 to index
        %parallel_loop3A_903 = arith.constant 16 : index
        %parallel_loop3A_904 = tpu.vector_load %arg17[%parallel_loop3A_902, %parallel_loop3A_903] {strides = array<i32>} : memref<64x128xf32, #tpu.memory_space<vmem>>, vector<1x16xf32>,
        %parallel_loop3A_905 = vector.shape_cast %parallel_loop3A_904 : vector<1x16xf32> to vector<16xf32>
        %parallel_loop3A_906 = arith.index_cast %parallel_loop3A_899 : i32 to index
        %parallel_loop3A_907 = arith.constant 16 : index
        %parallel_loop3A_908 = tpu.vector_load %arg12[%parallel_loop3A_906, %parallel_loop3A_907] {strides = array<i32>} : memref<64x64xf32, #tpu.memory_space<vmem>>, vector<1x16xf32>,
        %parallel_loop3A_909 = vector.shape_cast %parallel_loop3A_908 : vector<1x16xf32> to vector<16xf32>
        %parallel_loop3A_910 = vector.shape_cast %parallel_loop3A_905 : vector<16xf32> to vector<1x16xf32>
        tpu.vector_store %arg12[%parallel_loop3A_906, %parallel_loop3A_907], %parallel_loop3A_910 {add = true, strides = array<i32>} : memref<64x64xf32, #tpu.memory_space<vmem>>, vector<1x16xf32>,
        %parallel_loop3A_911 = arith.constant 1 : i32
        %parallel_loop3A_912 = arith.addi %parallel_loop3A_832, %parallel_loop3A_911 : i32
        %parallel_loop3A_913 = arith.constant 1 : i32
        %parallel_loop3A_914 = arith.addi %parallel_loop3A_832, %parallel_loop3A_913 : i32
        %parallel_loop3A_915 = arith.index_cast %parallel_loop3A_914 : i32 to index
        %parallel_loop3A_916 = arith.constant 32 : index
        %parallel_loop3A_917 = tpu.vector_load %arg17[%parallel_loop3A_915, %parallel_loop3A_916] {strides = array<i32>} : memref<64x128xf32, #tpu.memory_space<vmem>>, vector<1x16xf32>,
        %parallel_loop3A_918 = vector.shape_cast %parallel_loop3A_917 : vector<1x16xf32> to vector<16xf32>
        %parallel_loop3A_919 = arith.index_cast %parallel_loop3A_912 : i32 to index
        %parallel_loop3A_920 = arith.constant 32 : index
        %parallel_loop3A_921 = tpu.vector_load %arg12[%parallel_loop3A_919, %parallel_loop3A_920] {strides = array<i32>} : memref<64x64xf32, #tpu.memory_space<vmem>>, vector<1x16xf32>,
        %parallel_loop3A_922 = vector.shape_cast %parallel_loop3A_921 : vector<1x16xf32> to vector<16xf32>
        %parallel_loop3A_923 = vector.shape_cast %parallel_loop3A_918 : vector<16xf32> to vector<1x16xf32>
        tpu.vector_store %arg12[%parallel_loop3A_919, %parallel_loop3A_920], %parallel_loop3A_923 {add = true, strides = array<i32>} : memref<64x64xf32, #tpu.memory_space<vmem>>, vector<1x16xf32>,
        %parallel_loop3A_924 = arith.constant 1 : i32
        %parallel_loop3A_925 = arith.addi %parallel_loop3A_832, %parallel_loop3A_924 : i32
        %parallel_loop3A_926 = arith.constant 1 : i32
        %parallel_loop3A_927 = arith.addi %parallel_loop3A_832, %parallel_loop3A_926 : i32
        %parallel_loop3A_928 = arith.index_cast %parallel_loop3A_927 : i32 to index
        %parallel_loop3A_929 = arith.constant 48 : index
        %parallel_loop3A_930 = tpu.vector_load %arg17[%parallel_loop3A_928, %parallel_loop3A_929] {strides = array<i32>} : memref<64x128xf32, #tpu.memory_space<vmem>>, vector<1x16xf32>,
        %parallel_loop3A_931 = vector.shape_cast %parallel_loop3A_930 : vector<1x16xf32> to vector<16xf32>
        %parallel_loop3A_932 = arith.index_cast %parallel_loop3A_925 : i32 to index
        %parallel_loop3A_933 = arith.constant 48 : index
        %parallel_loop3A_934 = tpu.vector_load %arg12[%parallel_loop3A_932, %parallel_loop3A_933] {strides = array<i32>} : memref<64x64xf32, #tpu.memory_space<vmem>>, vector<1x16xf32>,
        %parallel_loop3A_935 = vector.shape_cast %parallel_loop3A_934 : vector<1x16xf32> to vector<16xf32>
        %parallel_loop3A_936 = vector.shape_cast %parallel_loop3A_931 : vector<16xf32> to vector<1x16xf32>
        tpu.vector_store %arg12[%parallel_loop3A_932, %parallel_loop3A_933], %parallel_loop3A_936 {add = true, strides = array<i32>} : memref<64x64xf32, #tpu.memory_space<vmem>>, vector<1x16xf32>,
        %parallel_loop3A_937 = arith.constant 2 : i32
        %parallel_loop3A_938 = arith.addi %parallel_loop3A_832, %parallel_loop3A_937 : i32
        %parallel_loop3A_939 = arith.constant 2 : i32
        %parallel_loop3A_940 = arith.addi %parallel_loop3A_832, %parallel_loop3A_939 : i32
        %parallel_loop3A_941 = arith.index_cast %parallel_loop3A_940 : i32 to index
        %parallel_loop3A_942 = arith.constant 0 : index
        %parallel_loop3A_943 = tpu.vector_load %arg17[%parallel_loop3A_941, %parallel_loop3A_942] {strides = array<i32>} : memref<64x128xf32, #tpu.memory_space<vmem>>, vector<1x16xf32>,
        %parallel_loop3A_944 = vector.shape_cast %parallel_loop3A_943 : vector<1x16xf32> to vector<16xf32>
        %parallel_loop3A_945 = arith.index_cast %parallel_loop3A_938 : i32 to index
        %parallel_loop3A_946 = arith.constant 0 : index
        %parallel_loop3A_947 = tpu.vector_load %arg12[%parallel_loop3A_945, %parallel_loop3A_946] {strides = array<i32>} : memref<64x64xf32, #tpu.memory_space<vmem>>, vector<1x16xf32>,
        %parallel_loop3A_948 = vector.shape_cast %parallel_loop3A_947 : vector<1x16xf32> to vector<16xf32>
        %parallel_loop3A_949 = vector.shape_cast %parallel_loop3A_944 : vector<16xf32> to vector<1x16xf32>
        tpu.vector_store %arg12[%parallel_loop3A_945, %parallel_loop3A_946], %parallel_loop3A_949 {add = true, strides = array<i32>} : memref<64x64xf32, #tpu.memory_space<vmem>>, vector<1x16xf32>,
        %parallel_loop3A_950 = arith.constant 2 : i32
        %parallel_loop3A_951 = arith.addi %parallel_loop3A_832, %parallel_loop3A_950 : i32
        %parallel_loop3A_952 = arith.constant 2 : i32
        %parallel_loop3A_953 = arith.addi %parallel_loop3A_832, %parallel_loop3A_952 : i32
        %parallel_loop3A_954 = arith.index_cast %parallel_loop3A_953 : i32 to index
        %parallel_loop3A_955 = arith.constant 16 : index
        %parallel_loop3A_956 = tpu.vector_load %arg17[%parallel_loop3A_954, %parallel_loop3A_955] {strides = array<i32>} : memref<64x128xf32, #tpu.memory_space<vmem>>, vector<1x16xf32>,
        %parallel_loop3A_957 = vector.shape_cast %parallel_loop3A_956 : vector<1x16xf32> to vector<16xf32>
        %parallel_loop3A_958 = arith.index_cast %parallel_loop3A_951 : i32 to index
        %parallel_loop3A_959 = arith.constant 16 : index
        %parallel_loop3A_960 = tpu.vector_load %arg12[%parallel_loop3A_958, %parallel_loop3A_959] {strides = array<i32>} : memref<64x64xf32, #tpu.memory_space<vmem>>, vector<1x16xf32>,
        %parallel_loop3A_961 = vector.shape_cast %parallel_loop3A_960 : vector<1x16xf32> to vector<16xf32>
        %parallel_loop3A_962 = vector.shape_cast %parallel_loop3A_957 : vector<16xf32> to vector<1x16xf32>
        tpu.vector_store %arg12[%parallel_loop3A_958, %parallel_loop3A_959], %parallel_loop3A_962 {add = true, strides = array<i32>} : memref<64x64xf32, #tpu.memory_space<vmem>>, vector<1x16xf32>,
        %parallel_loop3A_963 = arith.constant 2 : i32
        %parallel_loop3A_964 = arith.addi %parallel_loop3A_832, %parallel_loop3A_963 : i32
        %parallel_loop3A_965 = arith.constant 2 : i32
        %parallel_loop3A_966 = arith.addi %parallel_loop3A_832, %parallel_loop3A_965 : i32
        %parallel_loop3A_967 = arith.index_cast %parallel_loop3A_966 : i32 to index
        %parallel_loop3A_968 = arith.constant 32 : index
        %parallel_loop3A_969 = tpu.vector_load %arg17[%parallel_loop3A_967, %parallel_loop3A_968] {strides = array<i32>} : memref<64x128xf32, #tpu.memory_space<vmem>>, vector<1x16xf32>,
        %parallel_loop3A_970 = vector.shape_cast %parallel_loop3A_969 : vector<1x16xf32> to vector<16xf32>
        %parallel_loop3A_971 = arith.index_cast %parallel_loop3A_964 : i32 to index
        %parallel_loop3A_972 = arith.constant 32 : index
        %parallel_loop3A_973 = tpu.vector_load %arg12[%parallel_loop3A_971, %parallel_loop3A_972] {strides = array<i32>} : memref<64x64xf32, #tpu.memory_space<vmem>>, vector<1x16xf32>,
        %parallel_loop3A_974 = vector.shape_cast %parallel_loop3A_973 : vector<1x16xf32> to vector<16xf32>
        %parallel_loop3A_975 = vector.shape_cast %parallel_loop3A_970 : vector<16xf32> to vector<1x16xf32>
        tpu.vector_store %arg12[%parallel_loop3A_971, %parallel_loop3A_972], %parallel_loop3A_975 {add = true, strides = array<i32>} : memref<64x64xf32, #tpu.memory_space<vmem>>, vector<1x16xf32>,
        %parallel_loop3A_976 = arith.constant 2 : i32
        %parallel_loop3A_977 = arith.addi %parallel_loop3A_832, %parallel_loop3A_976 : i32
        %parallel_loop3A_978 = arith.constant 2 : i32
        %parallel_loop3A_979 = arith.addi %parallel_loop3A_832, %parallel_loop3A_978 : i32
        %parallel_loop3A_980 = arith.index_cast %parallel_loop3A_979 : i32 to index
        %parallel_loop3A_981 = arith.constant 48 : index
        %parallel_loop3A_982 = tpu.vector_load %arg17[%parallel_loop3A_980, %parallel_loop3A_981] {strides = array<i32>} : memref<64x128xf32, #tpu.memory_space<vmem>>, vector<1x16xf32>,
        %parallel_loop3A_983 = vector.shape_cast %parallel_loop3A_982 : vector<1x16xf32> to vector<16xf32>
        %parallel_loop3A_984 = arith.index_cast %parallel_loop3A_977 : i32 to index
        %parallel_loop3A_985 = arith.constant 48 : index
        %parallel_loop3A_986 = tpu.vector_load %arg12[%parallel_loop3A_984, %parallel_loop3A_985] {strides = array<i32>} : memref<64x64xf32, #tpu.memory_space<vmem>>, vector<1x16xf32>,
        %parallel_loop3A_987 = vector.shape_cast %parallel_loop3A_986 : vector<1x16xf32> to vector<16xf32>
        %parallel_loop3A_988 = vector.shape_cast %parallel_loop3A_983 : vector<16xf32> to vector<1x16xf32>
        tpu.vector_store %arg12[%parallel_loop3A_984, %parallel_loop3A_985], %parallel_loop3A_988 {add = true, strides = array<i32>} : memref<64x64xf32, #tpu.memory_space<vmem>>, vector<1x16xf32>,
        %parallel_loop3A_989 = arith.constant 3 : i32
        %parallel_loop3A_990 = arith.addi %parallel_loop3A_832, %parallel_loop3A_989 : i32
        %parallel_loop3A_991 = arith.constant 3 : i32
        %parallel_loop3A_992 = arith.addi %parallel_loop3A_832, %parallel_loop3A_991 : i32
        %parallel_loop3A_993 = arith.index_cast %parallel_loop3A_992 : i32 to index
        %parallel_loop3A_994 = arith.constant 0 : index
        %parallel_loop3A_995 = tpu.vector_load %arg17[%parallel_loop3A_993, %parallel_loop3A_994] {strides = array<i32>} : memref<64x128xf32, #tpu.memory_space<vmem>>, vector<1x16xf32>,
        %parallel_loop3A_996 = vector.shape_cast %parallel_loop3A_995 : vector<1x16xf32> to vector<16xf32>
        %parallel_loop3A_997 = arith.index_cast %parallel_loop3A_990 : i32 to index
        %parallel_loop3A_998 = arith.constant 0 : index
        %parallel_loop3A_999 = tpu.vector_load %arg12[%parallel_loop3A_997, %parallel_loop3A_998] {strides = array<i32>} : memref<64x64xf32, #tpu.memory_space<vmem>>, vector<1x16xf32>,
        %parallel_loop3A_1000 = vector.shape_cast %parallel_loop3A_999 : vector<1x16xf32> to vector<16xf32>
        %parallel_loop3A_1001 = vector.shape_cast %parallel_loop3A_996 : vector<16xf32> to vector<1x16xf32>
        tpu.vector_store %arg12[%parallel_loop3A_997, %parallel_loop3A_998], %parallel_loop3A_1001 {add = true, strides = array<i32>} : memref<64x64xf32, #tpu.memory_space<vmem>>, vector<1x16xf32>,
        %parallel_loop3A_1002 = arith.constant 3 : i32
        %parallel_loop3A_1003 = arith.addi %parallel_loop3A_832, %parallel_loop3A_1002 : i32
        %parallel_loop3A_1004 = arith.constant 3 : i32
        %parallel_loop3A_1005 = arith.addi %parallel_loop3A_832, %parallel_loop3A_1004 : i32
        %parallel_loop3A_1006 = arith.index_cast %parallel_loop3A_1005 : i32 to index
        %parallel_loop3A_1007 = arith.constant 16 : index
        %parallel_loop3A_1008 = tpu.vector_load %arg17[%parallel_loop3A_1006, %parallel_loop3A_1007] {strides = array<i32>} : memref<64x128xf32, #tpu.memory_space<vmem>>, vector<1x16xf32>,
        %parallel_loop3A_1009 = vector.shape_cast %parallel_loop3A_1008 : vector<1x16xf32> to vector<16xf32>
        %parallel_loop3A_1010 = arith.index_cast %parallel_loop3A_1003 : i32 to index
        %parallel_loop3A_1011 = arith.constant 16 : index
        %parallel_loop3A_1012 = tpu.vector_load %arg12[%parallel_loop3A_1010, %parallel_loop3A_1011] {strides = array<i32>} : memref<64x64xf32, #tpu.memory_space<vmem>>, vector<1x16xf32>,
        %parallel_loop3A_1013 = vector.shape_cast %parallel_loop3A_1012 : vector<1x16xf32> to vector<16xf32>
        %parallel_loop3A_1014 = vector.shape_cast %parallel_loop3A_1009 : vector<16xf32> to vector<1x16xf32>
        tpu.vector_store %arg12[%parallel_loop3A_1010, %parallel_loop3A_1011], %parallel_loop3A_1014 {add = true, strides = array<i32>} : memref<64x64xf32, #tpu.memory_space<vmem>>, vector<1x16xf32>,
        %parallel_loop3A_1015 = arith.constant 3 : i32
        %parallel_loop3A_1016 = arith.addi %parallel_loop3A_832, %parallel_loop3A_1015 : i32
        %parallel_loop3A_1017 = arith.constant 3 : i32
        %parallel_loop3A_1018 = arith.addi %parallel_loop3A_832, %parallel_loop3A_1017 : i32
        %parallel_loop3A_1019 = arith.index_cast %parallel_loop3A_1018 : i32 to index
        %parallel_loop3A_1020 = arith.constant 32 : index
        %parallel_loop3A_1021 = tpu.vector_load %arg17[%parallel_loop3A_1019, %parallel_loop3A_1020] {strides = array<i32>} : memref<64x128xf32, #tpu.memory_space<vmem>>, vector<1x16xf32>,
        %parallel_loop3A_1022 = vector.shape_cast %parallel_loop3A_1021 : vector<1x16xf32> to vector<16xf32>
        %parallel_loop3A_1023 = arith.index_cast %parallel_loop3A_1016 : i32 to index
        %parallel_loop3A_1024 = arith.constant 32 : index
        %parallel_loop3A_1025 = tpu.vector_load %arg12[%parallel_loop3A_1023, %parallel_loop3A_1024] {strides = array<i32>} : memref<64x64xf32, #tpu.memory_space<vmem>>, vector<1x16xf32>,
        %parallel_loop3A_1026 = vector.shape_cast %parallel_loop3A_1025 : vector<1x16xf32> to vector<16xf32>
        %parallel_loop3A_1027 = vector.shape_cast %parallel_loop3A_1022 : vector<16xf32> to vector<1x16xf32>
        tpu.vector_store %arg12[%parallel_loop3A_1023, %parallel_loop3A_1024], %parallel_loop3A_1027 {add = true, strides = array<i32>} : memref<64x64xf32, #tpu.memory_space<vmem>>, vector<1x16xf32>,
        %parallel_loop3A_1028 = arith.constant 3 : i32
        %parallel_loop3A_1029 = arith.addi %parallel_loop3A_832, %parallel_loop3A_1028 : i32
        %parallel_loop3A_1030 = arith.constant 3 : i32
        %parallel_loop3A_1031 = arith.addi %parallel_loop3A_832, %parallel_loop3A_1030 : i32
        %parallel_loop3A_1032 = arith.index_cast %parallel_loop3A_1031 : i32 to index
        %parallel_loop3A_1033 = arith.constant 48 : index
        %parallel_loop3A_1034 = tpu.vector_load %arg17[%parallel_loop3A_1032, %parallel_loop3A_1033] {strides = array<i32>} : memref<64x128xf32, #tpu.memory_space<vmem>>, vector<1x16xf32>,
        %parallel_loop3A_1035 = vector.shape_cast %parallel_loop3A_1034 : vector<1x16xf32> to vector<16xf32>
        %parallel_loop3A_1036 = arith.index_cast %parallel_loop3A_1029 : i32 to index
        %parallel_loop3A_1037 = arith.constant 48 : index
        %parallel_loop3A_1038 = tpu.vector_load %arg12[%parallel_loop3A_1036, %parallel_loop3A_1037] {strides = array<i32>} : memref<64x64xf32, #tpu.memory_space<vmem>>, vector<1x16xf32>,
        %parallel_loop3A_1039 = vector.shape_cast %parallel_loop3A_1038 : vector<1x16xf32> to vector<16xf32>
        %parallel_loop3A_1040 = vector.shape_cast %parallel_loop3A_1035 : vector<16xf32> to vector<1x16xf32>
        tpu.vector_store %arg12[%parallel_loop3A_1036, %parallel_loop3A_1037], %parallel_loop3A_1040 {add = true, strides = array<i32>} : memref<64x64xf32, #tpu.memory_space<vmem>>, vector<1x16xf32>,
      } {sc.loop_unroll_factor = 4 : i64, sc.parallel_access}
      %add3A_711 = arith.constant 1 : i32
      %add3A_712 = arith.addi %mul3A_171, %add3A_711 : i32
      %mul3A_713 = arith.constant 64 : i32
      %mul3A_714 = arith.muli %add3A_712, %mul3A_713 : i32
      %add3A_715 = arith.addi %mul3A_2, %mul3A_714 : i32
      %dma_start3A_716 = arith.constant 0 : i32
      %dma_start3A_717 = tpu.memref_slice %arg5[%add3A_715, %dma_start3A_716] : memref<819200x64xf32, #tpu.memory_space<hbm>> -> memref<64x64xf32, #tpu.memory_space<hbm>>
      %dma_start3A_718 = arith.constant 0 : i32
      %dma_start3A_719 = tpu.memref_slice %arg5[%add3A_715, %dma_start3A_718] : memref<819200x64xf32, #tpu.memory_space<hbm>> -> memref<64x64xf32, #tpu.memory_space<hbm>>
      tpu.enqueue_dma source(%arg12 : memref<64x64xf32, #tpu.memory_space<vmem>>) target(%dma_start3A_719 : memref<64x64xf32, #tpu.memory_space<hbm>>) target_semaphore(%arg32 : memref<!tpu.dma_semaphore, #tpu.memory_space<semaphore_mem>>)
      %dma_wait3A_720 = arith.constant 0 : i32
      %dma_wait3A_721 = arith.constant 0 : i32
      %dma_wait3A_722 = tpu.memref_slice %arg8[%dma_wait3A_720, %dma_wait3A_721] : memref<1x64xi32, #tpu.memory_space<vmem>> -> memref<1x64xi32, #tpu.memory_space<vmem>>
      %dma_wait3A_723 = tpu.memref_squeeze %dma_wait3A_722 : memref<1x64xi32, #tpu.memory_space<vmem>> -> memref<64xi32, #tpu.memory_space<vmem>>
      %dma_wait3A_724 = arith.constant 0 : i32
      %dma_wait3A_725 = arith.constant 0 : i32
      %dma_wait3A_726 = tpu.memref_slice %arg4[%dma_wait3A_724, %dma_wait3A_725] : memref<100000x128xf32, #tpu.memory_space<hbm>> -> memref<100000x128xf32, #tpu.memory_space<hbm>>
      tpu.wait_indirect_dma semaphore(%arg28 : memref<!tpu.dma_semaphore, #tpu.memory_space<semaphore_mem>>) src(%dma_wait3A_726 : memref<100000x128xf32, #tpu.memory_space<hbm>>) dst(%arg18 : memref<64x128xf32, #tpu.memory_space<vmem>>)
      %parallel_loop3A_727 = arith.constant 0 : i32
      %parallel_loop3A_728 = arith.constant 16 : i32
      %parallel_loop3A_729 = arith.constant 1 : i32
      scf.for %parallel_loop3A_830 = %parallel_loop3A_727 to %parallel_loop3A_728 step %parallel_loop3A_729  : i32 {
        %parallel_loop3A_831 = arith.constant 4 : i32
        %parallel_loop3A_832 = arith.muli %parallel_loop3A_830, %parallel_loop3A_831 : i32
        %parallel_loop3A_833 = arith.constant 0 : i32
        %parallel_loop3A_834 = arith.addi %parallel_loop3A_832, %parallel_loop3A_833 : i32
        %parallel_loop3A_835 = arith.constant 0 : i32
        %parallel_loop3A_836 = arith.addi %parallel_loop3A_832, %parallel_loop3A_835 : i32
        %parallel_loop3A_837 = arith.index_cast %parallel_loop3A_836 : i32 to index
        %parallel_loop3A_838 = arith.constant 0 : index
        %parallel_loop3A_839 = tpu.vector_load %arg18[%parallel_loop3A_837, %parallel_loop3A_838] {strides = array<i32>} : memref<64x128xf32, #tpu.memory_space<vmem>>, vector<1x16xf32>,
        %parallel_loop3A_840 = vector.shape_cast %parallel_loop3A_839 : vector<1x16xf32> to vector<16xf32>
        %parallel_loop3A_841 = arith.index_cast %parallel_loop3A_834 : i32 to index
        %parallel_loop3A_842 = arith.constant 0 : index
        %parallel_loop3A_843 = tpu.vector_load %arg13[%parallel_loop3A_841, %parallel_loop3A_842] {strides = array<i32>} : memref<64x64xf32, #tpu.memory_space<vmem>>, vector<1x16xf32>,
        %parallel_loop3A_844 = vector.shape_cast %parallel_loop3A_843 : vector<1x16xf32> to vector<16xf32>
        %parallel_loop3A_845 = vector.shape_cast %parallel_loop3A_840 : vector<16xf32> to vector<1x16xf32>
        tpu.vector_store %arg13[%parallel_loop3A_841, %parallel_loop3A_842], %parallel_loop3A_845 {add = true, strides = array<i32>} : memref<64x64xf32, #tpu.memory_space<vmem>>, vector<1x16xf32>,
        %parallel_loop3A_846 = arith.constant 0 : i32
        %parallel_loop3A_847 = arith.addi %parallel_loop3A_832, %parallel_loop3A_846 : i32
        %parallel_loop3A_848 = arith.constant 0 : i32
        %parallel_loop3A_849 = arith.addi %parallel_loop3A_832, %parallel_loop3A_848 : i32
        %parallel_loop3A_850 = arith.index_cast %parallel_loop3A_849 : i32 to index
        %parallel_loop3A_851 = arith.constant 16 : index
        %parallel_loop3A_852 = tpu.vector_load %arg18[%parallel_loop3A_850, %parallel_loop3A_851] {strides = array<i32>} : memref<64x128xf32, #tpu.memory_space<vmem>>, vector<1x16xf32>,
        %parallel_loop3A_853 = vector.shape_cast %parallel_loop3A_852 : vector<1x16xf32> to vector<16xf32>
        %parallel_loop3A_854 = arith.index_cast %parallel_loop3A_847 : i32 to index
        %parallel_loop3A_855 = arith.constant 16 : index
        %parallel_loop3A_856 = tpu.vector_load %arg13[%parallel_loop3A_854, %parallel_loop3A_855] {strides = array<i32>} : memref<64x64xf32, #tpu.memory_space<vmem>>, vector<1x16xf32>,
        %parallel_loop3A_857 = vector.shape_cast %parallel_loop3A_856 : vector<1x16xf32> to vector<16xf32>
        %parallel_loop3A_858 = vector.shape_cast %parallel_loop3A_853 : vector<16xf32> to vector<1x16xf32>
        tpu.vector_store %arg13[%parallel_loop3A_854, %parallel_loop3A_855], %parallel_loop3A_858 {add = true, strides = array<i32>} : memref<64x64xf32, #tpu.memory_space<vmem>>, vector<1x16xf32>,
        %parallel_loop3A_859 = arith.constant 0 : i32
        %parallel_loop3A_860 = arith.addi %parallel_loop3A_832, %parallel_loop3A_859 : i32
        %parallel_loop3A_861 = arith.constant 0 : i32
        %parallel_loop3A_862 = arith.addi %parallel_loop3A_832, %parallel_loop3A_861 : i32
        %parallel_loop3A_863 = arith.index_cast %parallel_loop3A_862 : i32 to index
        %parallel_loop3A_864 = arith.constant 32 : index
        %parallel_loop3A_865 = tpu.vector_load %arg18[%parallel_loop3A_863, %parallel_loop3A_864] {strides = array<i32>} : memref<64x128xf32, #tpu.memory_space<vmem>>, vector<1x16xf32>,
        %parallel_loop3A_866 = vector.shape_cast %parallel_loop3A_865 : vector<1x16xf32> to vector<16xf32>
        %parallel_loop3A_867 = arith.index_cast %parallel_loop3A_860 : i32 to index
        %parallel_loop3A_868 = arith.constant 32 : index
        %parallel_loop3A_869 = tpu.vector_load %arg13[%parallel_loop3A_867, %parallel_loop3A_868] {strides = array<i32>} : memref<64x64xf32, #tpu.memory_space<vmem>>, vector<1x16xf32>,
        %parallel_loop3A_870 = vector.shape_cast %parallel_loop3A_869 : vector<1x16xf32> to vector<16xf32>
        %parallel_loop3A_871 = vector.shape_cast %parallel_loop3A_866 : vector<16xf32> to vector<1x16xf32>
        tpu.vector_store %arg13[%parallel_loop3A_867, %parallel_loop3A_868], %parallel_loop3A_871 {add = true, strides = array<i32>} : memref<64x64xf32, #tpu.memory_space<vmem>>, vector<1x16xf32>,
        %parallel_loop3A_872 = arith.constant 0 : i32
        %parallel_loop3A_873 = arith.addi %parallel_loop3A_832, %parallel_loop3A_872 : i32
        %parallel_loop3A_874 = arith.constant 0 : i32
        %parallel_loop3A_875 = arith.addi %parallel_loop3A_832, %parallel_loop3A_874 : i32
        %parallel_loop3A_876 = arith.index_cast %parallel_loop3A_875 : i32 to index
        %parallel_loop3A_877 = arith.constant 48 : index
        %parallel_loop3A_878 = tpu.vector_load %arg18[%parallel_loop3A_876, %parallel_loop3A_877] {strides = array<i32>} : memref<64x128xf32, #tpu.memory_space<vmem>>, vector<1x16xf32>,
        %parallel_loop3A_879 = vector.shape_cast %parallel_loop3A_878 : vector<1x16xf32> to vector<16xf32>
        %parallel_loop3A_880 = arith.index_cast %parallel_loop3A_873 : i32 to index
        %parallel_loop3A_881 = arith.constant 48 : index
        %parallel_loop3A_882 = tpu.vector_load %arg13[%parallel_loop3A_880, %parallel_loop3A_881] {strides = array<i32>} : memref<64x64xf32, #tpu.memory_space<vmem>>, vector<1x16xf32>,
        %parallel_loop3A_883 = vector.shape_cast %parallel_loop3A_882 : vector<1x16xf32> to vector<16xf32>
        %parallel_loop3A_884 = vector.shape_cast %parallel_loop3A_879 : vector<16xf32> to vector<1x16xf32>
        tpu.vector_store %arg13[%parallel_loop3A_880, %parallel_loop3A_881], %parallel_loop3A_884 {add = true, strides = array<i32>} : memref<64x64xf32, #tpu.memory_space<vmem>>, vector<1x16xf32>,
        %parallel_loop3A_885 = arith.constant 1 : i32
        %parallel_loop3A_886 = arith.addi %parallel_loop3A_832, %parallel_loop3A_885 : i32
        %parallel_loop3A_887 = arith.constant 1 : i32
        %parallel_loop3A_888 = arith.addi %parallel_loop3A_832, %parallel_loop3A_887 : i32
        %parallel_loop3A_889 = arith.index_cast %parallel_loop3A_888 : i32 to index
        %parallel_loop3A_890 = arith.constant 0 : index
        %parallel_loop3A_891 = tpu.vector_load %arg18[%parallel_loop3A_889, %parallel_loop3A_890] {strides = array<i32>} : memref<64x128xf32, #tpu.memory_space<vmem>>, vector<1x16xf32>,
        %parallel_loop3A_892 = vector.shape_cast %parallel_loop3A_891 : vector<1x16xf32> to vector<16xf32>
        %parallel_loop3A_893 = arith.index_cast %parallel_loop3A_886 : i32 to index
        %parallel_loop3A_894 = arith.constant 0 : index
        %parallel_loop3A_895 = tpu.vector_load %arg13[%parallel_loop3A_893, %parallel_loop3A_894] {strides = array<i32>} : memref<64x64xf32, #tpu.memory_space<vmem>>, vector<1x16xf32>,
        %parallel_loop3A_896 = vector.shape_cast %parallel_loop3A_895 : vector<1x16xf32> to vector<16xf32>
        %parallel_loop3A_897 = vector.shape_cast %parallel_loop3A_892 : vector<16xf32> to vector<1x16xf32>
        tpu.vector_store %arg13[%parallel_loop3A_893, %parallel_loop3A_894], %parallel_loop3A_897 {add = true, strides = array<i32>} : memref<64x64xf32, #tpu.memory_space<vmem>>, vector<1x16xf32>,
        %parallel_loop3A_898 = arith.constant 1 : i32
        %parallel_loop3A_899 = arith.addi %parallel_loop3A_832, %parallel_loop3A_898 : i32
        %parallel_loop3A_900 = arith.constant 1 : i32
        %parallel_loop3A_901 = arith.addi %parallel_loop3A_832, %parallel_loop3A_900 : i32
        %parallel_loop3A_902 = arith.index_cast %parallel_loop3A_901 : i32 to index
        %parallel_loop3A_903 = arith.constant 16 : index
        %parallel_loop3A_904 = tpu.vector_load %arg18[%parallel_loop3A_902, %parallel_loop3A_903] {strides = array<i32>} : memref<64x128xf32, #tpu.memory_space<vmem>>, vector<1x16xf32>,
        %parallel_loop3A_905 = vector.shape_cast %parallel_loop3A_904 : vector<1x16xf32> to vector<16xf32>
        %parallel_loop3A_906 = arith.index_cast %parallel_loop3A_899 : i32 to index
        %parallel_loop3A_907 = arith.constant 16 : index
        %parallel_loop3A_908 = tpu.vector_load %arg13[%parallel_loop3A_906, %parallel_loop3A_907] {strides = array<i32>} : memref<64x64xf32, #tpu.memory_space<vmem>>, vector<1x16xf32>,
        %parallel_loop3A_909 = vector.shape_cast %parallel_loop3A_908 : vector<1x16xf32> to vector<16xf32>
        %parallel_loop3A_910 = vector.shape_cast %parallel_loop3A_905 : vector<16xf32> to vector<1x16xf32>
        tpu.vector_store %arg13[%parallel_loop3A_906, %parallel_loop3A_907], %parallel_loop3A_910 {add = true, strides = array<i32>} : memref<64x64xf32, #tpu.memory_space<vmem>>, vector<1x16xf32>,
        %parallel_loop3A_911 = arith.constant 1 : i32
        %parallel_loop3A_912 = arith.addi %parallel_loop3A_832, %parallel_loop3A_911 : i32
        %parallel_loop3A_913 = arith.constant 1 : i32
        %parallel_loop3A_914 = arith.addi %parallel_loop3A_832, %parallel_loop3A_913 : i32
        %parallel_loop3A_915 = arith.index_cast %parallel_loop3A_914 : i32 to index
        %parallel_loop3A_916 = arith.constant 32 : index
        %parallel_loop3A_917 = tpu.vector_load %arg18[%parallel_loop3A_915, %parallel_loop3A_916] {strides = array<i32>} : memref<64x128xf32, #tpu.memory_space<vmem>>, vector<1x16xf32>,
        %parallel_loop3A_918 = vector.shape_cast %parallel_loop3A_917 : vector<1x16xf32> to vector<16xf32>
        %parallel_loop3A_919 = arith.index_cast %parallel_loop3A_912 : i32 to index
        %parallel_loop3A_920 = arith.constant 32 : index
        %parallel_loop3A_921 = tpu.vector_load %arg13[%parallel_loop3A_919, %parallel_loop3A_920] {strides = array<i32>} : memref<64x64xf32, #tpu.memory_space<vmem>>, vector<1x16xf32>,
        %parallel_loop3A_922 = vector.shape_cast %parallel_loop3A_921 : vector<1x16xf32> to vector<16xf32>
        %parallel_loop3A_923 = vector.shape_cast %parallel_loop3A_918 : vector<16xf32> to vector<1x16xf32>
        tpu.vector_store %arg13[%parallel_loop3A_919, %parallel_loop3A_920], %parallel_loop3A_923 {add = true, strides = array<i32>} : memref<64x64xf32, #tpu.memory_space<vmem>>, vector<1x16xf32>,
        %parallel_loop3A_924 = arith.constant 1 : i32
        %parallel_loop3A_925 = arith.addi %parallel_loop3A_832, %parallel_loop3A_924 : i32
        %parallel_loop3A_926 = arith.constant 1 : i32
        %parallel_loop3A_927 = arith.addi %parallel_loop3A_832, %parallel_loop3A_926 : i32
        %parallel_loop3A_928 = arith.index_cast %parallel_loop3A_927 : i32 to index
        %parallel_loop3A_929 = arith.constant 48 : index
        %parallel_loop3A_930 = tpu.vector_load %arg18[%parallel_loop3A_928, %parallel_loop3A_929] {strides = array<i32>} : memref<64x128xf32, #tpu.memory_space<vmem>>, vector<1x16xf32>,
        %parallel_loop3A_931 = vector.shape_cast %parallel_loop3A_930 : vector<1x16xf32> to vector<16xf32>
        %parallel_loop3A_932 = arith.index_cast %parallel_loop3A_925 : i32 to index
        %parallel_loop3A_933 = arith.constant 48 : index
        %parallel_loop3A_934 = tpu.vector_load %arg13[%parallel_loop3A_932, %parallel_loop3A_933] {strides = array<i32>} : memref<64x64xf32, #tpu.memory_space<vmem>>, vector<1x16xf32>,
        %parallel_loop3A_935 = vector.shape_cast %parallel_loop3A_934 : vector<1x16xf32> to vector<16xf32>
        %parallel_loop3A_936 = vector.shape_cast %parallel_loop3A_931 : vector<16xf32> to vector<1x16xf32>
        tpu.vector_store %arg13[%parallel_loop3A_932, %parallel_loop3A_933], %parallel_loop3A_936 {add = true, strides = array<i32>} : memref<64x64xf32, #tpu.memory_space<vmem>>, vector<1x16xf32>,
        %parallel_loop3A_937 = arith.constant 2 : i32
        %parallel_loop3A_938 = arith.addi %parallel_loop3A_832, %parallel_loop3A_937 : i32
        %parallel_loop3A_939 = arith.constant 2 : i32
        %parallel_loop3A_940 = arith.addi %parallel_loop3A_832, %parallel_loop3A_939 : i32
        %parallel_loop3A_941 = arith.index_cast %parallel_loop3A_940 : i32 to index
        %parallel_loop3A_942 = arith.constant 0 : index
        %parallel_loop3A_943 = tpu.vector_load %arg18[%parallel_loop3A_941, %parallel_loop3A_942] {strides = array<i32>} : memref<64x128xf32, #tpu.memory_space<vmem>>, vector<1x16xf32>,
        %parallel_loop3A_944 = vector.shape_cast %parallel_loop3A_943 : vector<1x16xf32> to vector<16xf32>
        %parallel_loop3A_945 = arith.index_cast %parallel_loop3A_938 : i32 to index
        %parallel_loop3A_946 = arith.constant 0 : index
        %parallel_loop3A_947 = tpu.vector_load %arg13[%parallel_loop3A_945, %parallel_loop3A_946] {strides = array<i32>} : memref<64x64xf32, #tpu.memory_space<vmem>>, vector<1x16xf32>,
        %parallel_loop3A_948 = vector.shape_cast %parallel_loop3A_947 : vector<1x16xf32> to vector<16xf32>
        %parallel_loop3A_949 = vector.shape_cast %parallel_loop3A_944 : vector<16xf32> to vector<1x16xf32>
        tpu.vector_store %arg13[%parallel_loop3A_945, %parallel_loop3A_946], %parallel_loop3A_949 {add = true, strides = array<i32>} : memref<64x64xf32, #tpu.memory_space<vmem>>, vector<1x16xf32>,
        %parallel_loop3A_950 = arith.constant 2 : i32
        %parallel_loop3A_951 = arith.addi %parallel_loop3A_832, %parallel_loop3A_950 : i32
        %parallel_loop3A_952 = arith.constant 2 : i32
        %parallel_loop3A_953 = arith.addi %parallel_loop3A_832, %parallel_loop3A_952 : i32
        %parallel_loop3A_954 = arith.index_cast %parallel_loop3A_953 : i32 to index
        %parallel_loop3A_955 = arith.constant 16 : index
        %parallel_loop3A_956 = tpu.vector_load %arg18[%parallel_loop3A_954, %parallel_loop3A_955] {strides = array<i32>} : memref<64x128xf32, #tpu.memory_space<vmem>>, vector<1x16xf32>,
        %parallel_loop3A_957 = vector.shape_cast %parallel_loop3A_956 : vector<1x16xf32> to vector<16xf32>
        %parallel_loop3A_958 = arith.index_cast %parallel_loop3A_951 : i32 to index
        %parallel_loop3A_959 = arith.constant 16 : index
        %parallel_loop3A_960 = tpu.vector_load %arg13[%parallel_loop3A_958, %parallel_loop3A_959] {strides = array<i32>} : memref<64x64xf32, #tpu.memory_space<vmem>>, vector<1x16xf32>,
        %parallel_loop3A_961 = vector.shape_cast %parallel_loop3A_960 : vector<1x16xf32> to vector<16xf32>
        %parallel_loop3A_962 = vector.shape_cast %parallel_loop3A_957 : vector<16xf32> to vector<1x16xf32>
        tpu.vector_store %arg13[%parallel_loop3A_958, %parallel_loop3A_959], %parallel_loop3A_962 {add = true, strides = array<i32>} : memref<64x64xf32, #tpu.memory_space<vmem>>, vector<1x16xf32>,
        %parallel_loop3A_963 = arith.constant 2 : i32
        %parallel_loop3A_964 = arith.addi %parallel_loop3A_832, %parallel_loop3A_963 : i32
        %parallel_loop3A_965 = arith.constant 2 : i32
        %parallel_loop3A_966 = arith.addi %parallel_loop3A_832, %parallel_loop3A_965 : i32
        %parallel_loop3A_967 = arith.index_cast %parallel_loop3A_966 : i32 to index
        %parallel_loop3A_968 = arith.constant 32 : index
        %parallel_loop3A_969 = tpu.vector_load %arg18[%parallel_loop3A_967, %parallel_loop3A_968] {strides = array<i32>} : memref<64x128xf32, #tpu.memory_space<vmem>>, vector<1x16xf32>,
        %parallel_loop3A_970 = vector.shape_cast %parallel_loop3A_969 : vector<1x16xf32> to vector<16xf32>
        %parallel_loop3A_971 = arith.index_cast %parallel_loop3A_964 : i32 to index
        %parallel_loop3A_972 = arith.constant 32 : index
        %parallel_loop3A_973 = tpu.vector_load %arg13[%parallel_loop3A_971, %parallel_loop3A_972] {strides = array<i32>} : memref<64x64xf32, #tpu.memory_space<vmem>>, vector<1x16xf32>,
        %parallel_loop3A_974 = vector.shape_cast %parallel_loop3A_973 : vector<1x16xf32> to vector<16xf32>
        %parallel_loop3A_975 = vector.shape_cast %parallel_loop3A_970 : vector<16xf32> to vector<1x16xf32>
        tpu.vector_store %arg13[%parallel_loop3A_971, %parallel_loop3A_972], %parallel_loop3A_975 {add = true, strides = array<i32>} : memref<64x64xf32, #tpu.memory_space<vmem>>, vector<1x16xf32>,
        %parallel_loop3A_976 = arith.constant 2 : i32
        %parallel_loop3A_977 = arith.addi %parallel_loop3A_832, %parallel_loop3A_976 : i32
        %parallel_loop3A_978 = arith.constant 2 : i32
        %parallel_loop3A_979 = arith.addi %parallel_loop3A_832, %parallel_loop3A_978 : i32
        %parallel_loop3A_980 = arith.index_cast %parallel_loop3A_979 : i32 to index
        %parallel_loop3A_981 = arith.constant 48 : index
        %parallel_loop3A_982 = tpu.vector_load %arg18[%parallel_loop3A_980, %parallel_loop3A_981] {strides = array<i32>} : memref<64x128xf32, #tpu.memory_space<vmem>>, vector<1x16xf32>,
        %parallel_loop3A_983 = vector.shape_cast %parallel_loop3A_982 : vector<1x16xf32> to vector<16xf32>
        %parallel_loop3A_984 = arith.index_cast %parallel_loop3A_977 : i32 to index
        %parallel_loop3A_985 = arith.constant 48 : index
        %parallel_loop3A_986 = tpu.vector_load %arg13[%parallel_loop3A_984, %parallel_loop3A_985] {strides = array<i32>} : memref<64x64xf32, #tpu.memory_space<vmem>>, vector<1x16xf32>,
        %parallel_loop3A_987 = vector.shape_cast %parallel_loop3A_986 : vector<1x16xf32> to vector<16xf32>
        %parallel_loop3A_988 = vector.shape_cast %parallel_loop3A_983 : vector<16xf32> to vector<1x16xf32>
        tpu.vector_store %arg13[%parallel_loop3A_984, %parallel_loop3A_985], %parallel_loop3A_988 {add = true, strides = array<i32>} : memref<64x64xf32, #tpu.memory_space<vmem>>, vector<1x16xf32>,
        %parallel_loop3A_989 = arith.constant 3 : i32
        %parallel_loop3A_990 = arith.addi %parallel_loop3A_832, %parallel_loop3A_989 : i32
        %parallel_loop3A_991 = arith.constant 3 : i32
        %parallel_loop3A_992 = arith.addi %parallel_loop3A_832, %parallel_loop3A_991 : i32
        %parallel_loop3A_993 = arith.index_cast %parallel_loop3A_992 : i32 to index
        %parallel_loop3A_994 = arith.constant 0 : index
        %parallel_loop3A_995 = tpu.vector_load %arg18[%parallel_loop3A_993, %parallel_loop3A_994] {strides = array<i32>} : memref<64x128xf32, #tpu.memory_space<vmem>>, vector<1x16xf32>,
        %parallel_loop3A_996 = vector.shape_cast %parallel_loop3A_995 : vector<1x16xf32> to vector<16xf32>
        %parallel_loop3A_997 = arith.index_cast %parallel_loop3A_990 : i32 to index
        %parallel_loop3A_998 = arith.constant 0 : index
        %parallel_loop3A_999 = tpu.vector_load %arg13[%parallel_loop3A_997, %parallel_loop3A_998] {strides = array<i32>} : memref<64x64xf32, #tpu.memory_space<vmem>>, vector<1x16xf32>,
        %parallel_loop3A_1000 = vector.shape_cast %parallel_loop3A_999 : vector<1x16xf32> to vector<16xf32>
        %parallel_loop3A_1001 = vector.shape_cast %parallel_loop3A_996 : vector<16xf32> to vector<1x16xf32>
        tpu.vector_store %arg13[%parallel_loop3A_997, %parallel_loop3A_998], %parallel_loop3A_1001 {add = true, strides = array<i32>} : memref<64x64xf32, #tpu.memory_space<vmem>>, vector<1x16xf32>,
        %parallel_loop3A_1002 = arith.constant 3 : i32
        %parallel_loop3A_1003 = arith.addi %parallel_loop3A_832, %parallel_loop3A_1002 : i32
        %parallel_loop3A_1004 = arith.constant 3 : i32
        %parallel_loop3A_1005 = arith.addi %parallel_loop3A_832, %parallel_loop3A_1004 : i32
        %parallel_loop3A_1006 = arith.index_cast %parallel_loop3A_1005 : i32 to index
        %parallel_loop3A_1007 = arith.constant 16 : index
        %parallel_loop3A_1008 = tpu.vector_load %arg18[%parallel_loop3A_1006, %parallel_loop3A_1007] {strides = array<i32>} : memref<64x128xf32, #tpu.memory_space<vmem>>, vector<1x16xf32>,
        %parallel_loop3A_1009 = vector.shape_cast %parallel_loop3A_1008 : vector<1x16xf32> to vector<16xf32>
        %parallel_loop3A_1010 = arith.index_cast %parallel_loop3A_1003 : i32 to index
        %parallel_loop3A_1011 = arith.constant 16 : index
        %parallel_loop3A_1012 = tpu.vector_load %arg13[%parallel_loop3A_1010, %parallel_loop3A_1011] {strides = array<i32>} : memref<64x64xf32, #tpu.memory_space<vmem>>, vector<1x16xf32>,
        %parallel_loop3A_1013 = vector.shape_cast %parallel_loop3A_1012 : vector<1x16xf32> to vector<16xf32>
        %parallel_loop3A_1014 = vector.shape_cast %parallel_loop3A_1009 : vector<16xf32> to vector<1x16xf32>
        tpu.vector_store %arg13[%parallel_loop3A_1010, %parallel_loop3A_1011], %parallel_loop3A_1014 {add = true, strides = array<i32>} : memref<64x64xf32, #tpu.memory_space<vmem>>, vector<1x16xf32>,
        %parallel_loop3A_1015 = arith.constant 3 : i32
        %parallel_loop3A_1016 = arith.addi %parallel_loop3A_832, %parallel_loop3A_1015 : i32
        %parallel_loop3A_1017 = arith.constant 3 : i32
        %parallel_loop3A_1018 = arith.addi %parallel_loop3A_832, %parallel_loop3A_1017 : i32
        %parallel_loop3A_1019 = arith.index_cast %parallel_loop3A_1018 : i32 to index
        %parallel_loop3A_1020 = arith.constant 32 : index
        %parallel_loop3A_1021 = tpu.vector_load %arg18[%parallel_loop3A_1019, %parallel_loop3A_1020] {strides = array<i32>} : memref<64x128xf32, #tpu.memory_space<vmem>>, vector<1x16xf32>,
        %parallel_loop3A_1022 = vector.shape_cast %parallel_loop3A_1021 : vector<1x16xf32> to vector<16xf32>
        %parallel_loop3A_1023 = arith.index_cast %parallel_loop3A_1016 : i32 to index
        %parallel_loop3A_1024 = arith.constant 32 : index
        %parallel_loop3A_1025 = tpu.vector_load %arg13[%parallel_loop3A_1023, %parallel_loop3A_1024] {strides = array<i32>} : memref<64x64xf32, #tpu.memory_space<vmem>>, vector<1x16xf32>,
        %parallel_loop3A_1026 = vector.shape_cast %parallel_loop3A_1025 : vector<1x16xf32> to vector<16xf32>
        %parallel_loop3A_1027 = vector.shape_cast %parallel_loop3A_1022 : vector<16xf32> to vector<1x16xf32>
        tpu.vector_store %arg13[%parallel_loop3A_1023, %parallel_loop3A_1024], %parallel_loop3A_1027 {add = true, strides = array<i32>} : memref<64x64xf32, #tpu.memory_space<vmem>>, vector<1x16xf32>,
        %parallel_loop3A_1028 = arith.constant 3 : i32
        %parallel_loop3A_1029 = arith.addi %parallel_loop3A_832, %parallel_loop3A_1028 : i32
        %parallel_loop3A_1030 = arith.constant 3 : i32
        %parallel_loop3A_1031 = arith.addi %parallel_loop3A_832, %parallel_loop3A_1030 : i32
        %parallel_loop3A_1032 = arith.index_cast %parallel_loop3A_1031 : i32 to index
        %parallel_loop3A_1033 = arith.constant 48 : index
        %parallel_loop3A_1034 = tpu.vector_load %arg18[%parallel_loop3A_1032, %parallel_loop3A_1033] {strides = array<i32>} : memref<64x128xf32, #tpu.memory_space<vmem>>, vector<1x16xf32>,
        %parallel_loop3A_1035 = vector.shape_cast %parallel_loop3A_1034 : vector<1x16xf32> to vector<16xf32>
        %parallel_loop3A_1036 = arith.index_cast %parallel_loop3A_1029 : i32 to index
        %parallel_loop3A_1037 = arith.constant 48 : index
        %parallel_loop3A_1038 = tpu.vector_load %arg13[%parallel_loop3A_1036, %parallel_loop3A_1037] {strides = array<i32>} : memref<64x64xf32, #tpu.memory_space<vmem>>, vector<1x16xf32>,
        %parallel_loop3A_1039 = vector.shape_cast %parallel_loop3A_1038 : vector<1x16xf32> to vector<16xf32>
        %parallel_loop3A_1040 = vector.shape_cast %parallel_loop3A_1035 : vector<16xf32> to vector<1x16xf32>
        tpu.vector_store %arg13[%parallel_loop3A_1036, %parallel_loop3A_1037], %parallel_loop3A_1040 {add = true, strides = array<i32>} : memref<64x64xf32, #tpu.memory_space<vmem>>, vector<1x16xf32>,
      } {sc.loop_unroll_factor = 4 : i64, sc.parallel_access}
      %add3A_730 = arith.constant 2 : i32
      %add3A_731 = arith.addi %mul3A_171, %add3A_730 : i32
      %mul3A_732 = arith.constant 64 : i32
      %mul3A_733 = arith.muli %add3A_731, %mul3A_732 : i32
      %add3A_734 = arith.addi %mul3A_2, %mul3A_733 : i32
      %dma_start3A_735 = arith.constant 0 : i32
      %dma_start3A_736 = tpu.memref_slice %arg5[%add3A_734, %dma_start3A_735] : memref<819200x64xf32, #tpu.memory_space<hbm>> -> memref<64x64xf32, #tpu.memory_space<hbm>>
      %dma_start3A_737 = arith.constant 0 : i32
      %dma_start3A_738 = tpu.memref_slice %arg5[%add3A_734, %dma_start3A_737] : memref<819200x64xf32, #tpu.memory_space<hbm>> -> memref<64x64xf32, #tpu.memory_space<hbm>>
      tpu.enqueue_dma source(%arg13 : memref<64x64xf32, #tpu.memory_space<vmem>>) target(%dma_start3A_738 : memref<64x64xf32, #tpu.memory_space<hbm>>) target_semaphore(%arg33 : memref<!tpu.dma_semaphore, #tpu.memory_space<semaphore_mem>>)
      %dma_wait3A_739 = arith.constant 0 : i32
      %dma_wait3A_740 = arith.constant 0 : i32
      %dma_wait3A_741 = tpu.memref_slice %arg9[%dma_wait3A_739, %dma_wait3A_740] : memref<1x64xi32, #tpu.memory_space<vmem>> -> memref<1x64xi32, #tpu.memory_space<vmem>>
      %dma_wait3A_742 = tpu.memref_squeeze %dma_wait3A_741 : memref<1x64xi32, #tpu.memory_space<vmem>> -> memref<64xi32, #tpu.memory_space<vmem>>
      %dma_wait3A_743 = arith.constant 0 : i32
      %dma_wait3A_744 = arith.constant 0 : i32
      %dma_wait3A_745 = tpu.memref_slice %arg4[%dma_wait3A_743, %dma_wait3A_744] : memref<100000x128xf32, #tpu.memory_space<hbm>> -> memref<100000x128xf32, #tpu.memory_space<hbm>>
      tpu.wait_indirect_dma semaphore(%arg29 : memref<!tpu.dma_semaphore, #tpu.memory_space<semaphore_mem>>) src(%dma_wait3A_745 : memref<100000x128xf32, #tpu.memory_space<hbm>>) dst(%arg19 : memref<64x128xf32, #tpu.memory_space<vmem>>)
      %parallel_loop3A_746 = arith.constant 0 : i32
      %parallel_loop3A_747 = arith.constant 16 : i32
      %parallel_loop3A_748 = arith.constant 1 : i32
      scf.for %parallel_loop3A_830 = %parallel_loop3A_746 to %parallel_loop3A_747 step %parallel_loop3A_748  : i32 {
        %parallel_loop3A_831 = arith.constant 4 : i32
        %parallel_loop3A_832 = arith.muli %parallel_loop3A_830, %parallel_loop3A_831 : i32
        %parallel_loop3A_833 = arith.constant 0 : i32
        %parallel_loop3A_834 = arith.addi %parallel_loop3A_832, %parallel_loop3A_833 : i32
        %parallel_loop3A_835 = arith.constant 0 : i32
        %parallel_loop3A_836 = arith.addi %parallel_loop3A_832, %parallel_loop3A_835 : i32
        %parallel_loop3A_837 = arith.index_cast %parallel_loop3A_836 : i32 to index
        %parallel_loop3A_838 = arith.constant 0 : index
        %parallel_loop3A_839 = tpu.vector_load %arg19[%parallel_loop3A_837, %parallel_loop3A_838] {strides = array<i32>} : memref<64x128xf32, #tpu.memory_space<vmem>>, vector<1x16xf32>,
        %parallel_loop3A_840 = vector.shape_cast %parallel_loop3A_839 : vector<1x16xf32> to vector<16xf32>
        %parallel_loop3A_841 = arith.index_cast %parallel_loop3A_834 : i32 to index
        %parallel_loop3A_842 = arith.constant 0 : index
        %parallel_loop3A_843 = tpu.vector_load %arg14[%parallel_loop3A_841, %parallel_loop3A_842] {strides = array<i32>} : memref<64x64xf32, #tpu.memory_space<vmem>>, vector<1x16xf32>,
        %parallel_loop3A_844 = vector.shape_cast %parallel_loop3A_843 : vector<1x16xf32> to vector<16xf32>
        %parallel_loop3A_845 = vector.shape_cast %parallel_loop3A_840 : vector<16xf32> to vector<1x16xf32>
        tpu.vector_store %arg14[%parallel_loop3A_841, %parallel_loop3A_842], %parallel_loop3A_845 {add = true, strides = array<i32>} : memref<64x64xf32, #tpu.memory_space<vmem>>, vector<1x16xf32>,
        %parallel_loop3A_846 = arith.constant 0 : i32
        %parallel_loop3A_847 = arith.addi %parallel_loop3A_832, %parallel_loop3A_846 : i32
        %parallel_loop3A_848 = arith.constant 0 : i32
        %parallel_loop3A_849 = arith.addi %parallel_loop3A_832, %parallel_loop3A_848 : i32
        %parallel_loop3A_850 = arith.index_cast %parallel_loop3A_849 : i32 to index
        %parallel_loop3A_851 = arith.constant 16 : index
        %parallel_loop3A_852 = tpu.vector_load %arg19[%parallel_loop3A_850, %parallel_loop3A_851] {strides = array<i32>} : memref<64x128xf32, #tpu.memory_space<vmem>>, vector<1x16xf32>,
        %parallel_loop3A_853 = vector.shape_cast %parallel_loop3A_852 : vector<1x16xf32> to vector<16xf32>
        %parallel_loop3A_854 = arith.index_cast %parallel_loop3A_847 : i32 to index
        %parallel_loop3A_855 = arith.constant 16 : index
        %parallel_loop3A_856 = tpu.vector_load %arg14[%parallel_loop3A_854, %parallel_loop3A_855] {strides = array<i32>} : memref<64x64xf32, #tpu.memory_space<vmem>>, vector<1x16xf32>,
        %parallel_loop3A_857 = vector.shape_cast %parallel_loop3A_856 : vector<1x16xf32> to vector<16xf32>
        %parallel_loop3A_858 = vector.shape_cast %parallel_loop3A_853 : vector<16xf32> to vector<1x16xf32>
        tpu.vector_store %arg14[%parallel_loop3A_854, %parallel_loop3A_855], %parallel_loop3A_858 {add = true, strides = array<i32>} : memref<64x64xf32, #tpu.memory_space<vmem>>, vector<1x16xf32>,
        %parallel_loop3A_859 = arith.constant 0 : i32
        %parallel_loop3A_860 = arith.addi %parallel_loop3A_832, %parallel_loop3A_859 : i32
        %parallel_loop3A_861 = arith.constant 0 : i32
        %parallel_loop3A_862 = arith.addi %parallel_loop3A_832, %parallel_loop3A_861 : i32
        %parallel_loop3A_863 = arith.index_cast %parallel_loop3A_862 : i32 to index
        %parallel_loop3A_864 = arith.constant 32 : index
        %parallel_loop3A_865 = tpu.vector_load %arg19[%parallel_loop3A_863, %parallel_loop3A_864] {strides = array<i32>} : memref<64x128xf32, #tpu.memory_space<vmem>>, vector<1x16xf32>,
        %parallel_loop3A_866 = vector.shape_cast %parallel_loop3A_865 : vector<1x16xf32> to vector<16xf32>
        %parallel_loop3A_867 = arith.index_cast %parallel_loop3A_860 : i32 to index
        %parallel_loop3A_868 = arith.constant 32 : index
        %parallel_loop3A_869 = tpu.vector_load %arg14[%parallel_loop3A_867, %parallel_loop3A_868] {strides = array<i32>} : memref<64x64xf32, #tpu.memory_space<vmem>>, vector<1x16xf32>,
        %parallel_loop3A_870 = vector.shape_cast %parallel_loop3A_869 : vector<1x16xf32> to vector<16xf32>
        %parallel_loop3A_871 = vector.shape_cast %parallel_loop3A_866 : vector<16xf32> to vector<1x16xf32>
        tpu.vector_store %arg14[%parallel_loop3A_867, %parallel_loop3A_868], %parallel_loop3A_871 {add = true, strides = array<i32>} : memref<64x64xf32, #tpu.memory_space<vmem>>, vector<1x16xf32>,
        %parallel_loop3A_872 = arith.constant 0 : i32
        %parallel_loop3A_873 = arith.addi %parallel_loop3A_832, %parallel_loop3A_872 : i32
        %parallel_loop3A_874 = arith.constant 0 : i32
        %parallel_loop3A_875 = arith.addi %parallel_loop3A_832, %parallel_loop3A_874 : i32
        %parallel_loop3A_876 = arith.index_cast %parallel_loop3A_875 : i32 to index
        %parallel_loop3A_877 = arith.constant 48 : index
        %parallel_loop3A_878 = tpu.vector_load %arg19[%parallel_loop3A_876, %parallel_loop3A_877] {strides = array<i32>} : memref<64x128xf32, #tpu.memory_space<vmem>>, vector<1x16xf32>,
        %parallel_loop3A_879 = vector.shape_cast %parallel_loop3A_878 : vector<1x16xf32> to vector<16xf32>
        %parallel_loop3A_880 = arith.index_cast %parallel_loop3A_873 : i32 to index
        %parallel_loop3A_881 = arith.constant 48 : index
        %parallel_loop3A_882 = tpu.vector_load %arg14[%parallel_loop3A_880, %parallel_loop3A_881] {strides = array<i32>} : memref<64x64xf32, #tpu.memory_space<vmem>>, vector<1x16xf32>,
        %parallel_loop3A_883 = vector.shape_cast %parallel_loop3A_882 : vector<1x16xf32> to vector<16xf32>
        %parallel_loop3A_884 = vector.shape_cast %parallel_loop3A_879 : vector<16xf32> to vector<1x16xf32>
        tpu.vector_store %arg14[%parallel_loop3A_880, %parallel_loop3A_881], %parallel_loop3A_884 {add = true, strides = array<i32>} : memref<64x64xf32, #tpu.memory_space<vmem>>, vector<1x16xf32>,
        %parallel_loop3A_885 = arith.constant 1 : i32
        %parallel_loop3A_886 = arith.addi %parallel_loop3A_832, %parallel_loop3A_885 : i32
        %parallel_loop3A_887 = arith.constant 1 : i32
        %parallel_loop3A_888 = arith.addi %parallel_loop3A_832, %parallel_loop3A_887 : i32
        %parallel_loop3A_889 = arith.index_cast %parallel_loop3A_888 : i32 to index
        %parallel_loop3A_890 = arith.constant 0 : index
        %parallel_loop3A_891 = tpu.vector_load %arg19[%parallel_loop3A_889, %parallel_loop3A_890] {strides = array<i32>} : memref<64x128xf32, #tpu.memory_space<vmem>>, vector<1x16xf32>,
        %parallel_loop3A_892 = vector.shape_cast %parallel_loop3A_891 : vector<1x16xf32> to vector<16xf32>
        %parallel_loop3A_893 = arith.index_cast %parallel_loop3A_886 : i32 to index
        %parallel_loop3A_894 = arith.constant 0 : index
        %parallel_loop3A_895 = tpu.vector_load %arg14[%parallel_loop3A_893, %parallel_loop3A_894] {strides = array<i32>} : memref<64x64xf32, #tpu.memory_space<vmem>>, vector<1x16xf32>,
        %parallel_loop3A_896 = vector.shape_cast %parallel_loop3A_895 : vector<1x16xf32> to vector<16xf32>
        %parallel_loop3A_897 = vector.shape_cast %parallel_loop3A_892 : vector<16xf32> to vector<1x16xf32>
        tpu.vector_store %arg14[%parallel_loop3A_893, %parallel_loop3A_894], %parallel_loop3A_897 {add = true, strides = array<i32>} : memref<64x64xf32, #tpu.memory_space<vmem>>, vector<1x16xf32>,
        %parallel_loop3A_898 = arith.constant 1 : i32
        %parallel_loop3A_899 = arith.addi %parallel_loop3A_832, %parallel_loop3A_898 : i32
        %parallel_loop3A_900 = arith.constant 1 : i32
        %parallel_loop3A_901 = arith.addi %parallel_loop3A_832, %parallel_loop3A_900 : i32
        %parallel_loop3A_902 = arith.index_cast %parallel_loop3A_901 : i32 to index
        %parallel_loop3A_903 = arith.constant 16 : index
        %parallel_loop3A_904 = tpu.vector_load %arg19[%parallel_loop3A_902, %parallel_loop3A_903] {strides = array<i32>} : memref<64x128xf32, #tpu.memory_space<vmem>>, vector<1x16xf32>,
        %parallel_loop3A_905 = vector.shape_cast %parallel_loop3A_904 : vector<1x16xf32> to vector<16xf32>
        %parallel_loop3A_906 = arith.index_cast %parallel_loop3A_899 : i32 to index
        %parallel_loop3A_907 = arith.constant 16 : index
        %parallel_loop3A_908 = tpu.vector_load %arg14[%parallel_loop3A_906, %parallel_loop3A_907] {strides = array<i32>} : memref<64x64xf32, #tpu.memory_space<vmem>>, vector<1x16xf32>,
        %parallel_loop3A_909 = vector.shape_cast %parallel_loop3A_908 : vector<1x16xf32> to vector<16xf32>
        %parallel_loop3A_910 = vector.shape_cast %parallel_loop3A_905 : vector<16xf32> to vector<1x16xf32>
        tpu.vector_store %arg14[%parallel_loop3A_906, %parallel_loop3A_907], %parallel_loop3A_910 {add = true, strides = array<i32>} : memref<64x64xf32, #tpu.memory_space<vmem>>, vector<1x16xf32>,
        %parallel_loop3A_911 = arith.constant 1 : i32
        %parallel_loop3A_912 = arith.addi %parallel_loop3A_832, %parallel_loop3A_911 : i32
        %parallel_loop3A_913 = arith.constant 1 : i32
        %parallel_loop3A_914 = arith.addi %parallel_loop3A_832, %parallel_loop3A_913 : i32
        %parallel_loop3A_915 = arith.index_cast %parallel_loop3A_914 : i32 to index
        %parallel_loop3A_916 = arith.constant 32 : index
        %parallel_loop3A_917 = tpu.vector_load %arg19[%parallel_loop3A_915, %parallel_loop3A_916] {strides = array<i32>} : memref<64x128xf32, #tpu.memory_space<vmem>>, vector<1x16xf32>,
        %parallel_loop3A_918 = vector.shape_cast %parallel_loop3A_917 : vector<1x16xf32> to vector<16xf32>
        %parallel_loop3A_919 = arith.index_cast %parallel_loop3A_912 : i32 to index
        %parallel_loop3A_920 = arith.constant 32 : index
        %parallel_loop3A_921 = tpu.vector_load %arg14[%parallel_loop3A_919, %parallel_loop3A_920] {strides = array<i32>} : memref<64x64xf32, #tpu.memory_space<vmem>>, vector<1x16xf32>,
        %parallel_loop3A_922 = vector.shape_cast %parallel_loop3A_921 : vector<1x16xf32> to vector<16xf32>
        %parallel_loop3A_923 = vector.shape_cast %parallel_loop3A_918 : vector<16xf32> to vector<1x16xf32>
        tpu.vector_store %arg14[%parallel_loop3A_919, %parallel_loop3A_920], %parallel_loop3A_923 {add = true, strides = array<i32>} : memref<64x64xf32, #tpu.memory_space<vmem>>, vector<1x16xf32>,
        %parallel_loop3A_924 = arith.constant 1 : i32
        %parallel_loop3A_925 = arith.addi %parallel_loop3A_832, %parallel_loop3A_924 : i32
        %parallel_loop3A_926 = arith.constant 1 : i32
        %parallel_loop3A_927 = arith.addi %parallel_loop3A_832, %parallel_loop3A_926 : i32
        %parallel_loop3A_928 = arith.index_cast %parallel_loop3A_927 : i32 to index
        %parallel_loop3A_929 = arith.constant 48 : index
        %parallel_loop3A_930 = tpu.vector_load %arg19[%parallel_loop3A_928, %parallel_loop3A_929] {strides = array<i32>} : memref<64x128xf32, #tpu.memory_space<vmem>>, vector<1x16xf32>,
        %parallel_loop3A_931 = vector.shape_cast %parallel_loop3A_930 : vector<1x16xf32> to vector<16xf32>
        %parallel_loop3A_932 = arith.index_cast %parallel_loop3A_925 : i32 to index
        %parallel_loop3A_933 = arith.constant 48 : index
        %parallel_loop3A_934 = tpu.vector_load %arg14[%parallel_loop3A_932, %parallel_loop3A_933] {strides = array<i32>} : memref<64x64xf32, #tpu.memory_space<vmem>>, vector<1x16xf32>,
        %parallel_loop3A_935 = vector.shape_cast %parallel_loop3A_934 : vector<1x16xf32> to vector<16xf32>
        %parallel_loop3A_936 = vector.shape_cast %parallel_loop3A_931 : vector<16xf32> to vector<1x16xf32>
        tpu.vector_store %arg14[%parallel_loop3A_932, %parallel_loop3A_933], %parallel_loop3A_936 {add = true, strides = array<i32>} : memref<64x64xf32, #tpu.memory_space<vmem>>, vector<1x16xf32>,
        %parallel_loop3A_937 = arith.constant 2 : i32
        %parallel_loop3A_938 = arith.addi %parallel_loop3A_832, %parallel_loop3A_937 : i32
        %parallel_loop3A_939 = arith.constant 2 : i32
        %parallel_loop3A_940 = arith.addi %parallel_loop3A_832, %parallel_loop3A_939 : i32
        %parallel_loop3A_941 = arith.index_cast %parallel_loop3A_940 : i32 to index
        %parallel_loop3A_942 = arith.constant 0 : index
        %parallel_loop3A_943 = tpu.vector_load %arg19[%parallel_loop3A_941, %parallel_loop3A_942] {strides = array<i32>} : memref<64x128xf32, #tpu.memory_space<vmem>>, vector<1x16xf32>,
        %parallel_loop3A_944 = vector.shape_cast %parallel_loop3A_943 : vector<1x16xf32> to vector<16xf32>
        %parallel_loop3A_945 = arith.index_cast %parallel_loop3A_938 : i32 to index
        %parallel_loop3A_946 = arith.constant 0 : index
        %parallel_loop3A_947 = tpu.vector_load %arg14[%parallel_loop3A_945, %parallel_loop3A_946] {strides = array<i32>} : memref<64x64xf32, #tpu.memory_space<vmem>>, vector<1x16xf32>,
        %parallel_loop3A_948 = vector.shape_cast %parallel_loop3A_947 : vector<1x16xf32> to vector<16xf32>
        %parallel_loop3A_949 = vector.shape_cast %parallel_loop3A_944 : vector<16xf32> to vector<1x16xf32>
        tpu.vector_store %arg14[%parallel_loop3A_945, %parallel_loop3A_946], %parallel_loop3A_949 {add = true, strides = array<i32>} : memref<64x64xf32, #tpu.memory_space<vmem>>, vector<1x16xf32>,
        %parallel_loop3A_950 = arith.constant 2 : i32
        %parallel_loop3A_951 = arith.addi %parallel_loop3A_832, %parallel_loop3A_950 : i32
        %parallel_loop3A_952 = arith.constant 2 : i32
        %parallel_loop3A_953 = arith.addi %parallel_loop3A_832, %parallel_loop3A_952 : i32
        %parallel_loop3A_954 = arith.index_cast %parallel_loop3A_953 : i32 to index
        %parallel_loop3A_955 = arith.constant 16 : index
        %parallel_loop3A_956 = tpu.vector_load %arg19[%parallel_loop3A_954, %parallel_loop3A_955] {strides = array<i32>} : memref<64x128xf32, #tpu.memory_space<vmem>>, vector<1x16xf32>,
        %parallel_loop3A_957 = vector.shape_cast %parallel_loop3A_956 : vector<1x16xf32> to vector<16xf32>
        %parallel_loop3A_958 = arith.index_cast %parallel_loop3A_951 : i32 to index
        %parallel_loop3A_959 = arith.constant 16 : index
        %parallel_loop3A_960 = tpu.vector_load %arg14[%parallel_loop3A_958, %parallel_loop3A_959] {strides = array<i32>} : memref<64x64xf32, #tpu.memory_space<vmem>>, vector<1x16xf32>,
        %parallel_loop3A_961 = vector.shape_cast %parallel_loop3A_960 : vector<1x16xf32> to vector<16xf32>
        %parallel_loop3A_962 = vector.shape_cast %parallel_loop3A_957 : vector<16xf32> to vector<1x16xf32>
        tpu.vector_store %arg14[%parallel_loop3A_958, %parallel_loop3A_959], %parallel_loop3A_962 {add = true, strides = array<i32>} : memref<64x64xf32, #tpu.memory_space<vmem>>, vector<1x16xf32>,
        %parallel_loop3A_963 = arith.constant 2 : i32
        %parallel_loop3A_964 = arith.addi %parallel_loop3A_832, %parallel_loop3A_963 : i32
        %parallel_loop3A_965 = arith.constant 2 : i32
        %parallel_loop3A_966 = arith.addi %parallel_loop3A_832, %parallel_loop3A_965 : i32
        %parallel_loop3A_967 = arith.index_cast %parallel_loop3A_966 : i32 to index
        %parallel_loop3A_968 = arith.constant 32 : index
        %parallel_loop3A_969 = tpu.vector_load %arg19[%parallel_loop3A_967, %parallel_loop3A_968] {strides = array<i32>} : memref<64x128xf32, #tpu.memory_space<vmem>>, vector<1x16xf32>,
        %parallel_loop3A_970 = vector.shape_cast %parallel_loop3A_969 : vector<1x16xf32> to vector<16xf32>
        %parallel_loop3A_971 = arith.index_cast %parallel_loop3A_964 : i32 to index
        %parallel_loop3A_972 = arith.constant 32 : index
        %parallel_loop3A_973 = tpu.vector_load %arg14[%parallel_loop3A_971, %parallel_loop3A_972] {strides = array<i32>} : memref<64x64xf32, #tpu.memory_space<vmem>>, vector<1x16xf32>,
        %parallel_loop3A_974 = vector.shape_cast %parallel_loop3A_973 : vector<1x16xf32> to vector<16xf32>
        %parallel_loop3A_975 = vector.shape_cast %parallel_loop3A_970 : vector<16xf32> to vector<1x16xf32>
        tpu.vector_store %arg14[%parallel_loop3A_971, %parallel_loop3A_972], %parallel_loop3A_975 {add = true, strides = array<i32>} : memref<64x64xf32, #tpu.memory_space<vmem>>, vector<1x16xf32>,
        %parallel_loop3A_976 = arith.constant 2 : i32
        %parallel_loop3A_977 = arith.addi %parallel_loop3A_832, %parallel_loop3A_976 : i32
        %parallel_loop3A_978 = arith.constant 2 : i32
        %parallel_loop3A_979 = arith.addi %parallel_loop3A_832, %parallel_loop3A_978 : i32
        %parallel_loop3A_980 = arith.index_cast %parallel_loop3A_979 : i32 to index
        %parallel_loop3A_981 = arith.constant 48 : index
        %parallel_loop3A_982 = tpu.vector_load %arg19[%parallel_loop3A_980, %parallel_loop3A_981] {strides = array<i32>} : memref<64x128xf32, #tpu.memory_space<vmem>>, vector<1x16xf32>,
        %parallel_loop3A_983 = vector.shape_cast %parallel_loop3A_982 : vector<1x16xf32> to vector<16xf32>
        %parallel_loop3A_984 = arith.index_cast %parallel_loop3A_977 : i32 to index
        %parallel_loop3A_985 = arith.constant 48 : index
        %parallel_loop3A_986 = tpu.vector_load %arg14[%parallel_loop3A_984, %parallel_loop3A_985] {strides = array<i32>} : memref<64x64xf32, #tpu.memory_space<vmem>>, vector<1x16xf32>,
        %parallel_loop3A_987 = vector.shape_cast %parallel_loop3A_986 : vector<1x16xf32> to vector<16xf32>
        %parallel_loop3A_988 = vector.shape_cast %parallel_loop3A_983 : vector<16xf32> to vector<1x16xf32>
        tpu.vector_store %arg14[%parallel_loop3A_984, %parallel_loop3A_985], %parallel_loop3A_988 {add = true, strides = array<i32>} : memref<64x64xf32, #tpu.memory_space<vmem>>, vector<1x16xf32>,
        %parallel_loop3A_989 = arith.constant 3 : i32
        %parallel_loop3A_990 = arith.addi %parallel_loop3A_832, %parallel_loop3A_989 : i32
        %parallel_loop3A_991 = arith.constant 3 : i32
        %parallel_loop3A_992 = arith.addi %parallel_loop3A_832, %parallel_loop3A_991 : i32
        %parallel_loop3A_993 = arith.index_cast %parallel_loop3A_992 : i32 to index
        %parallel_loop3A_994 = arith.constant 0 : index
        %parallel_loop3A_995 = tpu.vector_load %arg19[%parallel_loop3A_993, %parallel_loop3A_994] {strides = array<i32>} : memref<64x128xf32, #tpu.memory_space<vmem>>, vector<1x16xf32>,
        %parallel_loop3A_996 = vector.shape_cast %parallel_loop3A_995 : vector<1x16xf32> to vector<16xf32>
        %parallel_loop3A_997 = arith.index_cast %parallel_loop3A_990 : i32 to index
        %parallel_loop3A_998 = arith.constant 0 : index
        %parallel_loop3A_999 = tpu.vector_load %arg14[%parallel_loop3A_997, %parallel_loop3A_998] {strides = array<i32>} : memref<64x64xf32, #tpu.memory_space<vmem>>, vector<1x16xf32>,
        %parallel_loop3A_1000 = vector.shape_cast %parallel_loop3A_999 : vector<1x16xf32> to vector<16xf32>
        %parallel_loop3A_1001 = vector.shape_cast %parallel_loop3A_996 : vector<16xf32> to vector<1x16xf32>
        tpu.vector_store %arg14[%parallel_loop3A_997, %parallel_loop3A_998], %parallel_loop3A_1001 {add = true, strides = array<i32>} : memref<64x64xf32, #tpu.memory_space<vmem>>, vector<1x16xf32>,
        %parallel_loop3A_1002 = arith.constant 3 : i32
        %parallel_loop3A_1003 = arith.addi %parallel_loop3A_832, %parallel_loop3A_1002 : i32
        %parallel_loop3A_1004 = arith.constant 3 : i32
        %parallel_loop3A_1005 = arith.addi %parallel_loop3A_832, %parallel_loop3A_1004 : i32
        %parallel_loop3A_1006 = arith.index_cast %parallel_loop3A_1005 : i32 to index
        %parallel_loop3A_1007 = arith.constant 16 : index
        %parallel_loop3A_1008 = tpu.vector_load %arg19[%parallel_loop3A_1006, %parallel_loop3A_1007] {strides = array<i32>} : memref<64x128xf32, #tpu.memory_space<vmem>>, vector<1x16xf32>,
        %parallel_loop3A_1009 = vector.shape_cast %parallel_loop3A_1008 : vector<1x16xf32> to vector<16xf32>
        %parallel_loop3A_1010 = arith.index_cast %parallel_loop3A_1003 : i32 to index
        %parallel_loop3A_1011 = arith.constant 16 : index
        %parallel_loop3A_1012 = tpu.vector_load %arg14[%parallel_loop3A_1010, %parallel_loop3A_1011] {strides = array<i32>} : memref<64x64xf32, #tpu.memory_space<vmem>>, vector<1x16xf32>,
        %parallel_loop3A_1013 = vector.shape_cast %parallel_loop3A_1012 : vector<1x16xf32> to vector<16xf32>
        %parallel_loop3A_1014 = vector.shape_cast %parallel_loop3A_1009 : vector<16xf32> to vector<1x16xf32>
        tpu.vector_store %arg14[%parallel_loop3A_1010, %parallel_loop3A_1011], %parallel_loop3A_1014 {add = true, strides = array<i32>} : memref<64x64xf32, #tpu.memory_space<vmem>>, vector<1x16xf32>,
        %parallel_loop3A_1015 = arith.constant 3 : i32
        %parallel_loop3A_1016 = arith.addi %parallel_loop3A_832, %parallel_loop3A_1015 : i32
        %parallel_loop3A_1017 = arith.constant 3 : i32
        %parallel_loop3A_1018 = arith.addi %parallel_loop3A_832, %parallel_loop3A_1017 : i32
        %parallel_loop3A_1019 = arith.index_cast %parallel_loop3A_1018 : i32 to index
        %parallel_loop3A_1020 = arith.constant 32 : index
        %parallel_loop3A_1021 = tpu.vector_load %arg19[%parallel_loop3A_1019, %parallel_loop3A_1020] {strides = array<i32>} : memref<64x128xf32, #tpu.memory_space<vmem>>, vector<1x16xf32>,
        %parallel_loop3A_1022 = vector.shape_cast %parallel_loop3A_1021 : vector<1x16xf32> to vector<16xf32>
        %parallel_loop3A_1023 = arith.index_cast %parallel_loop3A_1016 : i32 to index
        %parallel_loop3A_1024 = arith.constant 32 : index
        %parallel_loop3A_1025 = tpu.vector_load %arg14[%parallel_loop3A_1023, %parallel_loop3A_1024] {strides = array<i32>} : memref<64x64xf32, #tpu.memory_space<vmem>>, vector<1x16xf32>,
        %parallel_loop3A_1026 = vector.shape_cast %parallel_loop3A_1025 : vector<1x16xf32> to vector<16xf32>
        %parallel_loop3A_1027 = vector.shape_cast %parallel_loop3A_1022 : vector<16xf32> to vector<1x16xf32>
        tpu.vector_store %arg14[%parallel_loop3A_1023, %parallel_loop3A_1024], %parallel_loop3A_1027 {add = true, strides = array<i32>} : memref<64x64xf32, #tpu.memory_space<vmem>>, vector<1x16xf32>,
        %parallel_loop3A_1028 = arith.constant 3 : i32
        %parallel_loop3A_1029 = arith.addi %parallel_loop3A_832, %parallel_loop3A_1028 : i32
        %parallel_loop3A_1030 = arith.constant 3 : i32
        %parallel_loop3A_1031 = arith.addi %parallel_loop3A_832, %parallel_loop3A_1030 : i32
        %parallel_loop3A_1032 = arith.index_cast %parallel_loop3A_1031 : i32 to index
        %parallel_loop3A_1033 = arith.constant 48 : index
        %parallel_loop3A_1034 = tpu.vector_load %arg19[%parallel_loop3A_1032, %parallel_loop3A_1033] {strides = array<i32>} : memref<64x128xf32, #tpu.memory_space<vmem>>, vector<1x16xf32>,
        %parallel_loop3A_1035 = vector.shape_cast %parallel_loop3A_1034 : vector<1x16xf32> to vector<16xf32>
        %parallel_loop3A_1036 = arith.index_cast %parallel_loop3A_1029 : i32 to index
        %parallel_loop3A_1037 = arith.constant 48 : index
        %parallel_loop3A_1038 = tpu.vector_load %arg14[%parallel_loop3A_1036, %parallel_loop3A_1037] {strides = array<i32>} : memref<64x64xf32, #tpu.memory_space<vmem>>, vector<1x16xf32>,
        %parallel_loop3A_1039 = vector.shape_cast %parallel_loop3A_1038 : vector<1x16xf32> to vector<16xf32>
        %parallel_loop3A_1040 = vector.shape_cast %parallel_loop3A_1035 : vector<16xf32> to vector<1x16xf32>
        tpu.vector_store %arg14[%parallel_loop3A_1036, %parallel_loop3A_1037], %parallel_loop3A_1040 {add = true, strides = array<i32>} : memref<64x64xf32, #tpu.memory_space<vmem>>, vector<1x16xf32>,
      } {sc.loop_unroll_factor = 4 : i64, sc.parallel_access}
      %add3A_749 = arith.constant 3 : i32
      %add3A_750 = arith.addi %mul3A_171, %add3A_749 : i32
      %mul3A_751 = arith.constant 64 : i32
      %mul3A_752 = arith.muli %add3A_750, %mul3A_751 : i32
      %add3A_753 = arith.addi %mul3A_2, %mul3A_752 : i32
      %dma_start3A_754 = arith.constant 0 : i32
      %dma_start3A_755 = tpu.memref_slice %arg5[%add3A_753, %dma_start3A_754] : memref<819200x64xf32, #tpu.memory_space<hbm>> -> memref<64x64xf32, #tpu.memory_space<hbm>>
      %dma_start3A_756 = arith.constant 0 : i32
      %dma_start3A_757 = tpu.memref_slice %arg5[%add3A_753, %dma_start3A_756] : memref<819200x64xf32, #tpu.memory_space<hbm>> -> memref<64x64xf32, #tpu.memory_space<hbm>>
      tpu.enqueue_dma source(%arg14 : memref<64x64xf32, #tpu.memory_space<vmem>>) target(%dma_start3A_757 : memref<64x64xf32, #tpu.memory_space<hbm>>) target_semaphore(%arg34 : memref<!tpu.dma_semaphore, #tpu.memory_space<semaphore_mem>>)
      %dma_wait3A_758 = arith.constant 0 : i32
      %dma_wait3A_759 = arith.constant 0 : i32
      %dma_wait3A_760 = tpu.memref_slice %arg10[%dma_wait3A_758, %dma_wait3A_759] : memref<1x64xi32, #tpu.memory_space<vmem>> -> memref<1x64xi32, #tpu.memory_space<vmem>>
      %dma_wait3A_761 = tpu.memref_squeeze %dma_wait3A_760 : memref<1x64xi32, #tpu.memory_space<vmem>> -> memref<64xi32, #tpu.memory_space<vmem>>
      %dma_wait3A_762 = arith.constant 0 : i32
      %dma_wait3A_763 = arith.constant 0 : i32
      %dma_wait3A_764 = tpu.memref_slice %arg4[%dma_wait3A_762, %dma_wait3A_763] : memref<100000x128xf32, #tpu.memory_space<hbm>> -> memref<100000x128xf32, #tpu.memory_space<hbm>>
      tpu.wait_indirect_dma semaphore(%arg30 : memref<!tpu.dma_semaphore, #tpu.memory_space<semaphore_mem>>) src(%dma_wait3A_764 : memref<100000x128xf32, #tpu.memory_space<hbm>>) dst(%arg20 : memref<64x128xf32, #tpu.memory_space<vmem>>)
      %parallel_loop3A_765 = arith.constant 0 : i32
      %parallel_loop3A_766 = arith.constant 16 : i32
      %parallel_loop3A_767 = arith.constant 1 : i32
      scf.for %parallel_loop3A_830 = %parallel_loop3A_765 to %parallel_loop3A_766 step %parallel_loop3A_767  : i32 {
        %parallel_loop3A_831 = arith.constant 4 : i32
        %parallel_loop3A_832 = arith.muli %parallel_loop3A_830, %parallel_loop3A_831 : i32
        %parallel_loop3A_833 = arith.constant 0 : i32
        %parallel_loop3A_834 = arith.addi %parallel_loop3A_832, %parallel_loop3A_833 : i32
        %parallel_loop3A_835 = arith.constant 0 : i32
        %parallel_loop3A_836 = arith.addi %parallel_loop3A_832, %parallel_loop3A_835 : i32
        %parallel_loop3A_837 = arith.index_cast %parallel_loop3A_836 : i32 to index
        %parallel_loop3A_838 = arith.constant 0 : index
        %parallel_loop3A_839 = tpu.vector_load %arg20[%parallel_loop3A_837, %parallel_loop3A_838] {strides = array<i32>} : memref<64x128xf32, #tpu.memory_space<vmem>>, vector<1x16xf32>,
        %parallel_loop3A_840 = vector.shape_cast %parallel_loop3A_839 : vector<1x16xf32> to vector<16xf32>
        %parallel_loop3A_841 = arith.index_cast %parallel_loop3A_834 : i32 to index
        %parallel_loop3A_842 = arith.constant 0 : index
        %parallel_loop3A_843 = tpu.vector_load %arg15[%parallel_loop3A_841, %parallel_loop3A_842] {strides = array<i32>} : memref<64x64xf32, #tpu.memory_space<vmem>>, vector<1x16xf32>,
        %parallel_loop3A_844 = vector.shape_cast %parallel_loop3A_843 : vector<1x16xf32> to vector<16xf32>
        %parallel_loop3A_845 = vector.shape_cast %parallel_loop3A_840 : vector<16xf32> to vector<1x16xf32>
        tpu.vector_store %arg15[%parallel_loop3A_841, %parallel_loop3A_842], %parallel_loop3A_845 {add = true, strides = array<i32>} : memref<64x64xf32, #tpu.memory_space<vmem>>, vector<1x16xf32>,
        %parallel_loop3A_846 = arith.constant 0 : i32
        %parallel_loop3A_847 = arith.addi %parallel_loop3A_832, %parallel_loop3A_846 : i32
        %parallel_loop3A_848 = arith.constant 0 : i32
        %parallel_loop3A_849 = arith.addi %parallel_loop3A_832, %parallel_loop3A_848 : i32
        %parallel_loop3A_850 = arith.index_cast %parallel_loop3A_849 : i32 to index
        %parallel_loop3A_851 = arith.constant 16 : index
        %parallel_loop3A_852 = tpu.vector_load %arg20[%parallel_loop3A_850, %parallel_loop3A_851] {strides = array<i32>} : memref<64x128xf32, #tpu.memory_space<vmem>>, vector<1x16xf32>,
        %parallel_loop3A_853 = vector.shape_cast %parallel_loop3A_852 : vector<1x16xf32> to vector<16xf32>
        %parallel_loop3A_854 = arith.index_cast %parallel_loop3A_847 : i32 to index
        %parallel_loop3A_855 = arith.constant 16 : index
        %parallel_loop3A_856 = tpu.vector_load %arg15[%parallel_loop3A_854, %parallel_loop3A_855] {strides = array<i32>} : memref<64x64xf32, #tpu.memory_space<vmem>>, vector<1x16xf32>,
        %parallel_loop3A_857 = vector.shape_cast %parallel_loop3A_856 : vector<1x16xf32> to vector<16xf32>
        %parallel_loop3A_858 = vector.shape_cast %parallel_loop3A_853 : vector<16xf32> to vector<1x16xf32>
        tpu.vector_store %arg15[%parallel_loop3A_854, %parallel_loop3A_855], %parallel_loop3A_858 {add = true, strides = array<i32>} : memref<64x64xf32, #tpu.memory_space<vmem>>, vector<1x16xf32>,
        %parallel_loop3A_859 = arith.constant 0 : i32
        %parallel_loop3A_860 = arith.addi %parallel_loop3A_832, %parallel_loop3A_859 : i32
        %parallel_loop3A_861 = arith.constant 0 : i32
        %parallel_loop3A_862 = arith.addi %parallel_loop3A_832, %parallel_loop3A_861 : i32
        %parallel_loop3A_863 = arith.index_cast %parallel_loop3A_862 : i32 to index
        %parallel_loop3A_864 = arith.constant 32 : index
        %parallel_loop3A_865 = tpu.vector_load %arg20[%parallel_loop3A_863, %parallel_loop3A_864] {strides = array<i32>} : memref<64x128xf32, #tpu.memory_space<vmem>>, vector<1x16xf32>,
        %parallel_loop3A_866 = vector.shape_cast %parallel_loop3A_865 : vector<1x16xf32> to vector<16xf32>
        %parallel_loop3A_867 = arith.index_cast %parallel_loop3A_860 : i32 to index
        %parallel_loop3A_868 = arith.constant 32 : index
        %parallel_loop3A_869 = tpu.vector_load %arg15[%parallel_loop3A_867, %parallel_loop3A_868] {strides = array<i32>} : memref<64x64xf32, #tpu.memory_space<vmem>>, vector<1x16xf32>,
        %parallel_loop3A_870 = vector.shape_cast %parallel_loop3A_869 : vector<1x16xf32> to vector<16xf32>
        %parallel_loop3A_871 = vector.shape_cast %parallel_loop3A_866 : vector<16xf32> to vector<1x16xf32>
        tpu.vector_store %arg15[%parallel_loop3A_867, %parallel_loop3A_868], %parallel_loop3A_871 {add = true, strides = array<i32>} : memref<64x64xf32, #tpu.memory_space<vmem>>, vector<1x16xf32>,
        %parallel_loop3A_872 = arith.constant 0 : i32
        %parallel_loop3A_873 = arith.addi %parallel_loop3A_832, %parallel_loop3A_872 : i32
        %parallel_loop3A_874 = arith.constant 0 : i32
        %parallel_loop3A_875 = arith.addi %parallel_loop3A_832, %parallel_loop3A_874 : i32
        %parallel_loop3A_876 = arith.index_cast %parallel_loop3A_875 : i32 to index
        %parallel_loop3A_877 = arith.constant 48 : index
        %parallel_loop3A_878 = tpu.vector_load %arg20[%parallel_loop3A_876, %parallel_loop3A_877] {strides = array<i32>} : memref<64x128xf32, #tpu.memory_space<vmem>>, vector<1x16xf32>,
        %parallel_loop3A_879 = vector.shape_cast %parallel_loop3A_878 : vector<1x16xf32> to vector<16xf32>
        %parallel_loop3A_880 = arith.index_cast %parallel_loop3A_873 : i32 to index
        %parallel_loop3A_881 = arith.constant 48 : index
        %parallel_loop3A_882 = tpu.vector_load %arg15[%parallel_loop3A_880, %parallel_loop3A_881] {strides = array<i32>} : memref<64x64xf32, #tpu.memory_space<vmem>>, vector<1x16xf32>,
        %parallel_loop3A_883 = vector.shape_cast %parallel_loop3A_882 : vector<1x16xf32> to vector<16xf32>
        %parallel_loop3A_884 = vector.shape_cast %parallel_loop3A_879 : vector<16xf32> to vector<1x16xf32>
        tpu.vector_store %arg15[%parallel_loop3A_880, %parallel_loop3A_881], %parallel_loop3A_884 {add = true, strides = array<i32>} : memref<64x64xf32, #tpu.memory_space<vmem>>, vector<1x16xf32>,
        %parallel_loop3A_885 = arith.constant 1 : i32
        %parallel_loop3A_886 = arith.addi %parallel_loop3A_832, %parallel_loop3A_885 : i32
        %parallel_loop3A_887 = arith.constant 1 : i32
        %parallel_loop3A_888 = arith.addi %parallel_loop3A_832, %parallel_loop3A_887 : i32
        %parallel_loop3A_889 = arith.index_cast %parallel_loop3A_888 : i32 to index
        %parallel_loop3A_890 = arith.constant 0 : index
        %parallel_loop3A_891 = tpu.vector_load %arg20[%parallel_loop3A_889, %parallel_loop3A_890] {strides = array<i32>} : memref<64x128xf32, #tpu.memory_space<vmem>>, vector<1x16xf32>,
        %parallel_loop3A_892 = vector.shape_cast %parallel_loop3A_891 : vector<1x16xf32> to vector<16xf32>
        %parallel_loop3A_893 = arith.index_cast %parallel_loop3A_886 : i32 to index
        %parallel_loop3A_894 = arith.constant 0 : index
        %parallel_loop3A_895 = tpu.vector_load %arg15[%parallel_loop3A_893, %parallel_loop3A_894] {strides = array<i32>} : memref<64x64xf32, #tpu.memory_space<vmem>>, vector<1x16xf32>,
        %parallel_loop3A_896 = vector.shape_cast %parallel_loop3A_895 : vector<1x16xf32> to vector<16xf32>
        %parallel_loop3A_897 = vector.shape_cast %parallel_loop3A_892 : vector<16xf32> to vector<1x16xf32>
        tpu.vector_store %arg15[%parallel_loop3A_893, %parallel_loop3A_894], %parallel_loop3A_897 {add = true, strides = array<i32>} : memref<64x64xf32, #tpu.memory_space<vmem>>, vector<1x16xf32>,
        %parallel_loop3A_898 = arith.constant 1 : i32
        %parallel_loop3A_899 = arith.addi %parallel_loop3A_832, %parallel_loop3A_898 : i32
        %parallel_loop3A_900 = arith.constant 1 : i32
        %parallel_loop3A_901 = arith.addi %parallel_loop3A_832, %parallel_loop3A_900 : i32
        %parallel_loop3A_902 = arith.index_cast %parallel_loop3A_901 : i32 to index
        %parallel_loop3A_903 = arith.constant 16 : index
        %parallel_loop3A_904 = tpu.vector_load %arg20[%parallel_loop3A_902, %parallel_loop3A_903] {strides = array<i32>} : memref<64x128xf32, #tpu.memory_space<vmem>>, vector<1x16xf32>,
        %parallel_loop3A_905 = vector.shape_cast %parallel_loop3A_904 : vector<1x16xf32> to vector<16xf32>
        %parallel_loop3A_906 = arith.index_cast %parallel_loop3A_899 : i32 to index
        %parallel_loop3A_907 = arith.constant 16 : index
        %parallel_loop3A_908 = tpu.vector_load %arg15[%parallel_loop3A_906, %parallel_loop3A_907] {strides = array<i32>} : memref<64x64xf32, #tpu.memory_space<vmem>>, vector<1x16xf32>,
        %parallel_loop3A_909 = vector.shape_cast %parallel_loop3A_908 : vector<1x16xf32> to vector<16xf32>
        %parallel_loop3A_910 = vector.shape_cast %parallel_loop3A_905 : vector<16xf32> to vector<1x16xf32>
        tpu.vector_store %arg15[%parallel_loop3A_906, %parallel_loop3A_907], %parallel_loop3A_910 {add = true, strides = array<i32>} : memref<64x64xf32, #tpu.memory_space<vmem>>, vector<1x16xf32>,
        %parallel_loop3A_911 = arith.constant 1 : i32
        %parallel_loop3A_912 = arith.addi %parallel_loop3A_832, %parallel_loop3A_911 : i32
        %parallel_loop3A_913 = arith.constant 1 : i32
        %parallel_loop3A_914 = arith.addi %parallel_loop3A_832, %parallel_loop3A_913 : i32
        %parallel_loop3A_915 = arith.index_cast %parallel_loop3A_914 : i32 to index
        %parallel_loop3A_916 = arith.constant 32 : index
        %parallel_loop3A_917 = tpu.vector_load %arg20[%parallel_loop3A_915, %parallel_loop3A_916] {strides = array<i32>} : memref<64x128xf32, #tpu.memory_space<vmem>>, vector<1x16xf32>,
        %parallel_loop3A_918 = vector.shape_cast %parallel_loop3A_917 : vector<1x16xf32> to vector<16xf32>
        %parallel_loop3A_919 = arith.index_cast %parallel_loop3A_912 : i32 to index
        %parallel_loop3A_920 = arith.constant 32 : index
        %parallel_loop3A_921 = tpu.vector_load %arg15[%parallel_loop3A_919, %parallel_loop3A_920] {strides = array<i32>} : memref<64x64xf32, #tpu.memory_space<vmem>>, vector<1x16xf32>,
        %parallel_loop3A_922 = vector.shape_cast %parallel_loop3A_921 : vector<1x16xf32> to vector<16xf32>
        %parallel_loop3A_923 = vector.shape_cast %parallel_loop3A_918 : vector<16xf32> to vector<1x16xf32>
        tpu.vector_store %arg15[%parallel_loop3A_919, %parallel_loop3A_920], %parallel_loop3A_923 {add = true, strides = array<i32>} : memref<64x64xf32, #tpu.memory_space<vmem>>, vector<1x16xf32>,
        %parallel_loop3A_924 = arith.constant 1 : i32
        %parallel_loop3A_925 = arith.addi %parallel_loop3A_832, %parallel_loop3A_924 : i32
        %parallel_loop3A_926 = arith.constant 1 : i32
        %parallel_loop3A_927 = arith.addi %parallel_loop3A_832, %parallel_loop3A_926 : i32
        %parallel_loop3A_928 = arith.index_cast %parallel_loop3A_927 : i32 to index
        %parallel_loop3A_929 = arith.constant 48 : index
        %parallel_loop3A_930 = tpu.vector_load %arg20[%parallel_loop3A_928, %parallel_loop3A_929] {strides = array<i32>} : memref<64x128xf32, #tpu.memory_space<vmem>>, vector<1x16xf32>,
        %parallel_loop3A_931 = vector.shape_cast %parallel_loop3A_930 : vector<1x16xf32> to vector<16xf32>
        %parallel_loop3A_932 = arith.index_cast %parallel_loop3A_925 : i32 to index
        %parallel_loop3A_933 = arith.constant 48 : index
        %parallel_loop3A_934 = tpu.vector_load %arg15[%parallel_loop3A_932, %parallel_loop3A_933] {strides = array<i32>} : memref<64x64xf32, #tpu.memory_space<vmem>>, vector<1x16xf32>,
        %parallel_loop3A_935 = vector.shape_cast %parallel_loop3A_934 : vector<1x16xf32> to vector<16xf32>
        %parallel_loop3A_936 = vector.shape_cast %parallel_loop3A_931 : vector<16xf32> to vector<1x16xf32>
        tpu.vector_store %arg15[%parallel_loop3A_932, %parallel_loop3A_933], %parallel_loop3A_936 {add = true, strides = array<i32>} : memref<64x64xf32, #tpu.memory_space<vmem>>, vector<1x16xf32>,
        %parallel_loop3A_937 = arith.constant 2 : i32
        %parallel_loop3A_938 = arith.addi %parallel_loop3A_832, %parallel_loop3A_937 : i32
        %parallel_loop3A_939 = arith.constant 2 : i32
        %parallel_loop3A_940 = arith.addi %parallel_loop3A_832, %parallel_loop3A_939 : i32
        %parallel_loop3A_941 = arith.index_cast %parallel_loop3A_940 : i32 to index
        %parallel_loop3A_942 = arith.constant 0 : index
        %parallel_loop3A_943 = tpu.vector_load %arg20[%parallel_loop3A_941, %parallel_loop3A_942] {strides = array<i32>} : memref<64x128xf32, #tpu.memory_space<vmem>>, vector<1x16xf32>,
        %parallel_loop3A_944 = vector.shape_cast %parallel_loop3A_943 : vector<1x16xf32> to vector<16xf32>
        %parallel_loop3A_945 = arith.index_cast %parallel_loop3A_938 : i32 to index
        %parallel_loop3A_946 = arith.constant 0 : index
        %parallel_loop3A_947 = tpu.vector_load %arg15[%parallel_loop3A_945, %parallel_loop3A_946] {strides = array<i32>} : memref<64x64xf32, #tpu.memory_space<vmem>>, vector<1x16xf32>,
        %parallel_loop3A_948 = vector.shape_cast %parallel_loop3A_947 : vector<1x16xf32> to vector<16xf32>
        %parallel_loop3A_949 = vector.shape_cast %parallel_loop3A_944 : vector<16xf32> to vector<1x16xf32>
        tpu.vector_store %arg15[%parallel_loop3A_945, %parallel_loop3A_946], %parallel_loop3A_949 {add = true, strides = array<i32>} : memref<64x64xf32, #tpu.memory_space<vmem>>, vector<1x16xf32>,
        %parallel_loop3A_950 = arith.constant 2 : i32
        %parallel_loop3A_951 = arith.addi %parallel_loop3A_832, %parallel_loop3A_950 : i32
        %parallel_loop3A_952 = arith.constant 2 : i32
        %parallel_loop3A_953 = arith.addi %parallel_loop3A_832, %parallel_loop3A_952 : i32
        %parallel_loop3A_954 = arith.index_cast %parallel_loop3A_953 : i32 to index
        %parallel_loop3A_955 = arith.constant 16 : index
        %parallel_loop3A_956 = tpu.vector_load %arg20[%parallel_loop3A_954, %parallel_loop3A_955] {strides = array<i32>} : memref<64x128xf32, #tpu.memory_space<vmem>>, vector<1x16xf32>,
        %parallel_loop3A_957 = vector.shape_cast %parallel_loop3A_956 : vector<1x16xf32> to vector<16xf32>
        %parallel_loop3A_958 = arith.index_cast %parallel_loop3A_951 : i32 to index
        %parallel_loop3A_959 = arith.constant 16 : index
        %parallel_loop3A_960 = tpu.vector_load %arg15[%parallel_loop3A_958, %parallel_loop3A_959] {strides = array<i32>} : memref<64x64xf32, #tpu.memory_space<vmem>>, vector<1x16xf32>,
        %parallel_loop3A_961 = vector.shape_cast %parallel_loop3A_960 : vector<1x16xf32> to vector<16xf32>
        %parallel_loop3A_962 = vector.shape_cast %parallel_loop3A_957 : vector<16xf32> to vector<1x16xf32>
        tpu.vector_store %arg15[%parallel_loop3A_958, %parallel_loop3A_959], %parallel_loop3A_962 {add = true, strides = array<i32>} : memref<64x64xf32, #tpu.memory_space<vmem>>, vector<1x16xf32>,
        %parallel_loop3A_963 = arith.constant 2 : i32
        %parallel_loop3A_964 = arith.addi %parallel_loop3A_832, %parallel_loop3A_963 : i32
        %parallel_loop3A_965 = arith.constant 2 : i32
        %parallel_loop3A_966 = arith.addi %parallel_loop3A_832, %parallel_loop3A_965 : i32
        %parallel_loop3A_967 = arith.index_cast %parallel_loop3A_966 : i32 to index
        %parallel_loop3A_968 = arith.constant 32 : index
        %parallel_loop3A_969 = tpu.vector_load %arg20[%parallel_loop3A_967, %parallel_loop3A_968] {strides = array<i32>} : memref<64x128xf32, #tpu.memory_space<vmem>>, vector<1x16xf32>,
        %parallel_loop3A_970 = vector.shape_cast %parallel_loop3A_969 : vector<1x16xf32> to vector<16xf32>
        %parallel_loop3A_971 = arith.index_cast %parallel_loop3A_964 : i32 to index
        %parallel_loop3A_972 = arith.constant 32 : index
        %parallel_loop3A_973 = tpu.vector_load %arg15[%parallel_loop3A_971, %parallel_loop3A_972] {strides = array<i32>} : memref<64x64xf32, #tpu.memory_space<vmem>>, vector<1x16xf32>,
        %parallel_loop3A_974 = vector.shape_cast %parallel_loop3A_973 : vector<1x16xf32> to vector<16xf32>
        %parallel_loop3A_975 = vector.shape_cast %parallel_loop3A_970 : vector<16xf32> to vector<1x16xf32>
        tpu.vector_store %arg15[%parallel_loop3A_971, %parallel_loop3A_972], %parallel_loop3A_975 {add = true, strides = array<i32>} : memref<64x64xf32, #tpu.memory_space<vmem>>, vector<1x16xf32>,
        %parallel_loop3A_976 = arith.constant 2 : i32
        %parallel_loop3A_977 = arith.addi %parallel_loop3A_832, %parallel_loop3A_976 : i32
        %parallel_loop3A_978 = arith.constant 2 : i32
        %parallel_loop3A_979 = arith.addi %parallel_loop3A_832, %parallel_loop3A_978 : i32
        %parallel_loop3A_980 = arith.index_cast %parallel_loop3A_979 : i32 to index
        %parallel_loop3A_981 = arith.constant 48 : index
        %parallel_loop3A_982 = tpu.vector_load %arg20[%parallel_loop3A_980, %parallel_loop3A_981] {strides = array<i32>} : memref<64x128xf32, #tpu.memory_space<vmem>>, vector<1x16xf32>,
        %parallel_loop3A_983 = vector.shape_cast %parallel_loop3A_982 : vector<1x16xf32> to vector<16xf32>
        %parallel_loop3A_984 = arith.index_cast %parallel_loop3A_977 : i32 to index
        %parallel_loop3A_985 = arith.constant 48 : index
        %parallel_loop3A_986 = tpu.vector_load %arg15[%parallel_loop3A_984, %parallel_loop3A_985] {strides = array<i32>} : memref<64x64xf32, #tpu.memory_space<vmem>>, vector<1x16xf32>,
        %parallel_loop3A_987 = vector.shape_cast %parallel_loop3A_986 : vector<1x16xf32> to vector<16xf32>
        %parallel_loop3A_988 = vector.shape_cast %parallel_loop3A_983 : vector<16xf32> to vector<1x16xf32>
        tpu.vector_store %arg15[%parallel_loop3A_984, %parallel_loop3A_985], %parallel_loop3A_988 {add = true, strides = array<i32>} : memref<64x64xf32, #tpu.memory_space<vmem>>, vector<1x16xf32>,
        %parallel_loop3A_989 = arith.constant 3 : i32
        %parallel_loop3A_990 = arith.addi %parallel_loop3A_832, %parallel_loop3A_989 : i32
        %parallel_loop3A_991 = arith.constant 3 : i32
        %parallel_loop3A_992 = arith.addi %parallel_loop3A_832, %parallel_loop3A_991 : i32
        %parallel_loop3A_993 = arith.index_cast %parallel_loop3A_992 : i32 to index
        %parallel_loop3A_994 = arith.constant 0 : index
        %parallel_loop3A_995 = tpu.vector_load %arg20[%parallel_loop3A_993, %parallel_loop3A_994] {strides = array<i32>} : memref<64x128xf32, #tpu.memory_space<vmem>>, vector<1x16xf32>,
        %parallel_loop3A_996 = vector.shape_cast %parallel_loop3A_995 : vector<1x16xf32> to vector<16xf32>
        %parallel_loop3A_997 = arith.index_cast %parallel_loop3A_990 : i32 to index
        %parallel_loop3A_998 = arith.constant 0 : index
        %parallel_loop3A_999 = tpu.vector_load %arg15[%parallel_loop3A_997, %parallel_loop3A_998] {strides = array<i32>} : memref<64x64xf32, #tpu.memory_space<vmem>>, vector<1x16xf32>,
        %parallel_loop3A_1000 = vector.shape_cast %parallel_loop3A_999 : vector<1x16xf32> to vector<16xf32>
        %parallel_loop3A_1001 = vector.shape_cast %parallel_loop3A_996 : vector<16xf32> to vector<1x16xf32>
        tpu.vector_store %arg15[%parallel_loop3A_997, %parallel_loop3A_998], %parallel_loop3A_1001 {add = true, strides = array<i32>} : memref<64x64xf32, #tpu.memory_space<vmem>>, vector<1x16xf32>,
        %parallel_loop3A_1002 = arith.constant 3 : i32
        %parallel_loop3A_1003 = arith.addi %parallel_loop3A_832, %parallel_loop3A_1002 : i32
        %parallel_loop3A_1004 = arith.constant 3 : i32
        %parallel_loop3A_1005 = arith.addi %parallel_loop3A_832, %parallel_loop3A_1004 : i32
        %parallel_loop3A_1006 = arith.index_cast %parallel_loop3A_1005 : i32 to index
        %parallel_loop3A_1007 = arith.constant 16 : index
        %parallel_loop3A_1008 = tpu.vector_load %arg20[%parallel_loop3A_1006, %parallel_loop3A_1007] {strides = array<i32>} : memref<64x128xf32, #tpu.memory_space<vmem>>, vector<1x16xf32>,
        %parallel_loop3A_1009 = vector.shape_cast %parallel_loop3A_1008 : vector<1x16xf32> to vector<16xf32>
        %parallel_loop3A_1010 = arith.index_cast %parallel_loop3A_1003 : i32 to index
        %parallel_loop3A_1011 = arith.constant 16 : index
        %parallel_loop3A_1012 = tpu.vector_load %arg15[%parallel_loop3A_1010, %parallel_loop3A_1011] {strides = array<i32>} : memref<64x64xf32, #tpu.memory_space<vmem>>, vector<1x16xf32>,
        %parallel_loop3A_1013 = vector.shape_cast %parallel_loop3A_1012 : vector<1x16xf32> to vector<16xf32>
        %parallel_loop3A_1014 = vector.shape_cast %parallel_loop3A_1009 : vector<16xf32> to vector<1x16xf32>
        tpu.vector_store %arg15[%parallel_loop3A_1010, %parallel_loop3A_1011], %parallel_loop3A_1014 {add = true, strides = array<i32>} : memref<64x64xf32, #tpu.memory_space<vmem>>, vector<1x16xf32>,
        %parallel_loop3A_1015 = arith.constant 3 : i32
        %parallel_loop3A_1016 = arith.addi %parallel_loop3A_832, %parallel_loop3A_1015 : i32
        %parallel_loop3A_1017 = arith.constant 3 : i32
        %parallel_loop3A_1018 = arith.addi %parallel_loop3A_832, %parallel_loop3A_1017 : i32
        %parallel_loop3A_1019 = arith.index_cast %parallel_loop3A_1018 : i32 to index
        %parallel_loop3A_1020 = arith.constant 32 : index
        %parallel_loop3A_1021 = tpu.vector_load %arg20[%parallel_loop3A_1019, %parallel_loop3A_1020] {strides = array<i32>} : memref<64x128xf32, #tpu.memory_space<vmem>>, vector<1x16xf32>,
        %parallel_loop3A_1022 = vector.shape_cast %parallel_loop3A_1021 : vector<1x16xf32> to vector<16xf32>
        %parallel_loop3A_1023 = arith.index_cast %parallel_loop3A_1016 : i32 to index
        %parallel_loop3A_1024 = arith.constant 32 : index
        %parallel_loop3A_1025 = tpu.vector_load %arg15[%parallel_loop3A_1023, %parallel_loop3A_1024] {strides = array<i32>} : memref<64x64xf32, #tpu.memory_space<vmem>>, vector<1x16xf32>,
        %parallel_loop3A_1026 = vector.shape_cast %parallel_loop3A_1025 : vector<1x16xf32> to vector<16xf32>
        %parallel_loop3A_1027 = vector.shape_cast %parallel_loop3A_1022 : vector<16xf32> to vector<1x16xf32>
        tpu.vector_store %arg15[%parallel_loop3A_1023, %parallel_loop3A_1024], %parallel_loop3A_1027 {add = true, strides = array<i32>} : memref<64x64xf32, #tpu.memory_space<vmem>>, vector<1x16xf32>,
        %parallel_loop3A_1028 = arith.constant 3 : i32
        %parallel_loop3A_1029 = arith.addi %parallel_loop3A_832, %parallel_loop3A_1028 : i32
        %parallel_loop3A_1030 = arith.constant 3 : i32
        %parallel_loop3A_1031 = arith.addi %parallel_loop3A_832, %parallel_loop3A_1030 : i32
        %parallel_loop3A_1032 = arith.index_cast %parallel_loop3A_1031 : i32 to index
        %parallel_loop3A_1033 = arith.constant 48 : index
        %parallel_loop3A_1034 = tpu.vector_load %arg20[%parallel_loop3A_1032, %parallel_loop3A_1033] {strides = array<i32>} : memref<64x128xf32, #tpu.memory_space<vmem>>, vector<1x16xf32>,
        %parallel_loop3A_1035 = vector.shape_cast %parallel_loop3A_1034 : vector<1x16xf32> to vector<16xf32>
        %parallel_loop3A_1036 = arith.index_cast %parallel_loop3A_1029 : i32 to index
        %parallel_loop3A_1037 = arith.constant 48 : index
        %parallel_loop3A_1038 = tpu.vector_load %arg15[%parallel_loop3A_1036, %parallel_loop3A_1037] {strides = array<i32>} : memref<64x64xf32, #tpu.memory_space<vmem>>, vector<1x16xf32>,
        %parallel_loop3A_1039 = vector.shape_cast %parallel_loop3A_1038 : vector<1x16xf32> to vector<16xf32>
        %parallel_loop3A_1040 = vector.shape_cast %parallel_loop3A_1035 : vector<16xf32> to vector<1x16xf32>
        tpu.vector_store %arg15[%parallel_loop3A_1036, %parallel_loop3A_1037], %parallel_loop3A_1040 {add = true, strides = array<i32>} : memref<64x64xf32, #tpu.memory_space<vmem>>, vector<1x16xf32>,
      } {sc.loop_unroll_factor = 4 : i64, sc.parallel_access}
      %add3A_768 = arith.constant 4 : i32
      %add3A_769 = arith.addi %mul3A_171, %add3A_768 : i32
      %mul3A_770 = arith.constant 64 : i32
      %mul3A_771 = arith.muli %add3A_769, %mul3A_770 : i32
      %add3A_772 = arith.addi %mul3A_2, %mul3A_771 : i32
      %dma_start3A_773 = arith.constant 0 : i32
      %dma_start3A_774 = tpu.memref_slice %arg5[%add3A_772, %dma_start3A_773] : memref<819200x64xf32, #tpu.memory_space<hbm>> -> memref<64x64xf32, #tpu.memory_space<hbm>>
      %dma_start3A_775 = arith.constant 0 : i32
      %dma_start3A_776 = tpu.memref_slice %arg5[%add3A_772, %dma_start3A_775] : memref<819200x64xf32, #tpu.memory_space<hbm>> -> memref<64x64xf32, #tpu.memory_space<hbm>>
      tpu.enqueue_dma source(%arg15 : memref<64x64xf32, #tpu.memory_space<vmem>>) target(%dma_start3A_776 : memref<64x64xf32, #tpu.memory_space<hbm>>) target_semaphore(%arg35 : memref<!tpu.dma_semaphore, #tpu.memory_space<semaphore_mem>>)
      %dma_wait3A_777 = arith.constant 0 : i32
      %dma_wait3A_778 = arith.constant 0 : i32
      %dma_wait3A_779 = tpu.memref_slice %arg5[%dma_wait3A_777, %dma_wait3A_778] : memref<819200x64xf32, #tpu.memory_space<hbm>> -> memref<64x64xf32, #tpu.memory_space<hbm>>
      %dma_wait3A_780 = arith.constant 0 : i32
      %dma_wait3A_781 = arith.constant 0 : i32
      %dma_wait3A_782 = tpu.memref_slice %arg5[%dma_wait3A_780, %dma_wait3A_781] : memref<819200x64xf32, #tpu.memory_space<hbm>> -> memref<64x64xf32, #tpu.memory_space<hbm>>
      tpu.wait_dma2 semaphore(%arg31 : memref<!tpu.dma_semaphore, #tpu.memory_space<semaphore_mem>>) src(%arg11 : memref<64x64xf32, #tpu.memory_space<vmem>>) dst(%dma_wait3A_782 : memref<64x64xf32, #tpu.memory_space<hbm>>)
      %lt3A_783 = arith.constant 79 : i32
      %lt3A_784 = arith.cmpi slt, %scan3A_169, %lt3A_783 : i32
      %convert_element_type3A = arith.extui %lt3A_784 : i1 to i32
      %cond3A = arith.constant 0 : i32
      %cond3A_785 = arith.cmpi ne, %convert_element_type3A, %cond3A : i32
      scf.if %cond3A_785 {
        %add3A_830 = arith.constant 5 : i32
        %add3A_831 = arith.addi %mul3A_171, %add3A_830 : i32
        %add3A_832 = arith.constant 0 : i32
        %add3A_833 = arith.addi %add3A_831, %add3A_832 : i32
        %mul3A_834 = arith.constant 64 : i32
        %mul3A_835 = arith.muli %add3A_833, %mul3A_834 : i32
        %add3A_836 = arith.addi %mul3A_2, %mul3A_835 : i32
        %jit3A_837 = arith.constant 64 : i32
        %div3A_838 = arith.divsi %add3A_836, %jit3A_837 : i32
        %sign3A_839 = arith.constant 0 : i32
        %sign3A_840 = arith.cmpi sgt, %add3A_836, %sign3A_839 : i32
        %sign3A_841 = arith.extui %sign3A_840 : i1 to i32
        %sign3A_842 = arith.constant 0 : i32
        %sign3A_843 = arith.cmpi slt, %add3A_836, %sign3A_842 : i32
        %sign3A_844 = arith.extui %sign3A_843 : i1 to i32
        %sign3A_845 = arith.subi %sign3A_841, %sign3A_844 : i32
        %sign3A_846 = arith.constant 0 : i32
        %sign3A_847 = arith.cmpi sgt, %jit3A_837, %sign3A_846 : i32
        %sign3A_848 = arith.extui %sign3A_847 : i1 to i32
        %sign3A_849 = arith.constant 0 : i32
        %sign3A_850 = arith.cmpi slt, %jit3A_837, %sign3A_849 : i32
        %sign3A_851 = arith.extui %sign3A_850 : i1 to i32
        %sign3A_852 = arith.subi %sign3A_848, %sign3A_851 : i32
        %ne3A_853 = arith.cmpi ne, %sign3A_845, %sign3A_852 : i32
        %rem3A_854 = arith.remsi %add3A_836, %jit3A_837 : i32
        %ne3A_855 = arith.constant 0 : i32
        %ne3A_856 = arith.cmpi ne, %rem3A_854, %ne3A_855 : i32
        %and3A_857 = arith.andi %ne3A_853, %ne3A_856 : i1
        %sub3A_858 = arith.constant 1 : i32
        %sub3A_859 = arith.subi %div3A_838, %sub3A_858 : i32
        %select_n3A_860 = arith.select %and3A_857, %sub3A_859, %div3A_838 : i32
        %dma_start3A_861 = arith.constant 0 : i32
        %dma_start3A_862 = tpu.memref_slice %arg3[%select_n3A_860, %dma_start3A_861] : memref<12800x64xi32, #tpu.memory_space<hbm>> -> memref<1x64xi32, #tpu.memory_space<hbm>>
        %dma_start3A_863 = arith.constant 0 : i32
        %dma_start3A_864 = tpu.memref_slice %arg3[%select_n3A_860, %dma_start3A_863] : memref<12800x64xi32, #tpu.memory_space<hbm>> -> memref<1x64xi32, #tpu.memory_space<hbm>>
        tpu.enqueue_dma source(%dma_start3A_864 : memref<1x64xi32, #tpu.memory_space<hbm>>) target(%arg6 : memref<1x64xi32, #tpu.memory_space<vmem>>) target_semaphore(%arg21 : memref<!tpu.dma_semaphore, #tpu.memory_space<semaphore_mem>>)
        %dma_start3A_865 = arith.constant 0 : i32
        %dma_start3A_866 = tpu.memref_slice %arg2[%add3A_836, %dma_start3A_865] : memref<819200x64xf32, #tpu.memory_space<hbm>> -> memref<64x64xf32, #tpu.memory_space<hbm>>
        %dma_start3A_867 = arith.constant 0 : i32
        %dma_start3A_868 = tpu.memref_slice %arg2[%add3A_836, %dma_start3A_867] : memref<819200x64xf32, #tpu.memory_space<hbm>> -> memref<64x64xf32, #tpu.memory_space<hbm>>
        tpu.enqueue_dma source(%dma_start3A_868 : memref<64x64xf32, #tpu.memory_space<hbm>>) target(%arg11 : memref<64x64xf32, #tpu.memory_space<vmem>>) target_semaphore(%arg21 : memref<!tpu.dma_semaphore, #tpu.memory_space<semaphore_mem>>)
      } else {
      }
      %dma_wait3A_786 = arith.constant 0 : i32
      %dma_wait3A_787 = arith.constant 0 : i32
      %dma_wait3A_788 = tpu.memref_slice %arg5[%dma_wait3A_786, %dma_wait3A_787] : memref<819200x64xf32, #tpu.memory_space<hbm>> -> memref<64x64xf32, #tpu.memory_space<hbm>>
      %dma_wait3A_789 = arith.constant 0 : i32
      %dma_wait3A_790 = arith.constant 0 : i32
      %dma_wait3A_791 = tpu.memref_slice %arg5[%dma_wait3A_789, %dma_wait3A_790] : memref<819200x64xf32, #tpu.memory_space<hbm>> -> memref<64x64xf32, #tpu.memory_space<hbm>>
      tpu.wait_dma2 semaphore(%arg32 : memref<!tpu.dma_semaphore, #tpu.memory_space<semaphore_mem>>) src(%arg12 : memref<64x64xf32, #tpu.memory_space<vmem>>) dst(%dma_wait3A_791 : memref<64x64xf32, #tpu.memory_space<hbm>>)
      %lt3A_792 = arith.constant 79 : i32
      %lt3A_793 = arith.cmpi slt, %scan3A_169, %lt3A_792 : i32
      %convert_element_type3A_794 = arith.extui %lt3A_793 : i1 to i32
      %cond3A_795 = arith.constant 0 : i32
      %cond3A_796 = arith.cmpi ne, %convert_element_type3A_794, %cond3A_795 : i32
      scf.if %cond3A_796 {
        %add3A_830 = arith.constant 5 : i32
        %add3A_831 = arith.addi %mul3A_171, %add3A_830 : i32
        %add3A_832 = arith.constant 1 : i32
        %add3A_833 = arith.addi %add3A_831, %add3A_832 : i32
        %mul3A_834 = arith.constant 64 : i32
        %mul3A_835 = arith.muli %add3A_833, %mul3A_834 : i32
        %add3A_836 = arith.addi %mul3A_2, %mul3A_835 : i32
        %jit3A_837 = arith.constant 64 : i32
        %div3A_838 = arith.divsi %add3A_836, %jit3A_837 : i32
        %sign3A_839 = arith.constant 0 : i32
        %sign3A_840 = arith.cmpi sgt, %add3A_836, %sign3A_839 : i32
        %sign3A_841 = arith.extui %sign3A_840 : i1 to i32
        %sign3A_842 = arith.constant 0 : i32
        %sign3A_843 = arith.cmpi slt, %add3A_836, %sign3A_842 : i32
        %sign3A_844 = arith.extui %sign3A_843 : i1 to i32
        %sign3A_845 = arith.subi %sign3A_841, %sign3A_844 : i32
        %sign3A_846 = arith.constant 0 : i32
        %sign3A_847 = arith.cmpi sgt, %jit3A_837, %sign3A_846 : i32
        %sign3A_848 = arith.extui %sign3A_847 : i1 to i32
        %sign3A_849 = arith.constant 0 : i32
        %sign3A_850 = arith.cmpi slt, %jit3A_837, %sign3A_849 : i32
        %sign3A_851 = arith.extui %sign3A_850 : i1 to i32
        %sign3A_852 = arith.subi %sign3A_848, %sign3A_851 : i32
        %ne3A_853 = arith.cmpi ne, %sign3A_845, %sign3A_852 : i32
        %rem3A_854 = arith.remsi %add3A_836, %jit3A_837 : i32
        %ne3A_855 = arith.constant 0 : i32
        %ne3A_856 = arith.cmpi ne, %rem3A_854, %ne3A_855 : i32
        %and3A_857 = arith.andi %ne3A_853, %ne3A_856 : i1
        %sub3A_858 = arith.constant 1 : i32
        %sub3A_859 = arith.subi %div3A_838, %sub3A_858 : i32
        %select_n3A_860 = arith.select %and3A_857, %sub3A_859, %div3A_838 : i32
        %dma_start3A_861 = arith.constant 0 : i32
        %dma_start3A_862 = tpu.memref_slice %arg3[%select_n3A_860, %dma_start3A_861] : memref<12800x64xi32, #tpu.memory_space<hbm>> -> memref<1x64xi32, #tpu.memory_space<hbm>>
        %dma_start3A_863 = arith.constant 0 : i32
        %dma_start3A_864 = tpu.memref_slice %arg3[%select_n3A_860, %dma_start3A_863] : memref<12800x64xi32, #tpu.memory_space<hbm>> -> memref<1x64xi32, #tpu.memory_space<hbm>>
        tpu.enqueue_dma source(%dma_start3A_864 : memref<1x64xi32, #tpu.memory_space<hbm>>) target(%arg7 : memref<1x64xi32, #tpu.memory_space<vmem>>) target_semaphore(%arg22 : memref<!tpu.dma_semaphore, #tpu.memory_space<semaphore_mem>>)
        %dma_start3A_865 = arith.constant 0 : i32
        %dma_start3A_866 = tpu.memref_slice %arg2[%add3A_836, %dma_start3A_865] : memref<819200x64xf32, #tpu.memory_space<hbm>> -> memref<64x64xf32, #tpu.memory_space<hbm>>
        %dma_start3A_867 = arith.constant 0 : i32
        %dma_start3A_868 = tpu.memref_slice %arg2[%add3A_836, %dma_start3A_867] : memref<819200x64xf32, #tpu.memory_space<hbm>> -> memref<64x64xf32, #tpu.memory_space<hbm>>
        tpu.enqueue_dma source(%dma_start3A_868 : memref<64x64xf32, #tpu.memory_space<hbm>>) target(%arg12 : memref<64x64xf32, #tpu.memory_space<vmem>>) target_semaphore(%arg22 : memref<!tpu.dma_semaphore, #tpu.memory_space<semaphore_mem>>)
      } else {
      }
      %dma_wait3A_797 = arith.constant 0 : i32
      %dma_wait3A_798 = arith.constant 0 : i32
      %dma_wait3A_799 = tpu.memref_slice %arg5[%dma_wait3A_797, %dma_wait3A_798] : memref<819200x64xf32, #tpu.memory_space<hbm>> -> memref<64x64xf32, #tpu.memory_space<hbm>>
      %dma_wait3A_800 = arith.constant 0 : i32
      %dma_wait3A_801 = arith.constant 0 : i32
      %dma_wait3A_802 = tpu.memref_slice %arg5[%dma_wait3A_800, %dma_wait3A_801] : memref<819200x64xf32, #tpu.memory_space<hbm>> -> memref<64x64xf32, #tpu.memory_space<hbm>>
      tpu.wait_dma2 semaphore(%arg33 : memref<!tpu.dma_semaphore, #tpu.memory_space<semaphore_mem>>) src(%arg13 : memref<64x64xf32, #tpu.memory_space<vmem>>) dst(%dma_wait3A_802 : memref<64x64xf32, #tpu.memory_space<hbm>>)
      %lt3A_803 = arith.constant 79 : i32
      %lt3A_804 = arith.cmpi slt, %scan3A_169, %lt3A_803 : i32
      %convert_element_type3A_805 = arith.extui %lt3A_804 : i1 to i32
      %cond3A_806 = arith.constant 0 : i32
      %cond3A_807 = arith.cmpi ne, %convert_element_type3A_805, %cond3A_806 : i32
      scf.if %cond3A_807 {
        %add3A_830 = arith.constant 5 : i32
        %add3A_831 = arith.addi %mul3A_171, %add3A_830 : i32
        %add3A_832 = arith.constant 2 : i32
        %add3A_833 = arith.addi %add3A_831, %add3A_832 : i32
        %mul3A_834 = arith.constant 64 : i32
        %mul3A_835 = arith.muli %add3A_833, %mul3A_834 : i32
        %add3A_836 = arith.addi %mul3A_2, %mul3A_835 : i32
        %jit3A_837 = arith.constant 64 : i32
        %div3A_838 = arith.divsi %add3A_836, %jit3A_837 : i32
        %sign3A_839 = arith.constant 0 : i32
        %sign3A_840 = arith.cmpi sgt, %add3A_836, %sign3A_839 : i32
        %sign3A_841 = arith.extui %sign3A_840 : i1 to i32
        %sign3A_842 = arith.constant 0 : i32
        %sign3A_843 = arith.cmpi slt, %add3A_836, %sign3A_842 : i32
        %sign3A_844 = arith.extui %sign3A_843 : i1 to i32
        %sign3A_845 = arith.subi %sign3A_841, %sign3A_844 : i32
        %sign3A_846 = arith.constant 0 : i32
        %sign3A_847 = arith.cmpi sgt, %jit3A_837, %sign3A_846 : i32
        %sign3A_848 = arith.extui %sign3A_847 : i1 to i32
        %sign3A_849 = arith.constant 0 : i32
        %sign3A_850 = arith.cmpi slt, %jit3A_837, %sign3A_849 : i32
        %sign3A_851 = arith.extui %sign3A_850 : i1 to i32
        %sign3A_852 = arith.subi %sign3A_848, %sign3A_851 : i32
        %ne3A_853 = arith.cmpi ne, %sign3A_845, %sign3A_852 : i32
        %rem3A_854 = arith.remsi %add3A_836, %jit3A_837 : i32
        %ne3A_855 = arith.constant 0 : i32
        %ne3A_856 = arith.cmpi ne, %rem3A_854, %ne3A_855 : i32
        %and3A_857 = arith.andi %ne3A_853, %ne3A_856 : i1
        %sub3A_858 = arith.constant 1 : i32
        %sub3A_859 = arith.subi %div3A_838, %sub3A_858 : i32
        %select_n3A_860 = arith.select %and3A_857, %sub3A_859, %div3A_838 : i32
        %dma_start3A_861 = arith.constant 0 : i32
        %dma_start3A_862 = tpu.memref_slice %arg3[%select_n3A_860, %dma_start3A_861] : memref<12800x64xi32, #tpu.memory_space<hbm>> -> memref<1x64xi32, #tpu.memory_space<hbm>>
        %dma_start3A_863 = arith.constant 0 : i32
        %dma_start3A_864 = tpu.memref_slice %arg3[%select_n3A_860, %dma_start3A_863] : memref<12800x64xi32, #tpu.memory_space<hbm>> -> memref<1x64xi32, #tpu.memory_space<hbm>>
        tpu.enqueue_dma source(%dma_start3A_864 : memref<1x64xi32, #tpu.memory_space<hbm>>) target(%arg8 : memref<1x64xi32, #tpu.memory_space<vmem>>) target_semaphore(%arg23 : memref<!tpu.dma_semaphore, #tpu.memory_space<semaphore_mem>>)
        %dma_start3A_865 = arith.constant 0 : i32
        %dma_start3A_866 = tpu.memref_slice %arg2[%add3A_836, %dma_start3A_865] : memref<819200x64xf32, #tpu.memory_space<hbm>> -> memref<64x64xf32, #tpu.memory_space<hbm>>
        %dma_start3A_867 = arith.constant 0 : i32
        %dma_start3A_868 = tpu.memref_slice %arg2[%add3A_836, %dma_start3A_867] : memref<819200x64xf32, #tpu.memory_space<hbm>> -> memref<64x64xf32, #tpu.memory_space<hbm>>
        tpu.enqueue_dma source(%dma_start3A_868 : memref<64x64xf32, #tpu.memory_space<hbm>>) target(%arg13 : memref<64x64xf32, #tpu.memory_space<vmem>>) target_semaphore(%arg23 : memref<!tpu.dma_semaphore, #tpu.memory_space<semaphore_mem>>)
      } else {
      }
      %dma_wait3A_808 = arith.constant 0 : i32
      %dma_wait3A_809 = arith.constant 0 : i32
      %dma_wait3A_810 = tpu.memref_slice %arg5[%dma_wait3A_808, %dma_wait3A_809] : memref<819200x64xf32, #tpu.memory_space<hbm>> -> memref<64x64xf32, #tpu.memory_space<hbm>>
      %dma_wait3A_811 = arith.constant 0 : i32
      %dma_wait3A_812 = arith.constant 0 : i32
      %dma_wait3A_813 = tpu.memref_slice %arg5[%dma_wait3A_811, %dma_wait3A_812] : memref<819200x64xf32, #tpu.memory_space<hbm>> -> memref<64x64xf32, #tpu.memory_space<hbm>>
      tpu.wait_dma2 semaphore(%arg34 : memref<!tpu.dma_semaphore, #tpu.memory_space<semaphore_mem>>) src(%arg14 : memref<64x64xf32, #tpu.memory_space<vmem>>) dst(%dma_wait3A_813 : memref<64x64xf32, #tpu.memory_space<hbm>>)
      %lt3A_814 = arith.constant 79 : i32
      %lt3A_815 = arith.cmpi slt, %scan3A_169, %lt3A_814 : i32
      %convert_element_type3A_816 = arith.extui %lt3A_815 : i1 to i32
      %cond3A_817 = arith.constant 0 : i32
      %cond3A_818 = arith.cmpi ne, %convert_element_type3A_816, %cond3A_817 : i32
      scf.if %cond3A_818 {
        %add3A_830 = arith.constant 5 : i32
        %add3A_831 = arith.addi %mul3A_171, %add3A_830 : i32
        %add3A_832 = arith.constant 3 : i32
        %add3A_833 = arith.addi %add3A_831, %add3A_832 : i32
        %mul3A_834 = arith.constant 64 : i32
        %mul3A_835 = arith.muli %add3A_833, %mul3A_834 : i32
        %add3A_836 = arith.addi %mul3A_2, %mul3A_835 : i32
        %jit3A_837 = arith.constant 64 : i32
        %div3A_838 = arith.divsi %add3A_836, %jit3A_837 : i32
        %sign3A_839 = arith.constant 0 : i32
        %sign3A_840 = arith.cmpi sgt, %add3A_836, %sign3A_839 : i32
        %sign3A_841 = arith.extui %sign3A_840 : i1 to i32
        %sign3A_842 = arith.constant 0 : i32
        %sign3A_843 = arith.cmpi slt, %add3A_836, %sign3A_842 : i32
        %sign3A_844 = arith.extui %sign3A_843 : i1 to i32
        %sign3A_845 = arith.subi %sign3A_841, %sign3A_844 : i32
        %sign3A_846 = arith.constant 0 : i32
        %sign3A_847 = arith.cmpi sgt, %jit3A_837, %sign3A_846 : i32
        %sign3A_848 = arith.extui %sign3A_847 : i1 to i32
        %sign3A_849 = arith.constant 0 : i32
        %sign3A_850 = arith.cmpi slt, %jit3A_837, %sign3A_849 : i32
        %sign3A_851 = arith.extui %sign3A_850 : i1 to i32
        %sign3A_852 = arith.subi %sign3A_848, %sign3A_851 : i32
        %ne3A_853 = arith.cmpi ne, %sign3A_845, %sign3A_852 : i32
        %rem3A_854 = arith.remsi %add3A_836, %jit3A_837 : i32
        %ne3A_855 = arith.constant 0 : i32
        %ne3A_856 = arith.cmpi ne, %rem3A_854, %ne3A_855 : i32
        %and3A_857 = arith.andi %ne3A_853, %ne3A_856 : i1
        %sub3A_858 = arith.constant 1 : i32
        %sub3A_859 = arith.subi %div3A_838, %sub3A_858 : i32
        %select_n3A_860 = arith.select %and3A_857, %sub3A_859, %div3A_838 : i32
        %dma_start3A_861 = arith.constant 0 : i32
        %dma_start3A_862 = tpu.memref_slice %arg3[%select_n3A_860, %dma_start3A_861] : memref<12800x64xi32, #tpu.memory_space<hbm>> -> memref<1x64xi32, #tpu.memory_space<hbm>>
        %dma_start3A_863 = arith.constant 0 : i32
        %dma_start3A_864 = tpu.memref_slice %arg3[%select_n3A_860, %dma_start3A_863] : memref<12800x64xi32, #tpu.memory_space<hbm>> -> memref<1x64xi32, #tpu.memory_space<hbm>>
        tpu.enqueue_dma source(%dma_start3A_864 : memref<1x64xi32, #tpu.memory_space<hbm>>) target(%arg9 : memref<1x64xi32, #tpu.memory_space<vmem>>) target_semaphore(%arg24 : memref<!tpu.dma_semaphore, #tpu.memory_space<semaphore_mem>>)
        %dma_start3A_865 = arith.constant 0 : i32
        %dma_start3A_866 = tpu.memref_slice %arg2[%add3A_836, %dma_start3A_865] : memref<819200x64xf32, #tpu.memory_space<hbm>> -> memref<64x64xf32, #tpu.memory_space<hbm>>
        %dma_start3A_867 = arith.constant 0 : i32
        %dma_start3A_868 = tpu.memref_slice %arg2[%add3A_836, %dma_start3A_867] : memref<819200x64xf32, #tpu.memory_space<hbm>> -> memref<64x64xf32, #tpu.memory_space<hbm>>
        tpu.enqueue_dma source(%dma_start3A_868 : memref<64x64xf32, #tpu.memory_space<hbm>>) target(%arg14 : memref<64x64xf32, #tpu.memory_space<vmem>>) target_semaphore(%arg24 : memref<!tpu.dma_semaphore, #tpu.memory_space<semaphore_mem>>)
      } else {
      }
      %dma_wait3A_819 = arith.constant 0 : i32
      %dma_wait3A_820 = arith.constant 0 : i32
      %dma_wait3A_821 = tpu.memref_slice %arg5[%dma_wait3A_819, %dma_wait3A_820] : memref<819200x64xf32, #tpu.memory_space<hbm>> -> memref<64x64xf32, #tpu.memory_space<hbm>>
      %dma_wait3A_822 = arith.constant 0 : i32
      %dma_wait3A_823 = arith.constant 0 : i32
      %dma_wait3A_824 = tpu.memref_slice %arg5[%dma_wait3A_822, %dma_wait3A_823] : memref<819200x64xf32, #tpu.memory_space<hbm>> -> memref<64x64xf32, #tpu.memory_space<hbm>>
      tpu.wait_dma2 semaphore(%arg35 : memref<!tpu.dma_semaphore, #tpu.memory_space<semaphore_mem>>) src(%arg15 : memref<64x64xf32, #tpu.memory_space<vmem>>) dst(%dma_wait3A_824 : memref<64x64xf32, #tpu.memory_space<hbm>>)
      %lt3A_825 = arith.constant 79 : i32
      %lt3A_826 = arith.cmpi slt, %scan3A_169, %lt3A_825 : i32
      %convert_element_type3A_827 = arith.extui %lt3A_826 : i1 to i32
      %cond3A_828 = arith.constant 0 : i32
      %cond3A_829 = arith.cmpi ne, %convert_element_type3A_827, %cond3A_828 : i32
      scf.if %cond3A_829 {
        %add3A_830 = arith.constant 5 : i32
        %add3A_831 = arith.addi %mul3A_171, %add3A_830 : i32
        %add3A_832 = arith.constant 4 : i32
        %add3A_833 = arith.addi %add3A_831, %add3A_832 : i32
        %mul3A_834 = arith.constant 64 : i32
        %mul3A_835 = arith.muli %add3A_833, %mul3A_834 : i32
        %add3A_836 = arith.addi %mul3A_2, %mul3A_835 : i32
        %jit3A_837 = arith.constant 64 : i32
        %div3A_838 = arith.divsi %add3A_836, %jit3A_837 : i32
        %sign3A_839 = arith.constant 0 : i32
        %sign3A_840 = arith.cmpi sgt, %add3A_836, %sign3A_839 : i32
        %sign3A_841 = arith.extui %sign3A_840 : i1 to i32
        %sign3A_842 = arith.constant 0 : i32
        %sign3A_843 = arith.cmpi slt, %add3A_836, %sign3A_842 : i32
        %sign3A_844 = arith.extui %sign3A_843 : i1 to i32
        %sign3A_845 = arith.subi %sign3A_841, %sign3A_844 : i32
        %sign3A_846 = arith.constant 0 : i32
        %sign3A_847 = arith.cmpi sgt, %jit3A_837, %sign3A_846 : i32
        %sign3A_848 = arith.extui %sign3A_847 : i1 to i32
        %sign3A_849 = arith.constant 0 : i32
        %sign3A_850 = arith.cmpi slt, %jit3A_837, %sign3A_849 : i32
        %sign3A_851 = arith.extui %sign3A_850 : i1 to i32
        %sign3A_852 = arith.subi %sign3A_848, %sign3A_851 : i32
        %ne3A_853 = arith.cmpi ne, %sign3A_845, %sign3A_852 : i32
        %rem3A_854 = arith.remsi %add3A_836, %jit3A_837 : i32
        %ne3A_855 = arith.constant 0 : i32
        %ne3A_856 = arith.cmpi ne, %rem3A_854, %ne3A_855 : i32
        %and3A_857 = arith.andi %ne3A_853, %ne3A_856 : i1
        %sub3A_858 = arith.constant 1 : i32
        %sub3A_859 = arith.subi %div3A_838, %sub3A_858 : i32
        %select_n3A_860 = arith.select %and3A_857, %sub3A_859, %div3A_838 : i32
        %dma_start3A_861 = arith.constant 0 : i32
        %dma_start3A_862 = tpu.memref_slice %arg3[%select_n3A_860, %dma_start3A_861] : memref<12800x64xi32, #tpu.memory_space<hbm>> -> memref<1x64xi32, #tpu.memory_space<hbm>>
        %dma_start3A_863 = arith.constant 0 : i32
        %dma_start3A_864 = tpu.memref_slice %arg3[%select_n3A_860, %dma_start3A_863] : memref<12800x64xi32, #tpu.memory_space<hbm>> -> memref<1x64xi32, #tpu.memory_space<hbm>>
        tpu.enqueue_dma source(%dma_start3A_864 : memref<1x64xi32, #tpu.memory_space<hbm>>) target(%arg10 : memref<1x64xi32, #tpu.memory_space<vmem>>) target_semaphore(%arg25 : memref<!tpu.dma_semaphore, #tpu.memory_space<semaphore_mem>>)
        %dma_start3A_865 = arith.constant 0 : i32
        %dma_start3A_866 = tpu.memref_slice %arg2[%add3A_836, %dma_start3A_865] : memref<819200x64xf32, #tpu.memory_space<hbm>> -> memref<64x64xf32, #tpu.memory_space<hbm>>
        %dma_start3A_867 = arith.constant 0 : i32
        %dma_start3A_868 = tpu.memref_slice %arg2[%add3A_836, %dma_start3A_867] : memref<819200x64xf32, #tpu.memory_space<hbm>> -> memref<64x64xf32, #tpu.memory_space<hbm>>
        tpu.enqueue_dma source(%dma_start3A_868 : memref<64x64xf32, #tpu.memory_space<hbm>>) target(%arg15 : memref<64x64xf32, #tpu.memory_space<vmem>>) target_semaphore(%arg25 : memref<!tpu.dma_semaphore, #tpu.memory_space<semaphore_mem>>)
      } else {
      }
    }
    %scan3A_168 = arith.constant 80 : i32
    return
  }
}

</mosaic_0001>

<sc_bundles>
// kernel: kernel.3.cloned.1.call-start
scs
__scs_entry_jumppad:
0x0: {  	(pc) =	sbr.rel $0x88, $3  }
0x1: {  	(tag) =	ssettag $0x0;
	lr =	simm.s32 $0x1  }
0x2: {  	[smem:$0x3F9E] =	sst lr;
	_ =	strace $0xD0000000  }
0x3: {  	_ = 	snop  }
0x4: {  	_ = 	snop  }
0x5: {  	_ = 	snop  }
0x6: {  	_ = 	snop  }
0x7: {  	_ = 	snop  }
__scs_overlays_trampoline_lowered:
0x8: {  	[smem:$0x3FAD] =	sst s0  }
0x9: {  	[smem:$0x3FAE] =	sst s1  }
0xa: {  	[smem:$0x3FAF] =	sst s2  }
0xb: {  	[smem:$0x3FB0] =	sst s3  }
0xc: {  	[smem:$0x3FB1] =	sst s4  }
0xd: {  	[smem:$0x3FB2] =	sst s5  }
0xe: {  	[smem:$0x3FB3] =	sst s6  }
0xf: {  	[smem:$0x3FB4] =	sst s7  }
0x10: {  	[smem:$0x3FB5] =	sst s8  }
0x11: {  	[smem:$0x3FB6] =	sst s9;
	s0 =	simm.s32 @!p0 $0x0  }
0x12: {  	s1 =	sld [smem:$0x3F9C];
	s0 =	simm.s32 @p0 $0x1  }
0x13: {  	[smem:$0x3FB7] =	sst s0;
	s0 =	simm.s32 @!p1 $0x0  }
0x14: {  	s2 =	sld [smem:$0x3F9B];
	s0 =	simm.s32 @p1 $0x1  }
0x15: {  	[smem:$0x3FB8] =	sst s0;
	s0 =	simm.s32 @!p2 $0x0  }
0x16: {  	s3 =	sld [smem:$0x3FDB];
	s0 =	simm.s32 @p2 $0x1  }
0x17: {  	s4 =	simm.s32 $0x1BF5;
	[smem:$0x3FBA] =	sst s0  }
0x18: {  	s0 =	sld [smem:$0x3F9D];
	_ =	swait.ge [sflag:s4], $0x0  }
0x19: {  	s7 =	sld [smem:$0x3F9E]  }
0x1a: {  	s8 =	sadd.s32 $0xFFFFE003, lr  }
0x1b: {  	s9 =	sadd.s32 $0xFFFFFEF7, lr;
	s5 =	simm.s32 $0xFFFFFFFF;
	p2 =	slt.u32 s8, $0xFFFFF086  }
0x1c: {  	p1 =	slt.u32 s9, $0xF7A;
	s5 =	simm.s32 @!p2 $0x0  }
0x1d: {  	s5 =	simm.s32 @p1 $0x1;
	p0 =	seq.s32 s7, s2  }
0x1e: {  	s7 =	smul.u32 @!p0 $0xF7A, s2;
	p2 =	seq.s32 @!p0 s5, $0x0  }
0x1f: {  	s9 =	smul.u32 $0xF7A, s1;
	s8 =	simm.s32 @!p0 $0x1BF5;
	p2 =	por !p2, p0  }
0x20: {  	[sflag:s8] =	ssyncset.s32 @!p0 $0xFFFFF086;
	s6 =	sadd.s32 @!p0 s3, s7;
	s7 =	simm.s32 @!p0 $0x108  }
0x21: {  	s3 =	sadd.s32 s3, s9;
	s6 =	sadd.s32 @!p0 $0x88, s6;
	s7 =	simm.s32 @p2 $0x1082  }
0x22: {  	[simem:s7], [sflag:s8] =	dma.local @!p0 [hbm:s6], $0xF7A  }
0x23: {  	s9 =	sor.u32 $0xD0000000, s2;
	s6 =	simm.s32 $0x108;
	_ =	swait.ge @!p0 [sflag:s8], $0x0  }
0x24: {  	s3 =	sadd.s32 $0x88, s3;
	s6 =	simm.s32 @!p1 $0x1082;
	[sflag:s4] =	ssyncset.s32 $0xFFFFF086  }
0x25: {  	[simem:s6], [sflag:s4] =	dma.local [hbm:s3], $0xF7A  }
0x26: {  	[smem:$0x3F9E] =	sst s1;
	(tag) =	ssettag s2;
	_ =	strace s9  }
0x27: {  	s1 =	sld [smem:$0x3FAE]  }
0x28: {  	s2 =	sld [smem:$0x3FAF]  }
0x29: {  	s4 =	sld [smem:$0x3FB1]  }
0x2a: {  	p0 =	seq.s32 s5, $0x0;
	s5 =	sld [smem:$0x3FB2]  }
0x2b: {  	s6 =	sld [smem:$0x3FB3]  }
0x2c: {  	s7 =	sld [smem:$0x3FB4]  }
0x2d: {  	s3 =	simm.s32 $0x108;
	s8 =	sld [smem:$0x3FB5]  }
0x2e: {  	s3 =	simm.s32 @!p0 $0x1082;
	s9 =	sld [smem:$0x3FB6]  }
0x2f: {  	lr =	sadd.s32 s0, s3;
	s0 =	sld [smem:$0x3FAD]  }
0x30: {  	s3 =	sld [smem:$0x3FB0]  }
0x31: {  	[smem:$0x3FB9] =	sst s10  }
0x32: {  	s10 =	sld [smem:$0x3FB7];
	_ =	sdelay $0x3  }
0x33: {  	p0 =	seq.s32 s10, $0x1;
	s10 =	sld [smem:$0x3FB9];
	_ =	sdelay $0x3  }
0x34: {  	[smem:$0x3FB9] =	sst s10  }
0x35: {  	s10 =	sld [smem:$0x3FB8];
	_ =	sdelay $0x3  }
0x36: {  	p1 =	seq.s32 s10, $0x1;
	s10 =	sld [smem:$0x3FB9];
	_ =	sdelay $0x3  }
0x37: {  	[smem:$0x3FB9] =	sst s10  }
0x38: {  	s10 =	sld [smem:$0x3FBA]  }
0x39: {  	_ = 	snop;
	(pc) =	sbr.ind lr, $3  }
0x3a: {  	_ = 	snop  }
0x3b: {  	_ = 	snop  }
0x3c: {  	p2 =	seq.s32 s10, $0x1;
	s10 =	sld [smem:$0x3FB9]  }
0x3d: {  	_ =	shalt  }
0x3e: {  	_ =	shalt  }
0x3f: {  	_ =	shalt  }
0x40: {  	_ =	shalt  }
0x41: {  	_ =	shalt  }
0x42: {  	_ =	shalt  }
0x43: {  	_ =	shalt  }
0x44: {  	_ =	shalt  }
0x45: {  	_ =	shalt  }
0x46: {  	_ =	shalt  }
0x47: {  	_ =	shalt  }
0x48: {  	_ =	shalt  }
0x49: {  	_ =	shalt  }
0x4a: {  	_ =	shalt  }
0x4b: {  	_ =	shalt  }
0x4c: {  	_ =	shalt  }
0x4d: {  	_ =	shalt  }
0x4e: {  	_ =	shalt  }
0x4f: {  	_ =	shalt  }
0x50: {  	_ =	shalt  }
0x51: {  	_ =	shalt  }
0x52: {  	_ =	shalt  }
0x53: {  	_ =	shalt  }
0x54: {  	_ =	shalt  }
0x55: {  	_ =	shalt  }
0x56: {  	_ =	shalt  }
0x57: {  	_ =	shalt  }
0x58: {  	_ =	shalt  }
0x59: {  	_ =	shalt  }
0x5a: {  	_ =	shalt  }
0x5b: {  	_ =	shalt  }
0x5c: {  	_ =	shalt  }
0x5d: {  	_ =	shalt  }
0x5e: {  	_ =	shalt  }
0x5f: {  	_ =	shalt  }
0x60: {  	_ =	shalt  }
0x61: {  	_ =	shalt  }
0x62: {  	_ =	shalt  }
0x63: {  	_ =	shalt  }
0x64: {  	_ =	shalt  }
0x65: {  	_ =	shalt  }
0x66: {  	_ =	shalt  }
0x67: {  	_ =	shalt  }
0x68: {  	_ =	shalt  }
0x69: {  	_ =	shalt  }
0x6a: {  	_ =	shalt  }
0x6b: {  	_ =	shalt  }
0x6c: {  	_ =	shalt  }
0x6d: {  	_ =	shalt  }
0x6e: {  	_ =	shalt  }
0x6f: {  	_ =	shalt  }
0x70: {  	_ =	shalt  }
0x71: {  	_ =	shalt  }
0x72: {  	_ =	shalt  }
0x73: {  	_ =	shalt  }
0x74: {  	_ =	shalt  }
0x75: {  	_ =	shalt  }
0x76: {  	_ =	shalt  }
0x77: {  	_ =	shalt  }
0x78: {  	_ =	shalt  }
0x79: {  	_ =	shalt  }
0x7a: {  	_ =	shalt  }
0x7b: {  	_ =	shalt  }
0x7c: {  	_ =	shalt  }
0x7d: {  	_ =	shalt  }
0x7e: {  	_ =	shalt  }
0x7f: {  	_ =	shalt  }
0x80: {  	_ =	shalt  }
0x81: {  	_ =	shalt  }
0x82: {  	_ =	shalt  }
0x83: {  	_ =	shalt  }
0x84: {  	_ =	shalt  }
0x85: {  	_ =	shalt  }
0x86: {  	_ =	shalt  }
0x87: {  	_ =	shalt  }
.Lfunc_end0:
.L_simem_size_0:
called_computation.1_lowered:
.L_overlay_start_0:
0x88: {  	s2 =	sld [smem:$0x3FD9]  }
0x89: {  	s3 =	sld [smem:$0x3FFE];
	_ =	sdelay $0x1  }
0x8a: {  	s1 =	srdreg.scid  }
0x8b: {  	s0 =	sand.u32 $0x1, s1  }
0x8c: {  	s16 =	sshll.u32 s0, $0xA;
	s2 =	sadd.s32 s3, s2  }
0x8d: {  	s2 =	sadd.s32 s2, s16  }
0x8e: {  	[smem:$0x3FC5] =	sst s2  }
0x8f: {  	_ = 	snop  }
0x90: {  	(tm) =	ssettm $0x1  }
0x91: {  	s17 =	sld [smem:$0x3FFB];
	_ =	sdelay $0x3  }
0x92: {  	_ =	strace s17  }
0x93: {  	s2 =	sld [smem:$0x3FFC];
	_ =	sdelay $0x3  }
0x94: {  	_ =	strace s2  }
0x95: {  	s2 =	sld [smem:$0x3FFD];
	_ =	sdelay $0x3  }
0x96: {  	_ =	strace s2  }
0x97: {  	_ =	strace $0x8FFFFFFF  }
0x98: {  	s18 =	sld [smem:$0x3FDB];
	_ =	sdelay $0x1  }
0x99: {  	s19 =	simm.s32 $_scs_section_size  }
0x9a: {  	s4 =	simm.s32 $_size__tile_overlayer_lowered;
	s5 =	simm.s32 $_tile_overlayer_lowered  }
0x9b: {  	s22 =	simm.s32 $0x1BFF;
	s21 =	sshll.u32 s5, $0x1;
	s2 =	sadd.s32 s19, s18  }
0x9c: {  	s6 =	simm.s32 $0x0;
	s20 =	sshll.u32 s4, $0x1;
	s4 =	sadd.s32 s21, s2  }
0x9d: {  	[timem:s6], [sflag:s22] =	dma.local [hbm:s4], s20  }
0x9e: {  	_ =	swait.ge [sflag:s22], s20  }
0x9f: {  	s3 =	ssub.s32 $0x0, s20;
	[sflag:s22] =	ssyncset.done $0x0  }
0xa0: {  	[sflag:s22] =	ssyncadd.s32 s3;
	_ =	sdelay $0x1  }
0xa1: {  	s23 =	simm.s32 $0x1B8B  }
0xa2: {  	_ =	swait.ge [sflag:s23], $0x1  }
0xa3: {  	[sflag:s23] =	ssyncset.done $0x0  }
0xa4: {  	s25 =	simm.s32 $0x1B8E;
	s24 =	sld [smem:$0x3FFE];
	[sflag:s23] =	ssyncadd.s32 $0xFFFFFFFF  }
0xa5: {  	s26 =	simm.s32 $execute0_lowered;
	[smem:$0x3FD2] =	sst s25  }
0xa6: {  	s4 =	sshll.u32 s26, $0x1;
	_ =	strace $0x80000046;
	[dreg:$0x1] =	wrdreg $0xFFFFFFFF  }
0xa7: {  	s28 =	simm.s32 $_size_execute0_lowered;
	s2 =	sadd.s32 s2, s4;
	[dreg:$0x0] =	wrdreg $0x0  }
0xa8: {  	s4 =	sshll.u32 s28, $0x1;
	[dreg:$0x2] =	wrdreg s2  }
0xa9: {  	[dreg:$0x3] =	wrdreg s4  }
0xaa: {  	[dreg:$0x4] =	wrdreg $0xC0  }
0xab: {  	_ =	task [dreg:s6], $0x5FFFF  }
0xac: {  	[dreg:$0x1] =	wrdreg $0xFFFFFFFF  }
0xad: {  	[dreg:$0x0] =	wrdreg $0x60  }
0xae: {  	[dreg:$0x2] =	wrdreg s24  }
0xaf: {  	[dreg:$0x3] =	wrdreg $0x9  }
0xb0: {  	_ =	task.clear_ibuf [dreg:s6], $0x4FFFF;
	_ =	strace $0x90000046  }
0xb1: {  	s29 =	simm.s32 $0x9;
	_ =	strace $0x80000048  }
0xb2: {  	_ =	swait.ge [sflag:s29], $0x1  }
0xb3: {  	[sflag:s29] =	ssyncadd.s32 $0xFFFFFFFF  }
0xb4: {  	_ =	strace $0x90000048  }
0xb5: {  	_ =	sfence  }
0xb6: {  	s30 =	sld [smem:$0x0];
	_ =	sdelay $0x2  }
0xb7: {  	s31 =	sshll.u32 s1, $0xD;
	s1 =	sshrl.u32 s1, $0x2  }
0xb8: {  	s3 =	sand.u32 $0x4000, s31;
	s1 =	sadd.s32 s1, s30  }
0xb9: {  	s0 =	sor.u32 s3, s0;
	s1 =	sshll.u32 s1, $0x11  }
0xba: {  	s0 =	sor.u32 s1, s0  }
0xbb: {  	s0 =	sadd.s32 $0x8F2B, s0  }
0xbc: {  	[sflag:s0] =	ssyncadd.remote.s32 $0x1  }
0xbd: {  	_ =	sfence.sel $0xFFFF  }
0xbe: {  	[dreg:$0x0] =	wrdreg $0xFFFFFFFF;
	(pc) =	sbr.abs _section_cstart, $3  }
0xbf: {  	[dreg:$0x1] =	wrdreg $0xFFFFFFFF  }
0xc0: {  	_ =	task.clear_ibuf [dreg:s6], $0x2FFFF;
	_ =	strace $0x9FFFFFFF  }
0xc1: {  	(tm) =	ssettm $0x7FFFFFFF  }
tec
execute0_lowered:
.L_overlay_start_1:
0x0: {  	(tag) =	ssettag $0x1  }
0x1: {  	s0 =	rddreg [dreg:$0x0];
	s2 =	simm.s32 $0x0;
	s1 =	srdreg.scid  }
0x2: {  	s3 =	stileid.u32;
	s28 =	simm.s32 $0x100;
	s30 =	simm.s32 $0x180  }
0x3: {  	s31 =	simm.s32 $0x6280;
	s1 =	sand.u32 $0x1, s1;
	s3 =	sshll.u32 s3, $0x1  }
0x4: {  	s11 =	simm.s32 $0x40;
	s12 =	simm.s32 $0x6;
	s7 =	sor.u32 s1, s3  }
0x5: {  	[smem:$0x7FF] =	sst s2;
	s5 =	sadd.s32 $0xCB2800, s0;
	s8 =	smul.u32 $0x1900, s7  }
0x6: {  	s4 =	sadd.s32 $0x800, s0;
	s6 =	sadd.s32 $0xE39200, s0;
	s10 =	smul.u32 $0x64000, s7  }
0x7: {  	s3 =	sadd.s32 $0x32800, s0;
	s7 =	smul.u32 $0x6400, s7;
	s14 =	sadd.s32 s4, s8  }
0x8: {  	_ =	strace $0x80000047;
	s15 =	sadd.s32 s3, s10;
	[dreg:$0x2] =	wrdreg s14  }
0x9: {  	s1 =	ssub.s32 $0x2, s1;
	s23 =	sor.u32 $0x40, s7;
	[dreg:$0x3] =	wrdreg s15  }
0xa: {  	s9 =	sshrl.u32 s1, $0x1;
	s24 =	sor.u32 $0x80, s7;
	[dreg:$0xc] =	wrdreg s23  }
0xb: {  	s13 =	ssub.s32 s1, s9;
	s25 =	sor.u32 $0xC0, s7;
	[dreg:$0xd] =	wrdreg s24  }
0xc: {  	s9 =	simm.s32 $0xA;
	s26 =	sor.u32 $0x100, s7;
	[dreg:$0xe] =	wrdreg s25  }
0xd: {  	s29 =	sor.u32 $0x200, s7;
	s0 =	smax.u32 s13, $0x1;
	[dreg:$0xf] =	wrdreg s26  }
0xe: {  	s10 =	simm.s32 $0x1;
	s13 =	simm.s32 $0x2;
	[dreg:$0x10] =	wrdreg s29  }
0xf: {  	s8 =	simm.s32 $0x5;
	s16 =	sadd.s32 $0x10, s14;
	[dreg:$0x11] =	wrdreg s0  }
0x10: {  	s17 =	sadd.s32 $0x400, s15;
	s18 =	sadd.s32 $0x20, s14;
	[dreg:$0x4] =	wrdreg s16  }
0x11: {  	s19 =	sadd.s32 $0x800, s15;
	s20 =	sadd.s32 $0x30, s14;
	[dreg:$0x5] =	wrdreg s17  }
0x12: {  	s21 =	sadd.s32 $0xC00, s15;
	s1 =	sadd.s32 $0x40, s14;
	[dreg:$0x6] =	wrdreg s18  }
0x13: {  	s22 =	sadd.s32 $0x1000, s15;
	s26 =	simm.s32 $0x80;
	[dreg:$0x7] =	wrdreg s19  }
0x14: {  	s0 =	simm.s32 $0x200;
	s15 =	simm.s32 $0x3;
	[dreg:$0x8] =	wrdreg s20  }
.Ltmp0:
0x15: {  	s14 =	simm.s32 $0x7;
	[dreg:$0x9] =	wrdreg s21;
	(pc) =	sbr.rel .LBB2_1-.Ltmp0, $4  }
0x16: {  	s23 =	simm.s32 $0x9;
	s25 =	simm.s32 $0x0;
	[dreg:$0xa] =	wrdreg s1  }
0x17: {  	[dreg:$0xb] =	wrdreg s22;
	s1 =	simm.s32 $0x8280;
	s17 =	simm.s32 $0x4  }
0x18: {  	s16 =	simm.s32 $0x8;
	s22 =	simm.s32 $0xB;
	s18 =	simm.s32 $0xC  }
0x19: {  	s19 =	simm.s32 $0xD;
	s20 =	simm.s32 $0xE;
	s21 =	simm.s32 $0xF  }
.LBB2_14:
0x1a: {  	_ =	swait.ge [sflag:s18], $0x2000  }
0x1b: {  	[sflag:s18] =	ssyncset.done $0x0  }
0x1c: {  	[sflag:s18] =	ssyncadd.s32 $0xFFFFE000  }
0x1d: {  	_ =	swait.ge [sflag:s19], $0x2000  }
0x1e: {  	[sflag:s19] =	ssyncset.done $0x0  }
0x1f: {  	[sflag:s19] =	ssyncadd.s32 $0xFFFFE000  }
0x20: {  	_ =	swait.ge [sflag:s20], $0x2000  }
0x21: {  	[sflag:s20] =	ssyncset.done $0x0  }
0x22: {  	[sflag:s20] =	ssyncadd.s32 $0xFFFFE000  }
0x23: {  	_ =	swait.ge [sflag:s21], $0x2000  }
0x24: {  	s25 =	rddreg [dreg:$0x12]  }
0x25: {  	s24 =	rddreg [dreg:$0x11];
	s25 =	sadd.s32 $0x1, s25  }
0x26: {  	p0 =	sne.s32 s25, s24  }
.Ltmp1:
0x27: {  	_ = 	snop;
	(pc) =	sbr.rel @!p0 .LBB2_15-.Ltmp1, $3  }
0x28: {  	_ =	sdelay $0x1  }
0x29: {  	[sflag:s21] =	ssyncset.done $0x0  }
0x2a: {  	s26 =	simm.s32 $0x80;
	s28 =	simm.s32 $0x100;
	[sflag:s21] =	ssyncadd.s32 $0xFFFFE000  }
.LBB2_1:
0x2b: {  	[dreg:$0x12] =	wrdreg s25  }
0x2c: {  	s24 =	rddreg [dreg:$0x2]  }
0x2d: {  	[tilespmem:s2], [sflag:$0x1] =	stream.linear.gather [hbm4b:s24+s2], $0x80, $0x38;
	[tilespmem:$0x14280] =	vst v63  }
0x2e: {  	s25 =	rddreg [dreg:$0x3];
	s29 =	simm.s32 $0x280  }
0x2f: {  	[tilespmem:s29], [sflag:$0x1] =	stream.linear.gather [hbm4b:s25+s2], $0x2000, $0x38;
	[tilespmem:$0x14280] =	vst v63  }
0x30: {  	s29 =	rddreg [dreg:$0x4]  }
0x31: {  	[tilespmem:s26], [sflag:$0x2] =	stream.linear.gather [hbm4b:s29+s2], $0x80, $0x38;
	[tilespmem:$0x14280] =	vst v63  }
0x32: {  	s25 =	rddreg [dreg:$0x5];
	s29 =	simm.s32 $0x2280  }
0x33: {  	[tilespmem:s29], [sflag:$0x2] =	stream.linear.gather [hbm4b:s25+s2], $0x2000, $0x38;
	[tilespmem:$0x14280] =	vst v63  }
0x34: {  	s29 =	rddreg [dreg:$0x6]  }
0x35: {  	[tilespmem:s28], [sflag:$0x3] =	stream.linear.gather [hbm4b:s29+s2], $0x80, $0x38;
	[tilespmem:$0x14280] =	vst v63  }
0x36: {  	s25 =	rddreg [dreg:$0x7];
	s29 =	simm.s32 $0x4280  }
0x37: {  	[tilespmem:s29], [sflag:$0x3] =	stream.linear.gather [hbm4b:s25+s2], $0x2000, $0x38;
	[tilespmem:$0x14280] =	vst v63  }
0x38: {  	s25 =	rddreg [dreg:$0x8]  }
0x39: {  	[tilespmem:s30], [sflag:$0x4] =	stream.linear.gather [hbm4b:s25+s2], $0x80, $0x38;
	[tilespmem:$0x14280] =	vst v63  }
0x3a: {  	s29 =	rddreg [dreg:$0x9]  }
0x3b: {  	[tilespmem:s31], [sflag:$0x4] =	stream.linear.gather [hbm4b:s29+s2], $0x2000, $0x38;
	[tilespmem:$0x14280] =	vst v63  }
0x3c: {  	s25 =	rddreg [dreg:$0xa]  }
0x3d: {  	[tilespmem:s0], [sflag:$0x5] =	stream.linear.gather [hbm4b:s25+s2], $0x80, $0x38;
	[tilespmem:$0x14280] =	vst v63  }
0x3e: {  	s24 =	simm.s32 $0x0;
	s29 =	rddreg [dreg:$0xb]  }
0x3f: {  	[tilespmem:s1], [sflag:$0x5] =	stream.linear.gather [hbm4b:s29+s2], $0x2000, $0x38;
	[tilespmem:$0x14280] =	vst v63  }
.LBB2_2:
0x40: {  	_ =	swait.ge [sflag:s10], $0x80  }
0x41: {  	[sflag:s10] =	ssyncset.done $0x0  }
0x42: {  	[sflag:s10] =	ssyncadd.s32 $0xFFFFFF80  }
0x43: {  	_ =	swait.ge [sflag:s10], $0x2000  }
0x44: {  	[sflag:s10] =	ssyncset.done $0x0  }
0x45: {  	[sflag:s10] =	ssyncadd.s32 $0xFFFFE000  }
0x46: {  	v0 =	vld [tilespmem:$0x0]  }
0x47: {  	v1 =	vld [tilespmem:$0x10]  }
0x48: {  	v2 =	vld [tilespmem:$0x20];
	_ =	sdelay $0x1  }
0x49: {  	v3 =	vld [tilespmem:$0x30];
	_ =	sdelay $0x1  }
0x4a: {  	v4 =	vadd.s32 $0xFFFFFFFF, v0;
	v5 =	vadd.s32 $0xFFFFFFFF, v1;
	v0 =	vadd.s32 $0x1869F, v0  }
0x4b: {  	v1 =	vadd.s32 $0x1869F, v1;
	v51 =	vadd.s32 $0xFFFFFFFF, v2;
	vm0 =	vlt.s32 v4, $0x0  }
0x4c: {  	vm1 =	vlt.s32 v5, $0x0;
	vm10 =	vlt.s32 v51, $0x0;
	v0 =	vsel vm0, v0, v4  }
0x4d: {  	v1 =	vsel vm1, v1, v5;
	[tilespmem:$0x0] =	vst v0;
	v0 =	vadd.s32 $0x1869F, v2;
	v2 =	vadd.s32 $0xFFFFFFFF, v3  }
0x4e: {  	[tilespmem:$0x10] =	vst v1;
	v1 =	vadd.s32 $0x1869F, v3;
	v0 =	vsel vm10, v0, v51;
	vm11 =	vlt.s32 v2, $0x0  }
0x4f: {  	[tilespmem:$0x20] =	vst v0;
	v0 =	vsel vm11, v1, v2  }
0x50: {  	s25 =	simm.s32 $0x0;
	s29 =	simm.s32 $0xA280;
	[tilespmem:$0x30] =	vst v0  }
0x51: {  	[tilespmem:s29], [sflag:$0x6] =	stream.indirect.gather [hbm4b:s5+s11], $0x80, s25, s11, $0xb8;
	[tilespmem:$0x14280] =	vst v63  }
0x52: {  	_ =	swait.ge [sflag:s13], $0x80  }
0x53: {  	[sflag:s13] =	ssyncset.done $0x0  }
0x54: {  	[sflag:s13] =	ssyncadd.s32 $0xFFFFFF80  }
0x55: {  	_ =	swait.ge [sflag:s13], $0x2000  }
0x56: {  	[sflag:s13] =	ssyncset.done $0x0  }
0x57: {  	[sflag:s13] =	ssyncadd.s32 $0xFFFFE000  }
0x58: {  	v0 =	vld [tilespmem:$0x80]  }
0x59: {  	v1 =	vld [tilespmem:$0x90]  }
0x5a: {  	v2 =	vld [tilespmem:$0xA0];
	_ =	sdelay $0x1  }
0x5b: {  	v3 =	vld [tilespmem:$0xB0];
	_ =	sdelay $0x1  }
0x5c: {  	v52 =	vadd.s32 $0xFFFFFFFF, v0;
	v53 =	vadd.s32 $0xFFFFFFFF, v1;
	v0 =	vadd.s32 $0x1869F, v0  }
0x5d: {  	v1 =	vadd.s32 $0x1869F, v1;
	v54 =	vadd.s32 $0xFFFFFFFF, v2;
	vm12 =	vlt.s32 v52, $0x0  }
0x5e: {  	vm13 =	vlt.s32 v53, $0x0;
	vm14 =	vlt.s32 v54, $0x0;
	v0 =	vsel vm12, v0, v52  }
0x5f: {  	v1 =	vsel vm13, v1, v53;
	[tilespmem:$0x80] =	vst v0;
	v0 =	vadd.s32 $0x1869F, v2;
	v2 =	vadd.s32 $0xFFFFFFFF, v3  }
0x60: {  	[tilespmem:$0x90] =	vst v1;
	v1 =	vadd.s32 $0x1869F, v3;
	v0 =	vsel vm14, v0, v54;
	vm15 =	vlt.s32 v2, $0x0  }
0x61: {  	[tilespmem:$0xA0] =	vst v0;
	v0 =	vsel vm15, v1, v2  }
0x62: {  	s29 =	simm.s32 $0xC280;
	[tilespmem:$0xB0] =	vst v0  }
0x63: {  	[tilespmem:s29], [sflag:$0x7] =	stream.indirect.gather [hbm4b:s5+s11], $0x80, s26, s11, $0xb8;
	[tilespmem:$0x14280] =	vst v63  }
0x64: {  	_ =	swait.ge [sflag:s15], $0x80  }
0x65: {  	[sflag:s15] =	ssyncset.done $0x0  }
0x66: {  	[sflag:s15] =	ssyncadd.s32 $0xFFFFFF80  }
0x67: {  	_ =	swait.ge [sflag:s15], $0x2000  }
0x68: {  	[sflag:s15] =	ssyncset.done $0x0  }
0x69: {  	[sflag:s15] =	ssyncadd.s32 $0xFFFFE000  }
0x6a: {  	v0 =	vld [tilespmem:$0x100]  }
0x6b: {  	v1 =	vld [tilespmem:$0x110]  }
0x6c: {  	v2 =	vld [tilespmem:$0x120];
	_ =	sdelay $0x1  }
0x6d: {  	v3 =	vld [tilespmem:$0x130];
	_ =	sdelay $0x1  }
0x6e: {  	v55 =	vadd.s32 $0xFFFFFFFF, v0;
	v56 =	vadd.s32 $0xFFFFFFFF, v1;
	v0 =	vadd.s32 $0x1869F, v0  }
0x6f: {  	v1 =	vadd.s32 $0x1869F, v1;
	v57 =	vadd.s32 $0xFFFFFFFF, v2;
	vm4 =	vlt.s32 v55, $0x0  }
0x70: {  	vm5 =	vlt.s32 v56, $0x0;
	vm6 =	vlt.s32 v57, $0x0;
	v0 =	vsel vm4, v0, v55  }
0x71: {  	v1 =	vsel vm5, v1, v56;
	[tilespmem:$0x100] =	vst v0;
	v0 =	vadd.s32 $0x1869F, v2;
	v2 =	vadd.s32 $0xFFFFFFFF, v3  }
0x72: {  	[tilespmem:$0x110] =	vst v1;
	v1 =	vadd.s32 $0x1869F, v3;
	v0 =	vsel vm6, v0, v57;
	vm7 =	vlt.s32 v2, $0x0  }
0x73: {  	[tilespmem:$0x120] =	vst v0;
	v0 =	vsel vm7, v1, v2  }
0x74: {  	s29 =	simm.s32 $0xE280;
	[tilespmem:$0x130] =	vst v0  }
0x75: {  	[tilespmem:s29], [sflag:$0x8] =	stream.indirect.gather [hbm4b:s5+s11], $0x80, s28, s11, $0xb8;
	[tilespmem:$0x14280] =	vst v63  }
0x76: {  	_ =	swait.ge [sflag:s17], $0x80  }
0x77: {  	[sflag:s17] =	ssyncset.done $0x0  }
0x78: {  	[sflag:s17] =	ssyncadd.s32 $0xFFFFFF80  }
0x79: {  	_ =	swait.ge [sflag:s17], $0x2000  }
0x7a: {  	[sflag:s17] =	ssyncset.done $0x0  }
0x7b: {  	[sflag:s17] =	ssyncadd.s32 $0xFFFFE000  }
0x7c: {  	v0 =	vld [tilespmem:$0x180]  }
0x7d: {  	v1 =	vld [tilespmem:$0x190]  }
0x7e: {  	v2 =	vld [tilespmem:$0x1A0];
	_ =	sdelay $0x1  }
0x7f: {  	v3 =	vld [tilespmem:$0x1B0];
	_ =	sdelay $0x1  }
0x80: {  	v58 =	vadd.s32 $0xFFFFFFFF, v0;
	v59 =	vadd.s32 $0xFFFFFFFF, v1;
	v0 =	vadd.s32 $0x1869F, v0  }
0x81: {  	v1 =	vadd.s32 $0x1869F, v1;
	v60 =	vadd.s32 $0xFFFFFFFF, v2;
	vm8 =	vlt.s32 v58, $0x0  }
0x82: {  	vm9 =	vlt.s32 v59, $0x0;
	vm10 =	vlt.s32 v60, $0x0;
	v0 =	vsel vm8, v0, v58  }
0x83: {  	v1 =	vsel vm9, v1, v59;
	[tilespmem:$0x180] =	vst v0;
	v0 =	vadd.s32 $0x1869F, v2;
	v2 =	vadd.s32 $0xFFFFFFFF, v3  }
0x84: {  	[tilespmem:$0x190] =	vst v1;
	v1 =	vadd.s32 $0x1869F, v3;
	v0 =	vsel vm10, v0, v60;
	vm11 =	vlt.s32 v2, $0x0  }
0x85: {  	[tilespmem:$0x1A0] =	vst v0;
	v0 =	vsel vm11, v1, v2  }
0x86: {  	s26 =	simm.s32 $0x10280;
	[tilespmem:$0x1B0] =	vst v0  }
0x87: {  	[tilespmem:s26], [sflag:$0x9] =	stream.indirect.gather [hbm4b:s5+s11], $0x80, s30, s11, $0xb8;
	[tilespmem:$0x14280] =	vst v63  }
0x88: {  	_ =	swait.ge [sflag:s8], $0x80  }
0x89: {  	[sflag:s8] =	ssyncset.done $0x0  }
0x8a: {  	[sflag:s8] =	ssyncadd.s32 $0xFFFFFF80  }
0x8b: {  	_ =	swait.ge [sflag:s8], $0x2000  }
0x8c: {  	[sflag:s8] =	ssyncset.done $0x0  }
0x8d: {  	[sflag:s8] =	ssyncadd.s32 $0xFFFFE000  }
0x8e: {  	v0 =	vld [tilespmem:$0x200]  }
0x8f: {  	v1 =	vld [tilespmem:$0x210]  }
0x90: {  	v2 =	vld [tilespmem:$0x220];
	_ =	sdelay $0x1  }
0x91: {  	v3 =	vld [tilespmem:$0x230];
	_ =	sdelay $0x1  }
0x92: {  	v61 =	vadd.s32 $0xFFFFFFFF, v0;
	v62 =	vadd.s32 $0xFFFFFFFF, v1;
	v0 =	vadd.s32 $0x1869F, v0  }
0x93: {  	v1 =	vadd.s32 $0x1869F, v1;
	v63 =	vadd.s32 $0xFFFFFFFF, v2;
	vm12 =	vlt.s32 v61, $0x0  }
0x94: {  	vm13 =	vlt.s32 v62, $0x0;
	vm14 =	vlt.s32 v63, $0x0;
	v0 =	vsel vm12, v0, v61  }
0x95: {  	v1 =	vsel vm13, v1, v62;
	[tilespmem:$0x200] =	vst v0;
	v0 =	vadd.s32 $0x1869F, v2;
	v2 =	vadd.s32 $0xFFFFFFFF, v3  }
0x96: {  	[tilespmem:$0x210] =	vst v1;
	v1 =	vadd.s32 $0x1869F, v3;
	v0 =	vsel vm14, v0, v63;
	vm15 =	vlt.s32 v2, $0x0  }
0x97: {  	[tilespmem:$0x220] =	vst v0;
	v0 =	vsel vm15, v1, v2  }
0x98: {  	s29 =	simm.s32 $0x12280;
	[tilespmem:$0x230] =	vst v0  }
0x99: {  	[tilespmem:s29], [sflag:$0xA] =	stream.indirect.gather [hbm4b:s5+s11], $0x80, s0, s11, $0xb8;
	[tilespmem:$0x14280] =	vst v63  }
0x9a: {  	_ =	swait.ge [sflag:s12], $0x2000  }
0x9b: {  	[sflag:s12] =	ssyncset.done $0x0  }
0x9c: {  	s26 =	simm.s32 $0x0;
	[sflag:s12] =	ssyncadd.s32 $0xFFFFE000  }
0x9d: {  	v0 =	vld [tilespmem:s26+$0xAA30]  }
0x9e: {  	v1 =	vld [tilespmem:s26+$0xA280]  }
0x9f: {  	v2 =	vld [tilespmem:s26+$0xA290]  }
0xa0: {  	v3 =	vld [tilespmem:s26+$0xA2A0]  }
0xa1: {  	v4 =	vld [tilespmem:s26+$0xA2B0]  }
0xa2: {  	v5 =	vld [tilespmem:s26+$0xA300]  }
0xa3: {  	v6 =	vld [tilespmem:s26+$0xA310]  }
0xa4: {  	v7 =	vld [tilespmem:s26+$0xA320]  }
0xa5: {  	v8 =	vld [tilespmem:s26+$0xA330]  }
0xa6: {  	v9 =	vld [tilespmem:s26+$0xA380]  }
0xa7: {  	v10 =	vld [tilespmem:s26+$0xA390]  }
0xa8: {  	v11 =	vld [tilespmem:s26+$0xA3A0]  }
0xa9: {  	v12 =	vld [tilespmem:s26+$0xA3B0]  }
0xaa: {  	v13 =	vld [tilespmem:s26+$0xA400]  }
0xab: {  	v14 =	vld [tilespmem:s26+$0xA410]  }
0xac: {  	v15 =	vld [tilespmem:s26+$0xA420]  }
0xad: {  	v16 =	vld [tilespmem:s26+$0xA430]  }
0xae: {  	v17 =	vld [tilespmem:s26+$0xA480]  }
0xaf: {  	v18 =	vld [tilespmem:s26+$0xA490]  }
0xb0: {  	v19 =	vld [tilespmem:s26+$0xA4A0]  }
0xb1: {  	v20 =	vld [tilespmem:s26+$0xA4B0]  }
0xb2: {  	v21 =	vld [tilespmem:s26+$0xA500]  }
0xb3: {  	v22 =	vld [tilespmem:s26+$0xA510]  }
0xb4: {  	v23 =	vld [tilespmem:s26+$0xA520]  }
0xb5: {  	v24 =	vld [tilespmem:s26+$0xA530]  }
0xb6: {  	v25 =	vld [tilespmem:s26+$0xA580]  }
0xb7: {  	v26 =	vld [tilespmem:s26+$0xA590]  }
0xb8: {  	v27 =	vld [tilespmem:s26+$0xA5A0]  }
0xb9: {  	v28 =	vld [tilespmem:s26+$0xA5B0]  }
0xba: {  	v29 =	vld [tilespmem:s26+$0xA600]  }
0xbb: {  	v30 =	vld [tilespmem:s26+$0xA610]  }
0xbc: {  	v31 =	vld [tilespmem:s26+$0xA620]  }
0xbd: {  	v32 =	vld [tilespmem:s26+$0xA630]  }
0xbe: {  	v33 =	vld [tilespmem:s26+$0xA680]  }
0xbf: {  	v34 =	vld [tilespmem:s26+$0xA690]  }
0xc0: {  	v35 =	vld [tilespmem:s26+$0xA6A0]  }
0xc1: {  	v36 =	vld [tilespmem:s26+$0xA6B0]  }
0xc2: {  	v37 =	vld [tilespmem:s26+$0xA700]  }
0xc3: {  	v38 =	vld [tilespmem:s26+$0xA710]  }
0xc4: {  	v39 =	vld [tilespmem:s26+$0xA720]  }
0xc5: {  	v40 =	vld [tilespmem:s26+$0xA730]  }
0xc6: {  	v41 =	vld [tilespmem:s26+$0xA780]  }
0xc7: {  	v42 =	vld [tilespmem:s26+$0xA790]  }
0xc8: {  	v43 =	vld [tilespmem:s26+$0xA7A0]  }
0xc9: {  	v44 =	vld [tilespmem:s26+$0xA7B0]  }
0xca: {  	v45 =	vld [tilespmem:s26+$0xA800]  }
0xcb: {  	v46 =	vld [tilespmem:s26+$0xA810]  }
0xcc: {  	v47 =	vld [tilespmem:s26+$0xA820]  }
0xcd: {  	v48 =	vld [tilespmem:s26+$0xA830]  }
0xce: {  	v49 =	vld [tilespmem:s26+$0xA880]  }
0xcf: {  	v50 =	vld [tilespmem:s26+$0xA890]  }
0xd0: {  	v51 =	vld [tilespmem:s26+$0xA8A0]  }
0xd1: {  	v52 =	vld [tilespmem:s26+$0xA8B0]  }
0xd2: {  	v53 =	vld [tilespmem:s26+$0xA900]  }
0xd3: {  	v54 =	vld [tilespmem:s26+$0xA910]  }
0xd4: {  	v55 =	vld [tilespmem:s26+$0xA920]  }
0xd5: {  	v56 =	vld [tilespmem:s26+$0xA930]  }
0xd6: {  	v57 =	vld [tilespmem:s26+$0xA980]  }
0xd7: {  	v58 =	vld [tilespmem:s26+$0xA990]  }
0xd8: {  	v59 =	vld [tilespmem:s26+$0xA9A0]  }
0xd9: {  	v60 =	vld [tilespmem:s26+$0xA9B0]  }
0xda: {  	v61 =	vld [tilespmem:s26+$0xAA00]  }
0xdb: {  	v62 =	vld [tilespmem:s26+$0xAA10]  }
0xdc: {  	[tilespmem:s26+$0xA30] =	vst.add.f32.msk $0xffff, v0  }
0xdd: {  	v0 =	vld [tilespmem:s26+$0xAA20]  }
0xde: {  	[tilespmem:s26+$0x280] =	vst.add.f32.msk $0xffff, v1  }
0xdf: {  	[tilespmem:s26+$0x290] =	vst.add.f32.msk $0xffff, v2  }
0xe0: {  	[tilespmem:s26+$0x2A0] =	vst.add.f32.msk $0xffff, v3  }
0xe1: {  	[tilespmem:s26+$0x2B0] =	vst.add.f32.msk $0xffff, v4  }
0xe2: {  	[tilespmem:s26+$0x300] =	vst.add.f32.msk $0xffff, v5  }
0xe3: {  	[tilespmem:s26+$0x310] =	vst.add.f32.msk $0xffff, v6  }
0xe4: {  	[tilespmem:s26+$0x320] =	vst.add.f32.msk $0xffff, v7  }
0xe5: {  	[tilespmem:s26+$0x330] =	vst.add.f32.msk $0xffff, v8  }
0xe6: {  	[tilespmem:s26+$0x380] =	vst.add.f32.msk $0xffff, v9  }
0xe7: {  	[tilespmem:s26+$0x390] =	vst.add.f32.msk $0xffff, v10  }
0xe8: {  	[tilespmem:s26+$0x3A0] =	vst.add.f32.msk $0xffff, v11  }
0xe9: {  	[tilespmem:s26+$0x3B0] =	vst.add.f32.msk $0xffff, v12  }
0xea: {  	[tilespmem:s26+$0x400] =	vst.add.f32.msk $0xffff, v13  }
0xeb: {  	[tilespmem:s26+$0x410] =	vst.add.f32.msk $0xffff, v14  }
0xec: {  	[tilespmem:s26+$0x420] =	vst.add.f32.msk $0xffff, v15  }
0xed: {  	[tilespmem:s26+$0x430] =	vst.add.f32.msk $0xffff, v16  }
0xee: {  	[tilespmem:s26+$0x480] =	vst.add.f32.msk $0xffff, v17  }
0xef: {  	[tilespmem:s26+$0x490] =	vst.add.f32.msk $0xffff, v18  }
0xf0: {  	[tilespmem:s26+$0x4A0] =	vst.add.f32.msk $0xffff, v19  }
0xf1: {  	[tilespmem:s26+$0x4B0] =	vst.add.f32.msk $0xffff, v20  }
0xf2: {  	[tilespmem:s26+$0x500] =	vst.add.f32.msk $0xffff, v21  }
0xf3: {  	[tilespmem:s26+$0x510] =	vst.add.f32.msk $0xffff, v22  }
0xf4: {  	[tilespmem:s26+$0x520] =	vst.add.f32.msk $0xffff, v23  }
0xf5: {  	[tilespmem:s26+$0x530] =	vst.add.f32.msk $0xffff, v24  }
0xf6: {  	[tilespmem:s26+$0x580] =	vst.add.f32.msk $0xffff, v25  }
0xf7: {  	[tilespmem:s26+$0x590] =	vst.add.f32.msk $0xffff, v26  }
0xf8: {  	[tilespmem:s26+$0x5A0] =	vst.add.f32.msk $0xffff, v27  }
0xf9: {  	[tilespmem:s26+$0x5B0] =	vst.add.f32.msk $0xffff, v28  }
0xfa: {  	[tilespmem:s26+$0x600] =	vst.add.f32.msk $0xffff, v29  }
0xfb: {  	[tilespmem:s26+$0x610] =	vst.add.f32.msk $0xffff, v30  }
0xfc: {  	[tilespmem:s26+$0x620] =	vst.add.f32.msk $0xffff, v31  }
0xfd: {  	[tilespmem:s26+$0x630] =	vst.add.f32.msk $0xffff, v32  }
0xfe: {  	[tilespmem:s26+$0x680] =	vst.add.f32.msk $0xffff, v33  }
0xff: {  	[tilespmem:s26+$0x690] =	vst.add.f32.msk $0xffff, v34  }
0x100: {  	[tilespmem:s26+$0x6A0] =	vst.add.f32.msk $0xffff, v35  }
0x101: {  	[tilespmem:s26+$0x6B0] =	vst.add.f32.msk $0xffff, v36  }
0x102: {  	[tilespmem:s26+$0x700] =	vst.add.f32.msk $0xffff, v37  }
0x103: {  	[tilespmem:s26+$0x710] =	vst.add.f32.msk $0xffff, v38  }
0x104: {  	[tilespmem:s26+$0x720] =	vst.add.f32.msk $0xffff, v39  }
0x105: {  	[tilespmem:s26+$0x730] =	vst.add.f32.msk $0xffff, v40  }
0x106: {  	[tilespmem:s26+$0x780] =	vst.add.f32.msk $0xffff, v41  }
0x107: {  	[tilespmem:s26+$0x790] =	vst.add.f32.msk $0xffff, v42  }
0x108: {  	[tilespmem:s26+$0x7A0] =	vst.add.f32.msk $0xffff, v43  }
0x109: {  	[tilespmem:s26+$0x7B0] =	vst.add.f32.msk $0xffff, v44  }
0x10a: {  	[tilespmem:s26+$0x800] =	vst.add.f32.msk $0xffff, v45  }
0x10b: {  	[tilespmem:s26+$0x810] =	vst.add.f32.msk $0xffff, v46  }
0x10c: {  	[tilespmem:s26+$0x820] =	vst.add.f32.msk $0xffff, v47  }
0x10d: {  	[tilespmem:s26+$0x830] =	vst.add.f32.msk $0xffff, v48  }
0x10e: {  	[tilespmem:s26+$0x880] =	vst.add.f32.msk $0xffff, v49  }
0x10f: {  	[tilespmem:s26+$0x890] =	vst.add.f32.msk $0xffff, v50  }
0x110: {  	[tilespmem:s26+$0x8A0] =	vst.add.f32.msk $0xffff, v51  }
0x111: {  	[tilespmem:s26+$0x8B0] =	vst.add.f32.msk $0xffff, v52  }
0x112: {  	[tilespmem:s26+$0x900] =	vst.add.f32.msk $0xffff, v53  }
0x113: {  	[tilespmem:s26+$0x910] =	vst.add.f32.msk $0xffff, v54  }
0x114: {  	[tilespmem:s26+$0x920] =	vst.add.f32.msk $0xffff, v55  }
0x115: {  	[tilespmem:s26+$0x930] =	vst.add.f32.msk $0xffff, v56  }
0x116: {  	[tilespmem:s26+$0x980] =	vst.add.f32.msk $0xffff, v57  }
0x117: {  	[tilespmem:s26+$0x990] =	vst.add.f32.msk $0xffff, v58  }
0x118: {  	[tilespmem:s26+$0x9A0] =	vst.add.f32.msk $0xffff, v59  }
0x119: {  	[tilespmem:s26+$0x9B0] =	vst.add.f32.msk $0xffff, v60  }
0x11a: {  	[tilespmem:s26+$0xA00] =	vst.add.f32.msk $0xffff, v61  }
0x11b: {  	s25 =	simm.s32 $0x0;
	s28 =	simm.s32 $0x2000;
	[tilespmem:s26+$0xA10] =	vst.add.f32.msk $0xffff, v62  }
.LBB2_3:
0x11c: {  	s25 =	sadd.s32 $0x4, s25;
	[tilespmem:s26+$0xA20] =	vst.add.f32.msk $0xffff, v0;
	s26 =	sshra.s32 s28, $0x2  }
0x11d: {  	v0 =	vld [tilespmem:s26+$0xAA30];
	p0 =	slt.u32 s25, $0xC  }
0x11e: {  	v1 =	vld [tilespmem:s26+$0xA280]  }
0x11f: {  	v2 =	vld [tilespmem:s26+$0xA290]  }
0x120: {  	v3 =	vld [tilespmem:s26+$0xA2A0]  }
0x121: {  	v4 =	vld [tilespmem:s26+$0xA2B0]  }
0x122: {  	[tilespmem:s26+$0xA30] =	vst.add.f32.msk $0xffff, v0  }
0x123: {  	v5 =	vld [tilespmem:s26+$0xA300]  }
0x124: {  	v6 =	vld [tilespmem:s26+$0xA310]  }
0x125: {  	v7 =	vld [tilespmem:s26+$0xA320]  }
0x126: {  	v8 =	vld [tilespmem:s26+$0xA330]  }
0x127: {  	v9 =	vld [tilespmem:s26+$0xA380]  }
0x128: {  	v10 =	vld [tilespmem:s26+$0xA390]  }
0x129: {  	v11 =	vld [tilespmem:s26+$0xA3A0]  }
0x12a: {  	v12 =	vld [tilespmem:s26+$0xA3B0]  }
0x12b: {  	v13 =	vld [tilespmem:s26+$0xA400]  }
0x12c: {  	v14 =	vld [tilespmem:s26+$0xA410]  }
0x12d: {  	v15 =	vld [tilespmem:s26+$0xA420]  }
0x12e: {  	v16 =	vld [tilespmem:s26+$0xA430]  }
0x12f: {  	v17 =	vld [tilespmem:s26+$0xA480]  }
0x130: {  	v18 =	vld [tilespmem:s26+$0xA490]  }
0x131: {  	v19 =	vld [tilespmem:s26+$0xA4A0]  }
0x132: {  	v20 =	vld [tilespmem:s26+$0xA4B0]  }
0x133: {  	v21 =	vld [tilespmem:s26+$0xA500]  }
0x134: {  	v22 =	vld [tilespmem:s26+$0xA510]  }
0x135: {  	v23 =	vld [tilespmem:s26+$0xA520]  }
0x136: {  	v24 =	vld [tilespmem:s26+$0xA530]  }
0x137: {  	v25 =	vld [tilespmem:s26+$0xA580]  }
0x138: {  	v26 =	vld [tilespmem:s26+$0xA590]  }
0x139: {  	v27 =	vld [tilespmem:s26+$0xA5A0]  }
0x13a: {  	v28 =	vld [tilespmem:s26+$0xA5B0]  }
0x13b: {  	v29 =	vld [tilespmem:s26+$0xA600]  }
0x13c: {  	v30 =	vld [tilespmem:s26+$0xA610]  }
0x13d: {  	v31 =	vld [tilespmem:s26+$0xA620]  }
0x13e: {  	v32 =	vld [tilespmem:s26+$0xA630]  }
0x13f: {  	v33 =	vld [tilespmem:s26+$0xA680]  }
0x140: {  	v34 =	vld [tilespmem:s26+$0xA690]  }
0x141: {  	v35 =	vld [tilespmem:s26+$0xA6A0]  }
0x142: {  	v36 =	vld [tilespmem:s26+$0xA6B0]  }
0x143: {  	v37 =	vld [tilespmem:s26+$0xA700]  }
0x144: {  	v38 =	vld [tilespmem:s26+$0xA710]  }
0x145: {  	v39 =	vld [tilespmem:s26+$0xA720]  }
0x146: {  	v40 =	vld [tilespmem:s26+$0xA730]  }
0x147: {  	v41 =	vld [tilespmem:s26+$0xA780]  }
0x148: {  	v42 =	vld [tilespmem:s26+$0xA790]  }
0x149: {  	v43 =	vld [tilespmem:s26+$0xA7A0]  }
0x14a: {  	v44 =	vld [tilespmem:s26+$0xA7B0]  }
0x14b: {  	v45 =	vld [tilespmem:s26+$0xA800]  }
0x14c: {  	v46 =	vld [tilespmem:s26+$0xA810]  }
0x14d: {  	v47 =	vld [tilespmem:s26+$0xA820]  }
0x14e: {  	v48 =	vld [tilespmem:s26+$0xA830]  }
0x14f: {  	v49 =	vld [tilespmem:s26+$0xA880]  }
0x150: {  	v50 =	vld [tilespmem:s26+$0xA890]  }
0x151: {  	v51 =	vld [tilespmem:s26+$0xA8A0]  }
0x152: {  	v52 =	vld [tilespmem:s26+$0xA8B0]  }
0x153: {  	v53 =	vld [tilespmem:s26+$0xA900]  }
0x154: {  	v54 =	vld [tilespmem:s26+$0xA910]  }
0x155: {  	v55 =	vld [tilespmem:s26+$0xA920]  }
0x156: {  	v56 =	vld [tilespmem:s26+$0xA930]  }
0x157: {  	v57 =	vld [tilespmem:s26+$0xA980]  }
0x158: {  	v58 =	vld [tilespmem:s26+$0xA990]  }
0x159: {  	v59 =	vld [tilespmem:s26+$0xA9A0]  }
0x15a: {  	v60 =	vld [tilespmem:s26+$0xA9B0]  }
0x15b: {  	v61 =	vld [tilespmem:s26+$0xAA00]  }
0x15c: {  	v62 =	vld [tilespmem:s26+$0xAA10]  }
0x15d: {  	v0 =	vld [tilespmem:s26+$0xAA20]  }
0x15e: {  	[tilespmem:s26+$0x280] =	vst.add.f32.msk $0xffff, v1  }
0x15f: {  	[tilespmem:s26+$0x290] =	vst.add.f32.msk $0xffff, v2  }
0x160: {  	[tilespmem:s26+$0x2A0] =	vst.add.f32.msk $0xffff, v3  }
0x161: {  	[tilespmem:s26+$0x2B0] =	vst.add.f32.msk $0xffff, v4  }
0x162: {  	[tilespmem:s26+$0x300] =	vst.add.f32.msk $0xffff, v5  }
0x163: {  	[tilespmem:s26+$0x310] =	vst.add.f32.msk $0xffff, v6  }
0x164: {  	[tilespmem:s26+$0x320] =	vst.add.f32.msk $0xffff, v7  }
0x165: {  	[tilespmem:s26+$0x330] =	vst.add.f32.msk $0xffff, v8  }
0x166: {  	[tilespmem:s26+$0x380] =	vst.add.f32.msk $0xffff, v9  }
0x167: {  	[tilespmem:s26+$0x390] =	vst.add.f32.msk $0xffff, v10  }
0x168: {  	[tilespmem:s26+$0x3A0] =	vst.add.f32.msk $0xffff, v11  }
0x169: {  	[tilespmem:s26+$0x3B0] =	vst.add.f32.msk $0xffff, v12  }
0x16a: {  	[tilespmem:s26+$0x400] =	vst.add.f32.msk $0xffff, v13  }
0x16b: {  	[tilespmem:s26+$0x410] =	vst.add.f32.msk $0xffff, v14  }
0x16c: {  	[tilespmem:s26+$0x420] =	vst.add.f32.msk $0xffff, v15  }
0x16d: {  	[tilespmem:s26+$0x430] =	vst.add.f32.msk $0xffff, v16  }
0x16e: {  	[tilespmem:s26+$0x480] =	vst.add.f32.msk $0xffff, v17  }
0x16f: {  	[tilespmem:s26+$0x490] =	vst.add.f32.msk $0xffff, v18  }
0x170: {  	[tilespmem:s26+$0x4A0] =	vst.add.f32.msk $0xffff, v19  }
0x171: {  	[tilespmem:s26+$0x4B0] =	vst.add.f32.msk $0xffff, v20  }
0x172: {  	[tilespmem:s26+$0x500] =	vst.add.f32.msk $0xffff, v21  }
0x173: {  	[tilespmem:s26+$0x510] =	vst.add.f32.msk $0xffff, v22  }
0x174: {  	[tilespmem:s26+$0x520] =	vst.add.f32.msk $0xffff, v23  }
0x175: {  	[tilespmem:s26+$0x530] =	vst.add.f32.msk $0xffff, v24  }
0x176: {  	[tilespmem:s26+$0x580] =	vst.add.f32.msk $0xffff, v25  }
0x177: {  	[tilespmem:s26+$0x590] =	vst.add.f32.msk $0xffff, v26  }
0x178: {  	[tilespmem:s26+$0x5A0] =	vst.add.f32.msk $0xffff, v27  }
0x179: {  	[tilespmem:s26+$0x5B0] =	vst.add.f32.msk $0xffff, v28  }
0x17a: {  	[tilespmem:s26+$0x600] =	vst.add.f32.msk $0xffff, v29  }
0x17b: {  	[tilespmem:s26+$0x610] =	vst.add.f32.msk $0xffff, v30  }
0x17c: {  	[tilespmem:s26+$0x620] =	vst.add.f32.msk $0xffff, v31  }
0x17d: {  	[tilespmem:s26+$0x630] =	vst.add.f32.msk $0xffff, v32  }
0x17e: {  	[tilespmem:s26+$0x680] =	vst.add.f32.msk $0xffff, v33  }
0x17f: {  	[tilespmem:s26+$0x690] =	vst.add.f32.msk $0xffff, v34  }
0x180: {  	[tilespmem:s26+$0x6A0] =	vst.add.f32.msk $0xffff, v35  }
0x181: {  	[tilespmem:s26+$0x6B0] =	vst.add.f32.msk $0xffff, v36  }
0x182: {  	[tilespmem:s26+$0x700] =	vst.add.f32.msk $0xffff, v37  }
0x183: {  	[tilespmem:s26+$0x710] =	vst.add.f32.msk $0xffff, v38  }
0x184: {  	[tilespmem:s26+$0x720] =	vst.add.f32.msk $0xffff, v39  }
0x185: {  	[tilespmem:s26+$0x730] =	vst.add.f32.msk $0xffff, v40  }
0x186: {  	[tilespmem:s26+$0x780] =	vst.add.f32.msk $0xffff, v41  }
0x187: {  	[tilespmem:s26+$0x790] =	vst.add.f32.msk $0xffff, v42  }
0x188: {  	[tilespmem:s26+$0x7A0] =	vst.add.f32.msk $0xffff, v43  }
0x189: {  	[tilespmem:s26+$0x7B0] =	vst.add.f32.msk $0xffff, v44  }
0x18a: {  	[tilespmem:s26+$0x800] =	vst.add.f32.msk $0xffff, v45  }
0x18b: {  	[tilespmem:s26+$0x810] =	vst.add.f32.msk $0xffff, v46  }
0x18c: {  	[tilespmem:s26+$0x820] =	vst.add.f32.msk $0xffff, v47  }
0x18d: {  	[tilespmem:s26+$0x830] =	vst.add.f32.msk $0xffff, v48  }
0x18e: {  	[tilespmem:s26+$0x880] =	vst.add.f32.msk $0xffff, v49  }
0x18f: {  	[tilespmem:s26+$0x890] =	vst.add.f32.msk $0xffff, v50  }
0x190: {  	[tilespmem:s26+$0x8A0] =	vst.add.f32.msk $0xffff, v51  }
0x191: {  	[tilespmem:s26+$0x8B0] =	vst.add.f32.msk $0xffff, v52  }
0x192: {  	[tilespmem:s26+$0x900] =	vst.add.f32.msk $0xffff, v53  }
0x193: {  	[tilespmem:s26+$0x910] =	vst.add.f32.msk $0xffff, v54  }
0x194: {  	[tilespmem:s26+$0x920] =	vst.add.f32.msk $0xffff, v55  }
0x195: {  	[tilespmem:s26+$0x930] =	vst.add.f32.msk $0xffff, v56  }
0x196: {  	[tilespmem:s26+$0x980] =	vst.add.f32.msk $0xffff, v57  }
.Ltmp2:
0x197: {  	[tilespmem:s26+$0x990] =	vst.add.f32.msk $0xffff, v58;
	(pc) =	sbr.rel @p0 .LBB2_3-.Ltmp2, $4  }
0x198: {  	[tilespmem:s26+$0x9A0] =	vst.add.f32.msk $0xffff, v59  }
0x199: {  	[tilespmem:s26+$0x9B0] =	vst.add.f32.msk $0xffff, v60  }
0x19a: {  	[tilespmem:s26+$0xA00] =	vst.add.f32.msk $0xffff, v61  }
0x19b: {  	s28 =	sadd.s32 $0x2000, s28;
	[tilespmem:s26+$0xA10] =	vst.add.f32.msk $0xffff, v62  }
0x19c: {  	s25 =	smul.u32 $0x140, s24;
	_ =	sdelay $0x1  }
0x19d: {  	s28 =	sadd.s32 s7, s25  }
0x19e: {  	s28 =	sshll.u32 s28, $0x4  }
0x19f: {  	[tilespmem:s26+$0xA20] =	vst.add.f32.msk $0xffff, v0;
	s29 =	simm.s32 $0x280;
	s26 =	sadd.s32 s6, s28;
	s28 =	simm.s32 $0x0  }
0x1a0: {  	[hbm4b:s26+s28] =	stream.linear.scatter [tilespmem:s29], [sflag:$0xB], $0x2000, $0x38;
	[tilespmem:$0x14280] =	vst v63  }
0x1a1: {  	_ =	swait.ge [sflag:s14], $0x2000  }
0x1a2: {  	[sflag:s14] =	ssyncset.done $0x0  }
0x1a3: {  	s26 =	simm.s32 $0x0;
	[sflag:s14] =	ssyncadd.s32 $0xFFFFE000  }
0x1a4: {  	v0 =	vld [tilespmem:s26+$0xCA30]  }
0x1a5: {  	v1 =	vld [tilespmem:s26+$0xC280]  }
0x1a6: {  	v2 =	vld [tilespmem:s26+$0xC290]  }
0x1a7: {  	v3 =	vld [tilespmem:s26+$0xC2A0]  }
0x1a8: {  	v4 =	vld [tilespmem:s26+$0xC2B0]  }
0x1a9: {  	v5 =	vld [tilespmem:s26+$0xC300]  }
0x1aa: {  	v6 =	vld [tilespmem:s26+$0xC310]  }
0x1ab: {  	v7 =	vld [tilespmem:s26+$0xC320]  }
0x1ac: {  	v8 =	vld [tilespmem:s26+$0xC330]  }
0x1ad: {  	v9 =	vld [tilespmem:s26+$0xC380]  }
0x1ae: {  	v10 =	vld [tilespmem:s26+$0xC390]  }
0x1af: {  	v11 =	vld [tilespmem:s26+$0xC3A0]  }
0x1b0: {  	v12 =	vld [tilespmem:s26+$0xC3B0]  }
0x1b1: {  	v13 =	vld [tilespmem:s26+$0xC400]  }
0x1b2: {  	v14 =	vld [tilespmem:s26+$0xC410]  }
0x1b3: {  	v15 =	vld [tilespmem:s26+$0xC420]  }
0x1b4: {  	v16 =	vld [tilespmem:s26+$0xC430]  }
0x1b5: {  	v17 =	vld [tilespmem:s26+$0xC480]  }
0x1b6: {  	v18 =	vld [tilespmem:s26+$0xC490]  }
0x1b7: {  	v19 =	vld [tilespmem:s26+$0xC4A0]  }
0x1b8: {  	v20 =	vld [tilespmem:s26+$0xC4B0]  }
0x1b9: {  	v21 =	vld [tilespmem:s26+$0xC500]  }
0x1ba: {  	v22 =	vld [tilespmem:s26+$0xC510]  }
0x1bb: {  	v23 =	vld [tilespmem:s26+$0xC520]  }
0x1bc: {  	v24 =	vld [tilespmem:s26+$0xC530]  }
0x1bd: {  	v25 =	vld [tilespmem:s26+$0xC580]  }
0x1be: {  	v26 =	vld [tilespmem:s26+$0xC590]  }
0x1bf: {  	v27 =	vld [tilespmem:s26+$0xC5A0]  }
0x1c0: {  	v28 =	vld [tilespmem:s26+$0xC5B0]  }
0x1c1: {  	v29 =	vld [tilespmem:s26+$0xC600]  }
0x1c2: {  	v30 =	vld [tilespmem:s26+$0xC610]  }
0x1c3: {  	v31 =	vld [tilespmem:s26+$0xC620]  }
0x1c4: {  	v32 =	vld [tilespmem:s26+$0xC630]  }
0x1c5: {  	v33 =	vld [tilespmem:s26+$0xC680]  }
0x1c6: {  	v34 =	vld [tilespmem:s26+$0xC690]  }
0x1c7: {  	v35 =	vld [tilespmem:s26+$0xC6A0]  }
0x1c8: {  	v36 =	vld [tilespmem:s26+$0xC6B0]  }
0x1c9: {  	v37 =	vld [tilespmem:s26+$0xC700]  }
0x1ca: {  	v38 =	vld [tilespmem:s26+$0xC710]  }
0x1cb: {  	v39 =	vld [tilespmem:s26+$0xC720]  }
0x1cc: {  	v40 =	vld [tilespmem:s26+$0xC730]  }
0x1cd: {  	v41 =	vld [tilespmem:s26+$0xC780]  }
0x1ce: {  	v42 =	vld [tilespmem:s26+$0xC790]  }
0x1cf: {  	v43 =	vld [tilespmem:s26+$0xC7A0]  }
0x1d0: {  	v44 =	vld [tilespmem:s26+$0xC7B0]  }
0x1d1: {  	v45 =	vld [tilespmem:s26+$0xC800]  }
0x1d2: {  	v46 =	vld [tilespmem:s26+$0xC810]  }
0x1d3: {  	v47 =	vld [tilespmem:s26+$0xC820]  }
0x1d4: {  	v48 =	vld [tilespmem:s26+$0xC830]  }
0x1d5: {  	v49 =	vld [tilespmem:s26+$0xC880]  }
0x1d6: {  	v50 =	vld [tilespmem:s26+$0xC890]  }
0x1d7: {  	v51 =	vld [tilespmem:s26+$0xC8A0]  }
0x1d8: {  	v52 =	vld [tilespmem:s26+$0xC8B0]  }
0x1d9: {  	v53 =	vld [tilespmem:s26+$0xC900]  }
0x1da: {  	v54 =	vld [tilespmem:s26+$0xC910]  }
0x1db: {  	v55 =	vld [tilespmem:s26+$0xC920]  }
0x1dc: {  	v56 =	vld [tilespmem:s26+$0xC930]  }
0x1dd: {  	v57 =	vld [tilespmem:s26+$0xC980]  }
0x1de: {  	v58 =	vld [tilespmem:s26+$0xC990]  }
0x1df: {  	v59 =	vld [tilespmem:s26+$0xC9A0]  }
0x1e0: {  	v60 =	vld [tilespmem:s26+$0xC9B0]  }
0x1e1: {  	v61 =	vld [tilespmem:s26+$0xCA00]  }
0x1e2: {  	v62 =	vld [tilespmem:s26+$0xCA10]  }
0x1e3: {  	[tilespmem:s26+$0x2A30] =	vst.add.f32.msk $0xffff, v0  }
0x1e4: {  	v0 =	vld [tilespmem:s26+$0xCA20]  }
0x1e5: {  	[tilespmem:s26+$0x2280] =	vst.add.f32.msk $0xffff, v1  }
0x1e6: {  	[tilespmem:s26+$0x2290] =	vst.add.f32.msk $0xffff, v2  }
0x1e7: {  	[tilespmem:s26+$0x22A0] =	vst.add.f32.msk $0xffff, v3  }
0x1e8: {  	[tilespmem:s26+$0x22B0] =	vst.add.f32.msk $0xffff, v4  }
0x1e9: {  	[tilespmem:s26+$0x2300] =	vst.add.f32.msk $0xffff, v5  }
0x1ea: {  	[tilespmem:s26+$0x2310] =	vst.add.f32.msk $0xffff, v6  }
0x1eb: {  	[tilespmem:s26+$0x2320] =	vst.add.f32.msk $0xffff, v7  }
0x1ec: {  	[tilespmem:s26+$0x2330] =	vst.add.f32.msk $0xffff, v8  }
0x1ed: {  	[tilespmem:s26+$0x2380] =	vst.add.f32.msk $0xffff, v9  }
0x1ee: {  	[tilespmem:s26+$0x2390] =	vst.add.f32.msk $0xffff, v10  }
0x1ef: {  	[tilespmem:s26+$0x23A0] =	vst.add.f32.msk $0xffff, v11  }
0x1f0: {  	[tilespmem:s26+$0x23B0] =	vst.add.f32.msk $0xffff, v12  }
0x1f1: {  	[tilespmem:s26+$0x2400] =	vst.add.f32.msk $0xffff, v13  }
0x1f2: {  	[tilespmem:s26+$0x2410] =	vst.add.f32.msk $0xffff, v14  }
0x1f3: {  	[tilespmem:s26+$0x2420] =	vst.add.f32.msk $0xffff, v15  }
0x1f4: {  	[tilespmem:s26+$0x2430] =	vst.add.f32.msk $0xffff, v16  }
0x1f5: {  	[tilespmem:s26+$0x2480] =	vst.add.f32.msk $0xffff, v17  }
0x1f6: {  	[tilespmem:s26+$0x2490] =	vst.add.f32.msk $0xffff, v18  }
0x1f7: {  	[tilespmem:s26+$0x24A0] =	vst.add.f32.msk $0xffff, v19  }
0x1f8: {  	[tilespmem:s26+$0x24B0] =	vst.add.f32.msk $0xffff, v20  }
0x1f9: {  	[tilespmem:s26+$0x2500] =	vst.add.f32.msk $0xffff, v21  }
0x1fa: {  	[tilespmem:s26+$0x2510] =	vst.add.f32.msk $0xffff, v22  }
0x1fb: {  	[tilespmem:s26+$0x2520] =	vst.add.f32.msk $0xffff, v23  }
0x1fc: {  	[tilespmem:s26+$0x2530] =	vst.add.f32.msk $0xffff, v24  }
0x1fd: {  	[tilespmem:s26+$0x2580] =	vst.add.f32.msk $0xffff, v25  }
0x1fe: {  	[tilespmem:s26+$0x2590] =	vst.add.f32.msk $0xffff, v26  }
0x1ff: {  	[tilespmem:s26+$0x25A0] =	vst.add.f32.msk $0xffff, v27  }
0x200: {  	[tilespmem:s26+$0x25B0] =	vst.add.f32.msk $0xffff, v28  }
0x201: {  	[tilespmem:s26+$0x2600] =	vst.add.f32.msk $0xffff, v29  }
0x202: {  	[tilespmem:s26+$0x2610] =	vst.add.f32.msk $0xffff, v30  }
0x203: {  	[tilespmem:s26+$0x2620] =	vst.add.f32.msk $0xffff, v31  }
0x204: {  	[tilespmem:s26+$0x2630] =	vst.add.f32.msk $0xffff, v32  }
0x205: {  	[tilespmem:s26+$0x2680] =	vst.add.f32.msk $0xffff, v33  }
0x206: {  	[tilespmem:s26+$0x2690] =	vst.add.f32.msk $0xffff, v34  }
0x207: {  	[tilespmem:s26+$0x26A0] =	vst.add.f32.msk $0xffff, v35  }
0x208: {  	[tilespmem:s26+$0x26B0] =	vst.add.f32.msk $0xffff, v36  }
0x209: {  	[tilespmem:s26+$0x2700] =	vst.add.f32.msk $0xffff, v37  }
0x20a: {  	[tilespmem:s26+$0x2710] =	vst.add.f32.msk $0xffff, v38  }
0x20b: {  	[tilespmem:s26+$0x2720] =	vst.add.f32.msk $0xffff, v39  }
0x20c: {  	[tilespmem:s26+$0x2730] =	vst.add.f32.msk $0xffff, v40  }
0x20d: {  	[tilespmem:s26+$0x2780] =	vst.add.f32.msk $0xffff, v41  }
0x20e: {  	[tilespmem:s26+$0x2790] =	vst.add.f32.msk $0xffff, v42  }
0x20f: {  	[tilespmem:s26+$0x27A0] =	vst.add.f32.msk $0xffff, v43  }
0x210: {  	[tilespmem:s26+$0x27B0] =	vst.add.f32.msk $0xffff, v44  }
0x211: {  	[tilespmem:s26+$0x2800] =	vst.add.f32.msk $0xffff, v45  }
0x212: {  	[tilespmem:s26+$0x2810] =	vst.add.f32.msk $0xffff, v46  }
0x213: {  	[tilespmem:s26+$0x2820] =	vst.add.f32.msk $0xffff, v47  }
0x214: {  	[tilespmem:s26+$0x2830] =	vst.add.f32.msk $0xffff, v48  }
0x215: {  	[tilespmem:s26+$0x2880] =	vst.add.f32.msk $0xffff, v49  }
0x216: {  	[tilespmem:s26+$0x2890] =	vst.add.f32.msk $0xffff, v50  }
0x217: {  	[tilespmem:s26+$0x28A0] =	vst.add.f32.msk $0xffff, v51  }
0x218: {  	[tilespmem:s26+$0x28B0] =	vst.add.f32.msk $0xffff, v52  }
0x219: {  	[tilespmem:s26+$0x2900] =	vst.add.f32.msk $0xffff, v53  }
0x21a: {  	[tilespmem:s26+$0x2910] =	vst.add.f32.msk $0xffff, v54  }
0x21b: {  	[tilespmem:s26+$0x2920] =	vst.add.f32.msk $0xffff, v55  }
0x21c: {  	[tilespmem:s26+$0x2930] =	vst.add.f32.msk $0xffff, v56  }
0x21d: {  	[tilespmem:s26+$0x2980] =	vst.add.f32.msk $0xffff, v57  }
0x21e: {  	[tilespmem:s26+$0x2990] =	vst.add.f32.msk $0xffff, v58  }
0x21f: {  	[tilespmem:s26+$0x29A0] =	vst.add.f32.msk $0xffff, v59  }
0x220: {  	[tilespmem:s26+$0x29B0] =	vst.add.f32.msk $0xffff, v60  }
0x221: {  	[tilespmem:s26+$0x2A00] =	vst.add.f32.msk $0xffff, v61  }
0x222: {  	s28 =	simm.s32 $0x0;
	s29 =	simm.s32 $0x2000;
	[tilespmem:s26+$0x2A10] =	vst.add.f32.msk $0xffff, v62  }
.LBB2_5:
0x223: {  	s28 =	sadd.s32 $0x4, s28;
	[tilespmem:s26+$0x2A20] =	vst.add.f32.msk $0xffff, v0;
	s26 =	sshra.s32 s29, $0x2  }
0x224: {  	v0 =	vld [tilespmem:s26+$0xCA30];
	p0 =	slt.u32 s28, $0xC  }
0x225: {  	v1 =	vld [tilespmem:s26+$0xC280]  }
0x226: {  	v2 =	vld [tilespmem:s26+$0xC290]  }
0x227: {  	v3 =	vld [tilespmem:s26+$0xC2A0]  }
0x228: {  	v4 =	vld [tilespmem:s26+$0xC2B0]  }
0x229: {  	[tilespmem:s26+$0x2A30] =	vst.add.f32.msk $0xffff, v0  }
0x22a: {  	v5 =	vld [tilespmem:s26+$0xC300]  }
0x22b: {  	v6 =	vld [tilespmem:s26+$0xC310]  }
0x22c: {  	v7 =	vld [tilespmem:s26+$0xC320]  }
0x22d: {  	v8 =	vld [tilespmem:s26+$0xC330]  }
0x22e: {  	v9 =	vld [tilespmem:s26+$0xC380]  }
0x22f: {  	v10 =	vld [tilespmem:s26+$0xC390]  }
0x230: {  	v11 =	vld [tilespmem:s26+$0xC3A0]  }
0x231: {  	v12 =	vld [tilespmem:s26+$0xC3B0]  }
0x232: {  	v13 =	vld [tilespmem:s26+$0xC400]  }
0x233: {  	v14 =	vld [tilespmem:s26+$0xC410]  }
0x234: {  	v15 =	vld [tilespmem:s26+$0xC420]  }
0x235: {  	v16 =	vld [tilespmem:s26+$0xC430]  }
0x236: {  	v17 =	vld [tilespmem:s26+$0xC480]  }
0x237: {  	v18 =	vld [tilespmem:s26+$0xC490]  }
0x238: {  	v19 =	vld [tilespmem:s26+$0xC4A0]  }
0x239: {  	v20 =	vld [tilespmem:s26+$0xC4B0]  }
0x23a: {  	v21 =	vld [tilespmem:s26+$0xC500]  }
0x23b: {  	v22 =	vld [tilespmem:s26+$0xC510]  }
0x23c: {  	v23 =	vld [tilespmem:s26+$0xC520]  }
0x23d: {  	v24 =	vld [tilespmem:s26+$0xC530]  }
0x23e: {  	v25 =	vld [tilespmem:s26+$0xC580]  }
0x23f: {  	v26 =	vld [tilespmem:s26+$0xC590]  }
0x240: {  	v27 =	vld [tilespmem:s26+$0xC5A0]  }
0x241: {  	v28 =	vld [tilespmem:s26+$0xC5B0]  }
0x242: {  	v29 =	vld [tilespmem:s26+$0xC600]  }
0x243: {  	v30 =	vld [tilespmem:s26+$0xC610]  }
0x244: {  	v31 =	vld [tilespmem:s26+$0xC620]  }
0x245: {  	v32 =	vld [tilespmem:s26+$0xC630]  }
0x246: {  	v33 =	vld [tilespmem:s26+$0xC680]  }
0x247: {  	v34 =	vld [tilespmem:s26+$0xC690]  }
0x248: {  	v35 =	vld [tilespmem:s26+$0xC6A0]  }
0x249: {  	v36 =	vld [tilespmem:s26+$0xC6B0]  }
0x24a: {  	v37 =	vld [tilespmem:s26+$0xC700]  }
0x24b: {  	v38 =	vld [tilespmem:s26+$0xC710]  }
0x24c: {  	v39 =	vld [tilespmem:s26+$0xC720]  }
0x24d: {  	v40 =	vld [tilespmem:s26+$0xC730]  }
0x24e: {  	v41 =	vld [tilespmem:s26+$0xC780]  }
0x24f: {  	v42 =	vld [tilespmem:s26+$0xC790]  }
0x250: {  	v43 =	vld [tilespmem:s26+$0xC7A0]  }
0x251: {  	v44 =	vld [tilespmem:s26+$0xC7B0]  }
0x252: {  	v45 =	vld [tilespmem:s26+$0xC800]  }
0x253: {  	v46 =	vld [tilespmem:s26+$0xC810]  }
0x254: {  	v47 =	vld [tilespmem:s26+$0xC820]  }
0x255: {  	v48 =	vld [tilespmem:s26+$0xC830]  }
0x256: {  	v49 =	vld [tilespmem:s26+$0xC880]  }
0x257: {  	v50 =	vld [tilespmem:s26+$0xC890]  }
0x258: {  	v51 =	vld [tilespmem:s26+$0xC8A0]  }
0x259: {  	v52 =	vld [tilespmem:s26+$0xC8B0]  }
0x25a: {  	v53 =	vld [tilespmem:s26+$0xC900]  }
0x25b: {  	v54 =	vld [tilespmem:s26+$0xC910]  }
0x25c: {  	v55 =	vld [tilespmem:s26+$0xC920]  }
0x25d: {  	v56 =	vld [tilespmem:s26+$0xC930]  }
0x25e: {  	v57 =	vld [tilespmem:s26+$0xC980]  }
0x25f: {  	v58 =	vld [tilespmem:s26+$0xC990]  }
0x260: {  	v59 =	vld [tilespmem:s26+$0xC9A0]  }
0x261: {  	v60 =	vld [tilespmem:s26+$0xC9B0]  }
0x262: {  	v61 =	vld [tilespmem:s26+$0xCA00]  }
0x263: {  	v62 =	vld [tilespmem:s26+$0xCA10]  }
0x264: {  	v0 =	vld [tilespmem:s26+$0xCA20]  }
0x265: {  	[tilespmem:s26+$0x2280] =	vst.add.f32.msk $0xffff, v1  }
0x266: {  	[tilespmem:s26+$0x2290] =	vst.add.f32.msk $0xffff, v2  }
0x267: {  	[tilespmem:s26+$0x22A0] =	vst.add.f32.msk $0xffff, v3  }
0x268: {  	[tilespmem:s26+$0x22B0] =	vst.add.f32.msk $0xffff, v4  }
0x269: {  	[tilespmem:s26+$0x2300] =	vst.add.f32.msk $0xffff, v5  }
0x26a: {  	[tilespmem:s26+$0x2310] =	vst.add.f32.msk $0xffff, v6  }
0x26b: {  	[tilespmem:s26+$0x2320] =	vst.add.f32.msk $0xffff, v7  }
0x26c: {  	[tilespmem:s26+$0x2330] =	vst.add.f32.msk $0xffff, v8  }
0x26d: {  	[tilespmem:s26+$0x2380] =	vst.add.f32.msk $0xffff, v9  }
0x26e: {  	[tilespmem:s26+$0x2390] =	vst.add.f32.msk $0xffff, v10  }
0x26f: {  	[tilespmem:s26+$0x23A0] =	vst.add.f32.msk $0xffff, v11  }
0x270: {  	[tilespmem:s26+$0x23B0] =	vst.add.f32.msk $0xffff, v12  }
0x271: {  	[tilespmem:s26+$0x2400] =	vst.add.f32.msk $0xffff, v13  }
0x272: {  	[tilespmem:s26+$0x2410] =	vst.add.f32.msk $0xffff, v14  }
0x273: {  	[tilespmem:s26+$0x2420] =	vst.add.f32.msk $0xffff, v15  }
0x274: {  	[tilespmem:s26+$0x2430] =	vst.add.f32.msk $0xffff, v16  }
0x275: {  	[tilespmem:s26+$0x2480] =	vst.add.f32.msk $0xffff, v17  }
0x276: {  	[tilespmem:s26+$0x2490] =	vst.add.f32.msk $0xffff, v18  }
0x277: {  	[tilespmem:s26+$0x24A0] =	vst.add.f32.msk $0xffff, v19  }
0x278: {  	[tilespmem:s26+$0x24B0] =	vst.add.f32.msk $0xffff, v20  }
0x279: {  	[tilespmem:s26+$0x2500] =	vst.add.f32.msk $0xffff, v21  }
0x27a: {  	[tilespmem:s26+$0x2510] =	vst.add.f32.msk $0xffff, v22  }
0x27b: {  	[tilespmem:s26+$0x2520] =	vst.add.f32.msk $0xffff, v23  }
0x27c: {  	[tilespmem:s26+$0x2530] =	vst.add.f32.msk $0xffff, v24  }
0x27d: {  	[tilespmem:s26+$0x2580] =	vst.add.f32.msk $0xffff, v25  }
0x27e: {  	[tilespmem:s26+$0x2590] =	vst.add.f32.msk $0xffff, v26  }
0x27f: {  	[tilespmem:s26+$0x25A0] =	vst.add.f32.msk $0xffff, v27  }
0x280: {  	[tilespmem:s26+$0x25B0] =	vst.add.f32.msk $0xffff, v28  }
0x281: {  	[tilespmem:s26+$0x2600] =	vst.add.f32.msk $0xffff, v29  }
0x282: {  	[tilespmem:s26+$0x2610] =	vst.add.f32.msk $0xffff, v30  }
0x283: {  	[tilespmem:s26+$0x2620] =	vst.add.f32.msk $0xffff, v31  }
0x284: {  	[tilespmem:s26+$0x2630] =	vst.add.f32.msk $0xffff, v32  }
0x285: {  	[tilespmem:s26+$0x2680] =	vst.add.f32.msk $0xffff, v33  }
0x286: {  	[tilespmem:s26+$0x2690] =	vst.add.f32.msk $0xffff, v34  }
0x287: {  	[tilespmem:s26+$0x26A0] =	vst.add.f32.msk $0xffff, v35  }
0x288: {  	[tilespmem:s26+$0x26B0] =	vst.add.f32.msk $0xffff, v36  }
0x289: {  	[tilespmem:s26+$0x2700] =	vst.add.f32.msk $0xffff, v37  }
0x28a: {  	[tilespmem:s26+$0x2710] =	vst.add.f32.msk $0xffff, v38  }
0x28b: {  	[tilespmem:s26+$0x2720] =	vst.add.f32.msk $0xffff, v39  }
0x28c: {  	[tilespmem:s26+$0x2730] =	vst.add.f32.msk $0xffff, v40  }
0x28d: {  	[tilespmem:s26+$0x2780] =	vst.add.f32.msk $0xffff, v41  }
0x28e: {  	[tilespmem:s26+$0x2790] =	vst.add.f32.msk $0xffff, v42  }
0x28f: {  	[tilespmem:s26+$0x27A0] =	vst.add.f32.msk $0xffff, v43  }
0x290: {  	[tilespmem:s26+$0x27B0] =	vst.add.f32.msk $0xffff, v44  }
0x291: {  	[tilespmem:s26+$0x2800] =	vst.add.f32.msk $0xffff, v45  }
0x292: {  	[tilespmem:s26+$0x2810] =	vst.add.f32.msk $0xffff, v46  }
0x293: {  	[tilespmem:s26+$0x2820] =	vst.add.f32.msk $0xffff, v47  }
0x294: {  	[tilespmem:s26+$0x2830] =	vst.add.f32.msk $0xffff, v48  }
0x295: {  	[tilespmem:s26+$0x2880] =	vst.add.f32.msk $0xffff, v49  }
0x296: {  	[tilespmem:s26+$0x2890] =	vst.add.f32.msk $0xffff, v50  }
0x297: {  	[tilespmem:s26+$0x28A0] =	vst.add.f32.msk $0xffff, v51  }
0x298: {  	[tilespmem:s26+$0x28B0] =	vst.add.f32.msk $0xffff, v52  }
0x299: {  	[tilespmem:s26+$0x2900] =	vst.add.f32.msk $0xffff, v53  }
0x29a: {  	[tilespmem:s26+$0x2910] =	vst.add.f32.msk $0xffff, v54  }
0x29b: {  	[tilespmem:s26+$0x2920] =	vst.add.f32.msk $0xffff, v55  }
0x29c: {  	[tilespmem:s26+$0x2930] =	vst.add.f32.msk $0xffff, v56  }
0x29d: {  	[tilespmem:s26+$0x2980] =	vst.add.f32.msk $0xffff, v57  }
.Ltmp3:
0x29e: {  	[tilespmem:s26+$0x2990] =	vst.add.f32.msk $0xffff, v58;
	(pc) =	sbr.rel @p0 .LBB2_5-.Ltmp3, $4  }
0x29f: {  	[tilespmem:s26+$0x29A0] =	vst.add.f32.msk $0xffff, v59  }
0x2a0: {  	[tilespmem:s26+$0x29B0] =	vst.add.f32.msk $0xffff, v60  }
0x2a1: {  	[tilespmem:s26+$0x2A00] =	vst.add.f32.msk $0xffff, v61  }
0x2a2: {  	s29 =	sadd.s32 $0x2000, s29;
	[tilespmem:s26+$0x2A10] =	vst.add.f32.msk $0xffff, v62  }
0x2a3: {  	s28 =	rddreg [dreg:$0xc]  }
0x2a4: {  	s28 =	sadd.s32 s25, s28  }
0x2a5: {  	s28 =	sshll.u32 s28, $0x4  }
0x2a6: {  	[tilespmem:s26+$0x2A20] =	vst.add.f32.msk $0xffff, v0;
	s29 =	simm.s32 $0x2280;
	s26 =	sadd.s32 s6, s28;
	s28 =	simm.s32 $0x0  }
0x2a7: {  	[hbm4b:s26+s28] =	stream.linear.scatter [tilespmem:s29], [sflag:$0xC], $0x2000, $0x38;
	[tilespmem:$0x14280] =	vst v63  }
0x2a8: {  	_ =	swait.ge [sflag:s16], $0x2000  }
0x2a9: {  	[sflag:s16] =	ssyncset.done $0x0  }
0x2aa: {  	s26 =	simm.s32 $0x0;
	[sflag:s16] =	ssyncadd.s32 $0xFFFFE000  }
0x2ab: {  	v0 =	vld [tilespmem:s26+$0xEA30]  }
0x2ac: {  	v1 =	vld [tilespmem:s26+$0xE280]  }
0x2ad: {  	v2 =	vld [tilespmem:s26+$0xE290]  }
0x2ae: {  	v3 =	vld [tilespmem:s26+$0xE2A0]  }
0x2af: {  	v4 =	vld [tilespmem:s26+$0xE2B0]  }
0x2b0: {  	v5 =	vld [tilespmem:s26+$0xE300]  }
0x2b1: {  	v6 =	vld [tilespmem:s26+$0xE310]  }
0x2b2: {  	v7 =	vld [tilespmem:s26+$0xE320]  }
0x2b3: {  	v8 =	vld [tilespmem:s26+$0xE330]  }
0x2b4: {  	v9 =	vld [tilespmem:s26+$0xE380]  }
0x2b5: {  	v10 =	vld [tilespmem:s26+$0xE390]  }
0x2b6: {  	v11 =	vld [tilespmem:s26+$0xE3A0]  }
0x2b7: {  	v12 =	vld [tilespmem:s26+$0xE3B0]  }
0x2b8: {  	v13 =	vld [tilespmem:s26+$0xE400]  }
0x2b9: {  	v14 =	vld [tilespmem:s26+$0xE410]  }
0x2ba: {  	v15 =	vld [tilespmem:s26+$0xE420]  }
0x2bb: {  	v16 =	vld [tilespmem:s26+$0xE430]  }
0x2bc: {  	v17 =	vld [tilespmem:s26+$0xE480]  }
0x2bd: {  	v18 =	vld [tilespmem:s26+$0xE490]  }
0x2be: {  	v19 =	vld [tilespmem:s26+$0xE4A0]  }
0x2bf: {  	v20 =	vld [tilespmem:s26+$0xE4B0]  }
0x2c0: {  	v21 =	vld [tilespmem:s26+$0xE500]  }
0x2c1: {  	v22 =	vld [tilespmem:s26+$0xE510]  }
0x2c2: {  	v23 =	vld [tilespmem:s26+$0xE520]  }
0x2c3: {  	v24 =	vld [tilespmem:s26+$0xE530]  }
0x2c4: {  	v25 =	vld [tilespmem:s26+$0xE580]  }
0x2c5: {  	v26 =	vld [tilespmem:s26+$0xE590]  }
0x2c6: {  	v27 =	vld [tilespmem:s26+$0xE5A0]  }
0x2c7: {  	v28 =	vld [tilespmem:s26+$0xE5B0]  }
0x2c8: {  	v29 =	vld [tilespmem:s26+$0xE600]  }
0x2c9: {  	v30 =	vld [tilespmem:s26+$0xE610]  }
0x2ca: {  	v31 =	vld [tilespmem:s26+$0xE620]  }
0x2cb: {  	v32 =	vld [tilespmem:s26+$0xE630]  }
0x2cc: {  	v33 =	vld [tilespmem:s26+$0xE680]  }
0x2cd: {  	v34 =	vld [tilespmem:s26+$0xE690]  }
0x2ce: {  	v35 =	vld [tilespmem:s26+$0xE6A0]  }
0x2cf: {  	v36 =	vld [tilespmem:s26+$0xE6B0]  }
0x2d0: {  	v37 =	vld [tilespmem:s26+$0xE700]  }
0x2d1: {  	v38 =	vld [tilespmem:s26+$0xE710]  }
0x2d2: {  	v39 =	vld [tilespmem:s26+$0xE720]  }
0x2d3: {  	v40 =	vld [tilespmem:s26+$0xE730]  }
0x2d4: {  	v41 =	vld [tilespmem:s26+$0xE780]  }
0x2d5: {  	v42 =	vld [tilespmem:s26+$0xE790]  }
0x2d6: {  	v43 =	vld [tilespmem:s26+$0xE7A0]  }
0x2d7: {  	v44 =	vld [tilespmem:s26+$0xE7B0]  }
0x2d8: {  	v45 =	vld [tilespmem:s26+$0xE800]  }
0x2d9: {  	v46 =	vld [tilespmem:s26+$0xE810]  }
0x2da: {  	v47 =	vld [tilespmem:s26+$0xE820]  }
0x2db: {  	v48 =	vld [tilespmem:s26+$0xE830]  }
0x2dc: {  	v49 =	vld [tilespmem:s26+$0xE880]  }
0x2dd: {  	v50 =	vld [tilespmem:s26+$0xE890]  }
0x2de: {  	v51 =	vld [tilespmem:s26+$0xE8A0]  }
0x2df: {  	v52 =	vld [tilespmem:s26+$0xE8B0]  }
0x2e0: {  	v53 =	vld [tilespmem:s26+$0xE900]  }
0x2e1: {  	v54 =	vld [tilespmem:s26+$0xE910]  }
0x2e2: {  	v55 =	vld [tilespmem:s26+$0xE920]  }
0x2e3: {  	v56 =	vld [tilespmem:s26+$0xE930]  }
0x2e4: {  	v57 =	vld [tilespmem:s26+$0xE980]  }
0x2e5: {  	v58 =	vld [tilespmem:s26+$0xE990]  }
0x2e6: {  	v59 =	vld [tilespmem:s26+$0xE9A0]  }
0x2e7: {  	v60 =	vld [tilespmem:s26+$0xE9B0]  }
0x2e8: {  	v61 =	vld [tilespmem:s26+$0xEA00]  }
0x2e9: {  	v62 =	vld [tilespmem:s26+$0xEA10]  }
0x2ea: {  	[tilespmem:s26+$0x4A30] =	vst.add.f32.msk $0xffff, v0  }
0x2eb: {  	v0 =	vld [tilespmem:s26+$0xEA20]  }
0x2ec: {  	[tilespmem:s26+$0x4280] =	vst.add.f32.msk $0xffff, v1  }
0x2ed: {  	[tilespmem:s26+$0x4290] =	vst.add.f32.msk $0xffff, v2  }
0x2ee: {  	[tilespmem:s26+$0x42A0] =	vst.add.f32.msk $0xffff, v3  }
0x2ef: {  	[tilespmem:s26+$0x42B0] =	vst.add.f32.msk $0xffff, v4  }
0x2f0: {  	[tilespmem:s26+$0x4300] =	vst.add.f32.msk $0xffff, v5  }
0x2f1: {  	[tilespmem:s26+$0x4310] =	vst.add.f32.msk $0xffff, v6  }
0x2f2: {  	[tilespmem:s26+$0x4320] =	vst.add.f32.msk $0xffff, v7  }
0x2f3: {  	[tilespmem:s26+$0x4330] =	vst.add.f32.msk $0xffff, v8  }
0x2f4: {  	[tilespmem:s26+$0x4380] =	vst.add.f32.msk $0xffff, v9  }
0x2f5: {  	[tilespmem:s26+$0x4390] =	vst.add.f32.msk $0xffff, v10  }
0x2f6: {  	[tilespmem:s26+$0x43A0] =	vst.add.f32.msk $0xffff, v11  }
0x2f7: {  	[tilespmem:s26+$0x43B0] =	vst.add.f32.msk $0xffff, v12  }
0x2f8: {  	[tilespmem:s26+$0x4400] =	vst.add.f32.msk $0xffff, v13  }
0x2f9: {  	[tilespmem:s26+$0x4410] =	vst.add.f32.msk $0xffff, v14  }
0x2fa: {  	[tilespmem:s26+$0x4420] =	vst.add.f32.msk $0xffff, v15  }
0x2fb: {  	[tilespmem:s26+$0x4430] =	vst.add.f32.msk $0xffff, v16  }
0x2fc: {  	[tilespmem:s26+$0x4480] =	vst.add.f32.msk $0xffff, v17  }
0x2fd: {  	[tilespmem:s26+$0x4490] =	vst.add.f32.msk $0xffff, v18  }
0x2fe: {  	[tilespmem:s26+$0x44A0] =	vst.add.f32.msk $0xffff, v19  }
0x2ff: {  	[tilespmem:s26+$0x44B0] =	vst.add.f32.msk $0xffff, v20  }
0x300: {  	[tilespmem:s26+$0x4500] =	vst.add.f32.msk $0xffff, v21  }
0x301: {  	[tilespmem:s26+$0x4510] =	vst.add.f32.msk $0xffff, v22  }
0x302: {  	[tilespmem:s26+$0x4520] =	vst.add.f32.msk $0xffff, v23  }
0x303: {  	[tilespmem:s26+$0x4530] =	vst.add.f32.msk $0xffff, v24  }
0x304: {  	[tilespmem:s26+$0x4580] =	vst.add.f32.msk $0xffff, v25  }
0x305: {  	[tilespmem:s26+$0x4590] =	vst.add.f32.msk $0xffff, v26  }
0x306: {  	[tilespmem:s26+$0x45A0] =	vst.add.f32.msk $0xffff, v27  }
0x307: {  	[tilespmem:s26+$0x45B0] =	vst.add.f32.msk $0xffff, v28  }
0x308: {  	[tilespmem:s26+$0x4600] =	vst.add.f32.msk $0xffff, v29  }
0x309: {  	[tilespmem:s26+$0x4610] =	vst.add.f32.msk $0xffff, v30  }
0x30a: {  	[tilespmem:s26+$0x4620] =	vst.add.f32.msk $0xffff, v31  }
0x30b: {  	[tilespmem:s26+$0x4630] =	vst.add.f32.msk $0xffff, v32  }
0x30c: {  	[tilespmem:s26+$0x4680] =	vst.add.f32.msk $0xffff, v33  }
0x30d: {  	[tilespmem:s26+$0x4690] =	vst.add.f32.msk $0xffff, v34  }
0x30e: {  	[tilespmem:s26+$0x46A0] =	vst.add.f32.msk $0xffff, v35  }
0x30f: {  	[tilespmem:s26+$0x46B0] =	vst.add.f32.msk $0xffff, v36  }
0x310: {  	[tilespmem:s26+$0x4700] =	vst.add.f32.msk $0xffff, v37  }
0x311: {  	[tilespmem:s26+$0x4710] =	vst.add.f32.msk $0xffff, v38  }
0x312: {  	[tilespmem:s26+$0x4720] =	vst.add.f32.msk $0xffff, v39  }
0x313: {  	[tilespmem:s26+$0x4730] =	vst.add.f32.msk $0xffff, v40  }
0x314: {  	[tilespmem:s26+$0x4780] =	vst.add.f32.msk $0xffff, v41  }
0x315: {  	[tilespmem:s26+$0x4790] =	vst.add.f32.msk $0xffff, v42  }
0x316: {  	[tilespmem:s26+$0x47A0] =	vst.add.f32.msk $0xffff, v43  }
0x317: {  	[tilespmem:s26+$0x47B0] =	vst.add.f32.msk $0xffff, v44  }
0x318: {  	[tilespmem:s26+$0x4800] =	vst.add.f32.msk $0xffff, v45  }
0x319: {  	[tilespmem:s26+$0x4810] =	vst.add.f32.msk $0xffff, v46  }
0x31a: {  	[tilespmem:s26+$0x4820] =	vst.add.f32.msk $0xffff, v47  }
0x31b: {  	[tilespmem:s26+$0x4830] =	vst.add.f32.msk $0xffff, v48  }
0x31c: {  	[tilespmem:s26+$0x4880] =	vst.add.f32.msk $0xffff, v49  }
0x31d: {  	[tilespmem:s26+$0x4890] =	vst.add.f32.msk $0xffff, v50  }
0x31e: {  	[tilespmem:s26+$0x48A0] =	vst.add.f32.msk $0xffff, v51  }
0x31f: {  	[tilespmem:s26+$0x48B0] =	vst.add.f32.msk $0xffff, v52  }
0x320: {  	[tilespmem:s26+$0x4900] =	vst.add.f32.msk $0xffff, v53  }
0x321: {  	[tilespmem:s26+$0x4910] =	vst.add.f32.msk $0xffff, v54  }
0x322: {  	[tilespmem:s26+$0x4920] =	vst.add.f32.msk $0xffff, v55  }
0x323: {  	[tilespmem:s26+$0x4930] =	vst.add.f32.msk $0xffff, v56  }
0x324: {  	[tilespmem:s26+$0x4980] =	vst.add.f32.msk $0xffff, v57  }
0x325: {  	[tilespmem:s26+$0x4990] =	vst.add.f32.msk $0xffff, v58  }
0x326: {  	[tilespmem:s26+$0x49A0] =	vst.add.f32.msk $0xffff, v59  }
0x327: {  	[tilespmem:s26+$0x49B0] =	vst.add.f32.msk $0xffff, v60  }
0x328: {  	[tilespmem:s26+$0x4A00] =	vst.add.f32.msk $0xffff, v61  }
0x329: {  	s28 =	simm.s32 $0x0;
	s29 =	simm.s32 $0x2000;
	[tilespmem:s26+$0x4A10] =	vst.add.f32.msk $0xffff, v62  }
.LBB2_7:
0x32a: {  	s28 =	sadd.s32 $0x4, s28;
	[tilespmem:s26+$0x4A20] =	vst.add.f32.msk $0xffff, v0;
	s26 =	sshra.s32 s29, $0x2  }
0x32b: {  	v0 =	vld [tilespmem:s26+$0xEA30];
	p0 =	slt.u32 s28, $0xC  }
0x32c: {  	v1 =	vld [tilespmem:s26+$0xE280]  }
0x32d: {  	v2 =	vld [tilespmem:s26+$0xE290]  }
0x32e: {  	v3 =	vld [tilespmem:s26+$0xE2A0]  }
0x32f: {  	v4 =	vld [tilespmem:s26+$0xE2B0]  }
0x330: {  	[tilespmem:s26+$0x4A30] =	vst.add.f32.msk $0xffff, v0  }
0x331: {  	v5 =	vld [tilespmem:s26+$0xE300]  }
0x332: {  	v6 =	vld [tilespmem:s26+$0xE310]  }
0x333: {  	v7 =	vld [tilespmem:s26+$0xE320]  }
0x334: {  	v8 =	vld [tilespmem:s26+$0xE330]  }
0x335: {  	v9 =	vld [tilespmem:s26+$0xE380]  }
0x336: {  	v10 =	vld [tilespmem:s26+$0xE390]  }
0x337: {  	v11 =	vld [tilespmem:s26+$0xE3A0]  }
0x338: {  	v12 =	vld [tilespmem:s26+$0xE3B0]  }
0x339: {  	v13 =	vld [tilespmem:s26+$0xE400]  }
0x33a: {  	v14 =	vld [tilespmem:s26+$0xE410]  }
0x33b: {  	v15 =	vld [tilespmem:s26+$0xE420]  }
0x33c: {  	v16 =	vld [tilespmem:s26+$0xE430]  }
0x33d: {  	v17 =	vld [tilespmem:s26+$0xE480]  }
0x33e: {  	v18 =	vld [tilespmem:s26+$0xE490]  }
0x33f: {  	v19 =	vld [tilespmem:s26+$0xE4A0]  }
0x340: {  	v20 =	vld [tilespmem:s26+$0xE4B0]  }
0x341: {  	v21 =	vld [tilespmem:s26+$0xE500]  }
0x342: {  	v22 =	vld [tilespmem:s26+$0xE510]  }
0x343: {  	v23 =	vld [tilespmem:s26+$0xE520]  }
0x344: {  	v24 =	vld [tilespmem:s26+$0xE530]  }
0x345: {  	v25 =	vld [tilespmem:s26+$0xE580]  }
0x346: {  	v26 =	vld [tilespmem:s26+$0xE590]  }
0x347: {  	v27 =	vld [tilespmem:s26+$0xE5A0]  }
0x348: {  	v28 =	vld [tilespmem:s26+$0xE5B0]  }
0x349: {  	v29 =	vld [tilespmem:s26+$0xE600]  }
0x34a: {  	v30 =	vld [tilespmem:s26+$0xE610]  }
0x34b: {  	v31 =	vld [tilespmem:s26+$0xE620]  }
0x34c: {  	v32 =	vld [tilespmem:s26+$0xE630]  }
0x34d: {  	v33 =	vld [tilespmem:s26+$0xE680]  }
0x34e: {  	v34 =	vld [tilespmem:s26+$0xE690]  }
0x34f: {  	v35 =	vld [tilespmem:s26+$0xE6A0]  }
0x350: {  	v36 =	vld [tilespmem:s26+$0xE6B0]  }
0x351: {  	v37 =	vld [tilespmem:s26+$0xE700]  }
0x352: {  	v38 =	vld [tilespmem:s26+$0xE710]  }
0x353: {  	v39 =	vld [tilespmem:s26+$0xE720]  }
0x354: {  	v40 =	vld [tilespmem:s26+$0xE730]  }
0x355: {  	v41 =	vld [tilespmem:s26+$0xE780]  }
0x356: {  	v42 =	vld [tilespmem:s26+$0xE790]  }
0x357: {  	v43 =	vld [tilespmem:s26+$0xE7A0]  }
0x358: {  	v44 =	vld [tilespmem:s26+$0xE7B0]  }
0x359: {  	v45 =	vld [tilespmem:s26+$0xE800]  }
0x35a: {  	v46 =	vld [tilespmem:s26+$0xE810]  }
0x35b: {  	v47 =	vld [tilespmem:s26+$0xE820]  }
0x35c: {  	v48 =	vld [tilespmem:s26+$0xE830]  }
0x35d: {  	v49 =	vld [tilespmem:s26+$0xE880]  }
0x35e: {  	v50 =	vld [tilespmem:s26+$0xE890]  }
0x35f: {  	v51 =	vld [tilespmem:s26+$0xE8A0]  }
0x360: {  	v52 =	vld [tilespmem:s26+$0xE8B0]  }
0x361: {  	v53 =	vld [tilespmem:s26+$0xE900]  }
0x362: {  	v54 =	vld [tilespmem:s26+$0xE910]  }
0x363: {  	v55 =	vld [tilespmem:s26+$0xE920]  }
0x364: {  	v56 =	vld [tilespmem:s26+$0xE930]  }
0x365: {  	v57 =	vld [tilespmem:s26+$0xE980]  }
0x366: {  	v58 =	vld [tilespmem:s26+$0xE990]  }
0x367: {  	v59 =	vld [tilespmem:s26+$0xE9A0]  }
0x368: {  	v60 =	vld [tilespmem:s26+$0xE9B0]  }
0x369: {  	v61 =	vld [tilespmem:s26+$0xEA00]  }
0x36a: {  	v62 =	vld [tilespmem:s26+$0xEA10]  }
0x36b: {  	v0 =	vld [tilespmem:s26+$0xEA20]  }
0x36c: {  	[tilespmem:s26+$0x4280] =	vst.add.f32.msk $0xffff, v1  }
0x36d: {  	[tilespmem:s26+$0x4290] =	vst.add.f32.msk $0xffff, v2  }
0x36e: {  	[tilespmem:s26+$0x42A0] =	vst.add.f32.msk $0xffff, v3  }
0x36f: {  	[tilespmem:s26+$0x42B0] =	vst.add.f32.msk $0xffff, v4  }
0x370: {  	[tilespmem:s26+$0x4300] =	vst.add.f32.msk $0xffff, v5  }
0x371: {  	[tilespmem:s26+$0x4310] =	vst.add.f32.msk $0xffff, v6  }
0x372: {  	[tilespmem:s26+$0x4320] =	vst.add.f32.msk $0xffff, v7  }
0x373: {  	[tilespmem:s26+$0x4330] =	vst.add.f32.msk $0xffff, v8  }
0x374: {  	[tilespmem:s26+$0x4380] =	vst.add.f32.msk $0xffff, v9  }
0x375: {  	[tilespmem:s26+$0x4390] =	vst.add.f32.msk $0xffff, v10  }
0x376: {  	[tilespmem:s26+$0x43A0] =	vst.add.f32.msk $0xffff, v11  }
0x377: {  	[tilespmem:s26+$0x43B0] =	vst.add.f32.msk $0xffff, v12  }
0x378: {  	[tilespmem:s26+$0x4400] =	vst.add.f32.msk $0xffff, v13  }
0x379: {  	[tilespmem:s26+$0x4410] =	vst.add.f32.msk $0xffff, v14  }
0x37a: {  	[tilespmem:s26+$0x4420] =	vst.add.f32.msk $0xffff, v15  }
0x37b: {  	[tilespmem:s26+$0x4430] =	vst.add.f32.msk $0xffff, v16  }
0x37c: {  	[tilespmem:s26+$0x4480] =	vst.add.f32.msk $0xffff, v17  }
0x37d: {  	[tilespmem:s26+$0x4490] =	vst.add.f32.msk $0xffff, v18  }
0x37e: {  	[tilespmem:s26+$0x44A0] =	vst.add.f32.msk $0xffff, v19  }
0x37f: {  	[tilespmem:s26+$0x44B0] =	vst.add.f32.msk $0xffff, v20  }
0x380: {  	[tilespmem:s26+$0x4500] =	vst.add.f32.msk $0xffff, v21  }
0x381: {  	[tilespmem:s26+$0x4510] =	vst.add.f32.msk $0xffff, v22  }
0x382: {  	[tilespmem:s26+$0x4520] =	vst.add.f32.msk $0xffff, v23  }
0x383: {  	[tilespmem:s26+$0x4530] =	vst.add.f32.msk $0xffff, v24  }
0x384: {  	[tilespmem:s26+$0x4580] =	vst.add.f32.msk $0xffff, v25  }
0x385: {  	[tilespmem:s26+$0x4590] =	vst.add.f32.msk $0xffff, v26  }
0x386: {  	[tilespmem:s26+$0x45A0] =	vst.add.f32.msk $0xffff, v27  }
0x387: {  	[tilespmem:s26+$0x45B0] =	vst.add.f32.msk $0xffff, v28  }
0x388: {  	[tilespmem:s26+$0x4600] =	vst.add.f32.msk $0xffff, v29  }
0x389: {  	[tilespmem:s26+$0x4610] =	vst.add.f32.msk $0xffff, v30  }
0x38a: {  	[tilespmem:s26+$0x4620] =	vst.add.f32.msk $0xffff, v31  }
0x38b: {  	[tilespmem:s26+$0x4630] =	vst.add.f32.msk $0xffff, v32  }
0x38c: {  	[tilespmem:s26+$0x4680] =	vst.add.f32.msk $0xffff, v33  }
0x38d: {  	[tilespmem:s26+$0x4690] =	vst.add.f32.msk $0xffff, v34  }
0x38e: {  	[tilespmem:s26+$0x46A0] =	vst.add.f32.msk $0xffff, v35  }
0x38f: {  	[tilespmem:s26+$0x46B0] =	vst.add.f32.msk $0xffff, v36  }
0x390: {  	[tilespmem:s26+$0x4700] =	vst.add.f32.msk $0xffff, v37  }
0x391: {  	[tilespmem:s26+$0x4710] =	vst.add.f32.msk $0xffff, v38  }
0x392: {  	[tilespmem:s26+$0x4720] =	vst.add.f32.msk $0xffff, v39  }
0x393: {  	[tilespmem:s26+$0x4730] =	vst.add.f32.msk $0xffff, v40  }
0x394: {  	[tilespmem:s26+$0x4780] =	vst.add.f32.msk $0xffff, v41  }
0x395: {  	[tilespmem:s26+$0x4790] =	vst.add.f32.msk $0xffff, v42  }
0x396: {  	[tilespmem:s26+$0x47A0] =	vst.add.f32.msk $0xffff, v43  }
0x397: {  	[tilespmem:s26+$0x47B0] =	vst.add.f32.msk $0xffff, v44  }
0x398: {  	[tilespmem:s26+$0x4800] =	vst.add.f32.msk $0xffff, v45  }
0x399: {  	[tilespmem:s26+$0x4810] =	vst.add.f32.msk $0xffff, v46  }
0x39a: {  	[tilespmem:s26+$0x4820] =	vst.add.f32.msk $0xffff, v47  }
0x39b: {  	[tilespmem:s26+$0x4830] =	vst.add.f32.msk $0xffff, v48  }
0x39c: {  	[tilespmem:s26+$0x4880] =	vst.add.f32.msk $0xffff, v49  }
0x39d: {  	[tilespmem:s26+$0x4890] =	vst.add.f32.msk $0xffff, v50  }
0x39e: {  	[tilespmem:s26+$0x48A0] =	vst.add.f32.msk $0xffff, v51  }
0x39f: {  	[tilespmem:s26+$0x48B0] =	vst.add.f32.msk $0xffff, v52  }
0x3a0: {  	[tilespmem:s26+$0x4900] =	vst.add.f32.msk $0xffff, v53  }
0x3a1: {  	[tilespmem:s26+$0x4910] =	vst.add.f32.msk $0xffff, v54  }
0x3a2: {  	[tilespmem:s26+$0x4920] =	vst.add.f32.msk $0xffff, v55  }
0x3a3: {  	[tilespmem:s26+$0x4930] =	vst.add.f32.msk $0xffff, v56  }
0x3a4: {  	[tilespmem:s26+$0x4980] =	vst.add.f32.msk $0xffff, v57  }
.Ltmp4:
0x3a5: {  	[tilespmem:s26+$0x4990] =	vst.add.f32.msk $0xffff, v58;
	(pc) =	sbr.rel @p0 .LBB2_7-.Ltmp4, $4  }
0x3a6: {  	[tilespmem:s26+$0x49A0] =	vst.add.f32.msk $0xffff, v59  }
0x3a7: {  	[tilespmem:s26+$0x49B0] =	vst.add.f32.msk $0xffff, v60  }
0x3a8: {  	[tilespmem:s26+$0x4A00] =	vst.add.f32.msk $0xffff, v61  }
0x3a9: {  	s29 =	sadd.s32 $0x2000, s29;
	[tilespmem:s26+$0x4A10] =	vst.add.f32.msk $0xffff, v62  }
0x3aa: {  	s28 =	rddreg [dreg:$0xd]  }
0x3ab: {  	s28 =	sadd.s32 s25, s28  }
0x3ac: {  	s28 =	sshll.u32 s28, $0x4  }
0x3ad: {  	[tilespmem:s26+$0x4A20] =	vst.add.f32.msk $0xffff, v0;
	s29 =	simm.s32 $0x4280;
	s26 =	sadd.s32 s6, s28;
	s28 =	simm.s32 $0x0  }
0x3ae: {  	[hbm4b:s26+s28] =	stream.linear.scatter [tilespmem:s29], [sflag:$0xD], $0x2000, $0x38;
	[tilespmem:$0x14280] =	vst v63  }
0x3af: {  	_ =	swait.ge [sflag:s23], $0x2000  }
0x3b0: {  	[sflag:s23] =	ssyncset.done $0x0  }
0x3b1: {  	s26 =	simm.s32 $0x0;
	[sflag:s23] =	ssyncadd.s32 $0xFFFFE000  }
0x3b2: {  	v0 =	vld [tilespmem:s26+$0x10A30]  }
0x3b3: {  	v1 =	vld [tilespmem:s26+$0x10280]  }
0x3b4: {  	v2 =	vld [tilespmem:s26+$0x10290]  }
0x3b5: {  	v3 =	vld [tilespmem:s26+$0x102A0]  }
0x3b6: {  	v4 =	vld [tilespmem:s26+$0x102B0]  }
0x3b7: {  	v5 =	vld [tilespmem:s26+$0x10300]  }
0x3b8: {  	v6 =	vld [tilespmem:s26+$0x10310]  }
0x3b9: {  	v7 =	vld [tilespmem:s26+$0x10320]  }
0x3ba: {  	v8 =	vld [tilespmem:s26+$0x10330]  }
0x3bb: {  	v9 =	vld [tilespmem:s26+$0x10380]  }
0x3bc: {  	v10 =	vld [tilespmem:s26+$0x10390]  }
0x3bd: {  	v11 =	vld [tilespmem:s26+$0x103A0]  }
0x3be: {  	v12 =	vld [tilespmem:s26+$0x103B0]  }
0x3bf: {  	v13 =	vld [tilespmem:s26+$0x10400]  }
0x3c0: {  	v14 =	vld [tilespmem:s26+$0x10410]  }
0x3c1: {  	v15 =	vld [tilespmem:s26+$0x10420]  }
0x3c2: {  	v16 =	vld [tilespmem:s26+$0x10430]  }
0x3c3: {  	v17 =	vld [tilespmem:s26+$0x10480]  }
0x3c4: {  	v18 =	vld [tilespmem:s26+$0x10490]  }
0x3c5: {  	v19 =	vld [tilespmem:s26+$0x104A0]  }
0x3c6: {  	v20 =	vld [tilespmem:s26+$0x104B0]  }
0x3c7: {  	v21 =	vld [tilespmem:s26+$0x10500]  }
0x3c8: {  	v22 =	vld [tilespmem:s26+$0x10510]  }
0x3c9: {  	v23 =	vld [tilespmem:s26+$0x10520]  }
0x3ca: {  	v24 =	vld [tilespmem:s26+$0x10530]  }
0x3cb: {  	v25 =	vld [tilespmem:s26+$0x10580]  }
0x3cc: {  	v26 =	vld [tilespmem:s26+$0x10590]  }
0x3cd: {  	v27 =	vld [tilespmem:s26+$0x105A0]  }
0x3ce: {  	v28 =	vld [tilespmem:s26+$0x105B0]  }
0x3cf: {  	v29 =	vld [tilespmem:s26+$0x10600]  }
0x3d0: {  	v30 =	vld [tilespmem:s26+$0x10610]  }
0x3d1: {  	v31 =	vld [tilespmem:s26+$0x10620]  }
0x3d2: {  	v32 =	vld [tilespmem:s26+$0x10630]  }
0x3d3: {  	v33 =	vld [tilespmem:s26+$0x10680]  }
0x3d4: {  	v34 =	vld [tilespmem:s26+$0x10690]  }
0x3d5: {  	v35 =	vld [tilespmem:s26+$0x106A0]  }
0x3d6: {  	v36 =	vld [tilespmem:s26+$0x106B0]  }
0x3d7: {  	v37 =	vld [tilespmem:s26+$0x10700]  }
0x3d8: {  	v38 =	vld [tilespmem:s26+$0x10710]  }
0x3d9: {  	v39 =	vld [tilespmem:s26+$0x10720]  }
0x3da: {  	v40 =	vld [tilespmem:s26+$0x10730]  }
0x3db: {  	v41 =	vld [tilespmem:s26+$0x10780]  }
0x3dc: {  	v42 =	vld [tilespmem:s26+$0x10790]  }
0x3dd: {  	v43 =	vld [tilespmem:s26+$0x107A0]  }
0x3de: {  	v44 =	vld [tilespmem:s26+$0x107B0]  }
0x3df: {  	v45 =	vld [tilespmem:s26+$0x10800]  }
0x3e0: {  	v46 =	vld [tilespmem:s26+$0x10810]  }
0x3e1: {  	v47 =	vld [tilespmem:s26+$0x10820]  }
0x3e2: {  	v48 =	vld [tilespmem:s26+$0x10830]  }
0x3e3: {  	v49 =	vld [tilespmem:s26+$0x10880]  }
0x3e4: {  	v50 =	vld [tilespmem:s26+$0x10890]  }
0x3e5: {  	v51 =	vld [tilespmem:s26+$0x108A0]  }
0x3e6: {  	v52 =	vld [tilespmem:s26+$0x108B0]  }
0x3e7: {  	v53 =	vld [tilespmem:s26+$0x10900]  }
0x3e8: {  	v54 =	vld [tilespmem:s26+$0x10910]  }
0x3e9: {  	v55 =	vld [tilespmem:s26+$0x10920]  }
0x3ea: {  	v56 =	vld [tilespmem:s26+$0x10930]  }
0x3eb: {  	v57 =	vld [tilespmem:s26+$0x10980]  }
0x3ec: {  	v58 =	vld [tilespmem:s26+$0x10990]  }
0x3ed: {  	v59 =	vld [tilespmem:s26+$0x109A0]  }
0x3ee: {  	v60 =	vld [tilespmem:s26+$0x109B0]  }
0x3ef: {  	v61 =	vld [tilespmem:s26+$0x10A00]  }
0x3f0: {  	v62 =	vld [tilespmem:s26+$0x10A10]  }
0x3f1: {  	[tilespmem:s26+$0x6A30] =	vst.add.f32.msk $0xffff, v0  }
0x3f2: {  	v0 =	vld [tilespmem:s26+$0x10A20]  }
0x3f3: {  	[tilespmem:s26+$0x6280] =	vst.add.f32.msk $0xffff, v1  }
0x3f4: {  	[tilespmem:s26+$0x6290] =	vst.add.f32.msk $0xffff, v2  }
0x3f5: {  	[tilespmem:s26+$0x62A0] =	vst.add.f32.msk $0xffff, v3  }
0x3f6: {  	[tilespmem:s26+$0x62B0] =	vst.add.f32.msk $0xffff, v4  }
0x3f7: {  	[tilespmem:s26+$0x6300] =	vst.add.f32.msk $0xffff, v5  }
0x3f8: {  	[tilespmem:s26+$0x6310] =	vst.add.f32.msk $0xffff, v6  }
0x3f9: {  	[tilespmem:s26+$0x6320] =	vst.add.f32.msk $0xffff, v7  }
0x3fa: {  	[tilespmem:s26+$0x6330] =	vst.add.f32.msk $0xffff, v8  }
0x3fb: {  	[tilespmem:s26+$0x6380] =	vst.add.f32.msk $0xffff, v9  }
0x3fc: {  	[tilespmem:s26+$0x6390] =	vst.add.f32.msk $0xffff, v10  }
0x3fd: {  	[tilespmem:s26+$0x63A0] =	vst.add.f32.msk $0xffff, v11  }
0x3fe: {  	[tilespmem:s26+$0x63B0] =	vst.add.f32.msk $0xffff, v12  }
0x3ff: {  	[tilespmem:s26+$0x6400] =	vst.add.f32.msk $0xffff, v13  }
0x400: {  	[tilespmem:s26+$0x6410] =	vst.add.f32.msk $0xffff, v14  }
0x401: {  	[tilespmem:s26+$0x6420] =	vst.add.f32.msk $0xffff, v15  }
0x402: {  	[tilespmem:s26+$0x6430] =	vst.add.f32.msk $0xffff, v16  }
0x403: {  	[tilespmem:s26+$0x6480] =	vst.add.f32.msk $0xffff, v17  }
0x404: {  	[tilespmem:s26+$0x6490] =	vst.add.f32.msk $0xffff, v18  }
0x405: {  	[tilespmem:s26+$0x64A0] =	vst.add.f32.msk $0xffff, v19  }
0x406: {  	[tilespmem:s26+$0x64B0] =	vst.add.f32.msk $0xffff, v20  }
0x407: {  	[tilespmem:s26+$0x6500] =	vst.add.f32.msk $0xffff, v21  }
0x408: {  	[tilespmem:s26+$0x6510] =	vst.add.f32.msk $0xffff, v22  }
0x409: {  	[tilespmem:s26+$0x6520] =	vst.add.f32.msk $0xffff, v23  }
0x40a: {  	[tilespmem:s26+$0x6530] =	vst.add.f32.msk $0xffff, v24  }
0x40b: {  	[tilespmem:s26+$0x6580] =	vst.add.f32.msk $0xffff, v25  }
0x40c: {  	[tilespmem:s26+$0x6590] =	vst.add.f32.msk $0xffff, v26  }
0x40d: {  	[tilespmem:s26+$0x65A0] =	vst.add.f32.msk $0xffff, v27  }
0x40e: {  	[tilespmem:s26+$0x65B0] =	vst.add.f32.msk $0xffff, v28  }
0x40f: {  	[tilespmem:s26+$0x6600] =	vst.add.f32.msk $0xffff, v29  }
0x410: {  	[tilespmem:s26+$0x6610] =	vst.add.f32.msk $0xffff, v30  }
0x411: {  	[tilespmem:s26+$0x6620] =	vst.add.f32.msk $0xffff, v31  }
0x412: {  	[tilespmem:s26+$0x6630] =	vst.add.f32.msk $0xffff, v32  }
0x413: {  	[tilespmem:s26+$0x6680] =	vst.add.f32.msk $0xffff, v33  }
0x414: {  	[tilespmem:s26+$0x6690] =	vst.add.f32.msk $0xffff, v34  }
0x415: {  	[tilespmem:s26+$0x66A0] =	vst.add.f32.msk $0xffff, v35  }
0x416: {  	[tilespmem:s26+$0x66B0] =	vst.add.f32.msk $0xffff, v36  }
0x417: {  	[tilespmem:s26+$0x6700] =	vst.add.f32.msk $0xffff, v37  }
0x418: {  	[tilespmem:s26+$0x6710] =	vst.add.f32.msk $0xffff, v38  }
0x419: {  	[tilespmem:s26+$0x6720] =	vst.add.f32.msk $0xffff, v39  }
0x41a: {  	[tilespmem:s26+$0x6730] =	vst.add.f32.msk $0xffff, v40  }
0x41b: {  	[tilespmem:s26+$0x6780] =	vst.add.f32.msk $0xffff, v41  }
0x41c: {  	[tilespmem:s26+$0x6790] =	vst.add.f32.msk $0xffff, v42  }
0x41d: {  	[tilespmem:s26+$0x67A0] =	vst.add.f32.msk $0xffff, v43  }
0x41e: {  	[tilespmem:s26+$0x67B0] =	vst.add.f32.msk $0xffff, v44  }
0x41f: {  	[tilespmem:s26+$0x6800] =	vst.add.f32.msk $0xffff, v45  }
0x420: {  	[tilespmem:s26+$0x6810] =	vst.add.f32.msk $0xffff, v46  }
0x421: {  	[tilespmem:s26+$0x6820] =	vst.add.f32.msk $0xffff, v47  }
0x422: {  	[tilespmem:s26+$0x6830] =	vst.add.f32.msk $0xffff, v48  }
0x423: {  	[tilespmem:s26+$0x6880] =	vst.add.f32.msk $0xffff, v49  }
0x424: {  	[tilespmem:s26+$0x6890] =	vst.add.f32.msk $0xffff, v50  }
0x425: {  	[tilespmem:s26+$0x68A0] =	vst.add.f32.msk $0xffff, v51  }
0x426: {  	[tilespmem:s26+$0x68B0] =	vst.add.f32.msk $0xffff, v52  }
0x427: {  	[tilespmem:s26+$0x6900] =	vst.add.f32.msk $0xffff, v53  }
0x428: {  	[tilespmem:s26+$0x6910] =	vst.add.f32.msk $0xffff, v54  }
0x429: {  	[tilespmem:s26+$0x6920] =	vst.add.f32.msk $0xffff, v55  }
0x42a: {  	[tilespmem:s26+$0x6930] =	vst.add.f32.msk $0xffff, v56  }
0x42b: {  	[tilespmem:s26+$0x6980] =	vst.add.f32.msk $0xffff, v57  }
0x42c: {  	[tilespmem:s26+$0x6990] =	vst.add.f32.msk $0xffff, v58  }
0x42d: {  	[tilespmem:s26+$0x69A0] =	vst.add.f32.msk $0xffff, v59  }
0x42e: {  	[tilespmem:s26+$0x69B0] =	vst.add.f32.msk $0xffff, v60  }
0x42f: {  	[tilespmem:s26+$0x6A00] =	vst.add.f32.msk $0xffff, v61  }
0x430: {  	s28 =	simm.s32 $0x0;
	s29 =	simm.s32 $0x2000;
	[tilespmem:s26+$0x6A10] =	vst.add.f32.msk $0xffff, v62  }
.LBB2_9:
0x431: {  	s28 =	sadd.s32 $0x4, s28;
	[tilespmem:s26+$0x6A20] =	vst.add.f32.msk $0xffff, v0;
	s26 =	sshra.s32 s29, $0x2  }
0x432: {  	v0 =	vld [tilespmem:s26+$0x10A30];
	p0 =	slt.u32 s28, $0xC  }
0x433: {  	v1 =	vld [tilespmem:s26+$0x10280]  }
0x434: {  	v2 =	vld [tilespmem:s26+$0x10290]  }
0x435: {  	v3 =	vld [tilespmem:s26+$0x102A0]  }
0x436: {  	v4 =	vld [tilespmem:s26+$0x102B0]  }
0x437: {  	[tilespmem:s26+$0x6A30] =	vst.add.f32.msk $0xffff, v0  }
0x438: {  	v5 =	vld [tilespmem:s26+$0x10300]  }
0x439: {  	v6 =	vld [tilespmem:s26+$0x10310]  }
0x43a: {  	v7 =	vld [tilespmem:s26+$0x10320]  }
0x43b: {  	v8 =	vld [tilespmem:s26+$0x10330]  }
0x43c: {  	v9 =	vld [tilespmem:s26+$0x10380]  }
0x43d: {  	v10 =	vld [tilespmem:s26+$0x10390]  }
0x43e: {  	v11 =	vld [tilespmem:s26+$0x103A0]  }
0x43f: {  	v12 =	vld [tilespmem:s26+$0x103B0]  }
0x440: {  	v13 =	vld [tilespmem:s26+$0x10400]  }
0x441: {  	v14 =	vld [tilespmem:s26+$0x10410]  }
0x442: {  	v15 =	vld [tilespmem:s26+$0x10420]  }
0x443: {  	v16 =	vld [tilespmem:s26+$0x10430]  }
0x444: {  	v17 =	vld [tilespmem:s26+$0x10480]  }
0x445: {  	v18 =	vld [tilespmem:s26+$0x10490]  }
0x446: {  	v19 =	vld [tilespmem:s26+$0x104A0]  }
0x447: {  	v20 =	vld [tilespmem:s26+$0x104B0]  }
0x448: {  	v21 =	vld [tilespmem:s26+$0x10500]  }
0x449: {  	v22 =	vld [tilespmem:s26+$0x10510]  }
0x44a: {  	v23 =	vld [tilespmem:s26+$0x10520]  }
0x44b: {  	v24 =	vld [tilespmem:s26+$0x10530]  }
0x44c: {  	v25 =	vld [tilespmem:s26+$0x10580]  }
0x44d: {  	v26 =	vld [tilespmem:s26+$0x10590]  }
0x44e: {  	v27 =	vld [tilespmem:s26+$0x105A0]  }
0x44f: {  	v28 =	vld [tilespmem:s26+$0x105B0]  }
0x450: {  	v29 =	vld [tilespmem:s26+$0x10600]  }
0x451: {  	v30 =	vld [tilespmem:s26+$0x10610]  }
0x452: {  	v31 =	vld [tilespmem:s26+$0x10620]  }
0x453: {  	v32 =	vld [tilespmem:s26+$0x10630]  }
0x454: {  	v33 =	vld [tilespmem:s26+$0x10680]  }
0x455: {  	v34 =	vld [tilespmem:s26+$0x10690]  }
0x456: {  	v35 =	vld [tilespmem:s26+$0x106A0]  }
0x457: {  	v36 =	vld [tilespmem:s26+$0x106B0]  }
0x458: {  	v37 =	vld [tilespmem:s26+$0x10700]  }
0x459: {  	v38 =	vld [tilespmem:s26+$0x10710]  }
0x45a: {  	v39 =	vld [tilespmem:s26+$0x10720]  }
0x45b: {  	v40 =	vld [tilespmem:s26+$0x10730]  }
0x45c: {  	v41 =	vld [tilespmem:s26+$0x10780]  }
0x45d: {  	v42 =	vld [tilespmem:s26+$0x10790]  }
0x45e: {  	v43 =	vld [tilespmem:s26+$0x107A0]  }
0x45f: {  	v44 =	vld [tilespmem:s26+$0x107B0]  }
0x460: {  	v45 =	vld [tilespmem:s26+$0x10800]  }
0x461: {  	v46 =	vld [tilespmem:s26+$0x10810]  }
0x462: {  	v47 =	vld [tilespmem:s26+$0x10820]  }
0x463: {  	v48 =	vld [tilespmem:s26+$0x10830]  }
0x464: {  	v49 =	vld [tilespmem:s26+$0x10880]  }
0x465: {  	v50 =	vld [tilespmem:s26+$0x10890]  }
0x466: {  	v51 =	vld [tilespmem:s26+$0x108A0]  }
0x467: {  	v52 =	vld [tilespmem:s26+$0x108B0]  }
0x468: {  	v53 =	vld [tilespmem:s26+$0x10900]  }
0x469: {  	v54 =	vld [tilespmem:s26+$0x10910]  }
0x46a: {  	v55 =	vld [tilespmem:s26+$0x10920]  }
0x46b: {  	v56 =	vld [tilespmem:s26+$0x10930]  }
0x46c: {  	v57 =	vld [tilespmem:s26+$0x10980]  }
0x46d: {  	v58 =	vld [tilespmem:s26+$0x10990]  }
0x46e: {  	v59 =	vld [tilespmem:s26+$0x109A0]  }
0x46f: {  	v60 =	vld [tilespmem:s26+$0x109B0]  }
0x470: {  	v61 =	vld [tilespmem:s26+$0x10A00]  }
0x471: {  	v62 =	vld [tilespmem:s26+$0x10A10]  }
0x472: {  	v0 =	vld [tilespmem:s26+$0x10A20]  }
0x473: {  	[tilespmem:s26+$0x6280] =	vst.add.f32.msk $0xffff, v1  }
0x474: {  	[tilespmem:s26+$0x6290] =	vst.add.f32.msk $0xffff, v2  }
0x475: {  	[tilespmem:s26+$0x62A0] =	vst.add.f32.msk $0xffff, v3  }
0x476: {  	[tilespmem:s26+$0x62B0] =	vst.add.f32.msk $0xffff, v4  }
0x477: {  	[tilespmem:s26+$0x6300] =	vst.add.f32.msk $0xffff, v5  }
0x478: {  	[tilespmem:s26+$0x6310] =	vst.add.f32.msk $0xffff, v6  }
0x479: {  	[tilespmem:s26+$0x6320] =	vst.add.f32.msk $0xffff, v7  }
0x47a: {  	[tilespmem:s26+$0x6330] =	vst.add.f32.msk $0xffff, v8  }
0x47b: {  	[tilespmem:s26+$0x6380] =	vst.add.f32.msk $0xffff, v9  }
0x47c: {  	[tilespmem:s26+$0x6390] =	vst.add.f32.msk $0xffff, v10  }
0x47d: {  	[tilespmem:s26+$0x63A0] =	vst.add.f32.msk $0xffff, v11  }
0x47e: {  	[tilespmem:s26+$0x63B0] =	vst.add.f32.msk $0xffff, v12  }
0x47f: {  	[tilespmem:s26+$0x6400] =	vst.add.f32.msk $0xffff, v13  }
0x480: {  	[tilespmem:s26+$0x6410] =	vst.add.f32.msk $0xffff, v14  }
0x481: {  	[tilespmem:s26+$0x6420] =	vst.add.f32.msk $0xffff, v15  }
0x482: {  	[tilespmem:s26+$0x6430] =	vst.add.f32.msk $0xffff, v16  }
0x483: {  	[tilespmem:s26+$0x6480] =	vst.add.f32.msk $0xffff, v17  }
0x484: {  	[tilespmem:s26+$0x6490] =	vst.add.f32.msk $0xffff, v18  }
0x485: {  	[tilespmem:s26+$0x64A0] =	vst.add.f32.msk $0xffff, v19  }
0x486: {  	[tilespmem:s26+$0x64B0] =	vst.add.f32.msk $0xffff, v20  }
0x487: {  	[tilespmem:s26+$0x6500] =	vst.add.f32.msk $0xffff, v21  }
0x488: {  	[tilespmem:s26+$0x6510] =	vst.add.f32.msk $0xffff, v22  }
0x489: {  	[tilespmem:s26+$0x6520] =	vst.add.f32.msk $0xffff, v23  }
0x48a: {  	[tilespmem:s26+$0x6530] =	vst.add.f32.msk $0xffff, v24  }
0x48b: {  	[tilespmem:s26+$0x6580] =	vst.add.f32.msk $0xffff, v25  }
0x48c: {  	[tilespmem:s26+$0x6590] =	vst.add.f32.msk $0xffff, v26  }
0x48d: {  	[tilespmem:s26+$0x65A0] =	vst.add.f32.msk $0xffff, v27  }
0x48e: {  	[tilespmem:s26+$0x65B0] =	vst.add.f32.msk $0xffff, v28  }
0x48f: {  	[tilespmem:s26+$0x6600] =	vst.add.f32.msk $0xffff, v29  }
0x490: {  	[tilespmem:s26+$0x6610] =	vst.add.f32.msk $0xffff, v30  }
0x491: {  	[tilespmem:s26+$0x6620] =	vst.add.f32.msk $0xffff, v31  }
0x492: {  	[tilespmem:s26+$0x6630] =	vst.add.f32.msk $0xffff, v32  }
0x493: {  	[tilespmem:s26+$0x6680] =	vst.add.f32.msk $0xffff, v33  }
0x494: {  	[tilespmem:s26+$0x6690] =	vst.add.f32.msk $0xffff, v34  }
0x495: {  	[tilespmem:s26+$0x66A0] =	vst.add.f32.msk $0xffff, v35  }
0x496: {  	[tilespmem:s26+$0x66B0] =	vst.add.f32.msk $0xffff, v36  }
0x497: {  	[tilespmem:s26+$0x6700] =	vst.add.f32.msk $0xffff, v37  }
0x498: {  	[tilespmem:s26+$0x6710] =	vst.add.f32.msk $0xffff, v38  }
0x499: {  	[tilespmem:s26+$0x6720] =	vst.add.f32.msk $0xffff, v39  }
0x49a: {  	[tilespmem:s26+$0x6730] =	vst.add.f32.msk $0xffff, v40  }
0x49b: {  	[tilespmem:s26+$0x6780] =	vst.add.f32.msk $0xffff, v41  }
0x49c: {  	[tilespmem:s26+$0x6790] =	vst.add.f32.msk $0xffff, v42  }
0x49d: {  	[tilespmem:s26+$0x67A0] =	vst.add.f32.msk $0xffff, v43  }
0x49e: {  	[tilespmem:s26+$0x67B0] =	vst.add.f32.msk $0xffff, v44  }
0x49f: {  	[tilespmem:s26+$0x6800] =	vst.add.f32.msk $0xffff, v45  }
0x4a0: {  	[tilespmem:s26+$0x6810] =	vst.add.f32.msk $0xffff, v46  }
0x4a1: {  	[tilespmem:s26+$0x6820] =	vst.add.f32.msk $0xffff, v47  }
0x4a2: {  	[tilespmem:s26+$0x6830] =	vst.add.f32.msk $0xffff, v48  }
0x4a3: {  	[tilespmem:s26+$0x6880] =	vst.add.f32.msk $0xffff, v49  }
0x4a4: {  	[tilespmem:s26+$0x6890] =	vst.add.f32.msk $0xffff, v50  }
0x4a5: {  	[tilespmem:s26+$0x68A0] =	vst.add.f32.msk $0xffff, v51  }
0x4a6: {  	[tilespmem:s26+$0x68B0] =	vst.add.f32.msk $0xffff, v52  }
0x4a7: {  	[tilespmem:s26+$0x6900] =	vst.add.f32.msk $0xffff, v53  }
0x4a8: {  	[tilespmem:s26+$0x6910] =	vst.add.f32.msk $0xffff, v54  }
0x4a9: {  	[tilespmem:s26+$0x6920] =	vst.add.f32.msk $0xffff, v55  }
0x4aa: {  	[tilespmem:s26+$0x6930] =	vst.add.f32.msk $0xffff, v56  }
0x4ab: {  	[tilespmem:s26+$0x6980] =	vst.add.f32.msk $0xffff, v57  }
.Ltmp5:
0x4ac: {  	[tilespmem:s26+$0x6990] =	vst.add.f32.msk $0xffff, v58;
	(pc) =	sbr.rel @p0 .LBB2_9-.Ltmp5, $4  }
0x4ad: {  	[tilespmem:s26+$0x69A0] =	vst.add.f32.msk $0xffff, v59  }
0x4ae: {  	[tilespmem:s26+$0x69B0] =	vst.add.f32.msk $0xffff, v60  }
0x4af: {  	[tilespmem:s26+$0x6A00] =	vst.add.f32.msk $0xffff, v61  }
0x4b0: {  	s29 =	sadd.s32 $0x2000, s29;
	[tilespmem:s26+$0x6A10] =	vst.add.f32.msk $0xffff, v62  }
0x4b1: {  	s28 =	rddreg [dreg:$0xe]  }
0x4b2: {  	s28 =	sadd.s32 s25, s28  }
0x4b3: {  	s28 =	sshll.u32 s28, $0x4  }
0x4b4: {  	[tilespmem:s26+$0x6A20] =	vst.add.f32.msk $0xffff, v0;
	s26 =	sadd.s32 s6, s28;
	s28 =	simm.s32 $0x0  }
0x4b5: {  	[hbm4b:s26+s28] =	stream.linear.scatter [tilespmem:s31], [sflag:$0xE], $0x2000, $0x38;
	[tilespmem:$0x14280] =	vst v63  }
0x4b6: {  	_ =	swait.ge [sflag:s9], $0x2000  }
0x4b7: {  	[sflag:s9] =	ssyncset.done $0x0  }
0x4b8: {  	s26 =	simm.s32 $0x0;
	[sflag:s9] =	ssyncadd.s32 $0xFFFFE000  }
0x4b9: {  	v0 =	vld [tilespmem:s26+$0x12A30]  }
0x4ba: {  	v1 =	vld [tilespmem:s26+$0x12280]  }
0x4bb: {  	v2 =	vld [tilespmem:s26+$0x12290]  }
0x4bc: {  	v3 =	vld [tilespmem:s26+$0x122A0]  }
0x4bd: {  	v4 =	vld [tilespmem:s26+$0x122B0]  }
0x4be: {  	v5 =	vld [tilespmem:s26+$0x12300]  }
0x4bf: {  	v6 =	vld [tilespmem:s26+$0x12310]  }
0x4c0: {  	v7 =	vld [tilespmem:s26+$0x12320]  }
0x4c1: {  	v8 =	vld [tilespmem:s26+$0x12330]  }
0x4c2: {  	v9 =	vld [tilespmem:s26+$0x12380]  }
0x4c3: {  	v10 =	vld [tilespmem:s26+$0x12390]  }
0x4c4: {  	v11 =	vld [tilespmem:s26+$0x123A0]  }
0x4c5: {  	v12 =	vld [tilespmem:s26+$0x123B0]  }
0x4c6: {  	v13 =	vld [tilespmem:s26+$0x12400]  }
0x4c7: {  	v14 =	vld [tilespmem:s26+$0x12410]  }
0x4c8: {  	v15 =	vld [tilespmem:s26+$0x12420]  }
0x4c9: {  	v16 =	vld [tilespmem:s26+$0x12430]  }
0x4ca: {  	v17 =	vld [tilespmem:s26+$0x12480]  }
0x4cb: {  	v18 =	vld [tilespmem:s26+$0x12490]  }
0x4cc: {  	v19 =	vld [tilespmem:s26+$0x124A0]  }
0x4cd: {  	v20 =	vld [tilespmem:s26+$0x124B0]  }
0x4ce: {  	v21 =	vld [tilespmem:s26+$0x12500]  }
0x4cf: {  	v22 =	vld [tilespmem:s26+$0x12510]  }
0x4d0: {  	v23 =	vld [tilespmem:s26+$0x12520]  }
0x4d1: {  	v24 =	vld [tilespmem:s26+$0x12530]  }
0x4d2: {  	v25 =	vld [tilespmem:s26+$0x12580]  }
0x4d3: {  	v26 =	vld [tilespmem:s26+$0x12590]  }
0x4d4: {  	v27 =	vld [tilespmem:s26+$0x125A0]  }
0x4d5: {  	v28 =	vld [tilespmem:s26+$0x125B0]  }
0x4d6: {  	v29 =	vld [tilespmem:s26+$0x12600]  }
0x4d7: {  	v30 =	vld [tilespmem:s26+$0x12610]  }
0x4d8: {  	v31 =	vld [tilespmem:s26+$0x12620]  }
0x4d9: {  	v32 =	vld [tilespmem:s26+$0x12630]  }
0x4da: {  	v33 =	vld [tilespmem:s26+$0x12680]  }
0x4db: {  	v34 =	vld [tilespmem:s26+$0x12690]  }
0x4dc: {  	v35 =	vld [tilespmem:s26+$0x126A0]  }
0x4dd: {  	v36 =	vld [tilespmem:s26+$0x126B0]  }
0x4de: {  	v37 =	vld [tilespmem:s26+$0x12700]  }
0x4df: {  	v38 =	vld [tilespmem:s26+$0x12710]  }
0x4e0: {  	v39 =	vld [tilespmem:s26+$0x12720]  }
0x4e1: {  	v40 =	vld [tilespmem:s26+$0x12730]  }
0x4e2: {  	v41 =	vld [tilespmem:s26+$0x12780]  }
0x4e3: {  	v42 =	vld [tilespmem:s26+$0x12790]  }
0x4e4: {  	v43 =	vld [tilespmem:s26+$0x127A0]  }
0x4e5: {  	v44 =	vld [tilespmem:s26+$0x127B0]  }
0x4e6: {  	v45 =	vld [tilespmem:s26+$0x12800]  }
0x4e7: {  	v46 =	vld [tilespmem:s26+$0x12810]  }
0x4e8: {  	v47 =	vld [tilespmem:s26+$0x12820]  }
0x4e9: {  	v48 =	vld [tilespmem:s26+$0x12830]  }
0x4ea: {  	v49 =	vld [tilespmem:s26+$0x12880]  }
0x4eb: {  	v50 =	vld [tilespmem:s26+$0x12890]  }
0x4ec: {  	v51 =	vld [tilespmem:s26+$0x128A0]  }
0x4ed: {  	v52 =	vld [tilespmem:s26+$0x128B0]  }
0x4ee: {  	v53 =	vld [tilespmem:s26+$0x12900]  }
0x4ef: {  	v54 =	vld [tilespmem:s26+$0x12910]  }
0x4f0: {  	v55 =	vld [tilespmem:s26+$0x12920]  }
0x4f1: {  	v56 =	vld [tilespmem:s26+$0x12930]  }
0x4f2: {  	v57 =	vld [tilespmem:s26+$0x12980]  }
0x4f3: {  	v58 =	vld [tilespmem:s26+$0x12990]  }
0x4f4: {  	v59 =	vld [tilespmem:s26+$0x129A0]  }
0x4f5: {  	v60 =	vld [tilespmem:s26+$0x129B0]  }
0x4f6: {  	v61 =	vld [tilespmem:s26+$0x12A00]  }
0x4f7: {  	v62 =	vld [tilespmem:s26+$0x12A10]  }
0x4f8: {  	[tilespmem:s26+$0x8A30] =	vst.add.f32.msk $0xffff, v0  }
0x4f9: {  	v0 =	vld [tilespmem:s26+$0x12A20]  }
0x4fa: {  	[tilespmem:s26+$0x8280] =	vst.add.f32.msk $0xffff, v1  }
0x4fb: {  	[tilespmem:s26+$0x8290] =	vst.add.f32.msk $0xffff, v2  }
0x4fc: {  	[tilespmem:s26+$0x82A0] =	vst.add.f32.msk $0xffff, v3  }
0x4fd: {  	[tilespmem:s26+$0x82B0] =	vst.add.f32.msk $0xffff, v4  }
0x4fe: {  	[tilespmem:s26+$0x8300] =	vst.add.f32.msk $0xffff, v5  }
0x4ff: {  	[tilespmem:s26+$0x8310] =	vst.add.f32.msk $0xffff, v6  }
0x500: {  	[tilespmem:s26+$0x8320] =	vst.add.f32.msk $0xffff, v7  }
0x501: {  	[tilespmem:s26+$0x8330] =	vst.add.f32.msk $0xffff, v8  }
0x502: {  	[tilespmem:s26+$0x8380] =	vst.add.f32.msk $0xffff, v9  }
0x503: {  	[tilespmem:s26+$0x8390] =	vst.add.f32.msk $0xffff, v10  }
0x504: {  	[tilespmem:s26+$0x83A0] =	vst.add.f32.msk $0xffff, v11  }
0x505: {  	[tilespmem:s26+$0x83B0] =	vst.add.f32.msk $0xffff, v12  }
0x506: {  	[tilespmem:s26+$0x8400] =	vst.add.f32.msk $0xffff, v13  }
0x507: {  	[tilespmem:s26+$0x8410] =	vst.add.f32.msk $0xffff, v14  }
0x508: {  	[tilespmem:s26+$0x8420] =	vst.add.f32.msk $0xffff, v15  }
0x509: {  	[tilespmem:s26+$0x8430] =	vst.add.f32.msk $0xffff, v16  }
0x50a: {  	[tilespmem:s26+$0x8480] =	vst.add.f32.msk $0xffff, v17  }
0x50b: {  	[tilespmem:s26+$0x8490] =	vst.add.f32.msk $0xffff, v18  }
0x50c: {  	[tilespmem:s26+$0x84A0] =	vst.add.f32.msk $0xffff, v19  }
0x50d: {  	[tilespmem:s26+$0x84B0] =	vst.add.f32.msk $0xffff, v20  }
0x50e: {  	[tilespmem:s26+$0x8500] =	vst.add.f32.msk $0xffff, v21  }
0x50f: {  	[tilespmem:s26+$0x8510] =	vst.add.f32.msk $0xffff, v22  }
0x510: {  	[tilespmem:s26+$0x8520] =	vst.add.f32.msk $0xffff, v23  }
0x511: {  	[tilespmem:s26+$0x8530] =	vst.add.f32.msk $0xffff, v24  }
0x512: {  	[tilespmem:s26+$0x8580] =	vst.add.f32.msk $0xffff, v25  }
0x513: {  	[tilespmem:s26+$0x8590] =	vst.add.f32.msk $0xffff, v26  }
0x514: {  	[tilespmem:s26+$0x85A0] =	vst.add.f32.msk $0xffff, v27  }
0x515: {  	[tilespmem:s26+$0x85B0] =	vst.add.f32.msk $0xffff, v28  }
0x516: {  	[tilespmem:s26+$0x8600] =	vst.add.f32.msk $0xffff, v29  }
0x517: {  	[tilespmem:s26+$0x8610] =	vst.add.f32.msk $0xffff, v30  }
0x518: {  	[tilespmem:s26+$0x8620] =	vst.add.f32.msk $0xffff, v31  }
0x519: {  	[tilespmem:s26+$0x8630] =	vst.add.f32.msk $0xffff, v32  }
0x51a: {  	[tilespmem:s26+$0x8680] =	vst.add.f32.msk $0xffff, v33  }
0x51b: {  	[tilespmem:s26+$0x8690] =	vst.add.f32.msk $0xffff, v34  }
0x51c: {  	[tilespmem:s26+$0x86A0] =	vst.add.f32.msk $0xffff, v35  }
0x51d: {  	[tilespmem:s26+$0x86B0] =	vst.add.f32.msk $0xffff, v36  }
0x51e: {  	[tilespmem:s26+$0x8700] =	vst.add.f32.msk $0xffff, v37  }
0x51f: {  	[tilespmem:s26+$0x8710] =	vst.add.f32.msk $0xffff, v38  }
0x520: {  	[tilespmem:s26+$0x8720] =	vst.add.f32.msk $0xffff, v39  }
0x521: {  	[tilespmem:s26+$0x8730] =	vst.add.f32.msk $0xffff, v40  }
0x522: {  	[tilespmem:s26+$0x8780] =	vst.add.f32.msk $0xffff, v41  }
0x523: {  	[tilespmem:s26+$0x8790] =	vst.add.f32.msk $0xffff, v42  }
0x524: {  	[tilespmem:s26+$0x87A0] =	vst.add.f32.msk $0xffff, v43  }
0x525: {  	[tilespmem:s26+$0x87B0] =	vst.add.f32.msk $0xffff, v44  }
0x526: {  	[tilespmem:s26+$0x8800] =	vst.add.f32.msk $0xffff, v45  }
0x527: {  	[tilespmem:s26+$0x8810] =	vst.add.f32.msk $0xffff, v46  }
0x528: {  	[tilespmem:s26+$0x8820] =	vst.add.f32.msk $0xffff, v47  }
0x529: {  	[tilespmem:s26+$0x8830] =	vst.add.f32.msk $0xffff, v48  }
0x52a: {  	[tilespmem:s26+$0x8880] =	vst.add.f32.msk $0xffff, v49  }
0x52b: {  	[tilespmem:s26+$0x8890] =	vst.add.f32.msk $0xffff, v50  }
0x52c: {  	[tilespmem:s26+$0x88A0] =	vst.add.f32.msk $0xffff, v51  }
0x52d: {  	[tilespmem:s26+$0x88B0] =	vst.add.f32.msk $0xffff, v52  }
0x52e: {  	[tilespmem:s26+$0x8900] =	vst.add.f32.msk $0xffff, v53  }
0x52f: {  	[tilespmem:s26+$0x8910] =	vst.add.f32.msk $0xffff, v54  }
0x530: {  	[tilespmem:s26+$0x8920] =	vst.add.f32.msk $0xffff, v55  }
0x531: {  	[tilespmem:s26+$0x8930] =	vst.add.f32.msk $0xffff, v56  }
0x532: {  	[tilespmem:s26+$0x8980] =	vst.add.f32.msk $0xffff, v57  }
0x533: {  	[tilespmem:s26+$0x8990] =	vst.add.f32.msk $0xffff, v58  }
0x534: {  	[tilespmem:s26+$0x89A0] =	vst.add.f32.msk $0xffff, v59  }
0x535: {  	[tilespmem:s26+$0x89B0] =	vst.add.f32.msk $0xffff, v60  }
0x536: {  	[tilespmem:s26+$0x8A00] =	vst.add.f32.msk $0xffff, v61  }
0x537: {  	s29 =	simm.s32 $0x2000;
	s28 =	simm.s32 $0x0;
	[tilespmem:s26+$0x8A10] =	vst.add.f32.msk $0xffff, v62  }
.LBB2_11:
0x538: {  	s28 =	sadd.s32 $0x4, s28;
	[tilespmem:s26+$0x8A20] =	vst.add.f32.msk $0xffff, v0;
	s26 =	sshra.s32 s29, $0x2  }
0x539: {  	v0 =	vld [tilespmem:s26+$0x12A30];
	p0 =	slt.u32 s28, $0xC  }
0x53a: {  	v1 =	vld [tilespmem:s26+$0x12280]  }
0x53b: {  	v2 =	vld [tilespmem:s26+$0x12290]  }
0x53c: {  	v3 =	vld [tilespmem:s26+$0x122A0]  }
0x53d: {  	v4 =	vld [tilespmem:s26+$0x122B0]  }
0x53e: {  	[tilespmem:s26+$0x8A30] =	vst.add.f32.msk $0xffff, v0  }
0x53f: {  	v5 =	vld [tilespmem:s26+$0x12300]  }
0x540: {  	v6 =	vld [tilespmem:s26+$0x12310]  }
0x541: {  	v7 =	vld [tilespmem:s26+$0x12320]  }
0x542: {  	v8 =	vld [tilespmem:s26+$0x12330]  }
0x543: {  	v9 =	vld [tilespmem:s26+$0x12380]  }
0x544: {  	v10 =	vld [tilespmem:s26+$0x12390]  }
0x545: {  	v11 =	vld [tilespmem:s26+$0x123A0]  }
0x546: {  	v12 =	vld [tilespmem:s26+$0x123B0]  }
0x547: {  	v13 =	vld [tilespmem:s26+$0x12400]  }
0x548: {  	v14 =	vld [tilespmem:s26+$0x12410]  }
0x549: {  	v15 =	vld [tilespmem:s26+$0x12420]  }
0x54a: {  	v16 =	vld [tilespmem:s26+$0x12430]  }
0x54b: {  	v17 =	vld [tilespmem:s26+$0x12480]  }
0x54c: {  	v18 =	vld [tilespmem:s26+$0x12490]  }
0x54d: {  	v19 =	vld [tilespmem:s26+$0x124A0]  }
0x54e: {  	v20 =	vld [tilespmem:s26+$0x124B0]  }
0x54f: {  	v21 =	vld [tilespmem:s26+$0x12500]  }
0x550: {  	v22 =	vld [tilespmem:s26+$0x12510]  }
0x551: {  	v23 =	vld [tilespmem:s26+$0x12520]  }
0x552: {  	v24 =	vld [tilespmem:s26+$0x12530]  }
0x553: {  	v25 =	vld [tilespmem:s26+$0x12580]  }
0x554: {  	v26 =	vld [tilespmem:s26+$0x12590]  }
0x555: {  	v27 =	vld [tilespmem:s26+$0x125A0]  }
0x556: {  	v28 =	vld [tilespmem:s26+$0x125B0]  }
0x557: {  	v29 =	vld [tilespmem:s26+$0x12600]  }
0x558: {  	v30 =	vld [tilespmem:s26+$0x12610]  }
0x559: {  	v31 =	vld [tilespmem:s26+$0x12620]  }
0x55a: {  	v32 =	vld [tilespmem:s26+$0x12630]  }
0x55b: {  	v33 =	vld [tilespmem:s26+$0x12680]  }
0x55c: {  	v34 =	vld [tilespmem:s26+$0x12690]  }
0x55d: {  	v35 =	vld [tilespmem:s26+$0x126A0]  }
0x55e: {  	v36 =	vld [tilespmem:s26+$0x126B0]  }
0x55f: {  	v37 =	vld [tilespmem:s26+$0x12700]  }
0x560: {  	v38 =	vld [tilespmem:s26+$0x12710]  }
0x561: {  	v39 =	vld [tilespmem:s26+$0x12720]  }
0x562: {  	v40 =	vld [tilespmem:s26+$0x12730]  }
0x563: {  	v41 =	vld [tilespmem:s26+$0x12780]  }
0x564: {  	v42 =	vld [tilespmem:s26+$0x12790]  }
0x565: {  	v43 =	vld [tilespmem:s26+$0x127A0]  }
0x566: {  	v44 =	vld [tilespmem:s26+$0x127B0]  }
0x567: {  	v45 =	vld [tilespmem:s26+$0x12800]  }
0x568: {  	v46 =	vld [tilespmem:s26+$0x12810]  }
0x569: {  	v47 =	vld [tilespmem:s26+$0x12820]  }
0x56a: {  	v48 =	vld [tilespmem:s26+$0x12830]  }
0x56b: {  	v49 =	vld [tilespmem:s26+$0x12880]  }
0x56c: {  	v50 =	vld [tilespmem:s26+$0x12890]  }
0x56d: {  	v51 =	vld [tilespmem:s26+$0x128A0]  }
0x56e: {  	v52 =	vld [tilespmem:s26+$0x128B0]  }
0x56f: {  	v53 =	vld [tilespmem:s26+$0x12900]  }
0x570: {  	v54 =	vld [tilespmem:s26+$0x12910]  }
0x571: {  	v55 =	vld [tilespmem:s26+$0x12920]  }
0x572: {  	v56 =	vld [tilespmem:s26+$0x12930]  }
0x573: {  	v57 =	vld [tilespmem:s26+$0x12980]  }
0x574: {  	v58 =	vld [tilespmem:s26+$0x12990]  }
0x575: {  	v59 =	vld [tilespmem:s26+$0x129A0]  }
0x576: {  	v60 =	vld [tilespmem:s26+$0x129B0]  }
0x577: {  	v61 =	vld [tilespmem:s26+$0x12A00]  }
0x578: {  	v62 =	vld [tilespmem:s26+$0x12A10]  }
0x579: {  	v0 =	vld [tilespmem:s26+$0x12A20]  }
0x57a: {  	[tilespmem:s26+$0x8280] =	vst.add.f32.msk $0xffff, v1  }
0x57b: {  	[tilespmem:s26+$0x8290] =	vst.add.f32.msk $0xffff, v2  }
0x57c: {  	[tilespmem:s26+$0x82A0] =	vst.add.f32.msk $0xffff, v3  }
0x57d: {  	[tilespmem:s26+$0x82B0] =	vst.add.f32.msk $0xffff, v4  }
0x57e: {  	[tilespmem:s26+$0x8300] =	vst.add.f32.msk $0xffff, v5  }
0x57f: {  	[tilespmem:s26+$0x8310] =	vst.add.f32.msk $0xffff, v6  }
0x580: {  	[tilespmem:s26+$0x8320] =	vst.add.f32.msk $0xffff, v7  }
0x581: {  	[tilespmem:s26+$0x8330] =	vst.add.f32.msk $0xffff, v8  }
0x582: {  	[tilespmem:s26+$0x8380] =	vst.add.f32.msk $0xffff, v9  }
0x583: {  	[tilespmem:s26+$0x8390] =	vst.add.f32.msk $0xffff, v10  }
0x584: {  	[tilespmem:s26+$0x83A0] =	vst.add.f32.msk $0xffff, v11  }
0x585: {  	[tilespmem:s26+$0x83B0] =	vst.add.f32.msk $0xffff, v12  }
0x586: {  	[tilespmem:s26+$0x8400] =	vst.add.f32.msk $0xffff, v13  }
0x587: {  	[tilespmem:s26+$0x8410] =	vst.add.f32.msk $0xffff, v14  }
0x588: {  	[tilespmem:s26+$0x8420] =	vst.add.f32.msk $0xffff, v15  }
0x589: {  	[tilespmem:s26+$0x8430] =	vst.add.f32.msk $0xffff, v16  }
0x58a: {  	[tilespmem:s26+$0x8480] =	vst.add.f32.msk $0xffff, v17  }
0x58b: {  	[tilespmem:s26+$0x8490] =	vst.add.f32.msk $0xffff, v18  }
0x58c: {  	[tilespmem:s26+$0x84A0] =	vst.add.f32.msk $0xffff, v19  }
0x58d: {  	[tilespmem:s26+$0x84B0] =	vst.add.f32.msk $0xffff, v20  }
0x58e: {  	[tilespmem:s26+$0x8500] =	vst.add.f32.msk $0xffff, v21  }
0x58f: {  	[tilespmem:s26+$0x8510] =	vst.add.f32.msk $0xffff, v22  }
0x590: {  	[tilespmem:s26+$0x8520] =	vst.add.f32.msk $0xffff, v23  }
0x591: {  	[tilespmem:s26+$0x8530] =	vst.add.f32.msk $0xffff, v24  }
0x592: {  	[tilespmem:s26+$0x8580] =	vst.add.f32.msk $0xffff, v25  }
0x593: {  	[tilespmem:s26+$0x8590] =	vst.add.f32.msk $0xffff, v26  }
0x594: {  	[tilespmem:s26+$0x85A0] =	vst.add.f32.msk $0xffff, v27  }
0x595: {  	[tilespmem:s26+$0x85B0] =	vst.add.f32.msk $0xffff, v28  }
0x596: {  	[tilespmem:s26+$0x8600] =	vst.add.f32.msk $0xffff, v29  }
0x597: {  	[tilespmem:s26+$0x8610] =	vst.add.f32.msk $0xffff, v30  }
0x598: {  	[tilespmem:s26+$0x8620] =	vst.add.f32.msk $0xffff, v31  }
0x599: {  	[tilespmem:s26+$0x8630] =	vst.add.f32.msk $0xffff, v32  }
0x59a: {  	[tilespmem:s26+$0x8680] =	vst.add.f32.msk $0xffff, v33  }
0x59b: {  	[tilespmem:s26+$0x8690] =	vst.add.f32.msk $0xffff, v34  }
0x59c: {  	[tilespmem:s26+$0x86A0] =	vst.add.f32.msk $0xffff, v35  }
0x59d: {  	[tilespmem:s26+$0x86B0] =	vst.add.f32.msk $0xffff, v36  }
0x59e: {  	[tilespmem:s26+$0x8700] =	vst.add.f32.msk $0xffff, v37  }
0x59f: {  	[tilespmem:s26+$0x8710] =	vst.add.f32.msk $0xffff, v38  }
0x5a0: {  	[tilespmem:s26+$0x8720] =	vst.add.f32.msk $0xffff, v39  }
0x5a1: {  	[tilespmem:s26+$0x8730] =	vst.add.f32.msk $0xffff, v40  }
0x5a2: {  	[tilespmem:s26+$0x8780] =	vst.add.f32.msk $0xffff, v41  }
0x5a3: {  	[tilespmem:s26+$0x8790] =	vst.add.f32.msk $0xffff, v42  }
0x5a4: {  	[tilespmem:s26+$0x87A0] =	vst.add.f32.msk $0xffff, v43  }
0x5a5: {  	[tilespmem:s26+$0x87B0] =	vst.add.f32.msk $0xffff, v44  }
0x5a6: {  	[tilespmem:s26+$0x8800] =	vst.add.f32.msk $0xffff, v45  }
0x5a7: {  	[tilespmem:s26+$0x8810] =	vst.add.f32.msk $0xffff, v46  }
0x5a8: {  	[tilespmem:s26+$0x8820] =	vst.add.f32.msk $0xffff, v47  }
0x5a9: {  	[tilespmem:s26+$0x8830] =	vst.add.f32.msk $0xffff, v48  }
0x5aa: {  	[tilespmem:s26+$0x8880] =	vst.add.f32.msk $0xffff, v49  }
0x5ab: {  	[tilespmem:s26+$0x8890] =	vst.add.f32.msk $0xffff, v50  }
0x5ac: {  	[tilespmem:s26+$0x88A0] =	vst.add.f32.msk $0xffff, v51  }
0x5ad: {  	[tilespmem:s26+$0x88B0] =	vst.add.f32.msk $0xffff, v52  }
0x5ae: {  	[tilespmem:s26+$0x8900] =	vst.add.f32.msk $0xffff, v53  }
0x5af: {  	[tilespmem:s26+$0x8910] =	vst.add.f32.msk $0xffff, v54  }
0x5b0: {  	[tilespmem:s26+$0x8920] =	vst.add.f32.msk $0xffff, v55  }
0x5b1: {  	[tilespmem:s26+$0x8930] =	vst.add.f32.msk $0xffff, v56  }
0x5b2: {  	[tilespmem:s26+$0x8980] =	vst.add.f32.msk $0xffff, v57  }
.Ltmp6:
0x5b3: {  	[tilespmem:s26+$0x8990] =	vst.add.f32.msk $0xffff, v58;
	(pc) =	sbr.rel @p0 .LBB2_11-.Ltmp6, $4  }
0x5b4: {  	[tilespmem:s26+$0x89A0] =	vst.add.f32.msk $0xffff, v59  }
0x5b5: {  	[tilespmem:s26+$0x89B0] =	vst.add.f32.msk $0xffff, v60  }
0x5b6: {  	[tilespmem:s26+$0x8A00] =	vst.add.f32.msk $0xffff, v61  }
0x5b7: {  	s29 =	sadd.s32 $0x2000, s29;
	[tilespmem:s26+$0x8A10] =	vst.add.f32.msk $0xffff, v62  }
0x5b8: {  	s28 =	rddreg [dreg:$0xf]  }
0x5b9: {  	s28 =	sadd.s32 s25, s28  }
0x5ba: {  	p0 =	seq.s32 s24, $0x4F;
	s28 =	sshll.u32 s28, $0x4  }
.Ltmp7:
0x5bb: {  	[tilespmem:s26+$0x8A20] =	vst.add.f32.msk $0xffff, v0;
	s29 =	sadd.s32 s6, s28;
	(pc) =	sbr.rel @p0 .LBB2_14-.Ltmp7, $4  }
0x5bc: {  	[hbm4b:s29+s2] =	stream.linear.scatter [tilespmem:s1], [sflag:$0xF], $0x2000, $0x38;
	[tilespmem:$0x14280] =	vst v63  }
0x5bd: {  	_ =	swait.ge [sflag:s22], $0x2000  }
0x5be: {  	[sflag:s22] =	ssyncset.done $0x0  }
0x5bf: {  	[sflag:s22] =	ssyncadd.s32 $0xFFFFE000  }
0x5c0: {  	s26 =	sadd.s32 $0x140, s25  }
0x5c1: {  	s28 =	sadd.s32 s7, s26  }
0x5c2: {  	s26 =	sshll.u32 s26, $0x1;
	s29 =	sshll.u32 s28, $0x1  }
0x5c3: {  	s26 =	sand.u32 $0x380, s26;
	s29 =	sand.u32 $0x7FFFFC00, s29  }
0x5c4: {  	s26 =	sor.u32 s26, s29  }
0x5c5: {  	s26 =	sshrl.u32 s26, $0x3  }
0x5c6: {  	s29 =	sshll.u32 s28, $0x4;
	s26 =	sadd.s32 s4, s26  }
0x5c7: {  	[tilespmem:s2], [sflag:$0x1] =	stream.linear.gather [hbm4b:s26+s2], $0x80, $0x38;
	[tilespmem:$0x14280] =	vst v63  }
0x5c8: {  	s28 =	simm.s32 $0x280;
	s26 =	sadd.s32 s3, s29  }
0x5c9: {  	[tilespmem:s28], [sflag:$0x1] =	stream.linear.gather [hbm4b:s26+s2], $0x2000, $0x38;
	[tilespmem:$0x14280] =	vst v63  }
0x5ca: {  	s26 =	sadd.s32 $0x180, s25  }
0x5cb: {  	s28 =	sadd.s32 s7, s26  }
0x5cc: {  	s26 =	sshll.u32 s26, $0x1;
	s29 =	sshll.u32 s28, $0x1  }
0x5cd: {  	s26 =	sand.u32 $0x380, s26;
	s29 =	sand.u32 $0x7FFFFC00, s29  }
0x5ce: {  	_ =	swait.ge [sflag:s18], $0x2000;
	s26 =	sor.u32 s26, s29  }
0x5cf: {  	[sflag:s18] =	ssyncset.done $0x0;
	s26 =	sshrl.u32 s26, $0x3  }
0x5d0: {  	[sflag:s18] =	ssyncadd.s32 $0xFFFFE000;
	s29 =	simm.s32 $0x80;
	s26 =	sadd.s32 s4, s26  }
0x5d1: {  	[tilespmem:s29], [sflag:$0x2] =	stream.linear.gather [hbm4b:s26+s2], $0x80, $0x38;
	[tilespmem:$0x14280] =	vst v63  }
0x5d2: {  	s29 =	sshll.u32 s28, $0x4  }
0x5d3: {  	s28 =	simm.s32 $0x2280;
	s26 =	sadd.s32 s3, s29  }
0x5d4: {  	[tilespmem:s28], [sflag:$0x2] =	stream.linear.gather [hbm4b:s26+s2], $0x2000, $0x38;
	[tilespmem:$0x14280] =	vst v63  }
0x5d5: {  	s26 =	sadd.s32 $0x1C0, s25  }
0x5d6: {  	s28 =	sadd.s32 s7, s26  }
0x5d7: {  	s26 =	sshll.u32 s26, $0x1;
	s29 =	sshll.u32 s28, $0x1  }
0x5d8: {  	s26 =	sand.u32 $0x380, s26;
	s29 =	sand.u32 $0x7FFFFC00, s29  }
0x5d9: {  	_ =	swait.ge [sflag:s19], $0x2000;
	s26 =	sor.u32 s26, s29  }
0x5da: {  	[sflag:s19] =	ssyncset.done $0x0;
	s26 =	sshrl.u32 s26, $0x3  }
0x5db: {  	[sflag:s19] =	ssyncadd.s32 $0xFFFFE000;
	s29 =	simm.s32 $0x100;
	s26 =	sadd.s32 s4, s26  }
0x5dc: {  	[tilespmem:s29], [sflag:$0x3] =	stream.linear.gather [hbm4b:s26+s2], $0x80, $0x38;
	[tilespmem:$0x14280] =	vst v63  }
0x5dd: {  	s29 =	sshll.u32 s28, $0x4  }
0x5de: {  	s28 =	simm.s32 $0x4280;
	s26 =	sadd.s32 s3, s29;
	s29 =	rddreg [dreg:$0x10]  }
0x5df: {  	[tilespmem:s28], [sflag:$0x3] =	stream.linear.gather [hbm4b:s26+s2], $0x2000, $0x38;
	[tilespmem:$0x14280] =	vst v63  }
0x5e0: {  	s26 =	sadd.s32 s25, s29;
	s28 =	smul.u32 $0x280, s24  }
0x5e1: {  	s29 =	sshll.u32 s26, $0x1  }
0x5e2: {  	s29 =	sand.u32 $0x7FFFFC00, s29;
	s28 =	sand.u32 $0x380, s28  }
0x5e3: {  	_ =	swait.ge [sflag:s20], $0x2000;
	s28 =	sor.u32 s28, s29  }
0x5e4: {  	[sflag:s20] =	ssyncset.done $0x0;
	s28 =	sshrl.u32 s28, $0x3  }
0x5e5: {  	s26 =	sshll.u32 s26, $0x4;
	[sflag:s20] =	ssyncadd.s32 $0xFFFFE000;
	s28 =	sadd.s32 s4, s28  }
0x5e6: {  	[tilespmem:s30], [sflag:$0x4] =	stream.linear.gather [hbm4b:s28+s2], $0x80, $0x38;
	[tilespmem:$0x14280] =	vst v63  }
0x5e7: {  	s26 =	sadd.s32 s3, s26  }
0x5e8: {  	[tilespmem:s31], [sflag:$0x4] =	stream.linear.gather [hbm4b:s26+s2], $0x2000, $0x38;
	[tilespmem:$0x14280] =	vst v63  }
0x5e9: {  	s26 =	sadd.s32 $0x240, s25  }
0x5ea: {  	s29 =	sadd.s32 s7, s26  }
0x5eb: {  	s25 =	sshll.u32 s26, $0x1;
	s28 =	sshll.u32 s29, $0x1  }
0x5ec: {  	s25 =	sand.u32 $0x380, s25;
	s28 =	sand.u32 $0x7FFFFC00, s28  }
0x5ed: {  	s24 =	sadd.s32 $0x1, s24;
	_ =	swait.ge [sflag:s21], $0x2000;
	s25 =	sor.u32 s25, s28  }
.Ltmp8:
0x5ee: {  	[sflag:s21] =	ssyncset.done $0x0;
	s25 =	sshrl.u32 s25, $0x3;
	(pc) =	sbr.rel .LBB2_2-.Ltmp8, $4  }
0x5ef: {  	s29 =	sshll.u32 s29, $0x4;
	[sflag:s21] =	ssyncadd.s32 $0xFFFFE000;
	s25 =	sadd.s32 s4, s25  }
0x5f0: {  	[tilespmem:s0], [sflag:$0x5] =	stream.linear.gather [hbm4b:s25+s2], $0x80, $0x38;
	[tilespmem:$0x14280] =	vst v63  }
0x5f1: {  	s26 =	simm.s32 $0x80;
	s28 =	simm.s32 $0x100;
	s25 =	sadd.s32 s3, s29  }
0x5f2: {  	[tilespmem:s1], [sflag:$0x5] =	stream.linear.gather [hbm4b:s25+s2], $0x2000, $0x38;
	[tilespmem:$0x14280] =	vst v63  }
.LBB2_15:
0x5f3: {  	_ =	sfence.sel $0x180000  }
0x5f4: {  	[bflag:$0x0] =	sbarrier.arrive $0xFFFF  }
0x5f5: {  	_ =	strace $0x90000047  }
0x5f6: {  	s0 =	stileid.u32;
	[bflag:$0x2] =	sbarrier.arrive $0xFFFF  }
0x5f7: {  	p0 =	sne.s32 s0, $0x0;
	s0 =	rddreg [dreg:$0x1]  }
0x5f8: {  	s0 =	sadd.s32 @!p0 $0x100000, s0  }
0x5f9: {  	[sflag:s0] =	ssyncadd.tile.s32 @!p0 $0x1;
	_ =	shalt  }
.Lfunc_end2:
_tile_overlayer_lowered:
.L_overlay_start_2:
0x5fa: {  	(tag) =	ssettag $0x2  }
0x5fb: {  	s0 =	rddreg [dreg:$0x0];
	s2 =	stileid.u32  }
0x5fc: {  	s1 =	rddreg [dreg:$0x1];
	p0 =	sne.s32 s2, $0x0  }
0x5fd: {  	s3 =	rddreg [dreg:$0x2];
	[bflag:$0x3] =	sbarrier.arrive $0xFFFF;
	s2 =	simm.s32 @!p0 $0x1C10  }
0x5fe: {  	[timem:s3], [sflag:s2] =	dma.local @!p0 [hbm:s0], s1  }
0x5ff: {  	s0 =	simm.s32 @!p0 $0x10  }
0x600: {  	_ =	swait.ge @!p0 [sflag:s0], s1  }
0x601: {  	s1 =	ssub.s32 @!p0 $0x0, s1;
	[sflag:s0] =	ssyncset.done @!p0 $0x0  }
0x602: {  	[sflag:s0] =	ssyncadd.s32 @!p0 s1  }
0x603: {  	[bflag:$0x3] =	sbarrier.arrive $0xFFFF  }
0x604: {  	_ =	shalt  }

// kernel: sparse-core-data-format-call.cloned.1.call-start
scs
called_computation_lowered:
.L_overlay_start_0:
0x0: {  	s2 =	sld [smem:$0x3FD9]  }
0x1: {  	s3 =	sld [smem:$0x3FFE];
	_ =	sdelay $0x1  }
0x2: {  	s1 =	srdreg.scid  }
0x3: {  	s0 =	sand.u32 $0x1, s1  }
0x4: {  	s18 =	sshll.u32 s0, $0xA;
	s2 =	sadd.s32 s3, s2  }
0x5: {  	s2 =	sadd.s32 s2, s18  }
0x6: {  	[smem:$0x3FC5] =	sst s2  }
0x7: {  	_ = 	snop  }
0x8: {  	s2 =	sld [smem:$0x3FD0];
	(tm) =	ssettm $0x1  }
0x9: {  	s19 =	sld [smem:$0x3FFB];
	_ =	sdelay $0x3  }
0xa: {  	_ =	strace s19  }
0xb: {  	s3 =	sld [smem:$0x3FFC];
	_ =	sdelay $0x3  }
0xc: {  	_ =	strace s3  }
0xd: {  	s3 =	sld [smem:$0x3FFD];
	_ =	sdelay $0x3  }
0xe: {  	_ =	strace s3  }
0xf: {  	_ =	strace $0x8FFFFFFF  }
0x10: {  	s20 =	sld [smem:$0x3FDB];
	_ =	sdelay $0x1  }
0x11: {  	s4 =	simm.s32 $_scs_section_size  }
0x12: {  	s5 =	simm.s32 $_size__tile_overlayer_lowered;
	s6 =	simm.s32 $_tile_overlayer_lowered  }
0x13: {  	s23 =	simm.s32 $0x1BFF;
	s22 =	sshll.u32 s6, $0x1;
	s3 =	sadd.s32 s4, s20  }
0x14: {  	s7 =	simm.s32 $0x0;
	s21 =	sshll.u32 s5, $0x1;
	s5 =	sadd.s32 s22, s3  }
0x15: {  	[timem:s7], [sflag:s23] =	dma.local [hbm:s5], s21  }
0x16: {  	_ =	swait.ge [sflag:s23], s21  }
0x17: {  	s4 =	ssub.s32 $0x0, s21;
	[sflag:s23] =	ssyncset.done $0x0  }
0x18: {  	[sflag:s23] =	ssyncadd.s32 s4;
	_ =	sdelay $0x1  }
0x19: {  	s24 =	simm.s32 $0x1B8B  }
0x1a: {  	_ =	swait.ge [sflag:s24], $0x1  }
0x1b: {  	[sflag:s24] =	ssyncset.done $0x0  }
0x1c: {  	s26 =	simm.s32 $0x1B8E;
	s25 =	sld [smem:$0x3FFE];
	[sflag:s24] =	ssyncadd.s32 $0xFFFFFFFF  }
0x1d: {  	s27 =	simm.s32 $execute0_lowered;
	[smem:$0x3FD2] =	sst s26  }
0x1e: {  	s5 =	sshll.u32 s27, $0x1;
	_ =	strace $0x80000049;
	[dreg:$0x1] =	wrdreg $0xFFFFFFFF  }
0x1f: {  	s28 =	simm.s32 $_size_execute0_lowered;
	s3 =	sadd.s32 s3, s5;
	[dreg:$0x0] =	wrdreg $0x0  }
0x20: {  	s5 =	sshll.u32 s28, $0x1;
	[dreg:$0x2] =	wrdreg s3  }
0x21: {  	[dreg:$0x3] =	wrdreg s5  }
0x22: {  	[dreg:$0x4] =	wrdreg $0xC0  }
0x23: {  	_ =	task [dreg:s7], $0x5FFFF  }
0x24: {  	[dreg:$0x1] =	wrdreg $0xFFFFFFFF  }
0x25: {  	[dreg:$0x0] =	wrdreg $0x60  }
0x26: {  	[dreg:$0x2] =	wrdreg s25  }
0x27: {  	[dreg:$0x3] =	wrdreg s2  }
0x28: {  	[dreg:$0x4] =	wrdreg $0x9  }
0x29: {  	_ =	task.clear_ibuf [dreg:s7], $0x5FFFF;
	_ =	strace $0x90000049  }
0x2a: {  	s29 =	simm.s32 $0x9;
	_ =	strace $0x8000004B  }
0x2b: {  	_ =	swait.ge [sflag:s29], $0x1  }
0x2c: {  	[sflag:s29] =	ssyncadd.s32 $0xFFFFFFFF  }
0x2d: {  	_ =	strace $0x9000004B  }
0x2e: {  	_ =	sfence  }
0x2f: {  	s30 =	sld [smem:$0x0];
	_ =	sdelay $0x2  }
0x30: {  	s31 =	sshll.u32 s1, $0xD;
	s1 =	sshrl.u32 s1, $0x2  }
0x31: {  	s3 =	sand.u32 $0x4000, s31;
	s1 =	sadd.s32 s1, s30  }
0x32: {  	s0 =	sor.u32 s3, s0;
	s1 =	sshll.u32 s1, $0x11  }
0x33: {  	s0 =	sor.u32 s1, s0  }
0x34: {  	s0 =	sadd.s32 $0x8F2B, s0  }
0x35: {  	[sflag:s0] =	ssyncadd.remote.s32 $0x1  }
0x36: {  	_ =	sfence.sel $0xFFFF  }
0x37: {  	[dreg:$0x0] =	wrdreg $0xFFFFFFFF;
	(pc) =	sbr.abs _section_cstart, $3  }
0x38: {  	[dreg:$0x1] =	wrdreg $0xFFFFFFFF  }
0x39: {  	_ =	task.clear_ibuf [dreg:s7], $0x2FFFF;
	_ =	strace $0x9FFFFFFF  }
0x3a: {  	(tm) =	ssettm $0x7FFFFFFF  }
0x3b: {  	_ =	shalt  }
tec
execute0_lowered:
.L_overlay_start_1:
0x0: {  	(tag) =	ssettag $0x1  }
0x1: {  	s0 =	srdreg.scid  }
0x2: {  	s1 =	sshll.u32 s0, $0x4  }
0x3: {  	s0 =	stileid.u32;
	s1 =	sand.u32 $0x10, s1  }
0x4: {  	s1 =	sor.u32 s0, s1  }
0x5: {  	s6 =	rddreg [dreg:$0x0];
	s4 =	simm.s32 $0x1;
	s2 =	sshll.u32 s1, $0x7  }
0x6: {  	s7 =	simm.s32 $0x2;
	s12 =	simm.s32 $0x0;
	s1 =	ssub.s32 $0x1000, s2  }
0x7: {  	s8 =	simm.s32 $0x8000;
	s13 =	simm.s32 $0x0;
	s3 =	sand.u32 $0xF80, s1  }
0x8: {  	s9 =	simm.s32 $0x0;
	s5 =	sshrl.u32 s1, $0xC;
	p0 =	sne.s32 s3, $0x0  }
.Ltmp0:
0x9: {  	s1 =	rddreg [dreg:$0x2];
	s4 =	simm.s32 @!p0 $0x0;
	(pc) =	sbr.rel .LBB1_1-.Ltmp0, $4  }
0xa: {  	s11 =	simm.s32 $0x0;
	s3 =	rddreg [dreg:$0x1];
	s5 =	sadd.s32 s4, s5  }
0xb: {  	_ =	strace $0x8000004A;
	s4 =	simm.s32 $0x1;
	s5 =	smul.u32 $0xC8, s5  }
0xc: {  	s6 =	sadd.s32 $0xE39200, s6;
	s10 =	smov.u32 s2;
	[sflag:s4] =	ssyncpa.u1 $0x0  }
0xd: {  	p0 =	por $0x0, $0x0;
	[sflag:s7] =	ssyncpa.u1 $0x0;
	s7 =	sor.u32 $0x1, s5  }
.LBB1_4:
0xe: {  	s16 =	sshll.u32 s13, $0x3;
	s17 =	sand.u32 $0x78, s13  }
0xf: {  	s30 =	sand.u32 $0x7E00, s13;
	s12 =	sshll.u32 s12, $0xF;
	s16 =	sand.u32 $0xC00, s16  }
0x10: {  	[tilespmem:s15+$0x810 ss:$0x81] =	vst.msk $0xffff, v2;
	s31 =	sand.u32 $0x7, s13;
	s16 =	sor.u32 s17, s16;
	s17 =	sadd.s32 s3, s30  }
0x11: {  	[tilespmem:s15+$0x1020 ss:$0x81] =	vst.msk $0xffff, v0;
	s13 =	sshll.u32 s31, $0x12;
	s12 =	sadd.s32 s12, s17;
	s16 =	sshrl.u32 s16, $0x3  }
0x12: {  	[tilespmem:s15+$0x0 ss:$0x81] =	vst.msk $0xffff, v1;
	s13 =	sor.u32 $0x400, s13;
	s12 =	sadd.s32 s16, s12  }
0x13: {  	[hbm4b:s12+s13] =	stream.strided.scatter [tilespmem:s14], [sflag:$0x2], $0x2000, s8, s13, $0x20;
	[tilespmem:$0x8080] =	vst v63  }
.LBB1_5:
0x14: {  	s14 =	sadd.s32 $0x1, s9  }
0x15: {  	s12 =	sadd.s32 $0x1000, s10;
	s16 =	smov.u32 s10;
	p2 =	sgt.s32 s14, $0xC7  }
0x16: {  	s16 =	smov.u32 @p2 s12  }
0x17: {  	s14 =	simm.s32 @p2 $0x0;
	p2 =	sgt.s32 s16, $0xFFF  }
0x18: {  	s16 =	smov.u32 @p2 s2;
	p2 =	sne.s32 s11, s7  }
.Ltmp1:
0x19: {  	p1 =	slt.u32 s11, $0x2;
	(pc) =	sbr.rel @!p2 .LBB1_6-.Ltmp1, $4  }
0x1a: {  	s15 =	simm.s32 @!p1 $0x2  }
0x1b: {  	s13 =	smov.u32 s10;
	p0 =	por !p0, !p0;
	_ =	swait.ge @!p1 [sflag:s15], $0x2000  }
0x1c: {  	s12 =	smov.u32 s9;
	[sflag:s15] =	ssyncset.done @!p1 $0x0;
	s9 =	smov.u32 s14  }
0x1d: {  	s11 =	sadd.s32 $0x1, s11;
	[sflag:s15] =	ssyncadd.s32 @!p1 $0xFFFFE000;
	s10 =	smov.u32 s16  }
.LBB1_1:
0x1e: {  	p1 =	sge.u32 s11, s5  }
0x1f: {  	s14 =	sand.u32 @!p1 $0x1FFFFFF, s9  }
0x20: {  	s15 =	smulhi.u32 @!p1 $0x147AE15, s14;
	_ =	sdelay $0x1  }
0x21: {  	s15 =	smul.u32 @!p1 $0xC8, s15  }
0x22: {  	s16 =	sxor.u32 @!p1 $0xFFFFFFFF, s11;
	s17 =	smul.u32 @!p1 $0xC80, s10  }
0x23: {  	s31 =	sadd.s32 $0xFFFFFFFF, s11;
	s16 =	sshll.u32 @!p1 s16, $0xD;
	s14 =	ssub.s32 @!p1 s14, s15  }
0x24: {  	s15 =	sand.u32 @!p1 $0x2000, s16;
	s16 =	sadd.s32 @!p1 s6, s17;
	s14 =	sshll.u32 @!p1 s14, $0x4  }
0x25: {  	s17 =	simm.s32 @!p1 $0x6400;
	s14 =	sadd.s32 @!p1 s14, s16;
	s16 =	simm.s32 @!p1 $0x40  }
0x26: {  	[tilespmem:s15], [sflag:$0x1] =	stream.strided.gather @!p1 [hbm4b:s14+s16], $0x2000, s17, s16, $0x38;
	[tilespmem:$0x8080] =	vst v63  }
0x27: {  	p1 =	sge.u32 s31, s5  }
.Ltmp2:
0x28: {  	_ = 	snop;
	(pc) =	sbr.rel @p1 .LBB1_5-.Ltmp2, $1  }
0x29: {  	_ =	sdelay $0x3  }
0x2a: {  	s14 =	simm.s32 $0x1  }
0x2b: {  	_ =	swait.ge [sflag:s4], $0x2000;
	s14 =	simm.s32 @!p0 $0x0  }
0x2c: {  	[sflag:s4] =	ssyncset.done $0x0;
	s15 =	sshll.u32 s14, $0xD  }
0x2d: {  	[sflag:s4] =	ssyncadd.s32 $0xFFFFE000;
	s18 =	sor.u32 $0x20, s15  }
0x2e: {  	s14 =	smul.u32 $0x8100, s14;
	v3 =	vld [tilespmem:s18+$0x10]  }
0x2f: {  	s30 =	sand.u32 $0x1, s11;
	v2 =	vld [tilespmem:s18+$0xFFFFFFF0]  }
0x30: {  	s15 =	smul.u32 $0x8100, s30;
	s14 =	sshrl.u32 s14, $0x2;
	v0 =	vld [tilespmem:s18+$0x0]  }
0x31: {  	v1 =	vld [tilespmem:s18+$0xFFFFFFE0];
	s16 =	sor.u32 $0x4000, s14  }
0x32: {  	s31 =	sshrl.u32 s15, $0x2;
	s15 =	sadd.s32 $0x0, s16  }
0x33: {  	s17 =	simm.s32 $0x4;
	s18 =	sadd.s32 $0x40, s18;
	s14 =	sor.u32 $0x4000, s31;
	[tilespmem:s15+$0x1830 ss:$0x81] =	vst.msk $0xffff, v3  }
.LBB1_3:
0x34: {  	v3 =	vld [tilespmem:s18+$0x10];
	p1 =	sne.s32 s17, $0x1FC;
	[tilespmem:s15+$0x810 ss:$0x81] =	vst.msk $0xffff, v2;
	s19 =	smov.u32 s17;
	s17 =	sadd.s32 $0x4, s17  }
.Ltmp3:
0x35: {  	v2 =	vld [tilespmem:s18+$0xFFFFFFF0];
	[tilespmem:s15+$0x1020 ss:$0x81] =	vst.msk $0xffff, v0;
	(pc) =	sbr.rel @p1 .LBB1_3-.Ltmp3, $4  }
0x36: {  	v0 =	vld [tilespmem:s18+$0x0];
	[tilespmem:s15+$0x0 ss:$0x81] =	vst.msk $0xffff, v1  }
0x37: {  	s15 =	sshra.s32 s19, $0x2;
	v1 =	vld [tilespmem:s18+$0xFFFFFFE0]  }
0x38: {  	s15 =	sadd.s32 s15, s16  }
0x39: {  	s18 =	sadd.s32 $0x40, s18;
	[tilespmem:s15+$0x1830 ss:$0x81] =	vst.msk $0xffff, v3  }
.Ltmp4:
0x3a: {  	_ = 	snop;
	(pc) =	sbr.rel .LBB1_4-.Ltmp4, $1  }
0x3b: {  	_ =	sdelay $0x3  }
.LBB1_6:
0x3c: {  	_ =	sfence.sel $0x180000  }
0x3d: {  	s2 =	simm.s32 $0x1;
	[bflag:$0x0] =	sbarrier.arrive $0xFFFF  }
0x3e: {  	s31 =	simm.s32 $0x2;
	[sflag:s2] =	ssyncpa.u1 $0x1  }
0x3f: {  	[sflag:s31] =	ssyncpa.u1 $0x1  }
0x40: {  	p0 =	sne.s32 s0, $0x0;
	_ =	strace $0x9000004A  }
0x41: {  	s0 =	sadd.s32 @!p0 $0x100000, s1;
	[bflag:$0x2] =	sbarrier.arrive $0xFFFF  }
0x42: {  	[sflag:s0] =	ssyncadd.tile.s32 @!p0 $0x1;
	_ =	shalt  }
.Lfunc_end1:
_tile_overlayer_lowered:
.L_overlay_start_2:
0x43: {  	(tag) =	ssettag $0x2  }
0x44: {  	s0 =	rddreg [dreg:$0x0];
	s2 =	stileid.u32  }
0x45: {  	s1 =	rddreg [dreg:$0x1];
	p0 =	sne.s32 s2, $0x0  }
0x46: {  	s3 =	rddreg [dreg:$0x2];
	[bflag:$0x3] =	sbarrier.arrive $0xFFFF;
	s2 =	simm.s32 @!p0 $0x1C01  }
0x47: {  	[timem:s3], [sflag:s2] =	dma.local @!p0 [hbm:s0], s1  }
0x48: {  	s0 =	simm.s32 @!p0 $0x1  }
0x49: {  	_ =	swait.ge @!p0 [sflag:s0], s1  }
0x4a: {  	s1 =	ssub.s32 @!p0 $0x0, s1;
	[sflag:s0] =	ssyncset.done @!p0 $0x0  }
0x4b: {  	[sflag:s0] =	ssyncadd.s32 @!p0 s1  }
0x4c: {  	[bflag:$0x3] =	sbarrier.arrive $0xFFFF  }
0x4d: {  	_ =	shalt  }

</sc_bundles>
